<compile_context>
chip_gen: v7x
topology: tpu7x:2x2x1
jax: 0.10.2.dev20260603
libtpu: 0.0.44.dev20260713+nightly
codegen_flags: <defaults>
</compile_context>

<pallas_src>
import functools

import jax
import jax.numpy as jnp
from jax import lax
from jax.experimental import pallas as pl
from jax.experimental.pallas import tpu as pltpu
from jax.experimental.pallas import tpu_sc as plsc

_N = 10000
_DIM = 128
_NPAD = 10112
_NC = 2
_NS = 16
_NW = _NC * _NS
_CHUNK = 128
_G = 8
_RPT = _NPAD // _NS
_DEGW = 16
_SLOPE = (1.0 / 8.0 + 1.0 / 3.0) / 2.0
_ROWBLK = 1264

_BLKS = [(o, min(_CHUNK, _RPT - o)) for o in range(0, _RPT, _CHUNK)]


def _zero_slice(zeros_v, sh, r0):
    for off, blk in _BLKS:
        pltpu.sync_copy(zeros_v.at[pl.ds(0, blk)], sh.at[pl.ds(r0 + off, blk)])


def _dump_slice(sh, bounce_v, out_hbm, cid, r0):
    for off, blk in _BLKS:
        pltpu.sync_copy(sh.at[pl.ds(r0 + off, blk)], bounce_v.at[pl.ds(0, blk)])
        pltpu.sync_copy(bounce_v.at[pl.ds(0, blk)], out_hbm.at[cid, pl.ds(r0 + off, blk)])


def _load_slice(in_hbm, bounce_v, sh, cid, r0):
    for off, blk in _BLKS:
        pltpu.sync_copy(in_hbm.at[cid, pl.ds(r0 + off, blk)], bounce_v.at[pl.ds(0, blk)])
        pltpu.sync_copy(bounce_v.at[pl.ds(0, blk)], sh.at[pl.ds(r0 + off, blk)])


def _make_sc_first(nch):
    mesh = plsc.VectorSubcoreMesh(core_axis_name="c", subcore_axis_name="s")
    ngrp = nch // _G

    @functools.partial(
        pl.kernel,
        mesh=mesh,
        out_type=[
            jax.ShapeDtypeStruct((_NC, _NPAD, _DIM), jnp.float32),
            jax.ShapeDtypeStruct((_NC, _NPAD, _DIM), jnp.float32),
            jax.ShapeDtypeStruct((_NC, _NPAD, _DIM), jnp.float32),
        ],
        scratch_types=[
            pltpu.VMEM((_G, _CHUNK), jnp.int32),
            pltpu.VMEM((_G, _CHUNK), jnp.int32),
            pltpu.VMEM((_CHUNK, _DIM), jnp.float32),
            pltpu.VMEM((_CHUNK, _DIM), jnp.float32),
            pltpu.VMEM_SHARED((_NPAD, _DIM), jnp.float32),
            pltpu.SemaphoreType.DMA,
            pltpu.SemaphoreType.DMA,
        ],
    )
    def sc_first(h_hbm, r_hbm, src_hbm, rel_hbm, dst_hbm, zrow_hbm,
                 ones_hbm, aggh_out, aggr_out, deg_out,
                 idx_v, dst_v, rows_v, rows2_v, acc_sh, semA, semB):
        cid = lax.axis_index("c")
        sid = lax.axis_index("s")
        wid = sid * _NC + cid
        r0 = sid * _RPT

        pltpu.sync_copy(zrow_hbm, rows_v)
        _zero_slice(rows_v, acc_sh, r0)
        plsc.subcore_barrier()

        bufs = (rows_v, rows2_v)
        sems = (semA, semB)

        def make_grp(idx_hbm, tab_hbm):
            def grp(g, carry):
                pltpu.sync_copy(idx_hbm.at[wid, pl.ds(g * _G, _G)], idx_v)
                pltpu.sync_copy(dst_hbm.at[wid, pl.ds(g * _G, _G)], dst_v)
                cp = [None, None]
                cp[0] = pltpu.async_copy(tab_hbm.at[idx_v.at[0]], bufs[0], sems[0])
                for j in range(_G):
                    k = j % 2
                    if j + 1 < _G:
                        cp[1 - k] = pltpu.async_copy(
                            tab_hbm.at[idx_v.at[j + 1]], bufs[1 - k], sems[1 - k])
                    cp[k].wait()
                    pltpu.sync_copy(bufs[k], acc_sh.at[dst_v.at[j]], add=True)
                return carry
            return grp

        lax.fori_loop(0, ngrp, make_grp(rel_hbm, r_hbm), 0)
        plsc.subcore_barrier()
        _dump_slice(acc_sh, rows_v, aggr_out, cid, r0)
        plsc.subcore_barrier()

        lax.fori_loop(0, ngrp, make_grp(src_hbm, h_hbm), 0)
        plsc.subcore_barrier()
        _dump_slice(acc_sh, rows_v, aggh_out, cid, r0)
        pltpu.sync_copy(zrow_hbm, rows_v)
        _zero_slice(rows_v, acc_sh, r0)
        plsc.subcore_barrier()

        pltpu.sync_copy(ones_hbm, rows_v)

        def grp_d(g, carry):
            pltpu.sync_copy(dst_hbm.at[wid, pl.ds(g * _G, _G)], dst_v)
            for j in range(_G):
                pltpu.sync_copy(rows_v, acc_sh.at[dst_v.at[j]], add=True)
            return carry

        lax.fori_loop(0, ngrp, grp_d, 0)
        plsc.subcore_barrier()
        _dump_slice(acc_sh, rows_v, deg_out, cid, r0)

    return sc_first


def _make_sc_second(nch):
    mesh = plsc.VectorSubcoreMesh(core_axis_name="c", subcore_axis_name="s")
    ngrp = nch // _G

    @functools.partial(
        pl.kernel,
        mesh=mesh,
        out_type=[
            jax.ShapeDtypeStruct((_NC, _NPAD, _DIM), jnp.float32),
        ],
        scratch_types=[
            pltpu.VMEM((_G, _CHUNK), jnp.int32),
            pltpu.VMEM((_G, _CHUNK), jnp.int32),
            pltpu.VMEM((_CHUNK, _DIM), jnp.float32),
            pltpu.VMEM((_CHUNK, _DIM), jnp.float32),
            pltpu.VMEM_SHARED((_NPAD, _DIM), jnp.float32),
            pltpu.SemaphoreType.DMA,
            pltpu.SemaphoreType.DMA,
        ],
    )
    def sc_second(h_hbm, src_hbm, dst_hbm, aggr_hbm, aggh_out,
                  src_v, dst_v, rows_v, rows2_v, acc_sh, semA, semB):
        cid = lax.axis_index("c")
        sid = lax.axis_index("s")
        wid = sid * _NC + cid
        r0 = sid * _RPT

        _load_slice(aggr_hbm, rows_v, acc_sh, cid, r0)
        plsc.subcore_barrier()

        bufs = (rows_v, rows2_v)
        sems = (semA, semB)

        def grp_h(g, carry):
            pltpu.sync_copy(src_hbm.at[wid, pl.ds(g * _G, _G)], src_v)
            pltpu.sync_copy(dst_hbm.at[wid, pl.ds(g * _G, _G)], dst_v)
            cp = [None, None]
            cp[0] = pltpu.async_copy(h_hbm.at[src_v.at[0]], bufs[0], sems[0])
            for j in range(_G):
                k = j % 2
                if j + 1 < _G:
                    cp[1 - k] = pltpu.async_copy(
                        h_hbm.at[src_v.at[j + 1]], bufs[1 - k], sems[1 - k])
                cp[k].wait()
                pltpu.sync_copy(bufs[k], acc_sh.at[dst_v.at[j]], add=True)
            return carry

        lax.fori_loop(0, ngrp, grp_h, 0)
        plsc.subcore_barrier()
        _dump_slice(acc_sh, rows_v, aggh_out, cid, r0)

    return sc_second


def _tc_layer(acch, degp, h, w_neigh, w_loop):

    def body(acch_ref, deg_ref, h_ref, wn_ref, wl_ref, out_ref):
        s = acch_ref[0] + acch_ref[1]
        d = deg_ref[0, :, 0:1] + deg_ref[1, :, 0:1]
        agg = s / jnp.maximum(d, 1.0)
        out = (jnp.dot(agg, wn_ref[...], preferred_element_type=jnp.float32)
               + jnp.dot(h_ref[...], wl_ref[...], preferred_element_type=jnp.float32))
        out_ref[...] = jnp.where(out >= 0, out, _SLOPE * out)

    return pl.pallas_call(
        body,
        grid=(_NPAD // _ROWBLK,),
        in_specs=[
            pl.BlockSpec((_NC, _ROWBLK, _DIM), lambda i: (0, i, 0)),
            pl.BlockSpec((_NC, _ROWBLK, _DIM), lambda i: (0, i, 0)),
            pl.BlockSpec((_ROWBLK, _DIM), lambda i: (i, 0)),
            pl.BlockSpec((_DIM, _DIM), lambda i: (0, 0)),
            pl.BlockSpec((_DIM, _DIM), lambda i: (0, 0)),
        ],
        out_specs=pl.BlockSpec((_ROWBLK, _DIM), lambda i: (i, 0)),
        out_shape=jax.ShapeDtypeStruct((_NPAD, _DIM), jnp.float32),
    )(acch, degp, h, w_neigh, w_loop)


def kernel(input_h, relation_embed, edges, W_neigh0, W_loop0, W_neigh1, W_loop1):
    e = edges.astype(jnp.int32)
    n_edges = e.shape[0]
    nch = -(-n_edges // (_NW * _CHUNK * _G)) * _G
    epad = _NW * _CHUNK * nch
    pad = epad - n_edges
    fill = jnp.arange(pad, dtype=jnp.int32)
    src = jnp.concatenate([e[:, 0], fill % _N])
    rel = jnp.concatenate([e[:, 1], fill % _N])
    dst = jnp.concatenate([e[:, 2], _N + fill % (_NPAD - _N)])
    src = src.reshape(nch, _NW, _CHUNK).transpose(1, 0, 2)
    rel = rel.reshape(nch, _NW, _CHUNK).transpose(1, 0, 2)
    dst = dst.reshape(nch, _NW, _CHUNK).transpose(1, 0, 2)

    h0 = jnp.pad(input_h, ((0, _NPAD - _N), (0, 0)))
    zrow = jnp.zeros((_CHUNK, _DIM), jnp.float32)
    ones = jnp.ones((_CHUNK, _DIM), jnp.float32)

    aggm0, aggr, degp = _make_sc_first(nch)(
        h0, relation_embed, src, rel, dst, zrow, ones)
    h1 = _tc_layer(aggm0, degp, h0, W_neigh0, W_loop0)
    aggm1, = _make_sc_second(nch)(h1, src, dst, aggr)
    h2 = _tc_layer(aggm1, degp, h1, W_neigh1, W_loop1)
    return h2[:_N]

# --- scband reference (transcript-rebuilt; emitter-appended) ---
"""Pipeline reference for scband-urgcnbase-58282706206738 (READ-ONLY COPY).

The authoritative reference and input builder live on the scoring server;
editing this copy changes nothing except your own understanding.
"""

import jax, jax.numpy as jnp
import numpy as np

N_NODES = 10000
N_EDGES = 320000
DIM = 128
NUM_REL = 10000
NUM_LAYER = 2
RRELU_SLOPE = (1.0 / 8.0 + 1.0 / 3.0) / 2.0  # F.rrelu in eval mode


def setup_inputs(seed: int = 0) -> dict:
    key = jax.random.key(seed)
    k1, k2, k3, k4, k5, k6, k7 = jax.random.split(key, 7)
    input_h = jax.random.normal(k1, (N_NODES, DIM), dtype=jnp.float32)
    relation_embed = jax.random.normal(k2, (NUM_REL, DIM), dtype=jnp.float32)
    edges = jax.random.randint(k3, (N_EDGES, 3), 0, N_NODES, dtype=jnp.int64)
    s = 1.0 / np.sqrt(DIM)
    W_neigh0 = jax.random.normal(k4, (DIM, DIM), dtype=jnp.float32) * s
    W_loop0 = jax.random.normal(k5, (DIM, DIM), dtype=jnp.float32) * s
    W_neigh1 = jax.random.normal(k6, (DIM, DIM), dtype=jnp.float32) * s
    W_loop1 = jax.random.normal(k7, (DIM, DIM), dtype=jnp.float32) * s
    return {
        "input_h": input_h,
        "relation_embed": relation_embed,
        "edges": edges,
        "W_neigh0": W_neigh0,
        "W_loop0": W_loop0,
        "W_neigh1": W_neigh1,
        "W_loop1": W_loop1,
    }


def _urgcn_layer(h, relation_embed, src, rel, dst, W_neigh, W_loop):
    # message: h[src] + r[rel], mean-aggregated at dst, then neighbor transform
    msg = jnp.take(h, src, axis=0) + jnp.take(relation_embed, rel, axis=0)
    agg = jax.ops.segment_sum(msg, dst, num_segments=N_NODES)
    deg = jax.ops.segment_sum(jnp.ones((msg.shape[0],), dtype=h.dtype), dst, num_segments=N_NODES)
    agg = agg / jnp.clip(deg, 1.0)[:, None]
    # self-loop message
    out = agg @ W_neigh + h @ W_loop
    # active=True -> rrelu (eval-mode deterministic slope); dropout=0.0 is a no-op
    out = jnp.where(out >= 0, out, RRELU_SLOPE * out)
    return out


def reference(input_h, relation_embed, edges, W_neigh0, W_loop0, W_neigh1, W_loop1):
    src = edges[:, 0]
    rel = edges[:, 1]
    dst = edges[:, 2]
    h = _urgcn_layer(input_h, relation_embed, src, rel, dst, W_neigh0, W_loop0)
    h = _urgcn_layer(h, relation_embed, src, rel, dst, W_neigh1, W_loop1)
    return h

if __name__ == "__main__":
    import jax
    _d = setup_inputs()
    print(jax.jit(kernel)(*tuple(_d.values())))

</pallas_src>

<mosaic_0001>
#map = affine_map<(d0, d1) -> (0, 0)>
#map1 = affine_map<(d0, d1) -> (0, 0, 0)>
module attributes {stable_mosaic.version = 14 : i64} {
  func.func @sc_first(%arg0: i32, %arg1: i32, %arg2: memref<10112x128xf32, #tpu.memory_space<hbm>>, %arg3: memref<10000x128xf32, #tpu.memory_space<hbm>>, %arg4: memref<32x80x128xi32, #tpu.memory_space<hbm>>, %arg5: memref<32x80x128xi32, #tpu.memory_space<hbm>>, %arg6: memref<32x80x128xi32, #tpu.memory_space<hbm>>, %arg7: memref<128x128xf32, #tpu.memory_space<hbm>>, %arg8: memref<128x128xf32, #tpu.memory_space<hbm>>, %arg9: memref<2x10112x128xf32, #tpu.memory_space<hbm>>, %arg10: memref<2x10112x128xf32, #tpu.memory_space<hbm>>, %arg11: memref<2x10112x128xf32, #tpu.memory_space<hbm>>, %arg12: memref<8x128xi32, #tpu.memory_space<vmem>>, %arg13: memref<8x128xi32, #tpu.memory_space<vmem>>, %arg14: memref<128x128xf32, #tpu.memory_space<vmem>>, %arg15: memref<128x128xf32, #tpu.memory_space<vmem>>, %arg16: memref<10112x128xf32, #tpu.memory_space<vmem_shared>>, %arg17: memref<!tpu.dma_semaphore, #tpu.memory_space<semaphore_mem>>, %arg18: memref<!tpu.dma_semaphore, #tpu.memory_space<semaphore_mem>>) attributes {dimension_semantics = [#tpu.dimension_semantics<core_parallel>, #tpu.dimension_semantics<subcore_parallel>], iteration_bounds = array<i64: 2, 16>, scalar_prefetch = 0 : i64, scratch_operands = 7 : i64, tpu.core_type = #tpu.core_type<sc_vector_subcore>, window_params = [{transform_indices = #map}, {transform_indices = #map}, {transform_indices = #map1}, {transform_indices = #map1}, {transform_indices = #map1}, {transform_indices = #map}, {transform_indices = #map}, {transform_indices = #map1}, {transform_indices = #map1}, {transform_indices = #map1}]} {
    %mul3A = arith.constant 2 : i32
    %mul3A_0 = arith.muli %arg1, %mul3A : i32
    %add3A = arith.addi %mul3A_0, %arg0 : i32
    %mul3A_1 = arith.constant 632 : i32
    %mul3A_2 = arith.muli %arg1, %mul3A_1 : i32
    "tpu.region"() ({
      %run_scoped3A = tpu.sem_alloc : memref<!tpu.dma_semaphore, #tpu.memory_space<semaphore_mem>>
      tpu.enqueue_dma source(%arg7 : memref<128x128xf32, #tpu.memory_space<hbm>>) target(%arg14 : memref<128x128xf32, #tpu.memory_space<vmem>>) target_semaphore(%run_scoped3A : memref<!tpu.dma_semaphore, #tpu.memory_space<semaphore_mem>>)
      tpu.wait_dma2 semaphore(%run_scoped3A : memref<!tpu.dma_semaphore, #tpu.memory_space<semaphore_mem>>) src(%arg7 : memref<128x128xf32, #tpu.memory_space<hbm>>) dst(%arg14 : memref<128x128xf32, #tpu.memory_space<vmem>>)
      tpu.yield
    }) : () -> ()
    %add3A_3 = arith.constant 0 : i32
    %add3A_4 = arith.addi %mul3A_2, %add3A_3 : i32
    "tpu.region"() ({
      %run_scoped3A = tpu.sem_alloc : memref<!tpu.dma_semaphore, #tpu.memory_space<semaphore_mem>>
      %dma_start3A = arith.constant 0 : i32
      %dma_start3A_105 = arith.constant 0 : i32
      %dma_start3A_106 = tpu.memref_slice %arg14[%dma_start3A, %dma_start3A_105] : memref<128x128xf32, #tpu.memory_space<vmem>> -> memref<128x128xf32, #tpu.memory_space<vmem>>
      %dma_start3A_107 = arith.constant 0 : i32
      %dma_start3A_108 = tpu.memref_slice %arg16[%add3A_4, %dma_start3A_107] : memref<10112x128xf32, #tpu.memory_space<vmem_shared>> -> memref<128x128xf32, #tpu.memory_space<vmem_shared>>
      %dma_start3A_109 = arith.constant 0 : i32
      %dma_start3A_110 = tpu.memref_slice %arg16[%add3A_4, %dma_start3A_109] : memref<10112x128xf32, #tpu.memory_space<vmem_shared>> -> memref<128x128xf32, #tpu.memory_space<vmem_shared>>
      %dma_start3A_111 = arith.constant 0 : i32
      %dma_start3A_112 = arith.constant 0 : i32
      %dma_start3A_113 = tpu.memref_slice %arg14[%dma_start3A_111, %dma_start3A_112] : memref<128x128xf32, #tpu.memory_space<vmem>> -> memref<128x128xf32, #tpu.memory_space<vmem>>
      tpu.enqueue_dma source(%dma_start3A_113 : memref<128x128xf32, #tpu.memory_space<vmem>>) target(%dma_start3A_110 : memref<128x128xf32, #tpu.memory_space<vmem_shared>>) target_semaphore(%run_scoped3A : memref<!tpu.dma_semaphore, #tpu.memory_space<semaphore_mem>>)
      %dma_wait3A = arith.constant 0 : i32
      %dma_wait3A_114 = arith.constant 0 : i32
      %dma_wait3A_115 = tpu.memref_slice %arg14[%dma_wait3A, %dma_wait3A_114] : memref<128x128xf32, #tpu.memory_space<vmem>> -> memref<128x128xf32, #tpu.memory_space<vmem>>
      %dma_wait3A_116 = arith.constant 0 : i32
      %dma_wait3A_117 = tpu.memref_slice %arg16[%add3A_4, %dma_wait3A_116] : memref<10112x128xf32, #tpu.memory_space<vmem_shared>> -> memref<128x128xf32, #tpu.memory_space<vmem_shared>>
      %dma_wait3A_118 = arith.constant 0 : i32
      %dma_wait3A_119 = tpu.memref_slice %arg16[%add3A_4, %dma_wait3A_118] : memref<10112x128xf32, #tpu.memory_space<vmem_shared>> -> memref<128x128xf32, #tpu.memory_space<vmem_shared>>
      %dma_wait3A_120 = arith.constant 0 : i32
      %dma_wait3A_121 = arith.constant 0 : i32
      %dma_wait3A_122 = tpu.memref_slice %arg14[%dma_wait3A_120, %dma_wait3A_121] : memref<128x128xf32, #tpu.memory_space<vmem>> -> memref<128x128xf32, #tpu.memory_space<vmem>>
      tpu.wait_dma2 semaphore(%run_scoped3A : memref<!tpu.dma_semaphore, #tpu.memory_space<semaphore_mem>>) src(%dma_wait3A_122 : memref<128x128xf32, #tpu.memory_space<vmem>>) dst(%dma_wait3A_119 : memref<128x128xf32, #tpu.memory_space<vmem_shared>>)
      tpu.yield
    }) : () -> ()
    %add3A_5 = arith.constant 128 : i32
    %add3A_6 = arith.addi %mul3A_2, %add3A_5 : i32
    "tpu.region"() ({
      %run_scoped3A = tpu.sem_alloc : memref<!tpu.dma_semaphore, #tpu.memory_space<semaphore_mem>>
      %dma_start3A = arith.constant 0 : i32
      %dma_start3A_105 = arith.constant 0 : i32
      %dma_start3A_106 = tpu.memref_slice %arg14[%dma_start3A, %dma_start3A_105] : memref<128x128xf32, #tpu.memory_space<vmem>> -> memref<128x128xf32, #tpu.memory_space<vmem>>
      %dma_start3A_107 = arith.constant 0 : i32
      %dma_start3A_108 = tpu.memref_slice %arg16[%add3A_6, %dma_start3A_107] : memref<10112x128xf32, #tpu.memory_space<vmem_shared>> -> memref<128x128xf32, #tpu.memory_space<vmem_shared>>
      %dma_start3A_109 = arith.constant 0 : i32
      %dma_start3A_110 = tpu.memref_slice %arg16[%add3A_6, %dma_start3A_109] : memref<10112x128xf32, #tpu.memory_space<vmem_shared>> -> memref<128x128xf32, #tpu.memory_space<vmem_shared>>
      %dma_start3A_111 = arith.constant 0 : i32
      %dma_start3A_112 = arith.constant 0 : i32
      %dma_start3A_113 = tpu.memref_slice %arg14[%dma_start3A_111, %dma_start3A_112] : memref<128x128xf32, #tpu.memory_space<vmem>> -> memref<128x128xf32, #tpu.memory_space<vmem>>
      tpu.enqueue_dma source(%dma_start3A_113 : memref<128x128xf32, #tpu.memory_space<vmem>>) target(%dma_start3A_110 : memref<128x128xf32, #tpu.memory_space<vmem_shared>>) target_semaphore(%run_scoped3A : memref<!tpu.dma_semaphore, #tpu.memory_space<semaphore_mem>>)
      %dma_wait3A = arith.constant 0 : i32
      %dma_wait3A_114 = arith.constant 0 : i32
      %dma_wait3A_115 = tpu.memref_slice %arg14[%dma_wait3A, %dma_wait3A_114] : memref<128x128xf32, #tpu.memory_space<vmem>> -> memref<128x128xf32, #tpu.memory_space<vmem>>
      %dma_wait3A_116 = arith.constant 0 : i32
      %dma_wait3A_117 = tpu.memref_slice %arg16[%add3A_6, %dma_wait3A_116] : memref<10112x128xf32, #tpu.memory_space<vmem_shared>> -> memref<128x128xf32, #tpu.memory_space<vmem_shared>>
      %dma_wait3A_118 = arith.constant 0 : i32
      %dma_wait3A_119 = tpu.memref_slice %arg16[%add3A_6, %dma_wait3A_118] : memref<10112x128xf32, #tpu.memory_space<vmem_shared>> -> memref<128x128xf32, #tpu.memory_space<vmem_shared>>
      %dma_wait3A_120 = arith.constant 0 : i32
      %dma_wait3A_121 = arith.constant 0 : i32
      %dma_wait3A_122 = tpu.memref_slice %arg14[%dma_wait3A_120, %dma_wait3A_121] : memref<128x128xf32, #tpu.memory_space<vmem>> -> memref<128x128xf32, #tpu.memory_space<vmem>>
      tpu.wait_dma2 semaphore(%run_scoped3A : memref<!tpu.dma_semaphore, #tpu.memory_space<semaphore_mem>>) src(%dma_wait3A_122 : memref<128x128xf32, #tpu.memory_space<vmem>>) dst(%dma_wait3A_119 : memref<128x128xf32, #tpu.memory_space<vmem_shared>>)
      tpu.yield
    }) : () -> ()
    %add3A_7 = arith.constant 256 : i32
    %add3A_8 = arith.addi %mul3A_2, %add3A_7 : i32
    "tpu.region"() ({
      %run_scoped3A = tpu.sem_alloc : memref<!tpu.dma_semaphore, #tpu.memory_space<semaphore_mem>>
      %dma_start3A = arith.constant 0 : i32
      %dma_start3A_105 = arith.constant 0 : i32
      %dma_start3A_106 = tpu.memref_slice %arg14[%dma_start3A, %dma_start3A_105] : memref<128x128xf32, #tpu.memory_space<vmem>> -> memref<128x128xf32, #tpu.memory_space<vmem>>
      %dma_start3A_107 = arith.constant 0 : i32
      %dma_start3A_108 = tpu.memref_slice %arg16[%add3A_8, %dma_start3A_107] : memref<10112x128xf32, #tpu.memory_space<vmem_shared>> -> memref<128x128xf32, #tpu.memory_space<vmem_shared>>
      %dma_start3A_109 = arith.constant 0 : i32
      %dma_start3A_110 = tpu.memref_slice %arg16[%add3A_8, %dma_start3A_109] : memref<10112x128xf32, #tpu.memory_space<vmem_shared>> -> memref<128x128xf32, #tpu.memory_space<vmem_shared>>
      %dma_start3A_111 = arith.constant 0 : i32
      %dma_start3A_112 = arith.constant 0 : i32
      %dma_start3A_113 = tpu.memref_slice %arg14[%dma_start3A_111, %dma_start3A_112] : memref<128x128xf32, #tpu.memory_space<vmem>> -> memref<128x128xf32, #tpu.memory_space<vmem>>
      tpu.enqueue_dma source(%dma_start3A_113 : memref<128x128xf32, #tpu.memory_space<vmem>>) target(%dma_start3A_110 : memref<128x128xf32, #tpu.memory_space<vmem_shared>>) target_semaphore(%run_scoped3A : memref<!tpu.dma_semaphore, #tpu.memory_space<semaphore_mem>>)
      %dma_wait3A = arith.constant 0 : i32
      %dma_wait3A_114 = arith.constant 0 : i32
      %dma_wait3A_115 = tpu.memref_slice %arg14[%dma_wait3A, %dma_wait3A_114] : memref<128x128xf32, #tpu.memory_space<vmem>> -> memref<128x128xf32, #tpu.memory_space<vmem>>
      %dma_wait3A_116 = arith.constant 0 : i32
      %dma_wait3A_117 = tpu.memref_slice %arg16[%add3A_8, %dma_wait3A_116] : memref<10112x128xf32, #tpu.memory_space<vmem_shared>> -> memref<128x128xf32, #tpu.memory_space<vmem_shared>>
      %dma_wait3A_118 = arith.constant 0 : i32
      %dma_wait3A_119 = tpu.memref_slice %arg16[%add3A_8, %dma_wait3A_118] : memref<10112x128xf32, #tpu.memory_space<vmem_shared>> -> memref<128x128xf32, #tpu.memory_space<vmem_shared>>
      %dma_wait3A_120 = arith.constant 0 : i32
      %dma_wait3A_121 = arith.constant 0 : i32
      %dma_wait3A_122 = tpu.memref_slice %arg14[%dma_wait3A_120, %dma_wait3A_121] : memref<128x128xf32, #tpu.memory_space<vmem>> -> memref<128x128xf32, #tpu.memory_space<vmem>>
      tpu.wait_dma2 semaphore(%run_scoped3A : memref<!tpu.dma_semaphore, #tpu.memory_space<semaphore_mem>>) src(%dma_wait3A_122 : memref<128x128xf32, #tpu.memory_space<vmem>>) dst(%dma_wait3A_119 : memref<128x128xf32, #tpu.memory_space<vmem_shared>>)
      tpu.yield
    }) : () -> ()
    %add3A_9 = arith.constant 384 : i32
    %add3A_10 = arith.addi %mul3A_2, %add3A_9 : i32
    "tpu.region"() ({
      %run_scoped3A = tpu.sem_alloc : memref<!tpu.dma_semaphore, #tpu.memory_space<semaphore_mem>>
      %dma_start3A = arith.constant 0 : i32
      %dma_start3A_105 = arith.constant 0 : i32
      %dma_start3A_106 = tpu.memref_slice %arg14[%dma_start3A, %dma_start3A_105] : memref<128x128xf32, #tpu.memory_space<vmem>> -> memref<128x128xf32, #tpu.memory_space<vmem>>
      %dma_start3A_107 = arith.constant 0 : i32
      %dma_start3A_108 = tpu.memref_slice %arg16[%add3A_10, %dma_start3A_107] : memref<10112x128xf32, #tpu.memory_space<vmem_shared>> -> memref<128x128xf32, #tpu.memory_space<vmem_shared>>
      %dma_start3A_109 = arith.constant 0 : i32
      %dma_start3A_110 = tpu.memref_slice %arg16[%add3A_10, %dma_start3A_109] : memref<10112x128xf32, #tpu.memory_space<vmem_shared>> -> memref<128x128xf32, #tpu.memory_space<vmem_shared>>
      %dma_start3A_111 = arith.constant 0 : i32
      %dma_start3A_112 = arith.constant 0 : i32
      %dma_start3A_113 = tpu.memref_slice %arg14[%dma_start3A_111, %dma_start3A_112] : memref<128x128xf32, #tpu.memory_space<vmem>> -> memref<128x128xf32, #tpu.memory_space<vmem>>
      tpu.enqueue_dma source(%dma_start3A_113 : memref<128x128xf32, #tpu.memory_space<vmem>>) target(%dma_start3A_110 : memref<128x128xf32, #tpu.memory_space<vmem_shared>>) target_semaphore(%run_scoped3A : memref<!tpu.dma_semaphore, #tpu.memory_space<semaphore_mem>>)
      %dma_wait3A = arith.constant 0 : i32
      %dma_wait3A_114 = arith.constant 0 : i32
      %dma_wait3A_115 = tpu.memref_slice %arg14[%dma_wait3A, %dma_wait3A_114] : memref<128x128xf32, #tpu.memory_space<vmem>> -> memref<128x128xf32, #tpu.memory_space<vmem>>
      %dma_wait3A_116 = arith.constant 0 : i32
      %dma_wait3A_117 = tpu.memref_slice %arg16[%add3A_10, %dma_wait3A_116] : memref<10112x128xf32, #tpu.memory_space<vmem_shared>> -> memref<128x128xf32, #tpu.memory_space<vmem_shared>>
      %dma_wait3A_118 = arith.constant 0 : i32
      %dma_wait3A_119 = tpu.memref_slice %arg16[%add3A_10, %dma_wait3A_118] : memref<10112x128xf32, #tpu.memory_space<vmem_shared>> -> memref<128x128xf32, #tpu.memory_space<vmem_shared>>
      %dma_wait3A_120 = arith.constant 0 : i32
      %dma_wait3A_121 = arith.constant 0 : i32
      %dma_wait3A_122 = tpu.memref_slice %arg14[%dma_wait3A_120, %dma_wait3A_121] : memref<128x128xf32, #tpu.memory_space<vmem>> -> memref<128x128xf32, #tpu.memory_space<vmem>>
      tpu.wait_dma2 semaphore(%run_scoped3A : memref<!tpu.dma_semaphore, #tpu.memory_space<semaphore_mem>>) src(%dma_wait3A_122 : memref<128x128xf32, #tpu.memory_space<vmem>>) dst(%dma_wait3A_119 : memref<128x128xf32, #tpu.memory_space<vmem_shared>>)
      tpu.yield
    }) : () -> ()
    %add3A_11 = arith.constant 512 : i32
    %add3A_12 = arith.addi %mul3A_2, %add3A_11 : i32
    "tpu.region"() ({
      %run_scoped3A = tpu.sem_alloc : memref<!tpu.dma_semaphore, #tpu.memory_space<semaphore_mem>>
      %dma_start3A = arith.constant 0 : i32
      %dma_start3A_105 = arith.constant 0 : i32
      %dma_start3A_106 = tpu.memref_slice %arg14[%dma_start3A, %dma_start3A_105] : memref<128x128xf32, #tpu.memory_space<vmem>> -> memref<120x128xf32, #tpu.memory_space<vmem>>
      %dma_start3A_107 = arith.constant 0 : i32
      %dma_start3A_108 = tpu.memref_slice %arg16[%add3A_12, %dma_start3A_107] : memref<10112x128xf32, #tpu.memory_space<vmem_shared>> -> memref<120x128xf32, #tpu.memory_space<vmem_shared>>
      %dma_start3A_109 = arith.constant 0 : i32
      %dma_start3A_110 = tpu.memref_slice %arg16[%add3A_12, %dma_start3A_109] : memref<10112x128xf32, #tpu.memory_space<vmem_shared>> -> memref<120x128xf32, #tpu.memory_space<vmem_shared>>
      %dma_start3A_111 = arith.constant 0 : i32
      %dma_start3A_112 = arith.constant 0 : i32
      %dma_start3A_113 = tpu.memref_slice %arg14[%dma_start3A_111, %dma_start3A_112] : memref<128x128xf32, #tpu.memory_space<vmem>> -> memref<120x128xf32, #tpu.memory_space<vmem>>
      tpu.enqueue_dma source(%dma_start3A_113 : memref<120x128xf32, #tpu.memory_space<vmem>>) target(%dma_start3A_110 : memref<120x128xf32, #tpu.memory_space<vmem_shared>>) target_semaphore(%run_scoped3A : memref<!tpu.dma_semaphore, #tpu.memory_space<semaphore_mem>>)
      %dma_wait3A = arith.constant 0 : i32
      %dma_wait3A_114 = arith.constant 0 : i32
      %dma_wait3A_115 = tpu.memref_slice %arg14[%dma_wait3A, %dma_wait3A_114] : memref<128x128xf32, #tpu.memory_space<vmem>> -> memref<120x128xf32, #tpu.memory_space<vmem>>
      %dma_wait3A_116 = arith.constant 0 : i32
      %dma_wait3A_117 = tpu.memref_slice %arg16[%add3A_12, %dma_wait3A_116] : memref<10112x128xf32, #tpu.memory_space<vmem_shared>> -> memref<120x128xf32, #tpu.memory_space<vmem_shared>>
      %dma_wait3A_118 = arith.constant 0 : i32
      %dma_wait3A_119 = tpu.memref_slice %arg16[%add3A_12, %dma_wait3A_118] : memref<10112x128xf32, #tpu.memory_space<vmem_shared>> -> memref<120x128xf32, #tpu.memory_space<vmem_shared>>
      %dma_wait3A_120 = arith.constant 0 : i32
      %dma_wait3A_121 = arith.constant 0 : i32
      %dma_wait3A_122 = tpu.memref_slice %arg14[%dma_wait3A_120, %dma_wait3A_121] : memref<128x128xf32, #tpu.memory_space<vmem>> -> memref<120x128xf32, #tpu.memory_space<vmem>>
      tpu.wait_dma2 semaphore(%run_scoped3A : memref<!tpu.dma_semaphore, #tpu.memory_space<semaphore_mem>>) src(%dma_wait3A_122 : memref<120x128xf32, #tpu.memory_space<vmem>>) dst(%dma_wait3A_119 : memref<120x128xf32, #tpu.memory_space<vmem_shared>>)
      tpu.yield
    }) : () -> ()
    %barrier3A = arith.constant 0 : index
    tpu.barrier barrier_id(%barrier3A)
    %scan3A = arith.constant 0 : i32
    %scan3A_13 = arith.constant 0 : i32
    %scan3A_14 = arith.constant 10 : i32
    %scan3A_15 = arith.addi %scan3A_13, %scan3A_14 : i32
    %scan3A_16 = arith.constant 1 : i32
    scf.for %scan3A_105 = %scan3A_13 to %scan3A_15 step %scan3A_16  : i32 {
      %mul3A_106 = arith.constant 8 : i32
      %mul3A_107 = arith.muli %scan3A_105, %mul3A_106 : i32
      "tpu.region"() ({
        %run_scoped3A_227 = tpu.sem_alloc : memref<!tpu.dma_semaphore, #tpu.memory_space<semaphore_mem>>
        %dma_start3A_228 = arith.constant 0 : i32
        %dma_start3A_229 = tpu.memref_slice %arg5[%add3A, %mul3A_107, %dma_start3A_228] : memref<32x80x128xi32, #tpu.memory_space<hbm>> -> memref<1x8x128xi32, #tpu.memory_space<hbm>>
        %dma_start3A_230 = tpu.memref_squeeze %dma_start3A_229 : memref<1x8x128xi32, #tpu.memory_space<hbm>> -> memref<8x128xi32, #tpu.memory_space<hbm>>
        %dma_start3A_231 = arith.constant 0 : i32
        %dma_start3A_232 = tpu.memref_slice %arg5[%add3A, %mul3A_107, %dma_start3A_231] : memref<32x80x128xi32, #tpu.memory_space<hbm>> -> memref<1x8x128xi32, #tpu.memory_space<hbm>>
        %dma_start3A_233 = tpu.memref_squeeze %dma_start3A_232 : memref<1x8x128xi32, #tpu.memory_space<hbm>> -> memref<8x128xi32, #tpu.memory_space<hbm>>
        tpu.enqueue_dma source(%dma_start3A_233 : memref<8x128xi32, #tpu.memory_space<hbm>>) target(%arg12 : memref<8x128xi32, #tpu.memory_space<vmem>>) target_semaphore(%run_scoped3A_227 : memref<!tpu.dma_semaphore, #tpu.memory_space<semaphore_mem>>)
        %dma_wait3A_234 = arith.constant 0 : i32
        %dma_wait3A_235 = tpu.memref_slice %arg5[%add3A, %mul3A_107, %dma_wait3A_234] : memref<32x80x128xi32, #tpu.memory_space<hbm>> -> memref<1x8x128xi32, #tpu.memory_space<hbm>>
        %dma_wait3A_236 = tpu.memref_squeeze %dma_wait3A_235 : memref<1x8x128xi32, #tpu.memory_space<hbm>> -> memref<8x128xi32, #tpu.memory_space<hbm>>
        %dma_wait3A_237 = arith.constant 0 : i32
        %dma_wait3A_238 = tpu.memref_slice %arg5[%add3A, %mul3A_107, %dma_wait3A_237] : memref<32x80x128xi32, #tpu.memory_space<hbm>> -> memref<1x8x128xi32, #tpu.memory_space<hbm>>
        %dma_wait3A_239 = tpu.memref_squeeze %dma_wait3A_238 : memref<1x8x128xi32, #tpu.memory_space<hbm>> -> memref<8x128xi32, #tpu.memory_space<hbm>>
        tpu.wait_dma2 semaphore(%run_scoped3A_227 : memref<!tpu.dma_semaphore, #tpu.memory_space<semaphore_mem>>) src(%dma_wait3A_239 : memref<8x128xi32, #tpu.memory_space<hbm>>) dst(%arg12 : memref<8x128xi32, #tpu.memory_space<vmem>>)
        tpu.yield
      }) : () -> ()
      %mul3A_108 = arith.constant 8 : i32
      %mul3A_109 = arith.muli %scan3A_105, %mul3A_108 : i32
      "tpu.region"() ({
        %run_scoped3A_227 = tpu.sem_alloc : memref<!tpu.dma_semaphore, #tpu.memory_space<semaphore_mem>>
        %dma_start3A_228 = arith.constant 0 : i32
        %dma_start3A_229 = tpu.memref_slice %arg6[%add3A, %mul3A_109, %dma_start3A_228] : memref<32x80x128xi32, #tpu.memory_space<hbm>> -> memref<1x8x128xi32, #tpu.memory_space<hbm>>
        %dma_start3A_230 = tpu.memref_squeeze %dma_start3A_229 : memref<1x8x128xi32, #tpu.memory_space<hbm>> -> memref<8x128xi32, #tpu.memory_space<hbm>>
        %dma_start3A_231 = arith.constant 0 : i32
        %dma_start3A_232 = tpu.memref_slice %arg6[%add3A, %mul3A_109, %dma_start3A_231] : memref<32x80x128xi32, #tpu.memory_space<hbm>> -> memref<1x8x128xi32, #tpu.memory_space<hbm>>
        %dma_start3A_233 = tpu.memref_squeeze %dma_start3A_232 : memref<1x8x128xi32, #tpu.memory_space<hbm>> -> memref<8x128xi32, #tpu.memory_space<hbm>>
        tpu.enqueue_dma source(%dma_start3A_233 : memref<8x128xi32, #tpu.memory_space<hbm>>) target(%arg13 : memref<8x128xi32, #tpu.memory_space<vmem>>) target_semaphore(%run_scoped3A_227 : memref<!tpu.dma_semaphore, #tpu.memory_space<semaphore_mem>>)
        %dma_wait3A_234 = arith.constant 0 : i32
        %dma_wait3A_235 = tpu.memref_slice %arg6[%add3A, %mul3A_109, %dma_wait3A_234] : memref<32x80x128xi32, #tpu.memory_space<hbm>> -> memref<1x8x128xi32, #tpu.memory_space<hbm>>
        %dma_wait3A_236 = tpu.memref_squeeze %dma_wait3A_235 : memref<1x8x128xi32, #tpu.memory_space<hbm>> -> memref<8x128xi32, #tpu.memory_space<hbm>>
        %dma_wait3A_237 = arith.constant 0 : i32
        %dma_wait3A_238 = tpu.memref_slice %arg6[%add3A, %mul3A_109, %dma_wait3A_237] : memref<32x80x128xi32, #tpu.memory_space<hbm>> -> memref<1x8x128xi32, #tpu.memory_space<hbm>>
        %dma_wait3A_239 = tpu.memref_squeeze %dma_wait3A_238 : memref<1x8x128xi32, #tpu.memory_space<hbm>> -> memref<8x128xi32, #tpu.memory_space<hbm>>
        tpu.wait_dma2 semaphore(%run_scoped3A_227 : memref<!tpu.dma_semaphore, #tpu.memory_space<semaphore_mem>>) src(%dma_wait3A_239 : memref<8x128xi32, #tpu.memory_space<hbm>>) dst(%arg13 : memref<8x128xi32, #tpu.memory_space<vmem>>)
        tpu.yield
      }) : () -> ()
      %dma_start3A = arith.constant 0 : i32
      %dma_start3A_110 = arith.constant 0 : i32
      %dma_start3A_111 = tpu.memref_slice %arg12[%dma_start3A, %dma_start3A_110] : memref<8x128xi32, #tpu.memory_space<vmem>> -> memref<1x128xi32, #tpu.memory_space<vmem>>
      %dma_start3A_112 = tpu.memref_squeeze %dma_start3A_111 : memref<1x128xi32, #tpu.memory_space<vmem>> -> memref<128xi32, #tpu.memory_space<vmem>>
      %dma_start3A_113 = arith.constant 0 : i32
      %dma_start3A_114 = arith.constant 0 : i32
      %dma_start3A_115 = tpu.memref_slice %arg3[%dma_start3A_113, %dma_start3A_114] : memref<10000x128xf32, #tpu.memory_space<hbm>> -> memref<10000x128xf32, #tpu.memory_space<hbm>>
      tpu.enqueue_indirect_dma source(%dma_start3A_115 : memref<10000x128xf32, #tpu.memory_space<hbm>>) target(%arg14 : memref<128x128xf32, #tpu.memory_space<vmem>>) offsets(%dma_start3A_112 : memref<128xi32, #tpu.memory_space<vmem>>) semaphore(%arg17 : memref<!tpu.dma_semaphore, #tpu.memory_space<semaphore_mem>>)
      %dma_start3A_116 = arith.constant 1 : i32
      %dma_start3A_117 = arith.constant 0 : i32
      %dma_start3A_118 = tpu.memref_slice %arg12[%dma_start3A_116, %dma_start3A_117] : memref<8x128xi32, #tpu.memory_space<vmem>> -> memref<1x128xi32, #tpu.memory_space<vmem>>
      %dma_start3A_119 = tpu.memref_squeeze %dma_start3A_118 : memref<1x128xi32, #tpu.memory_space<vmem>> -> memref<128xi32, #tpu.memory_space<vmem>>
      %dma_start3A_120 = arith.constant 0 : i32
      %dma_start3A_121 = arith.constant 0 : i32
      %dma_start3A_122 = tpu.memref_slice %arg3[%dma_start3A_120, %dma_start3A_121] : memref<10000x128xf32, #tpu.memory_space<hbm>> -> memref<10000x128xf32, #tpu.memory_space<hbm>>
      tpu.enqueue_indirect_dma source(%dma_start3A_122 : memref<10000x128xf32, #tpu.memory_space<hbm>>) target(%arg15 : memref<128x128xf32, #tpu.memory_space<vmem>>) offsets(%dma_start3A_119 : memref<128xi32, #tpu.memory_space<vmem>>) semaphore(%arg18 : memref<!tpu.dma_semaphore, #tpu.memory_space<semaphore_mem>>)
      %dma_wait3A = arith.constant 0 : i32
      %dma_wait3A_123 = arith.constant 0 : i32
      %dma_wait3A_124 = tpu.memref_slice %arg12[%dma_wait3A, %dma_wait3A_123] : memref<8x128xi32, #tpu.memory_space<vmem>> -> memref<1x128xi32, #tpu.memory_space<vmem>>
      %dma_wait3A_125 = tpu.memref_squeeze %dma_wait3A_124 : memref<1x128xi32, #tpu.memory_space<vmem>> -> memref<128xi32, #tpu.memory_space<vmem>>
      %dma_wait3A_126 = arith.constant 0 : i32
      %dma_wait3A_127 = arith.constant 0 : i32
      %dma_wait3A_128 = tpu.memref_slice %arg3[%dma_wait3A_126, %dma_wait3A_127] : memref<10000x128xf32, #tpu.memory_space<hbm>> -> memref<10000x128xf32, #tpu.memory_space<hbm>>
      tpu.wait_indirect_dma semaphore(%arg17 : memref<!tpu.dma_semaphore, #tpu.memory_space<semaphore_mem>>) src(%dma_wait3A_128 : memref<10000x128xf32, #tpu.memory_space<hbm>>) dst(%arg14 : memref<128x128xf32, #tpu.memory_space<vmem>>)
      %run_scoped3A = arith.constant 0 : i32
      "tpu.region"() ({
        %run_scoped3A_227 = tpu.sem_alloc : memref<!tpu.dma_semaphore, #tpu.memory_space<semaphore_mem>>
        %dma_start3A_228 = arith.constant 0 : i32
        %dma_start3A_229 = tpu.memref_slice %arg13[%run_scoped3A, %dma_start3A_228] : memref<8x128xi32, #tpu.memory_space<vmem>> -> memref<1x128xi32, #tpu.memory_space<vmem>>
        %dma_start3A_230 = tpu.memref_squeeze %dma_start3A_229 : memref<1x128xi32, #tpu.memory_space<vmem>> -> memref<128xi32, #tpu.memory_space<vmem>>
        %dma_start3A_231 = arith.constant 0 : i32
        %dma_start3A_232 = arith.constant 0 : i32
        %dma_start3A_233 = tpu.memref_slice %arg16[%dma_start3A_231, %dma_start3A_232] : memref<10112x128xf32, #tpu.memory_space<vmem_shared>> -> memref<10112x128xf32, #tpu.memory_space<vmem_shared>>
        tpu.enqueue_indirect_dma source(%arg14 : memref<128x128xf32, #tpu.memory_space<vmem>>) target(%dma_start3A_233 : memref<10112x128xf32, #tpu.memory_space<vmem_shared>>) offsets(%dma_start3A_230 : memref<128xi32, #tpu.memory_space<vmem>>) semaphore(%run_scoped3A_227 : memref<!tpu.dma_semaphore, #tpu.memory_space<semaphore_mem>>) {add = true}
        %dma_wait3A_234 = arith.constant 0 : i32
        %dma_wait3A_235 = tpu.memref_slice %arg13[%run_scoped3A, %dma_wait3A_234] : memref<8x128xi32, #tpu.memory_space<vmem>> -> memref<1x128xi32, #tpu.memory_space<vmem>>
        %dma_wait3A_236 = tpu.memref_squeeze %dma_wait3A_235 : memref<1x128xi32, #tpu.memory_space<vmem>> -> memref<128xi32, #tpu.memory_space<vmem>>
        %dma_wait3A_237 = arith.constant 0 : i32
        %dma_wait3A_238 = arith.constant 0 : i32
        %dma_wait3A_239 = tpu.memref_slice %arg16[%dma_wait3A_237, %dma_wait3A_238] : memref<10112x128xf32, #tpu.memory_space<vmem_shared>> -> memref<10112x128xf32, #tpu.memory_space<vmem_shared>>
        tpu.wait_indirect_dma semaphore(%run_scoped3A_227 : memref<!tpu.dma_semaphore, #tpu.memory_space<semaphore_mem>>) src(%arg14 : memref<128x128xf32, #tpu.memory_space<vmem>>) dst(%dma_wait3A_239 : memref<10112x128xf32, #tpu.memory_space<vmem_shared>>)
        tpu.yield
      }) : () -> ()
      %dma_start3A_129 = arith.constant 2 : i32
      %dma_start3A_130 = arith.constant 0 : i32
      %dma_start3A_131 = tpu.memref_slice %arg12[%dma_start3A_129, %dma_start3A_130] : memref<8x128xi32, #tpu.memory_space<vmem>> -> memref<1x128xi32, #tpu.memory_space<vmem>>
      %dma_start3A_132 = tpu.memref_squeeze %dma_start3A_131 : memref<1x128xi32, #tpu.memory_space<vmem>> -> memref<128xi32, #tpu.memory_space<vmem>>
      %dma_start3A_133 = arith.constant 0 : i32
      %dma_start3A_134 = arith.constant 0 : i32
      %dma_start3A_135 = tpu.memref_slice %arg3[%dma_start3A_133, %dma_start3A_134] : memref<10000x128xf32, #tpu.memory_space<hbm>> -> memref<10000x128xf32, #tpu.memory_space<hbm>>
      tpu.enqueue_indirect_dma source(%dma_start3A_135 : memref<10000x128xf32, #tpu.memory_space<hbm>>) target(%arg14 : memref<128x128xf32, #tpu.memory_space<vmem>>) offsets(%dma_start3A_132 : memref<128xi32, #tpu.memory_space<vmem>>) semaphore(%arg17 : memref<!tpu.dma_semaphore, #tpu.memory_space<semaphore_mem>>)
      %dma_wait3A_136 = arith.constant 1 : i32
      %dma_wait3A_137 = arith.constant 0 : i32
      %dma_wait3A_138 = tpu.memref_slice %arg12[%dma_wait3A_136, %dma_wait3A_137] : memref<8x128xi32, #tpu.memory_space<vmem>> -> memref<1x128xi32, #tpu.memory_space<vmem>>
      %dma_wait3A_139 = tpu.memref_squeeze %dma_wait3A_138 : memref<1x128xi32, #tpu.memory_space<vmem>> -> memref<128xi32, #tpu.memory_space<vmem>>
      %dma_wait3A_140 = arith.constant 0 : i32
      %dma_wait3A_141 = arith.constant 0 : i32
      %dma_wait3A_142 = tpu.memref_slice %arg3[%dma_wait3A_140, %dma_wait3A_141] : memref<10000x128xf32, #tpu.memory_space<hbm>> -> memref<10000x128xf32, #tpu.memory_space<hbm>>
      tpu.wait_indirect_dma semaphore(%arg18 : memref<!tpu.dma_semaphore, #tpu.memory_space<semaphore_mem>>) src(%dma_wait3A_142 : memref<10000x128xf32, #tpu.memory_space<hbm>>) dst(%arg15 : memref<128x128xf32, #tpu.memory_space<vmem>>)
      %run_scoped3A_143 = arith.constant 1 : i32
      "tpu.region"() ({
        %run_scoped3A_227 = tpu.sem_alloc : memref<!tpu.dma_semaphore, #tpu.memory_space<semaphore_mem>>
        %dma_start3A_228 = arith.constant 0 : i32
        %dma_start3A_229 = tpu.memref_slice %arg13[%run_scoped3A_143, %dma_start3A_228] : memref<8x128xi32, #tpu.memory_space<vmem>> -> memref<1x128xi32, #tpu.memory_space<vmem>>
        %dma_start3A_230 = tpu.memref_squeeze %dma_start3A_229 : memref<1x128xi32, #tpu.memory_space<vmem>> -> memref<128xi32, #tpu.memory_space<vmem>>
        %dma_start3A_231 = arith.constant 0 : i32
        %dma_start3A_232 = arith.constant 0 : i32
        %dma_start3A_233 = tpu.memref_slice %arg16[%dma_start3A_231, %dma_start3A_232] : memref<10112x128xf32, #tpu.memory_space<vmem_shared>> -> memref<10112x128xf32, #tpu.memory_space<vmem_shared>>
        tpu.enqueue_indirect_dma source(%arg15 : memref<128x128xf32, #tpu.memory_space<vmem>>) target(%dma_start3A_233 : memref<10112x128xf32, #tpu.memory_space<vmem_shared>>) offsets(%dma_start3A_230 : memref<128xi32, #tpu.memory_space<vmem>>) semaphore(%run_scoped3A_227 : memref<!tpu.dma_semaphore, #tpu.memory_space<semaphore_mem>>) {add = true}
        %dma_wait3A_234 = arith.constant 0 : i32
        %dma_wait3A_235 = tpu.memref_slice %arg13[%run_scoped3A_143, %dma_wait3A_234] : memref<8x128xi32, #tpu.memory_space<vmem>> -> memref<1x128xi32, #tpu.memory_space<vmem>>
        %dma_wait3A_236 = tpu.memref_squeeze %dma_wait3A_235 : memref<1x128xi32, #tpu.memory_space<vmem>> -> memref<128xi32, #tpu.memory_space<vmem>>
        %dma_wait3A_237 = arith.constant 0 : i32
        %dma_wait3A_238 = arith.constant 0 : i32
        %dma_wait3A_239 = tpu.memref_slice %arg16[%dma_wait3A_237, %dma_wait3A_238] : memref<10112x128xf32, #tpu.memory_space<vmem_shared>> -> memref<10112x128xf32, #tpu.memory_space<vmem_shared>>
        tpu.wait_indirect_dma semaphore(%run_scoped3A_227 : memref<!tpu.dma_semaphore, #tpu.memory_space<semaphore_mem>>) src(%arg15 : memref<128x128xf32, #tpu.memory_space<vmem>>) dst(%dma_wait3A_239 : memref<10112x128xf32, #tpu.memory_space<vmem_shared>>)
        tpu.yield
      }) : () -> ()
      %dma_start3A_144 = arith.constant 3 : i32
      %dma_start3A_145 = arith.constant 0 : i32
      %dma_start3A_146 = tpu.memref_slice %arg12[%dma_start3A_144, %dma_start3A_145] : memref<8x128xi32, #tpu.memory_space<vmem>> -> memref<1x128xi32, #tpu.memory_space<vmem>>
      %dma_start3A_147 = tpu.memref_squeeze %dma_start3A_146 : memref<1x128xi32, #tpu.memory_space<vmem>> -> memref<128xi32, #tpu.memory_space<vmem>>
      %dma_start3A_148 = arith.constant 0 : i32
      %dma_start3A_149 = arith.constant 0 : i32
      %dma_start3A_150 = tpu.memref_slice %arg3[%dma_start3A_148, %dma_start3A_149] : memref<10000x128xf32, #tpu.memory_space<hbm>> -> memref<10000x128xf32, #tpu.memory_space<hbm>>
      tpu.enqueue_indirect_dma source(%dma_start3A_150 : memref<10000x128xf32, #tpu.memory_space<hbm>>) target(%arg15 : memref<128x128xf32, #tpu.memory_space<vmem>>) offsets(%dma_start3A_147 : memref<128xi32, #tpu.memory_space<vmem>>) semaphore(%arg18 : memref<!tpu.dma_semaphore, #tpu.memory_space<semaphore_mem>>)
      %dma_wait3A_151 = arith.constant 2 : i32
      %dma_wait3A_152 = arith.constant 0 : i32
      %dma_wait3A_153 = tpu.memref_slice %arg12[%dma_wait3A_151, %dma_wait3A_152] : memref<8x128xi32, #tpu.memory_space<vmem>> -> memref<1x128xi32, #tpu.memory_space<vmem>>
      %dma_wait3A_154 = tpu.memref_squeeze %dma_wait3A_153 : memref<1x128xi32, #tpu.memory_space<vmem>> -> memref<128xi32, #tpu.memory_space<vmem>>
      %dma_wait3A_155 = arith.constant 0 : i32
      %dma_wait3A_156 = arith.constant 0 : i32
      %dma_wait3A_157 = tpu.memref_slice %arg3[%dma_wait3A_155, %dma_wait3A_156] : memref<10000x128xf32, #tpu.memory_space<hbm>> -> memref<10000x128xf32, #tpu.memory_space<hbm>>
      tpu.wait_indirect_dma semaphore(%arg17 : memref<!tpu.dma_semaphore, #tpu.memory_space<semaphore_mem>>) src(%dma_wait3A_157 : memref<10000x128xf32, #tpu.memory_space<hbm>>) dst(%arg14 : memref<128x128xf32, #tpu.memory_space<vmem>>)
      %run_scoped3A_158 = arith.constant 2 : i32
      "tpu.region"() ({
        %run_scoped3A_227 = tpu.sem_alloc : memref<!tpu.dma_semaphore, #tpu.memory_space<semaphore_mem>>
        %dma_start3A_228 = arith.constant 0 : i32
        %dma_start3A_229 = tpu.memref_slice %arg13[%run_scoped3A_158, %dma_start3A_228] : memref<8x128xi32, #tpu.memory_space<vmem>> -> memref<1x128xi32, #tpu.memory_space<vmem>>
        %dma_start3A_230 = tpu.memref_squeeze %dma_start3A_229 : memref<1x128xi32, #tpu.memory_space<vmem>> -> memref<128xi32, #tpu.memory_space<vmem>>
        %dma_start3A_231 = arith.constant 0 : i32
        %dma_start3A_232 = arith.constant 0 : i32
        %dma_start3A_233 = tpu.memref_slice %arg16[%dma_start3A_231, %dma_start3A_232] : memref<10112x128xf32, #tpu.memory_space<vmem_shared>> -> memref<10112x128xf32, #tpu.memory_space<vmem_shared>>
        tpu.enqueue_indirect_dma source(%arg14 : memref<128x128xf32, #tpu.memory_space<vmem>>) target(%dma_start3A_233 : memref<10112x128xf32, #tpu.memory_space<vmem_shared>>) offsets(%dma_start3A_230 : memref<128xi32, #tpu.memory_space<vmem>>) semaphore(%run_scoped3A_227 : memref<!tpu.dma_semaphore, #tpu.memory_space<semaphore_mem>>) {add = true}
        %dma_wait3A_234 = arith.constant 0 : i32
        %dma_wait3A_235 = tpu.memref_slice %arg13[%run_scoped3A_158, %dma_wait3A_234] : memref<8x128xi32, #tpu.memory_space<vmem>> -> memref<1x128xi32, #tpu.memory_space<vmem>>
        %dma_wait3A_236 = tpu.memref_squeeze %dma_wait3A_235 : memref<1x128xi32, #tpu.memory_space<vmem>> -> memref<128xi32, #tpu.memory_space<vmem>>
        %dma_wait3A_237 = arith.constant 0 : i32
        %dma_wait3A_238 = arith.constant 0 : i32
        %dma_wait3A_239 = tpu.memref_slice %arg16[%dma_wait3A_237, %dma_wait3A_238] : memref<10112x128xf32, #tpu.memory_space<vmem_shared>> -> memref<10112x128xf32, #tpu.memory_space<vmem_shared>>
        tpu.wait_indirect_dma semaphore(%run_scoped3A_227 : memref<!tpu.dma_semaphore, #tpu.memory_space<semaphore_mem>>) src(%arg14 : memref<128x128xf32, #tpu.memory_space<vmem>>) dst(%dma_wait3A_239 : memref<10112x128xf32, #tpu.memory_space<vmem_shared>>)
        tpu.yield
      }) : () -> ()
      %dma_start3A_159 = arith.constant 4 : i32
      %dma_start3A_160 = arith.constant 0 : i32
      %dma_start3A_161 = tpu.memref_slice %arg12[%dma_start3A_159, %dma_start3A_160] : memref<8x128xi32, #tpu.memory_space<vmem>> -> memref<1x128xi32, #tpu.memory_space<vmem>>
      %dma_start3A_162 = tpu.memref_squeeze %dma_start3A_161 : memref<1x128xi32, #tpu.memory_space<vmem>> -> memref<128xi32, #tpu.memory_space<vmem>>
      %dma_start3A_163 = arith.constant 0 : i32
      %dma_start3A_164 = arith.constant 0 : i32
      %dma_start3A_165 = tpu.memref_slice %arg3[%dma_start3A_163, %dma_start3A_164] : memref<10000x128xf32, #tpu.memory_space<hbm>> -> memref<10000x128xf32, #tpu.memory_space<hbm>>
      tpu.enqueue_indirect_dma source(%dma_start3A_165 : memref<10000x128xf32, #tpu.memory_space<hbm>>) target(%arg14 : memref<128x128xf32, #tpu.memory_space<vmem>>) offsets(%dma_start3A_162 : memref<128xi32, #tpu.memory_space<vmem>>) semaphore(%arg17 : memref<!tpu.dma_semaphore, #tpu.memory_space<semaphore_mem>>)
      %dma_wait3A_166 = arith.constant 3 : i32
      %dma_wait3A_167 = arith.constant 0 : i32
      %dma_wait3A_168 = tpu.memref_slice %arg12[%dma_wait3A_166, %dma_wait3A_167] : memref<8x128xi32, #tpu.memory_space<vmem>> -> memref<1x128xi32, #tpu.memory_space<vmem>>
      %dma_wait3A_169 = tpu.memref_squeeze %dma_wait3A_168 : memref<1x128xi32, #tpu.memory_space<vmem>> -> memref<128xi32, #tpu.memory_space<vmem>>
      %dma_wait3A_170 = arith.constant 0 : i32
      %dma_wait3A_171 = arith.constant 0 : i32
      %dma_wait3A_172 = tpu.memref_slice %arg3[%dma_wait3A_170, %dma_wait3A_171] : memref<10000x128xf32, #tpu.memory_space<hbm>> -> memref<10000x128xf32, #tpu.memory_space<hbm>>
      tpu.wait_indirect_dma semaphore(%arg18 : memref<!tpu.dma_semaphore, #tpu.memory_space<semaphore_mem>>) src(%dma_wait3A_172 : memref<10000x128xf32, #tpu.memory_space<hbm>>) dst(%arg15 : memref<128x128xf32, #tpu.memory_space<vmem>>)
      %run_scoped3A_173 = arith.constant 3 : i32
      "tpu.region"() ({
        %run_scoped3A_227 = tpu.sem_alloc : memref<!tpu.dma_semaphore, #tpu.memory_space<semaphore_mem>>
        %dma_start3A_228 = arith.constant 0 : i32
        %dma_start3A_229 = tpu.memref_slice %arg13[%run_scoped3A_173, %dma_start3A_228] : memref<8x128xi32, #tpu.memory_space<vmem>> -> memref<1x128xi32, #tpu.memory_space<vmem>>
        %dma_start3A_230 = tpu.memref_squeeze %dma_start3A_229 : memref<1x128xi32, #tpu.memory_space<vmem>> -> memref<128xi32, #tpu.memory_space<vmem>>
        %dma_start3A_231 = arith.constant 0 : i32
        %dma_start3A_232 = arith.constant 0 : i32
        %dma_start3A_233 = tpu.memref_slice %arg16[%dma_start3A_231, %dma_start3A_232] : memref<10112x128xf32, #tpu.memory_space<vmem_shared>> -> memref<10112x128xf32, #tpu.memory_space<vmem_shared>>
        tpu.enqueue_indirect_dma source(%arg15 : memref<128x128xf32, #tpu.memory_space<vmem>>) target(%dma_start3A_233 : memref<10112x128xf32, #tpu.memory_space<vmem_shared>>) offsets(%dma_start3A_230 : memref<128xi32, #tpu.memory_space<vmem>>) semaphore(%run_scoped3A_227 : memref<!tpu.dma_semaphore, #tpu.memory_space<semaphore_mem>>) {add = true}
        %dma_wait3A_234 = arith.constant 0 : i32
        %dma_wait3A_235 = tpu.memref_slice %arg13[%run_scoped3A_173, %dma_wait3A_234] : memref<8x128xi32, #tpu.memory_space<vmem>> -> memref<1x128xi32, #tpu.memory_space<vmem>>
        %dma_wait3A_236 = tpu.memref_squeeze %dma_wait3A_235 : memref<1x128xi32, #tpu.memory_space<vmem>> -> memref<128xi32, #tpu.memory_space<vmem>>
        %dma_wait3A_237 = arith.constant 0 : i32
        %dma_wait3A_238 = arith.constant 0 : i32
        %dma_wait3A_239 = tpu.memref_slice %arg16[%dma_wait3A_237, %dma_wait3A_238] : memref<10112x128xf32, #tpu.memory_space<vmem_shared>> -> memref<10112x128xf32, #tpu.memory_space<vmem_shared>>
        tpu.wait_indirect_dma semaphore(%run_scoped3A_227 : memref<!tpu.dma_semaphore, #tpu.memory_space<semaphore_mem>>) src(%arg15 : memref<128x128xf32, #tpu.memory_space<vmem>>) dst(%dma_wait3A_239 : memref<10112x128xf32, #tpu.memory_space<vmem_shared>>)
        tpu.yield
      }) : () -> ()
      %dma_start3A_174 = arith.constant 5 : i32
      %dma_start3A_175 = arith.constant 0 : i32
      %dma_start3A_176 = tpu.memref_slice %arg12[%dma_start3A_174, %dma_start3A_175] : memref<8x128xi32, #tpu.memory_space<vmem>> -> memref<1x128xi32, #tpu.memory_space<vmem>>
      %dma_start3A_177 = tpu.memref_squeeze %dma_start3A_176 : memref<1x128xi32, #tpu.memory_space<vmem>> -> memref<128xi32, #tpu.memory_space<vmem>>
      %dma_start3A_178 = arith.constant 0 : i32
      %dma_start3A_179 = arith.constant 0 : i32
      %dma_start3A_180 = tpu.memref_slice %arg3[%dma_start3A_178, %dma_start3A_179] : memref<10000x128xf32, #tpu.memory_space<hbm>> -> memref<10000x128xf32, #tpu.memory_space<hbm>>
      tpu.enqueue_indirect_dma source(%dma_start3A_180 : memref<10000x128xf32, #tpu.memory_space<hbm>>) target(%arg15 : memref<128x128xf32, #tpu.memory_space<vmem>>) offsets(%dma_start3A_177 : memref<128xi32, #tpu.memory_space<vmem>>) semaphore(%arg18 : memref<!tpu.dma_semaphore, #tpu.memory_space<semaphore_mem>>)
      %dma_wait3A_181 = arith.constant 4 : i32
      %dma_wait3A_182 = arith.constant 0 : i32
      %dma_wait3A_183 = tpu.memref_slice %arg12[%dma_wait3A_181, %dma_wait3A_182] : memref<8x128xi32, #tpu.memory_space<vmem>> -> memref<1x128xi32, #tpu.memory_space<vmem>>
      %dma_wait3A_184 = tpu.memref_squeeze %dma_wait3A_183 : memref<1x128xi32, #tpu.memory_space<vmem>> -> memref<128xi32, #tpu.memory_space<vmem>>
      %dma_wait3A_185 = arith.constant 0 : i32
      %dma_wait3A_186 = arith.constant 0 : i32
      %dma_wait3A_187 = tpu.memref_slice %arg3[%dma_wait3A_185, %dma_wait3A_186] : memref<10000x128xf32, #tpu.memory_space<hbm>> -> memref<10000x128xf32, #tpu.memory_space<hbm>>
      tpu.wait_indirect_dma semaphore(%arg17 : memref<!tpu.dma_semaphore, #tpu.memory_space<semaphore_mem>>) src(%dma_wait3A_187 : memref<10000x128xf32, #tpu.memory_space<hbm>>) dst(%arg14 : memref<128x128xf32, #tpu.memory_space<vmem>>)
      %run_scoped3A_188 = arith.constant 4 : i32
      "tpu.region"() ({
        %run_scoped3A_227 = tpu.sem_alloc : memref<!tpu.dma_semaphore, #tpu.memory_space<semaphore_mem>>
        %dma_start3A_228 = arith.constant 0 : i32
        %dma_start3A_229 = tpu.memref_slice %arg13[%run_scoped3A_188, %dma_start3A_228] : memref<8x128xi32, #tpu.memory_space<vmem>> -> memref<1x128xi32, #tpu.memory_space<vmem>>
        %dma_start3A_230 = tpu.memref_squeeze %dma_start3A_229 : memref<1x128xi32, #tpu.memory_space<vmem>> -> memref<128xi32, #tpu.memory_space<vmem>>
        %dma_start3A_231 = arith.constant 0 : i32
        %dma_start3A_232 = arith.constant 0 : i32
        %dma_start3A_233 = tpu.memref_slice %arg16[%dma_start3A_231, %dma_start3A_232] : memref<10112x128xf32, #tpu.memory_space<vmem_shared>> -> memref<10112x128xf32, #tpu.memory_space<vmem_shared>>
        tpu.enqueue_indirect_dma source(%arg14 : memref<128x128xf32, #tpu.memory_space<vmem>>) target(%dma_start3A_233 : memref<10112x128xf32, #tpu.memory_space<vmem_shared>>) offsets(%dma_start3A_230 : memref<128xi32, #tpu.memory_space<vmem>>) semaphore(%run_scoped3A_227 : memref<!tpu.dma_semaphore, #tpu.memory_space<semaphore_mem>>) {add = true}
        %dma_wait3A_234 = arith.constant 0 : i32
        %dma_wait3A_235 = tpu.memref_slice %arg13[%run_scoped3A_188, %dma_wait3A_234] : memref<8x128xi32, #tpu.memory_space<vmem>> -> memref<1x128xi32, #tpu.memory_space<vmem>>
        %dma_wait3A_236 = tpu.memref_squeeze %dma_wait3A_235 : memref<1x128xi32, #tpu.memory_space<vmem>> -> memref<128xi32, #tpu.memory_space<vmem>>
        %dma_wait3A_237 = arith.constant 0 : i32
        %dma_wait3A_238 = arith.constant 0 : i32
        %dma_wait3A_239 = tpu.memref_slice %arg16[%dma_wait3A_237, %dma_wait3A_238] : memref<10112x128xf32, #tpu.memory_space<vmem_shared>> -> memref<10112x128xf32, #tpu.memory_space<vmem_shared>>
        tpu.wait_indirect_dma semaphore(%run_scoped3A_227 : memref<!tpu.dma_semaphore, #tpu.memory_space<semaphore_mem>>) src(%arg14 : memref<128x128xf32, #tpu.memory_space<vmem>>) dst(%dma_wait3A_239 : memref<10112x128xf32, #tpu.memory_space<vmem_shared>>)
        tpu.yield
      }) : () -> ()
      %dma_start3A_189 = arith.constant 6 : i32
      %dma_start3A_190 = arith.constant 0 : i32
      %dma_start3A_191 = tpu.memref_slice %arg12[%dma_start3A_189, %dma_start3A_190] : memref<8x128xi32, #tpu.memory_space<vmem>> -> memref<1x128xi32, #tpu.memory_space<vmem>>
      %dma_start3A_192 = tpu.memref_squeeze %dma_start3A_191 : memref<1x128xi32, #tpu.memory_space<vmem>> -> memref<128xi32, #tpu.memory_space<vmem>>
      %dma_start3A_193 = arith.constant 0 : i32
      %dma_start3A_194 = arith.constant 0 : i32
      %dma_start3A_195 = tpu.memref_slice %arg3[%dma_start3A_193, %dma_start3A_194] : memref<10000x128xf32, #tpu.memory_space<hbm>> -> memref<10000x128xf32, #tpu.memory_space<hbm>>
      tpu.enqueue_indirect_dma source(%dma_start3A_195 : memref<10000x128xf32, #tpu.memory_space<hbm>>) target(%arg14 : memref<128x128xf32, #tpu.memory_space<vmem>>) offsets(%dma_start3A_192 : memref<128xi32, #tpu.memory_space<vmem>>) semaphore(%arg17 : memref<!tpu.dma_semaphore, #tpu.memory_space<semaphore_mem>>)
      %dma_wait3A_196 = arith.constant 5 : i32
      %dma_wait3A_197 = arith.constant 0 : i32
      %dma_wait3A_198 = tpu.memref_slice %arg12[%dma_wait3A_196, %dma_wait3A_197] : memref<8x128xi32, #tpu.memory_space<vmem>> -> memref<1x128xi32, #tpu.memory_space<vmem>>
      %dma_wait3A_199 = tpu.memref_squeeze %dma_wait3A_198 : memref<1x128xi32, #tpu.memory_space<vmem>> -> memref<128xi32, #tpu.memory_space<vmem>>
      %dma_wait3A_200 = arith.constant 0 : i32
      %dma_wait3A_201 = arith.constant 0 : i32
      %dma_wait3A_202 = tpu.memref_slice %arg3[%dma_wait3A_200, %dma_wait3A_201] : memref<10000x128xf32, #tpu.memory_space<hbm>> -> memref<10000x128xf32, #tpu.memory_space<hbm>>
      tpu.wait_indirect_dma semaphore(%arg18 : memref<!tpu.dma_semaphore, #tpu.memory_space<semaphore_mem>>) src(%dma_wait3A_202 : memref<10000x128xf32, #tpu.memory_space<hbm>>) dst(%arg15 : memref<128x128xf32, #tpu.memory_space<vmem>>)
      %run_scoped3A_203 = arith.constant 5 : i32
      "tpu.region"() ({
        %run_scoped3A_227 = tpu.sem_alloc : memref<!tpu.dma_semaphore, #tpu.memory_space<semaphore_mem>>
        %dma_start3A_228 = arith.constant 0 : i32
        %dma_start3A_229 = tpu.memref_slice %arg13[%run_scoped3A_203, %dma_start3A_228] : memref<8x128xi32, #tpu.memory_space<vmem>> -> memref<1x128xi32, #tpu.memory_space<vmem>>
        %dma_start3A_230 = tpu.memref_squeeze %dma_start3A_229 : memref<1x128xi32, #tpu.memory_space<vmem>> -> memref<128xi32, #tpu.memory_space<vmem>>
        %dma_start3A_231 = arith.constant 0 : i32
        %dma_start3A_232 = arith.constant 0 : i32
        %dma_start3A_233 = tpu.memref_slice %arg16[%dma_start3A_231, %dma_start3A_232] : memref<10112x128xf32, #tpu.memory_space<vmem_shared>> -> memref<10112x128xf32, #tpu.memory_space<vmem_shared>>
        tpu.enqueue_indirect_dma source(%arg15 : memref<128x128xf32, #tpu.memory_space<vmem>>) target(%dma_start3A_233 : memref<10112x128xf32, #tpu.memory_space<vmem_shared>>) offsets(%dma_start3A_230 : memref<128xi32, #tpu.memory_space<vmem>>) semaphore(%run_scoped3A_227 : memref<!tpu.dma_semaphore, #tpu.memory_space<semaphore_mem>>) {add = true}
        %dma_wait3A_234 = arith.constant 0 : i32
        %dma_wait3A_235 = tpu.memref_slice %arg13[%run_scoped3A_203, %dma_wait3A_234] : memref<8x128xi32, #tpu.memory_space<vmem>> -> memref<1x128xi32, #tpu.memory_space<vmem>>
        %dma_wait3A_236 = tpu.memref_squeeze %dma_wait3A_235 : memref<1x128xi32, #tpu.memory_space<vmem>> -> memref<128xi32, #tpu.memory_space<vmem>>
        %dma_wait3A_237 = arith.constant 0 : i32
        %dma_wait3A_238 = arith.constant 0 : i32
        %dma_wait3A_239 = tpu.memref_slice %arg16[%dma_wait3A_237, %dma_wait3A_238] : memref<10112x128xf32, #tpu.memory_space<vmem_shared>> -> memref<10112x128xf32, #tpu.memory_space<vmem_shared>>
        tpu.wait_indirect_dma semaphore(%run_scoped3A_227 : memref<!tpu.dma_semaphore, #tpu.memory_space<semaphore_mem>>) src(%arg15 : memref<128x128xf32, #tpu.memory_space<vmem>>) dst(%dma_wait3A_239 : memref<10112x128xf32, #tpu.memory_space<vmem_shared>>)
        tpu.yield
      }) : () -> ()
      %dma_start3A_204 = arith.constant 7 : i32
      %dma_start3A_205 = arith.constant 0 : i32
      %dma_start3A_206 = tpu.memref_slice %arg12[%dma_start3A_204, %dma_start3A_205] : memref<8x128xi32, #tpu.memory_space<vmem>> -> memref<1x128xi32, #tpu.memory_space<vmem>>
      %dma_start3A_207 = tpu.memref_squeeze %dma_start3A_206 : memref<1x128xi32, #tpu.memory_space<vmem>> -> memref<128xi32, #tpu.memory_space<vmem>>
      %dma_start3A_208 = arith.constant 0 : i32
      %dma_start3A_209 = arith.constant 0 : i32
      %dma_start3A_210 = tpu.memref_slice %arg3[%dma_start3A_208, %dma_start3A_209] : memref<10000x128xf32, #tpu.memory_space<hbm>> -> memref<10000x128xf32, #tpu.memory_space<hbm>>
      tpu.enqueue_indirect_dma source(%dma_start3A_210 : memref<10000x128xf32, #tpu.memory_space<hbm>>) target(%arg15 : memref<128x128xf32, #tpu.memory_space<vmem>>) offsets(%dma_start3A_207 : memref<128xi32, #tpu.memory_space<vmem>>) semaphore(%arg18 : memref<!tpu.dma_semaphore, #tpu.memory_space<semaphore_mem>>)
      %dma_wait3A_211 = arith.constant 6 : i32
      %dma_wait3A_212 = arith.constant 0 : i32
      %dma_wait3A_213 = tpu.memref_slice %arg12[%dma_wait3A_211, %dma_wait3A_212] : memref<8x128xi32, #tpu.memory_space<vmem>> -> memref<1x128xi32, #tpu.memory_space<vmem>>
      %dma_wait3A_214 = tpu.memref_squeeze %dma_wait3A_213 : memref<1x128xi32, #tpu.memory_space<vmem>> -> memref<128xi32, #tpu.memory_space<vmem>>
      %dma_wait3A_215 = arith.constant 0 : i32
      %dma_wait3A_216 = arith.constant 0 : i32
      %dma_wait3A_217 = tpu.memref_slice %arg3[%dma_wait3A_215, %dma_wait3A_216] : memref<10000x128xf32, #tpu.memory_space<hbm>> -> memref<10000x128xf32, #tpu.memory_space<hbm>>
      tpu.wait_indirect_dma semaphore(%arg17 : memref<!tpu.dma_semaphore, #tpu.memory_space<semaphore_mem>>) src(%dma_wait3A_217 : memref<10000x128xf32, #tpu.memory_space<hbm>>) dst(%arg14 : memref<128x128xf32, #tpu.memory_space<vmem>>)
      %run_scoped3A_218 = arith.constant 6 : i32
      "tpu.region"() ({
        %run_scoped3A_227 = tpu.sem_alloc : memref<!tpu.dma_semaphore, #tpu.memory_space<semaphore_mem>>
        %dma_start3A_228 = arith.constant 0 : i32
        %dma_start3A_229 = tpu.memref_slice %arg13[%run_scoped3A_218, %dma_start3A_228] : memref<8x128xi32, #tpu.memory_space<vmem>> -> memref<1x128xi32, #tpu.memory_space<vmem>>
        %dma_start3A_230 = tpu.memref_squeeze %dma_start3A_229 : memref<1x128xi32, #tpu.memory_space<vmem>> -> memref<128xi32, #tpu.memory_space<vmem>>
        %dma_start3A_231 = arith.constant 0 : i32
        %dma_start3A_232 = arith.constant 0 : i32
        %dma_start3A_233 = tpu.memref_slice %arg16[%dma_start3A_231, %dma_start3A_232] : memref<10112x128xf32, #tpu.memory_space<vmem_shared>> -> memref<10112x128xf32, #tpu.memory_space<vmem_shared>>
        tpu.enqueue_indirect_dma source(%arg14 : memref<128x128xf32, #tpu.memory_space<vmem>>) target(%dma_start3A_233 : memref<10112x128xf32, #tpu.memory_space<vmem_shared>>) offsets(%dma_start3A_230 : memref<128xi32, #tpu.memory_space<vmem>>) semaphore(%run_scoped3A_227 : memref<!tpu.dma_semaphore, #tpu.memory_space<semaphore_mem>>) {add = true}
        %dma_wait3A_234 = arith.constant 0 : i32
        %dma_wait3A_235 = tpu.memref_slice %arg13[%run_scoped3A_218, %dma_wait3A_234] : memref<8x128xi32, #tpu.memory_space<vmem>> -> memref<1x128xi32, #tpu.memory_space<vmem>>
        %dma_wait3A_236 = tpu.memref_squeeze %dma_wait3A_235 : memref<1x128xi32, #tpu.memory_space<vmem>> -> memref<128xi32, #tpu.memory_space<vmem>>
        %dma_wait3A_237 = arith.constant 0 : i32
        %dma_wait3A_238 = arith.constant 0 : i32
        %dma_wait3A_239 = tpu.memref_slice %arg16[%dma_wait3A_237, %dma_wait3A_238] : memref<10112x128xf32, #tpu.memory_space<vmem_shared>> -> memref<10112x128xf32, #tpu.memory_space<vmem_shared>>
        tpu.wait_indirect_dma semaphore(%run_scoped3A_227 : memref<!tpu.dma_semaphore, #tpu.memory_space<semaphore_mem>>) src(%arg14 : memref<128x128xf32, #tpu.memory_space<vmem>>) dst(%dma_wait3A_239 : memref<10112x128xf32, #tpu.memory_space<vmem_shared>>)
        tpu.yield
      }) : () -> ()
      %dma_wait3A_219 = arith.constant 7 : i32
      %dma_wait3A_220 = arith.constant 0 : i32
      %dma_wait3A_221 = tpu.memref_slice %arg12[%dma_wait3A_219, %dma_wait3A_220] : memref<8x128xi32, #tpu.memory_space<vmem>> -> memref<1x128xi32, #tpu.memory_space<vmem>>
      %dma_wait3A_222 = tpu.memref_squeeze %dma_wait3A_221 : memref<1x128xi32, #tpu.memory_space<vmem>> -> memref<128xi32, #tpu.memory_space<vmem>>
      %dma_wait3A_223 = arith.constant 0 : i32
      %dma_wait3A_224 = arith.constant 0 : i32
      %dma_wait3A_225 = tpu.memref_slice %arg3[%dma_wait3A_223, %dma_wait3A_224] : memref<10000x128xf32, #tpu.memory_space<hbm>> -> memref<10000x128xf32, #tpu.memory_space<hbm>>
      tpu.wait_indirect_dma semaphore(%arg18 : memref<!tpu.dma_semaphore, #tpu.memory_space<semaphore_mem>>) src(%dma_wait3A_225 : memref<10000x128xf32, #tpu.memory_space<hbm>>) dst(%arg15 : memref<128x128xf32, #tpu.memory_space<vmem>>)
      %run_scoped3A_226 = arith.constant 7 : i32
      "tpu.region"() ({
        %run_scoped3A_227 = tpu.sem_alloc : memref<!tpu.dma_semaphore, #tpu.memory_space<semaphore_mem>>
        %dma_start3A_228 = arith.constant 0 : i32
        %dma_start3A_229 = tpu.memref_slice %arg13[%run_scoped3A_226, %dma_start3A_228] : memref<8x128xi32, #tpu.memory_space<vmem>> -> memref<1x128xi32, #tpu.memory_space<vmem>>
        %dma_start3A_230 = tpu.memref_squeeze %dma_start3A_229 : memref<1x128xi32, #tpu.memory_space<vmem>> -> memref<128xi32, #tpu.memory_space<vmem>>
        %dma_start3A_231 = arith.constant 0 : i32
        %dma_start3A_232 = arith.constant 0 : i32
        %dma_start3A_233 = tpu.memref_slice %arg16[%dma_start3A_231, %dma_start3A_232] : memref<10112x128xf32, #tpu.memory_space<vmem_shared>> -> memref<10112x128xf32, #tpu.memory_space<vmem_shared>>
        tpu.enqueue_indirect_dma source(%arg15 : memref<128x128xf32, #tpu.memory_space<vmem>>) target(%dma_start3A_233 : memref<10112x128xf32, #tpu.memory_space<vmem_shared>>) offsets(%dma_start3A_230 : memref<128xi32, #tpu.memory_space<vmem>>) semaphore(%run_scoped3A_227 : memref<!tpu.dma_semaphore, #tpu.memory_space<semaphore_mem>>) {add = true}
        %dma_wait3A_234 = arith.constant 0 : i32
        %dma_wait3A_235 = tpu.memref_slice %arg13[%run_scoped3A_226, %dma_wait3A_234] : memref<8x128xi32, #tpu.memory_space<vmem>> -> memref<1x128xi32, #tpu.memory_space<vmem>>
        %dma_wait3A_236 = tpu.memref_squeeze %dma_wait3A_235 : memref<1x128xi32, #tpu.memory_space<vmem>> -> memref<128xi32, #tpu.memory_space<vmem>>
        %dma_wait3A_237 = arith.constant 0 : i32
        %dma_wait3A_238 = arith.constant 0 : i32
        %dma_wait3A_239 = tpu.memref_slice %arg16[%dma_wait3A_237, %dma_wait3A_238] : memref<10112x128xf32, #tpu.memory_space<vmem_shared>> -> memref<10112x128xf32, #tpu.memory_space<vmem_shared>>
        tpu.wait_indirect_dma semaphore(%run_scoped3A_227 : memref<!tpu.dma_semaphore, #tpu.memory_space<semaphore_mem>>) src(%arg15 : memref<128x128xf32, #tpu.memory_space<vmem>>) dst(%dma_wait3A_239 : memref<10112x128xf32, #tpu.memory_space<vmem_shared>>)
        tpu.yield
      }) : () -> ()
    }
    %scan3A_17 = arith.constant 10 : i32
    %barrier3A_18 = arith.constant 0 : index
    tpu.barrier barrier_id(%barrier3A_18)
    %add3A_19 = arith.constant 0 : i32
    %add3A_20 = arith.addi %mul3A_2, %add3A_19 : i32
    "tpu.region"() ({
      %run_scoped3A = tpu.sem_alloc : memref<!tpu.dma_semaphore, #tpu.memory_space<semaphore_mem>>
      %dma_start3A = arith.constant 0 : i32
      %dma_start3A_105 = arith.constant 0 : i32
      %dma_start3A_106 = tpu.memref_slice %arg14[%dma_start3A, %dma_start3A_105] : memref<128x128xf32, #tpu.memory_space<vmem>> -> memref<128x128xf32, #tpu.memory_space<vmem>>
      %dma_start3A_107 = arith.constant 0 : i32
      %dma_start3A_108 = tpu.memref_slice %arg16[%add3A_20, %dma_start3A_107] : memref<10112x128xf32, #tpu.memory_space<vmem_shared>> -> memref<128x128xf32, #tpu.memory_space<vmem_shared>>
      %dma_start3A_109 = arith.constant 0 : i32
      %dma_start3A_110 = arith.constant 0 : i32
      %dma_start3A_111 = tpu.memref_slice %arg14[%dma_start3A_109, %dma_start3A_110] : memref<128x128xf32, #tpu.memory_space<vmem>> -> memref<128x128xf32, #tpu.memory_space<vmem>>
      %dma_start3A_112 = arith.constant 0 : i32
      %dma_start3A_113 = tpu.memref_slice %arg16[%add3A_20, %dma_start3A_112] : memref<10112x128xf32, #tpu.memory_space<vmem_shared>> -> memref<128x128xf32, #tpu.memory_space<vmem_shared>>
      tpu.enqueue_dma source(%dma_start3A_113 : memref<128x128xf32, #tpu.memory_space<vmem_shared>>) target(%dma_start3A_111 : memref<128x128xf32, #tpu.memory_space<vmem>>) target_semaphore(%run_scoped3A : memref<!tpu.dma_semaphore, #tpu.memory_space<semaphore_mem>>)
      %dma_wait3A = arith.constant 0 : i32
      %dma_wait3A_114 = arith.constant 0 : i32
      %dma_wait3A_115 = tpu.memref_slice %arg14[%dma_wait3A, %dma_wait3A_114] : memref<128x128xf32, #tpu.memory_space<vmem>> -> memref<128x128xf32, #tpu.memory_space<vmem>>
      %dma_wait3A_116 = arith.constant 0 : i32
      %dma_wait3A_117 = tpu.memref_slice %arg16[%add3A_20, %dma_wait3A_116] : memref<10112x128xf32, #tpu.memory_space<vmem_shared>> -> memref<128x128xf32, #tpu.memory_space<vmem_shared>>
      %dma_wait3A_118 = arith.constant 0 : i32
      %dma_wait3A_119 = arith.constant 0 : i32
      %dma_wait3A_120 = tpu.memref_slice %arg14[%dma_wait3A_118, %dma_wait3A_119] : memref<128x128xf32, #tpu.memory_space<vmem>> -> memref<128x128xf32, #tpu.memory_space<vmem>>
      %dma_wait3A_121 = arith.constant 0 : i32
      %dma_wait3A_122 = tpu.memref_slice %arg16[%add3A_20, %dma_wait3A_121] : memref<10112x128xf32, #tpu.memory_space<vmem_shared>> -> memref<128x128xf32, #tpu.memory_space<vmem_shared>>
      tpu.wait_dma2 semaphore(%run_scoped3A : memref<!tpu.dma_semaphore, #tpu.memory_space<semaphore_mem>>) src(%dma_wait3A_122 : memref<128x128xf32, #tpu.memory_space<vmem_shared>>) dst(%dma_wait3A_120 : memref<128x128xf32, #tpu.memory_space<vmem>>)
      tpu.yield
    }) : () -> ()
    %add3A_21 = arith.constant 0 : i32
    %add3A_22 = arith.addi %mul3A_2, %add3A_21 : i32
    "tpu.region"() ({
      %run_scoped3A = tpu.sem_alloc : memref<!tpu.dma_semaphore, #tpu.memory_space<semaphore_mem>>
      %dma_start3A = arith.constant 0 : i32
      %dma_start3A_105 = arith.constant 0 : i32
      %dma_start3A_106 = tpu.memref_slice %arg14[%dma_start3A, %dma_start3A_105] : memref<128x128xf32, #tpu.memory_space<vmem>> -> memref<128x128xf32, #tpu.memory_space<vmem>>
      %dma_start3A_107 = arith.constant 0 : i32
      %dma_start3A_108 = tpu.memref_slice %arg10[%arg0, %add3A_22, %dma_start3A_107] : memref<2x10112x128xf32, #tpu.memory_space<hbm>> -> memref<1x128x128xf32, #tpu.memory_space<hbm>>
      %dma_start3A_109 = tpu.memref_squeeze %dma_start3A_108 : memref<1x128x128xf32, #tpu.memory_space<hbm>> -> memref<128x128xf32, #tpu.memory_space<hbm>>
      %dma_start3A_110 = arith.constant 0 : i32
      %dma_start3A_111 = tpu.memref_slice %arg10[%arg0, %add3A_22, %dma_start3A_110] : memref<2x10112x128xf32, #tpu.memory_space<hbm>> -> memref<1x128x128xf32, #tpu.memory_space<hbm>>
      %dma_start3A_112 = tpu.memref_squeeze %dma_start3A_111 : memref<1x128x128xf32, #tpu.memory_space<hbm>> -> memref<128x128xf32, #tpu.memory_space<hbm>>
      %dma_start3A_113 = arith.constant 0 : i32
      %dma_start3A_114 = arith.constant 0 : i32
      %dma_start3A_115 = tpu.memref_slice %arg14[%dma_start3A_113, %dma_start3A_114] : memref<128x128xf32, #tpu.memory_space<vmem>> -> memref<128x128xf32, #tpu.memory_space<vmem>>
      tpu.enqueue_dma source(%dma_start3A_115 : memref<128x128xf32, #tpu.memory_space<vmem>>) target(%dma_start3A_112 : memref<128x128xf32, #tpu.memory_space<hbm>>) target_semaphore(%run_scoped3A : memref<!tpu.dma_semaphore, #tpu.memory_space<semaphore_mem>>)
      %dma_wait3A = arith.constant 0 : i32
      %dma_wait3A_116 = arith.constant 0 : i32
      %dma_wait3A_117 = tpu.memref_slice %arg14[%dma_wait3A, %dma_wait3A_116] : memref<128x128xf32, #tpu.memory_space<vmem>> -> memref<128x128xf32, #tpu.memory_space<vmem>>
      %dma_wait3A_118 = arith.constant 0 : i32
      %dma_wait3A_119 = tpu.memref_slice %arg10[%arg0, %add3A_22, %dma_wait3A_118] : memref<2x10112x128xf32, #tpu.memory_space<hbm>> -> memref<1x128x128xf32, #tpu.memory_space<hbm>>
      %dma_wait3A_120 = tpu.memref_squeeze %dma_wait3A_119 : memref<1x128x128xf32, #tpu.memory_space<hbm>> -> memref<128x128xf32, #tpu.memory_space<hbm>>
      %dma_wait3A_121 = arith.constant 0 : i32
      %dma_wait3A_122 = tpu.memref_slice %arg10[%arg0, %add3A_22, %dma_wait3A_121] : memref<2x10112x128xf32, #tpu.memory_space<hbm>> -> memref<1x128x128xf32, #tpu.memory_space<hbm>>
      %dma_wait3A_123 = tpu.memref_squeeze %dma_wait3A_122 : memref<1x128x128xf32, #tpu.memory_space<hbm>> -> memref<128x128xf32, #tpu.memory_space<hbm>>
      %dma_wait3A_124 = arith.constant 0 : i32
      %dma_wait3A_125 = arith.constant 0 : i32
      %dma_wait3A_126 = tpu.memref_slice %arg14[%dma_wait3A_124, %dma_wait3A_125] : memref<128x128xf32, #tpu.memory_space<vmem>> -> memref<128x128xf32, #tpu.memory_space<vmem>>
      tpu.wait_dma2 semaphore(%run_scoped3A : memref<!tpu.dma_semaphore, #tpu.memory_space<semaphore_mem>>) src(%dma_wait3A_126 : memref<128x128xf32, #tpu.memory_space<vmem>>) dst(%dma_wait3A_123 : memref<128x128xf32, #tpu.memory_space<hbm>>)
      tpu.yield
    }) : () -> ()
    %add3A_23 = arith.constant 128 : i32
    %add3A_24 = arith.addi %mul3A_2, %add3A_23 : i32
    "tpu.region"() ({
      %run_scoped3A = tpu.sem_alloc : memref<!tpu.dma_semaphore, #tpu.memory_space<semaphore_mem>>
      %dma_start3A = arith.constant 0 : i32
      %dma_start3A_105 = arith.constant 0 : i32
      %dma_start3A_106 = tpu.memref_slice %arg14[%dma_start3A, %dma_start3A_105] : memref<128x128xf32, #tpu.memory_space<vmem>> -> memref<128x128xf32, #tpu.memory_space<vmem>>
      %dma_start3A_107 = arith.constant 0 : i32
      %dma_start3A_108 = tpu.memref_slice %arg16[%add3A_24, %dma_start3A_107] : memref<10112x128xf32, #tpu.memory_space<vmem_shared>> -> memref<128x128xf32, #tpu.memory_space<vmem_shared>>
      %dma_start3A_109 = arith.constant 0 : i32
      %dma_start3A_110 = arith.constant 0 : i32
      %dma_start3A_111 = tpu.memref_slice %arg14[%dma_start3A_109, %dma_start3A_110] : memref<128x128xf32, #tpu.memory_space<vmem>> -> memref<128x128xf32, #tpu.memory_space<vmem>>
      %dma_start3A_112 = arith.constant 0 : i32
      %dma_start3A_113 = tpu.memref_slice %arg16[%add3A_24, %dma_start3A_112] : memref<10112x128xf32, #tpu.memory_space<vmem_shared>> -> memref<128x128xf32, #tpu.memory_space<vmem_shared>>
      tpu.enqueue_dma source(%dma_start3A_113 : memref<128x128xf32, #tpu.memory_space<vmem_shared>>) target(%dma_start3A_111 : memref<128x128xf32, #tpu.memory_space<vmem>>) target_semaphore(%run_scoped3A : memref<!tpu.dma_semaphore, #tpu.memory_space<semaphore_mem>>)
      %dma_wait3A = arith.constant 0 : i32
      %dma_wait3A_114 = arith.constant 0 : i32
      %dma_wait3A_115 = tpu.memref_slice %arg14[%dma_wait3A, %dma_wait3A_114] : memref<128x128xf32, #tpu.memory_space<vmem>> -> memref<128x128xf32, #tpu.memory_space<vmem>>
      %dma_wait3A_116 = arith.constant 0 : i32
      %dma_wait3A_117 = tpu.memref_slice %arg16[%add3A_24, %dma_wait3A_116] : memref<10112x128xf32, #tpu.memory_space<vmem_shared>> -> memref<128x128xf32, #tpu.memory_space<vmem_shared>>
      %dma_wait3A_118 = arith.constant 0 : i32
      %dma_wait3A_119 = arith.constant 0 : i32
      %dma_wait3A_120 = tpu.memref_slice %arg14[%dma_wait3A_118, %dma_wait3A_119] : memref<128x128xf32, #tpu.memory_space<vmem>> -> memref<128x128xf32, #tpu.memory_space<vmem>>
      %dma_wait3A_121 = arith.constant 0 : i32
      %dma_wait3A_122 = tpu.memref_slice %arg16[%add3A_24, %dma_wait3A_121] : memref<10112x128xf32, #tpu.memory_space<vmem_shared>> -> memref<128x128xf32, #tpu.memory_space<vmem_shared>>
      tpu.wait_dma2 semaphore(%run_scoped3A : memref<!tpu.dma_semaphore, #tpu.memory_space<semaphore_mem>>) src(%dma_wait3A_122 : memref<128x128xf32, #tpu.memory_space<vmem_shared>>) dst(%dma_wait3A_120 : memref<128x128xf32, #tpu.memory_space<vmem>>)
      tpu.yield
    }) : () -> ()
    %add3A_25 = arith.constant 128 : i32
    %add3A_26 = arith.addi %mul3A_2, %add3A_25 : i32
    "tpu.region"() ({
      %run_scoped3A = tpu.sem_alloc : memref<!tpu.dma_semaphore, #tpu.memory_space<semaphore_mem>>
      %dma_start3A = arith.constant 0 : i32
      %dma_start3A_105 = arith.constant 0 : i32
      %dma_start3A_106 = tpu.memref_slice %arg14[%dma_start3A, %dma_start3A_105] : memref<128x128xf32, #tpu.memory_space<vmem>> -> memref<128x128xf32, #tpu.memory_space<vmem>>
      %dma_start3A_107 = arith.constant 0 : i32
      %dma_start3A_108 = tpu.memref_slice %arg10[%arg0, %add3A_26, %dma_start3A_107] : memref<2x10112x128xf32, #tpu.memory_space<hbm>> -> memref<1x128x128xf32, #tpu.memory_space<hbm>>
      %dma_start3A_109 = tpu.memref_squeeze %dma_start3A_108 : memref<1x128x128xf32, #tpu.memory_space<hbm>> -> memref<128x128xf32, #tpu.memory_space<hbm>>
      %dma_start3A_110 = arith.constant 0 : i32
      %dma_start3A_111 = tpu.memref_slice %arg10[%arg0, %add3A_26, %dma_start3A_110] : memref<2x10112x128xf32, #tpu.memory_space<hbm>> -> memref<1x128x128xf32, #tpu.memory_space<hbm>>
      %dma_start3A_112 = tpu.memref_squeeze %dma_start3A_111 : memref<1x128x128xf32, #tpu.memory_space<hbm>> -> memref<128x128xf32, #tpu.memory_space<hbm>>
      %dma_start3A_113 = arith.constant 0 : i32
      %dma_start3A_114 = arith.constant 0 : i32
      %dma_start3A_115 = tpu.memref_slice %arg14[%dma_start3A_113, %dma_start3A_114] : memref<128x128xf32, #tpu.memory_space<vmem>> -> memref<128x128xf32, #tpu.memory_space<vmem>>
      tpu.enqueue_dma source(%dma_start3A_115 : memref<128x128xf32, #tpu.memory_space<vmem>>) target(%dma_start3A_112 : memref<128x128xf32, #tpu.memory_space<hbm>>) target_semaphore(%run_scoped3A : memref<!tpu.dma_semaphore, #tpu.memory_space<semaphore_mem>>)
      %dma_wait3A = arith.constant 0 : i32
      %dma_wait3A_116 = arith.constant 0 : i32
      %dma_wait3A_117 = tpu.memref_slice %arg14[%dma_wait3A, %dma_wait3A_116] : memref<128x128xf32, #tpu.memory_space<vmem>> -> memref<128x128xf32, #tpu.memory_space<vmem>>
      %dma_wait3A_118 = arith.constant 0 : i32
      %dma_wait3A_119 = tpu.memref_slice %arg10[%arg0, %add3A_26, %dma_wait3A_118] : memref<2x10112x128xf32, #tpu.memory_space<hbm>> -> memref<1x128x128xf32, #tpu.memory_space<hbm>>
      %dma_wait3A_120 = tpu.memref_squeeze %dma_wait3A_119 : memref<1x128x128xf32, #tpu.memory_space<hbm>> -> memref<128x128xf32, #tpu.memory_space<hbm>>
      %dma_wait3A_121 = arith.constant 0 : i32
      %dma_wait3A_122 = tpu.memref_slice %arg10[%arg0, %add3A_26, %dma_wait3A_121] : memref<2x10112x128xf32, #tpu.memory_space<hbm>> -> memref<1x128x128xf32, #tpu.memory_space<hbm>>
      %dma_wait3A_123 = tpu.memref_squeeze %dma_wait3A_122 : memref<1x128x128xf32, #tpu.memory_space<hbm>> -> memref<128x128xf32, #tpu.memory_space<hbm>>
      %dma_wait3A_124 = arith.constant 0 : i32
      %dma_wait3A_125 = arith.constant 0 : i32
      %dma_wait3A_126 = tpu.memref_slice %arg14[%dma_wait3A_124, %dma_wait3A_125] : memref<128x128xf32, #tpu.memory_space<vmem>> -> memref<128x128xf32, #tpu.memory_space<vmem>>
      tpu.wait_dma2 semaphore(%run_scoped3A : memref<!tpu.dma_semaphore, #tpu.memory_space<semaphore_mem>>) src(%dma_wait3A_126 : memref<128x128xf32, #tpu.memory_space<vmem>>) dst(%dma_wait3A_123 : memref<128x128xf32, #tpu.memory_space<hbm>>)
      tpu.yield
    }) : () -> ()
    %add3A_27 = arith.constant 256 : i32
    %add3A_28 = arith.addi %mul3A_2, %add3A_27 : i32
    "tpu.region"() ({
      %run_scoped3A = tpu.sem_alloc : memref<!tpu.dma_semaphore, #tpu.memory_space<semaphore_mem>>
      %dma_start3A = arith.constant 0 : i32
      %dma_start3A_105 = arith.constant 0 : i32
      %dma_start3A_106 = tpu.memref_slice %arg14[%dma_start3A, %dma_start3A_105] : memref<128x128xf32, #tpu.memory_space<vmem>> -> memref<128x128xf32, #tpu.memory_space<vmem>>
      %dma_start3A_107 = arith.constant 0 : i32
      %dma_start3A_108 = tpu.memref_slice %arg16[%add3A_28, %dma_start3A_107] : memref<10112x128xf32, #tpu.memory_space<vmem_shared>> -> memref<128x128xf32, #tpu.memory_space<vmem_shared>>
      %dma_start3A_109 = arith.constant 0 : i32
      %dma_start3A_110 = arith.constant 0 : i32
      %dma_start3A_111 = tpu.memref_slice %arg14[%dma_start3A_109, %dma_start3A_110] : memref<128x128xf32, #tpu.memory_space<vmem>> -> memref<128x128xf32, #tpu.memory_space<vmem>>
      %dma_start3A_112 = arith.constant 0 : i32
      %dma_start3A_113 = tpu.memref_slice %arg16[%add3A_28, %dma_start3A_112] : memref<10112x128xf32, #tpu.memory_space<vmem_shared>> -> memref<128x128xf32, #tpu.memory_space<vmem_shared>>
      tpu.enqueue_dma source(%dma_start3A_113 : memref<128x128xf32, #tpu.memory_space<vmem_shared>>) target(%dma_start3A_111 : memref<128x128xf32, #tpu.memory_space<vmem>>) target_semaphore(%run_scoped3A : memref<!tpu.dma_semaphore, #tpu.memory_space<semaphore_mem>>)
      %dma_wait3A = arith.constant 0 : i32
      %dma_wait3A_114 = arith.constant 0 : i32
      %dma_wait3A_115 = tpu.memref_slice %arg14[%dma_wait3A, %dma_wait3A_114] : memref<128x128xf32, #tpu.memory_space<vmem>> -> memref<128x128xf32, #tpu.memory_space<vmem>>
      %dma_wait3A_116 = arith.constant 0 : i32
      %dma_wait3A_117 = tpu.memref_slice %arg16[%add3A_28, %dma_wait3A_116] : memref<10112x128xf32, #tpu.memory_space<vmem_shared>> -> memref<128x128xf32, #tpu.memory_space<vmem_shared>>
      %dma_wait3A_118 = arith.constant 0 : i32
      %dma_wait3A_119 = arith.constant 0 : i32
      %dma_wait3A_120 = tpu.memref_slice %arg14[%dma_wait3A_118, %dma_wait3A_119] : memref<128x128xf32, #tpu.memory_space<vmem>> -> memref<128x128xf32, #tpu.memory_space<vmem>>
      %dma_wait3A_121 = arith.constant 0 : i32
      %dma_wait3A_122 = tpu.memref_slice %arg16[%add3A_28, %dma_wait3A_121] : memref<10112x128xf32, #tpu.memory_space<vmem_shared>> -> memref<128x128xf32, #tpu.memory_space<vmem_shared>>
      tpu.wait_dma2 semaphore(%run_scoped3A : memref<!tpu.dma_semaphore, #tpu.memory_space<semaphore_mem>>) src(%dma_wait3A_122 : memref<128x128xf32, #tpu.memory_space<vmem_shared>>) dst(%dma_wait3A_120 : memref<128x128xf32, #tpu.memory_space<vmem>>)
      tpu.yield
    }) : () -> ()
    %add3A_29 = arith.constant 256 : i32
    %add3A_30 = arith.addi %mul3A_2, %add3A_29 : i32
    "tpu.region"() ({
      %run_scoped3A = tpu.sem_alloc : memref<!tpu.dma_semaphore, #tpu.memory_space<semaphore_mem>>
      %dma_start3A = arith.constant 0 : i32
      %dma_start3A_105 = arith.constant 0 : i32
      %dma_start3A_106 = tpu.memref_slice %arg14[%dma_start3A, %dma_start3A_105] : memref<128x128xf32, #tpu.memory_space<vmem>> -> memref<128x128xf32, #tpu.memory_space<vmem>>
      %dma_start3A_107 = arith.constant 0 : i32
      %dma_start3A_108 = tpu.memref_slice %arg10[%arg0, %add3A_30, %dma_start3A_107] : memref<2x10112x128xf32, #tpu.memory_space<hbm>> -> memref<1x128x128xf32, #tpu.memory_space<hbm>>
      %dma_start3A_109 = tpu.memref_squeeze %dma_start3A_108 : memref<1x128x128xf32, #tpu.memory_space<hbm>> -> memref<128x128xf32, #tpu.memory_space<hbm>>
      %dma_start3A_110 = arith.constant 0 : i32
      %dma_start3A_111 = tpu.memref_slice %arg10[%arg0, %add3A_30, %dma_start3A_110] : memref<2x10112x128xf32, #tpu.memory_space<hbm>> -> memref<1x128x128xf32, #tpu.memory_space<hbm>>
      %dma_start3A_112 = tpu.memref_squeeze %dma_start3A_111 : memref<1x128x128xf32, #tpu.memory_space<hbm>> -> memref<128x128xf32, #tpu.memory_space<hbm>>
      %dma_start3A_113 = arith.constant 0 : i32
      %dma_start3A_114 = arith.constant 0 : i32
      %dma_start3A_115 = tpu.memref_slice %arg14[%dma_start3A_113, %dma_start3A_114] : memref<128x128xf32, #tpu.memory_space<vmem>> -> memref<128x128xf32, #tpu.memory_space<vmem>>
      tpu.enqueue_dma source(%dma_start3A_115 : memref<128x128xf32, #tpu.memory_space<vmem>>) target(%dma_start3A_112 : memref<128x128xf32, #tpu.memory_space<hbm>>) target_semaphore(%run_scoped3A : memref<!tpu.dma_semaphore, #tpu.memory_space<semaphore_mem>>)
      %dma_wait3A = arith.constant 0 : i32
      %dma_wait3A_116 = arith.constant 0 : i32
      %dma_wait3A_117 = tpu.memref_slice %arg14[%dma_wait3A, %dma_wait3A_116] : memref<128x128xf32, #tpu.memory_space<vmem>> -> memref<128x128xf32, #tpu.memory_space<vmem>>
      %dma_wait3A_118 = arith.constant 0 : i32
      %dma_wait3A_119 = tpu.memref_slice %arg10[%arg0, %add3A_30, %dma_wait3A_118] : memref<2x10112x128xf32, #tpu.memory_space<hbm>> -> memref<1x128x128xf32, #tpu.memory_space<hbm>>
      %dma_wait3A_120 = tpu.memref_squeeze %dma_wait3A_119 : memref<1x128x128xf32, #tpu.memory_space<hbm>> -> memref<128x128xf32, #tpu.memory_space<hbm>>
      %dma_wait3A_121 = arith.constant 0 : i32
      %dma_wait3A_122 = tpu.memref_slice %arg10[%arg0, %add3A_30, %dma_wait3A_121] : memref<2x10112x128xf32, #tpu.memory_space<hbm>> -> memref<1x128x128xf32, #tpu.memory_space<hbm>>
      %dma_wait3A_123 = tpu.memref_squeeze %dma_wait3A_122 : memref<1x128x128xf32, #tpu.memory_space<hbm>> -> memref<128x128xf32, #tpu.memory_space<hbm>>
      %dma_wait3A_124 = arith.constant 0 : i32
      %dma_wait3A_125 = arith.constant 0 : i32
      %dma_wait3A_126 = tpu.memref_slice %arg14[%dma_wait3A_124, %dma_wait3A_125] : memref<128x128xf32, #tpu.memory_space<vmem>> -> memref<128x128xf32, #tpu.memory_space<vmem>>
      tpu.wait_dma2 semaphore(%run_scoped3A : memref<!tpu.dma_semaphore, #tpu.memory_space<semaphore_mem>>) src(%dma_wait3A_126 : memref<128x128xf32, #tpu.memory_space<vmem>>) dst(%dma_wait3A_123 : memref<128x128xf32, #tpu.memory_space<hbm>>)
      tpu.yield
    }) : () -> ()
    %add3A_31 = arith.constant 384 : i32
    %add3A_32 = arith.addi %mul3A_2, %add3A_31 : i32
    "tpu.region"() ({
      %run_scoped3A = tpu.sem_alloc : memref<!tpu.dma_semaphore, #tpu.memory_space<semaphore_mem>>
      %dma_start3A = arith.constant 0 : i32
      %dma_start3A_105 = arith.constant 0 : i32
      %dma_start3A_106 = tpu.memref_slice %arg14[%dma_start3A, %dma_start3A_105] : memref<128x128xf32, #tpu.memory_space<vmem>> -> memref<128x128xf32, #tpu.memory_space<vmem>>
      %dma_start3A_107 = arith.constant 0 : i32
      %dma_start3A_108 = tpu.memref_slice %arg16[%add3A_32, %dma_start3A_107] : memref<10112x128xf32, #tpu.memory_space<vmem_shared>> -> memref<128x128xf32, #tpu.memory_space<vmem_shared>>
      %dma_start3A_109 = arith.constant 0 : i32
      %dma_start3A_110 = arith.constant 0 : i32
      %dma_start3A_111 = tpu.memref_slice %arg14[%dma_start3A_109, %dma_start3A_110] : memref<128x128xf32, #tpu.memory_space<vmem>> -> memref<128x128xf32, #tpu.memory_space<vmem>>
      %dma_start3A_112 = arith.constant 0 : i32
      %dma_start3A_113 = tpu.memref_slice %arg16[%add3A_32, %dma_start3A_112] : memref<10112x128xf32, #tpu.memory_space<vmem_shared>> -> memref<128x128xf32, #tpu.memory_space<vmem_shared>>
      tpu.enqueue_dma source(%dma_start3A_113 : memref<128x128xf32, #tpu.memory_space<vmem_shared>>) target(%dma_start3A_111 : memref<128x128xf32, #tpu.memory_space<vmem>>) target_semaphore(%run_scoped3A : memref<!tpu.dma_semaphore, #tpu.memory_space<semaphore_mem>>)
      %dma_wait3A = arith.constant 0 : i32
      %dma_wait3A_114 = arith.constant 0 : i32
      %dma_wait3A_115 = tpu.memref_slice %arg14[%dma_wait3A, %dma_wait3A_114] : memref<128x128xf32, #tpu.memory_space<vmem>> -> memref<128x128xf32, #tpu.memory_space<vmem>>
      %dma_wait3A_116 = arith.constant 0 : i32
      %dma_wait3A_117 = tpu.memref_slice %arg16[%add3A_32, %dma_wait3A_116] : memref<10112x128xf32, #tpu.memory_space<vmem_shared>> -> memref<128x128xf32, #tpu.memory_space<vmem_shared>>
      %dma_wait3A_118 = arith.constant 0 : i32
      %dma_wait3A_119 = arith.constant 0 : i32
      %dma_wait3A_120 = tpu.memref_slice %arg14[%dma_wait3A_118, %dma_wait3A_119] : memref<128x128xf32, #tpu.memory_space<vmem>> -> memref<128x128xf32, #tpu.memory_space<vmem>>
      %dma_wait3A_121 = arith.constant 0 : i32
      %dma_wait3A_122 = tpu.memref_slice %arg16[%add3A_32, %dma_wait3A_121] : memref<10112x128xf32, #tpu.memory_space<vmem_shared>> -> memref<128x128xf32, #tpu.memory_space<vmem_shared>>
      tpu.wait_dma2 semaphore(%run_scoped3A : memref<!tpu.dma_semaphore, #tpu.memory_space<semaphore_mem>>) src(%dma_wait3A_122 : memref<128x128xf32, #tpu.memory_space<vmem_shared>>) dst(%dma_wait3A_120 : memref<128x128xf32, #tpu.memory_space<vmem>>)
      tpu.yield
    }) : () -> ()
    %add3A_33 = arith.constant 384 : i32
    %add3A_34 = arith.addi %mul3A_2, %add3A_33 : i32
    "tpu.region"() ({
      %run_scoped3A = tpu.sem_alloc : memref<!tpu.dma_semaphore, #tpu.memory_space<semaphore_mem>>
      %dma_start3A = arith.constant 0 : i32
      %dma_start3A_105 = arith.constant 0 : i32
      %dma_start3A_106 = tpu.memref_slice %arg14[%dma_start3A, %dma_start3A_105] : memref<128x128xf32, #tpu.memory_space<vmem>> -> memref<128x128xf32, #tpu.memory_space<vmem>>
      %dma_start3A_107 = arith.constant 0 : i32
      %dma_start3A_108 = tpu.memref_slice %arg10[%arg0, %add3A_34, %dma_start3A_107] : memref<2x10112x128xf32, #tpu.memory_space<hbm>> -> memref<1x128x128xf32, #tpu.memory_space<hbm>>
      %dma_start3A_109 = tpu.memref_squeeze %dma_start3A_108 : memref<1x128x128xf32, #tpu.memory_space<hbm>> -> memref<128x128xf32, #tpu.memory_space<hbm>>
      %dma_start3A_110 = arith.constant 0 : i32
      %dma_start3A_111 = tpu.memref_slice %arg10[%arg0, %add3A_34, %dma_start3A_110] : memref<2x10112x128xf32, #tpu.memory_space<hbm>> -> memref<1x128x128xf32, #tpu.memory_space<hbm>>
      %dma_start3A_112 = tpu.memref_squeeze %dma_start3A_111 : memref<1x128x128xf32, #tpu.memory_space<hbm>> -> memref<128x128xf32, #tpu.memory_space<hbm>>
      %dma_start3A_113 = arith.constant 0 : i32
      %dma_start3A_114 = arith.constant 0 : i32
      %dma_start3A_115 = tpu.memref_slice %arg14[%dma_start3A_113, %dma_start3A_114] : memref<128x128xf32, #tpu.memory_space<vmem>> -> memref<128x128xf32, #tpu.memory_space<vmem>>
      tpu.enqueue_dma source(%dma_start3A_115 : memref<128x128xf32, #tpu.memory_space<vmem>>) target(%dma_start3A_112 : memref<128x128xf32, #tpu.memory_space<hbm>>) target_semaphore(%run_scoped3A : memref<!tpu.dma_semaphore, #tpu.memory_space<semaphore_mem>>)
      %dma_wait3A = arith.constant 0 : i32
      %dma_wait3A_116 = arith.constant 0 : i32
      %dma_wait3A_117 = tpu.memref_slice %arg14[%dma_wait3A, %dma_wait3A_116] : memref<128x128xf32, #tpu.memory_space<vmem>> -> memref<128x128xf32, #tpu.memory_space<vmem>>
      %dma_wait3A_118 = arith.constant 0 : i32
      %dma_wait3A_119 = tpu.memref_slice %arg10[%arg0, %add3A_34, %dma_wait3A_118] : memref<2x10112x128xf32, #tpu.memory_space<hbm>> -> memref<1x128x128xf32, #tpu.memory_space<hbm>>
      %dma_wait3A_120 = tpu.memref_squeeze %dma_wait3A_119 : memref<1x128x128xf32, #tpu.memory_space<hbm>> -> memref<128x128xf32, #tpu.memory_space<hbm>>
      %dma_wait3A_121 = arith.constant 0 : i32
      %dma_wait3A_122 = tpu.memref_slice %arg10[%arg0, %add3A_34, %dma_wait3A_121] : memref<2x10112x128xf32, #tpu.memory_space<hbm>> -> memref<1x128x128xf32, #tpu.memory_space<hbm>>
      %dma_wait3A_123 = tpu.memref_squeeze %dma_wait3A_122 : memref<1x128x128xf32, #tpu.memory_space<hbm>> -> memref<128x128xf32, #tpu.memory_space<hbm>>
      %dma_wait3A_124 = arith.constant 0 : i32
      %dma_wait3A_125 = arith.constant 0 : i32
      %dma_wait3A_126 = tpu.memref_slice %arg14[%dma_wait3A_124, %dma_wait3A_125] : memref<128x128xf32, #tpu.memory_space<vmem>> -> memref<128x128xf32, #tpu.memory_space<vmem>>
      tpu.wait_dma2 semaphore(%run_scoped3A : memref<!tpu.dma_semaphore, #tpu.memory_space<semaphore_mem>>) src(%dma_wait3A_126 : memref<128x128xf32, #tpu.memory_space<vmem>>) dst(%dma_wait3A_123 : memref<128x128xf32, #tpu.memory_space<hbm>>)
      tpu.yield
    }) : () -> ()
    %add3A_35 = arith.constant 512 : i32
    %add3A_36 = arith.addi %mul3A_2, %add3A_35 : i32
    "tpu.region"() ({
      %run_scoped3A = tpu.sem_alloc : memref<!tpu.dma_semaphore, #tpu.memory_space<semaphore_mem>>
      %dma_start3A = arith.constant 0 : i32
      %dma_start3A_105 = arith.constant 0 : i32
      %dma_start3A_106 = tpu.memref_slice %arg14[%dma_start3A, %dma_start3A_105] : memref<128x128xf32, #tpu.memory_space<vmem>> -> memref<120x128xf32, #tpu.memory_space<vmem>>
      %dma_start3A_107 = arith.constant 0 : i32
      %dma_start3A_108 = tpu.memref_slice %arg16[%add3A_36, %dma_start3A_107] : memref<10112x128xf32, #tpu.memory_space<vmem_shared>> -> memref<120x128xf32, #tpu.memory_space<vmem_shared>>
      %dma_start3A_109 = arith.constant 0 : i32
      %dma_start3A_110 = arith.constant 0 : i32
      %dma_start3A_111 = tpu.memref_slice %arg14[%dma_start3A_109, %dma_start3A_110] : memref<128x128xf32, #tpu.memory_space<vmem>> -> memref<120x128xf32, #tpu.memory_space<vmem>>
      %dma_start3A_112 = arith.constant 0 : i32
      %dma_start3A_113 = tpu.memref_slice %arg16[%add3A_36, %dma_start3A_112] : memref<10112x128xf32, #tpu.memory_space<vmem_shared>> -> memref<120x128xf32, #tpu.memory_space<vmem_shared>>
      tpu.enqueue_dma source(%dma_start3A_113 : memref<120x128xf32, #tpu.memory_space<vmem_shared>>) target(%dma_start3A_111 : memref<120x128xf32, #tpu.memory_space<vmem>>) target_semaphore(%run_scoped3A : memref<!tpu.dma_semaphore, #tpu.memory_space<semaphore_mem>>)
      %dma_wait3A = arith.constant 0 : i32
      %dma_wait3A_114 = arith.constant 0 : i32
      %dma_wait3A_115 = tpu.memref_slice %arg14[%dma_wait3A, %dma_wait3A_114] : memref<128x128xf32, #tpu.memory_space<vmem>> -> memref<120x128xf32, #tpu.memory_space<vmem>>
      %dma_wait3A_116 = arith.constant 0 : i32
      %dma_wait3A_117 = tpu.memref_slice %arg16[%add3A_36, %dma_wait3A_116] : memref<10112x128xf32, #tpu.memory_space<vmem_shared>> -> memref<120x128xf32, #tpu.memory_space<vmem_shared>>
      %dma_wait3A_118 = arith.constant 0 : i32
      %dma_wait3A_119 = arith.constant 0 : i32
      %dma_wait3A_120 = tpu.memref_slice %arg14[%dma_wait3A_118, %dma_wait3A_119] : memref<128x128xf32, #tpu.memory_space<vmem>> -> memref<120x128xf32, #tpu.memory_space<vmem>>
      %dma_wait3A_121 = arith.constant 0 : i32
      %dma_wait3A_122 = tpu.memref_slice %arg16[%add3A_36, %dma_wait3A_121] : memref<10112x128xf32, #tpu.memory_space<vmem_shared>> -> memref<120x128xf32, #tpu.memory_space<vmem_shared>>
      tpu.wait_dma2 semaphore(%run_scoped3A : memref<!tpu.dma_semaphore, #tpu.memory_space<semaphore_mem>>) src(%dma_wait3A_122 : memref<120x128xf32, #tpu.memory_space<vmem_shared>>) dst(%dma_wait3A_120 : memref<120x128xf32, #tpu.memory_space<vmem>>)
      tpu.yield
    }) : () -> ()
    %add3A_37 = arith.constant 512 : i32
    %add3A_38 = arith.addi %mul3A_2, %add3A_37 : i32
    "tpu.region"() ({
      %run_scoped3A = tpu.sem_alloc : memref<!tpu.dma_semaphore, #tpu.memory_space<semaphore_mem>>
      %dma_start3A = arith.constant 0 : i32
      %dma_start3A_105 = arith.constant 0 : i32
      %dma_start3A_106 = tpu.memref_slice %arg14[%dma_start3A, %dma_start3A_105] : memref<128x128xf32, #tpu.memory_space<vmem>> -> memref<120x128xf32, #tpu.memory_space<vmem>>
      %dma_start3A_107 = arith.constant 0 : i32
      %dma_start3A_108 = tpu.memref_slice %arg10[%arg0, %add3A_38, %dma_start3A_107] : memref<2x10112x128xf32, #tpu.memory_space<hbm>> -> memref<1x120x128xf32, #tpu.memory_space<hbm>>
      %dma_start3A_109 = tpu.memref_squeeze %dma_start3A_108 : memref<1x120x128xf32, #tpu.memory_space<hbm>> -> memref<120x128xf32, #tpu.memory_space<hbm>>
      %dma_start3A_110 = arith.constant 0 : i32
      %dma_start3A_111 = tpu.memref_slice %arg10[%arg0, %add3A_38, %dma_start3A_110] : memref<2x10112x128xf32, #tpu.memory_space<hbm>> -> memref<1x120x128xf32, #tpu.memory_space<hbm>>
      %dma_start3A_112 = tpu.memref_squeeze %dma_start3A_111 : memref<1x120x128xf32, #tpu.memory_space<hbm>> -> memref<120x128xf32, #tpu.memory_space<hbm>>
      %dma_start3A_113 = arith.constant 0 : i32
      %dma_start3A_114 = arith.constant 0 : i32
      %dma_start3A_115 = tpu.memref_slice %arg14[%dma_start3A_113, %dma_start3A_114] : memref<128x128xf32, #tpu.memory_space<vmem>> -> memref<120x128xf32, #tpu.memory_space<vmem>>
      tpu.enqueue_dma source(%dma_start3A_115 : memref<120x128xf32, #tpu.memory_space<vmem>>) target(%dma_start3A_112 : memref<120x128xf32, #tpu.memory_space<hbm>>) target_semaphore(%run_scoped3A : memref<!tpu.dma_semaphore, #tpu.memory_space<semaphore_mem>>)
      %dma_wait3A = arith.constant 0 : i32
      %dma_wait3A_116 = arith.constant 0 : i32
      %dma_wait3A_117 = tpu.memref_slice %arg14[%dma_wait3A, %dma_wait3A_116] : memref<128x128xf32, #tpu.memory_space<vmem>> -> memref<120x128xf32, #tpu.memory_space<vmem>>
      %dma_wait3A_118 = arith.constant 0 : i32
      %dma_wait3A_119 = tpu.memref_slice %arg10[%arg0, %add3A_38, %dma_wait3A_118] : memref<2x10112x128xf32, #tpu.memory_space<hbm>> -> memref<1x120x128xf32, #tpu.memory_space<hbm>>
      %dma_wait3A_120 = tpu.memref_squeeze %dma_wait3A_119 : memref<1x120x128xf32, #tpu.memory_space<hbm>> -> memref<120x128xf32, #tpu.memory_space<hbm>>
      %dma_wait3A_121 = arith.constant 0 : i32
      %dma_wait3A_122 = tpu.memref_slice %arg10[%arg0, %add3A_38, %dma_wait3A_121] : memref<2x10112x128xf32, #tpu.memory_space<hbm>> -> memref<1x120x128xf32, #tpu.memory_space<hbm>>
      %dma_wait3A_123 = tpu.memref_squeeze %dma_wait3A_122 : memref<1x120x128xf32, #tpu.memory_space<hbm>> -> memref<120x128xf32, #tpu.memory_space<hbm>>
      %dma_wait3A_124 = arith.constant 0 : i32
      %dma_wait3A_125 = arith.constant 0 : i32
      %dma_wait3A_126 = tpu.memref_slice %arg14[%dma_wait3A_124, %dma_wait3A_125] : memref<128x128xf32, #tpu.memory_space<vmem>> -> memref<120x128xf32, #tpu.memory_space<vmem>>
      tpu.wait_dma2 semaphore(%run_scoped3A : memref<!tpu.dma_semaphore, #tpu.memory_space<semaphore_mem>>) src(%dma_wait3A_126 : memref<120x128xf32, #tpu.memory_space<vmem>>) dst(%dma_wait3A_123 : memref<120x128xf32, #tpu.memory_space<hbm>>)
      tpu.yield
    }) : () -> ()
    %barrier3A_39 = arith.constant 0 : index
    tpu.barrier barrier_id(%barrier3A_39)
    %scan3A_40 = arith.constant 0 : i32
    %scan3A_41 = arith.constant 0 : i32
    %scan3A_42 = arith.constant 10 : i32
    %scan3A_43 = arith.addi %scan3A_41, %scan3A_42 : i32
    %scan3A_44 = arith.constant 1 : i32
    scf.for %scan3A_105 = %scan3A_41 to %scan3A_43 step %scan3A_44  : i32 {
      %mul3A_106 = arith.constant 8 : i32
      %mul3A_107 = arith.muli %scan3A_105, %mul3A_106 : i32
      "tpu.region"() ({
        %run_scoped3A_227 = tpu.sem_alloc : memref<!tpu.dma_semaphore, #tpu.memory_space<semaphore_mem>>
        %dma_start3A_228 = arith.constant 0 : i32
        %dma_start3A_229 = tpu.memref_slice %arg4[%add3A, %mul3A_107, %dma_start3A_228] : memref<32x80x128xi32, #tpu.memory_space<hbm>> -> memref<1x8x128xi32, #tpu.memory_space<hbm>>
        %dma_start3A_230 = tpu.memref_squeeze %dma_start3A_229 : memref<1x8x128xi32, #tpu.memory_space<hbm>> -> memref<8x128xi32, #tpu.memory_space<hbm>>
        %dma_start3A_231 = arith.constant 0 : i32
        %dma_start3A_232 = tpu.memref_slice %arg4[%add3A, %mul3A_107, %dma_start3A_231] : memref<32x80x128xi32, #tpu.memory_space<hbm>> -> memref<1x8x128xi32, #tpu.memory_space<hbm>>
        %dma_start3A_233 = tpu.memref_squeeze %dma_start3A_232 : memref<1x8x128xi32, #tpu.memory_space<hbm>> -> memref<8x128xi32, #tpu.memory_space<hbm>>
        tpu.enqueue_dma source(%dma_start3A_233 : memref<8x128xi32, #tpu.memory_space<hbm>>) target(%arg12 : memref<8x128xi32, #tpu.memory_space<vmem>>) target_semaphore(%run_scoped3A_227 : memref<!tpu.dma_semaphore, #tpu.memory_space<semaphore_mem>>)
        %dma_wait3A_234 = arith.constant 0 : i32
        %dma_wait3A_235 = tpu.memref_slice %arg4[%add3A, %mul3A_107, %dma_wait3A_234] : memref<32x80x128xi32, #tpu.memory_space<hbm>> -> memref<1x8x128xi32, #tpu.memory_space<hbm>>
        %dma_wait3A_236 = tpu.memref_squeeze %dma_wait3A_235 : memref<1x8x128xi32, #tpu.memory_space<hbm>> -> memref<8x128xi32, #tpu.memory_space<hbm>>
        %dma_wait3A_237 = arith.constant 0 : i32
        %dma_wait3A_238 = tpu.memref_slice %arg4[%add3A, %mul3A_107, %dma_wait3A_237] : memref<32x80x128xi32, #tpu.memory_space<hbm>> -> memref<1x8x128xi32, #tpu.memory_space<hbm>>
        %dma_wait3A_239 = tpu.memref_squeeze %dma_wait3A_238 : memref<1x8x128xi32, #tpu.memory_space<hbm>> -> memref<8x128xi32, #tpu.memory_space<hbm>>
        tpu.wait_dma2 semaphore(%run_scoped3A_227 : memref<!tpu.dma_semaphore, #tpu.memory_space<semaphore_mem>>) src(%dma_wait3A_239 : memref<8x128xi32, #tpu.memory_space<hbm>>) dst(%arg12 : memref<8x128xi32, #tpu.memory_space<vmem>>)
        tpu.yield
      }) : () -> ()
      %mul3A_108 = arith.constant 8 : i32
      %mul3A_109 = arith.muli %scan3A_105, %mul3A_108 : i32
      "tpu.region"() ({
        %run_scoped3A_227 = tpu.sem_alloc : memref<!tpu.dma_semaphore, #tpu.memory_space<semaphore_mem>>
        %dma_start3A_228 = arith.constant 0 : i32
        %dma_start3A_229 = tpu.memref_slice %arg6[%add3A, %mul3A_109, %dma_start3A_228] : memref<32x80x128xi32, #tpu.memory_space<hbm>> -> memref<1x8x128xi32, #tpu.memory_space<hbm>>
        %dma_start3A_230 = tpu.memref_squeeze %dma_start3A_229 : memref<1x8x128xi32, #tpu.memory_space<hbm>> -> memref<8x128xi32, #tpu.memory_space<hbm>>
        %dma_start3A_231 = arith.constant 0 : i32
        %dma_start3A_232 = tpu.memref_slice %arg6[%add3A, %mul3A_109, %dma_start3A_231] : memref<32x80x128xi32, #tpu.memory_space<hbm>> -> memref<1x8x128xi32, #tpu.memory_space<hbm>>
        %dma_start3A_233 = tpu.memref_squeeze %dma_start3A_232 : memref<1x8x128xi32, #tpu.memory_space<hbm>> -> memref<8x128xi32, #tpu.memory_space<hbm>>
        tpu.enqueue_dma source(%dma_start3A_233 : memref<8x128xi32, #tpu.memory_space<hbm>>) target(%arg13 : memref<8x128xi32, #tpu.memory_space<vmem>>) target_semaphore(%run_scoped3A_227 : memref<!tpu.dma_semaphore, #tpu.memory_space<semaphore_mem>>)
        %dma_wait3A_234 = arith.constant 0 : i32
        %dma_wait3A_235 = tpu.memref_slice %arg6[%add3A, %mul3A_109, %dma_wait3A_234] : memref<32x80x128xi32, #tpu.memory_space<hbm>> -> memref<1x8x128xi32, #tpu.memory_space<hbm>>
        %dma_wait3A_236 = tpu.memref_squeeze %dma_wait3A_235 : memref<1x8x128xi32, #tpu.memory_space<hbm>> -> memref<8x128xi32, #tpu.memory_space<hbm>>
        %dma_wait3A_237 = arith.constant 0 : i32
        %dma_wait3A_238 = tpu.memref_slice %arg6[%add3A, %mul3A_109, %dma_wait3A_237] : memref<32x80x128xi32, #tpu.memory_space<hbm>> -> memref<1x8x128xi32, #tpu.memory_space<hbm>>
        %dma_wait3A_239 = tpu.memref_squeeze %dma_wait3A_238 : memref<1x8x128xi32, #tpu.memory_space<hbm>> -> memref<8x128xi32, #tpu.memory_space<hbm>>
        tpu.wait_dma2 semaphore(%run_scoped3A_227 : memref<!tpu.dma_semaphore, #tpu.memory_space<semaphore_mem>>) src(%dma_wait3A_239 : memref<8x128xi32, #tpu.memory_space<hbm>>) dst(%arg13 : memref<8x128xi32, #tpu.memory_space<vmem>>)
        tpu.yield
      }) : () -> ()
      %dma_start3A = arith.constant 0 : i32
      %dma_start3A_110 = arith.constant 0 : i32
      %dma_start3A_111 = tpu.memref_slice %arg12[%dma_start3A, %dma_start3A_110] : memref<8x128xi32, #tpu.memory_space<vmem>> -> memref<1x128xi32, #tpu.memory_space<vmem>>
      %dma_start3A_112 = tpu.memref_squeeze %dma_start3A_111 : memref<1x128xi32, #tpu.memory_space<vmem>> -> memref<128xi32, #tpu.memory_space<vmem>>
      %dma_start3A_113 = arith.constant 0 : i32
      %dma_start3A_114 = arith.constant 0 : i32
      %dma_start3A_115 = tpu.memref_slice %arg2[%dma_start3A_113, %dma_start3A_114] : memref<10112x128xf32, #tpu.memory_space<hbm>> -> memref<10112x128xf32, #tpu.memory_space<hbm>>
      tpu.enqueue_indirect_dma source(%dma_start3A_115 : memref<10112x128xf32, #tpu.memory_space<hbm>>) target(%arg14 : memref<128x128xf32, #tpu.memory_space<vmem>>) offsets(%dma_start3A_112 : memref<128xi32, #tpu.memory_space<vmem>>) semaphore(%arg17 : memref<!tpu.dma_semaphore, #tpu.memory_space<semaphore_mem>>)
      %dma_start3A_116 = arith.constant 1 : i32
      %dma_start3A_117 = arith.constant 0 : i32
      %dma_start3A_118 = tpu.memref_slice %arg12[%dma_start3A_116, %dma_start3A_117] : memref<8x128xi32, #tpu.memory_space<vmem>> -> memref<1x128xi32, #tpu.memory_space<vmem>>
      %dma_start3A_119 = tpu.memref_squeeze %dma_start3A_118 : memref<1x128xi32, #tpu.memory_space<vmem>> -> memref<128xi32, #tpu.memory_space<vmem>>
      %dma_start3A_120 = arith.constant 0 : i32
      %dma_start3A_121 = arith.constant 0 : i32
      %dma_start3A_122 = tpu.memref_slice %arg2[%dma_start3A_120, %dma_start3A_121] : memref<10112x128xf32, #tpu.memory_space<hbm>> -> memref<10112x128xf32, #tpu.memory_space<hbm>>
      tpu.enqueue_indirect_dma source(%dma_start3A_122 : memref<10112x128xf32, #tpu.memory_space<hbm>>) target(%arg15 : memref<128x128xf32, #tpu.memory_space<vmem>>) offsets(%dma_start3A_119 : memref<128xi32, #tpu.memory_space<vmem>>) semaphore(%arg18 : memref<!tpu.dma_semaphore, #tpu.memory_space<semaphore_mem>>)
      %dma_wait3A = arith.constant 0 : i32
      %dma_wait3A_123 = arith.constant 0 : i32
      %dma_wait3A_124 = tpu.memref_slice %arg12[%dma_wait3A, %dma_wait3A_123] : memref<8x128xi32, #tpu.memory_space<vmem>> -> memref<1x128xi32, #tpu.memory_space<vmem>>
      %dma_wait3A_125 = tpu.memref_squeeze %dma_wait3A_124 : memref<1x128xi32, #tpu.memory_space<vmem>> -> memref<128xi32, #tpu.memory_space<vmem>>
      %dma_wait3A_126 = arith.constant 0 : i32
      %dma_wait3A_127 = arith.constant 0 : i32
      %dma_wait3A_128 = tpu.memref_slice %arg2[%dma_wait3A_126, %dma_wait3A_127] : memref<10112x128xf32, #tpu.memory_space<hbm>> -> memref<10112x128xf32, #tpu.memory_space<hbm>>
      tpu.wait_indirect_dma semaphore(%arg17 : memref<!tpu.dma_semaphore, #tpu.memory_space<semaphore_mem>>) src(%dma_wait3A_128 : memref<10112x128xf32, #tpu.memory_space<hbm>>) dst(%arg14 : memref<128x128xf32, #tpu.memory_space<vmem>>)
      %run_scoped3A = arith.constant 0 : i32
      "tpu.region"() ({
        %run_scoped3A_227 = tpu.sem_alloc : memref<!tpu.dma_semaphore, #tpu.memory_space<semaphore_mem>>
        %dma_start3A_228 = arith.constant 0 : i32
        %dma_start3A_229 = tpu.memref_slice %arg13[%run_scoped3A, %dma_start3A_228] : memref<8x128xi32, #tpu.memory_space<vmem>> -> memref<1x128xi32, #tpu.memory_space<vmem>>
        %dma_start3A_230 = tpu.memref_squeeze %dma_start3A_229 : memref<1x128xi32, #tpu.memory_space<vmem>> -> memref<128xi32, #tpu.memory_space<vmem>>
        %dma_start3A_231 = arith.constant 0 : i32
        %dma_start3A_232 = arith.constant 0 : i32
        %dma_start3A_233 = tpu.memref_slice %arg16[%dma_start3A_231, %dma_start3A_232] : memref<10112x128xf32, #tpu.memory_space<vmem_shared>> -> memref<10112x128xf32, #tpu.memory_space<vmem_shared>>
        tpu.enqueue_indirect_dma source(%arg14 : memref<128x128xf32, #tpu.memory_space<vmem>>) target(%dma_start3A_233 : memref<10112x128xf32, #tpu.memory_space<vmem_shared>>) offsets(%dma_start3A_230 : memref<128xi32, #tpu.memory_space<vmem>>) semaphore(%run_scoped3A_227 : memref<!tpu.dma_semaphore, #tpu.memory_space<semaphore_mem>>) {add = true}
        %dma_wait3A_234 = arith.constant 0 : i32
        %dma_wait3A_235 = tpu.memref_slice %arg13[%run_scoped3A, %dma_wait3A_234] : memref<8x128xi32, #tpu.memory_space<vmem>> -> memref<1x128xi32, #tpu.memory_space<vmem>>
        %dma_wait3A_236 = tpu.memref_squeeze %dma_wait3A_235 : memref<1x128xi32, #tpu.memory_space<vmem>> -> memref<128xi32, #tpu.memory_space<vmem>>
        %dma_wait3A_237 = arith.constant 0 : i32
        %dma_wait3A_238 = arith.constant 0 : i32
        %dma_wait3A_239 = tpu.memref_slice %arg16[%dma_wait3A_237, %dma_wait3A_238] : memref<10112x128xf32, #tpu.memory_space<vmem_shared>> -> memref<10112x128xf32, #tpu.memory_space<vmem_shared>>
        tpu.wait_indirect_dma semaphore(%run_scoped3A_227 : memref<!tpu.dma_semaphore, #tpu.memory_space<semaphore_mem>>) src(%arg14 : memref<128x128xf32, #tpu.memory_space<vmem>>) dst(%dma_wait3A_239 : memref<10112x128xf32, #tpu.memory_space<vmem_shared>>)
        tpu.yield
      }) : () -> ()
      %dma_start3A_129 = arith.constant 2 : i32
      %dma_start3A_130 = arith.constant 0 : i32
      %dma_start3A_131 = tpu.memref_slice %arg12[%dma_start3A_129, %dma_start3A_130] : memref<8x128xi32, #tpu.memory_space<vmem>> -> memref<1x128xi32, #tpu.memory_space<vmem>>
      %dma_start3A_132 = tpu.memref_squeeze %dma_start3A_131 : memref<1x128xi32, #tpu.memory_space<vmem>> -> memref<128xi32, #tpu.memory_space<vmem>>
      %dma_start3A_133 = arith.constant 0 : i32
      %dma_start3A_134 = arith.constant 0 : i32
      %dma_start3A_135 = tpu.memref_slice %arg2[%dma_start3A_133, %dma_start3A_134] : memref<10112x128xf32, #tpu.memory_space<hbm>> -> memref<10112x128xf32, #tpu.memory_space<hbm>>
      tpu.enqueue_indirect_dma source(%dma_start3A_135 : memref<10112x128xf32, #tpu.memory_space<hbm>>) target(%arg14 : memref<128x128xf32, #tpu.memory_space<vmem>>) offsets(%dma_start3A_132 : memref<128xi32, #tpu.memory_space<vmem>>) semaphore(%arg17 : memref<!tpu.dma_semaphore, #tpu.memory_space<semaphore_mem>>)
      %dma_wait3A_136 = arith.constant 1 : i32
      %dma_wait3A_137 = arith.constant 0 : i32
      %dma_wait3A_138 = tpu.memref_slice %arg12[%dma_wait3A_136, %dma_wait3A_137] : memref<8x128xi32, #tpu.memory_space<vmem>> -> memref<1x128xi32, #tpu.memory_space<vmem>>
      %dma_wait3A_139 = tpu.memref_squeeze %dma_wait3A_138 : memref<1x128xi32, #tpu.memory_space<vmem>> -> memref<128xi32, #tpu.memory_space<vmem>>
      %dma_wait3A_140 = arith.constant 0 : i32
      %dma_wait3A_141 = arith.constant 0 : i32
      %dma_wait3A_142 = tpu.memref_slice %arg2[%dma_wait3A_140, %dma_wait3A_141] : memref<10112x128xf32, #tpu.memory_space<hbm>> -> memref<10112x128xf32, #tpu.memory_space<hbm>>
      tpu.wait_indirect_dma semaphore(%arg18 : memref<!tpu.dma_semaphore, #tpu.memory_space<semaphore_mem>>) src(%dma_wait3A_142 : memref<10112x128xf32, #tpu.memory_space<hbm>>) dst(%arg15 : memref<128x128xf32, #tpu.memory_space<vmem>>)
      %run_scoped3A_143 = arith.constant 1 : i32
      "tpu.region"() ({
        %run_scoped3A_227 = tpu.sem_alloc : memref<!tpu.dma_semaphore, #tpu.memory_space<semaphore_mem>>
        %dma_start3A_228 = arith.constant 0 : i32
        %dma_start3A_229 = tpu.memref_slice %arg13[%run_scoped3A_143, %dma_start3A_228] : memref<8x128xi32, #tpu.memory_space<vmem>> -> memref<1x128xi32, #tpu.memory_space<vmem>>
        %dma_start3A_230 = tpu.memref_squeeze %dma_start3A_229 : memref<1x128xi32, #tpu.memory_space<vmem>> -> memref<128xi32, #tpu.memory_space<vmem>>
        %dma_start3A_231 = arith.constant 0 : i32
        %dma_start3A_232 = arith.constant 0 : i32
        %dma_start3A_233 = tpu.memref_slice %arg16[%dma_start3A_231, %dma_start3A_232] : memref<10112x128xf32, #tpu.memory_space<vmem_shared>> -> memref<10112x128xf32, #tpu.memory_space<vmem_shared>>
        tpu.enqueue_indirect_dma source(%arg15 : memref<128x128xf32, #tpu.memory_space<vmem>>) target(%dma_start3A_233 : memref<10112x128xf32, #tpu.memory_space<vmem_shared>>) offsets(%dma_start3A_230 : memref<128xi32, #tpu.memory_space<vmem>>) semaphore(%run_scoped3A_227 : memref<!tpu.dma_semaphore, #tpu.memory_space<semaphore_mem>>) {add = true}
        %dma_wait3A_234 = arith.constant 0 : i32
        %dma_wait3A_235 = tpu.memref_slice %arg13[%run_scoped3A_143, %dma_wait3A_234] : memref<8x128xi32, #tpu.memory_space<vmem>> -> memref<1x128xi32, #tpu.memory_space<vmem>>
        %dma_wait3A_236 = tpu.memref_squeeze %dma_wait3A_235 : memref<1x128xi32, #tpu.memory_space<vmem>> -> memref<128xi32, #tpu.memory_space<vmem>>
        %dma_wait3A_237 = arith.constant 0 : i32
        %dma_wait3A_238 = arith.constant 0 : i32
        %dma_wait3A_239 = tpu.memref_slice %arg16[%dma_wait3A_237, %dma_wait3A_238] : memref<10112x128xf32, #tpu.memory_space<vmem_shared>> -> memref<10112x128xf32, #tpu.memory_space<vmem_shared>>
        tpu.wait_indirect_dma semaphore(%run_scoped3A_227 : memref<!tpu.dma_semaphore, #tpu.memory_space<semaphore_mem>>) src(%arg15 : memref<128x128xf32, #tpu.memory_space<vmem>>) dst(%dma_wait3A_239 : memref<10112x128xf32, #tpu.memory_space<vmem_shared>>)
        tpu.yield
      }) : () -> ()
      %dma_start3A_144 = arith.constant 3 : i32
      %dma_start3A_145 = arith.constant 0 : i32
      %dma_start3A_146 = tpu.memref_slice %arg12[%dma_start3A_144, %dma_start3A_145] : memref<8x128xi32, #tpu.memory_space<vmem>> -> memref<1x128xi32, #tpu.memory_space<vmem>>
      %dma_start3A_147 = tpu.memref_squeeze %dma_start3A_146 : memref<1x128xi32, #tpu.memory_space<vmem>> -> memref<128xi32, #tpu.memory_space<vmem>>
      %dma_start3A_148 = arith.constant 0 : i32
      %dma_start3A_149 = arith.constant 0 : i32
      %dma_start3A_150 = tpu.memref_slice %arg2[%dma_start3A_148, %dma_start3A_149] : memref<10112x128xf32, #tpu.memory_space<hbm>> -> memref<10112x128xf32, #tpu.memory_space<hbm>>
      tpu.enqueue_indirect_dma source(%dma_start3A_150 : memref<10112x128xf32, #tpu.memory_space<hbm>>) target(%arg15 : memref<128x128xf32, #tpu.memory_space<vmem>>) offsets(%dma_start3A_147 : memref<128xi32, #tpu.memory_space<vmem>>) semaphore(%arg18 : memref<!tpu.dma_semaphore, #tpu.memory_space<semaphore_mem>>)
      %dma_wait3A_151 = arith.constant 2 : i32
      %dma_wait3A_152 = arith.constant 0 : i32
      %dma_wait3A_153 = tpu.memref_slice %arg12[%dma_wait3A_151, %dma_wait3A_152] : memref<8x128xi32, #tpu.memory_space<vmem>> -> memref<1x128xi32, #tpu.memory_space<vmem>>
      %dma_wait3A_154 = tpu.memref_squeeze %dma_wait3A_153 : memref<1x128xi32, #tpu.memory_space<vmem>> -> memref<128xi32, #tpu.memory_space<vmem>>
      %dma_wait3A_155 = arith.constant 0 : i32
      %dma_wait3A_156 = arith.constant 0 : i32
      %dma_wait3A_157 = tpu.memref_slice %arg2[%dma_wait3A_155, %dma_wait3A_156] : memref<10112x128xf32, #tpu.memory_space<hbm>> -> memref<10112x128xf32, #tpu.memory_space<hbm>>
      tpu.wait_indirect_dma semaphore(%arg17 : memref<!tpu.dma_semaphore, #tpu.memory_space<semaphore_mem>>) src(%dma_wait3A_157 : memref<10112x128xf32, #tpu.memory_space<hbm>>) dst(%arg14 : memref<128x128xf32, #tpu.memory_space<vmem>>)
      %run_scoped3A_158 = arith.constant 2 : i32
      "tpu.region"() ({
        %run_scoped3A_227 = tpu.sem_alloc : memref<!tpu.dma_semaphore, #tpu.memory_space<semaphore_mem>>
        %dma_start3A_228 = arith.constant 0 : i32
        %dma_start3A_229 = tpu.memref_slice %arg13[%run_scoped3A_158, %dma_start3A_228] : memref<8x128xi32, #tpu.memory_space<vmem>> -> memref<1x128xi32, #tpu.memory_space<vmem>>
        %dma_start3A_230 = tpu.memref_squeeze %dma_start3A_229 : memref<1x128xi32, #tpu.memory_space<vmem>> -> memref<128xi32, #tpu.memory_space<vmem>>
        %dma_start3A_231 = arith.constant 0 : i32
        %dma_start3A_232 = arith.constant 0 : i32
        %dma_start3A_233 = tpu.memref_slice %arg16[%dma_start3A_231, %dma_start3A_232] : memref<10112x128xf32, #tpu.memory_space<vmem_shared>> -> memref<10112x128xf32, #tpu.memory_space<vmem_shared>>
        tpu.enqueue_indirect_dma source(%arg14 : memref<128x128xf32, #tpu.memory_space<vmem>>) target(%dma_start3A_233 : memref<10112x128xf32, #tpu.memory_space<vmem_shared>>) offsets(%dma_start3A_230 : memref<128xi32, #tpu.memory_space<vmem>>) semaphore(%run_scoped3A_227 : memref<!tpu.dma_semaphore, #tpu.memory_space<semaphore_mem>>) {add = true}
        %dma_wait3A_234 = arith.constant 0 : i32
        %dma_wait3A_235 = tpu.memref_slice %arg13[%run_scoped3A_158, %dma_wait3A_234] : memref<8x128xi32, #tpu.memory_space<vmem>> -> memref<1x128xi32, #tpu.memory_space<vmem>>
        %dma_wait3A_236 = tpu.memref_squeeze %dma_wait3A_235 : memref<1x128xi32, #tpu.memory_space<vmem>> -> memref<128xi32, #tpu.memory_space<vmem>>
        %dma_wait3A_237 = arith.constant 0 : i32
        %dma_wait3A_238 = arith.constant 0 : i32
        %dma_wait3A_239 = tpu.memref_slice %arg16[%dma_wait3A_237, %dma_wait3A_238] : memref<10112x128xf32, #tpu.memory_space<vmem_shared>> -> memref<10112x128xf32, #tpu.memory_space<vmem_shared>>
        tpu.wait_indirect_dma semaphore(%run_scoped3A_227 : memref<!tpu.dma_semaphore, #tpu.memory_space<semaphore_mem>>) src(%arg14 : memref<128x128xf32, #tpu.memory_space<vmem>>) dst(%dma_wait3A_239 : memref<10112x128xf32, #tpu.memory_space<vmem_shared>>)
        tpu.yield
      }) : () -> ()
      %dma_start3A_159 = arith.constant 4 : i32
      %dma_start3A_160 = arith.constant 0 : i32
      %dma_start3A_161 = tpu.memref_slice %arg12[%dma_start3A_159, %dma_start3A_160] : memref<8x128xi32, #tpu.memory_space<vmem>> -> memref<1x128xi32, #tpu.memory_space<vmem>>
      %dma_start3A_162 = tpu.memref_squeeze %dma_start3A_161 : memref<1x128xi32, #tpu.memory_space<vmem>> -> memref<128xi32, #tpu.memory_space<vmem>>
      %dma_start3A_163 = arith.constant 0 : i32
      %dma_start3A_164 = arith.constant 0 : i32
      %dma_start3A_165 = tpu.memref_slice %arg2[%dma_start3A_163, %dma_start3A_164] : memref<10112x128xf32, #tpu.memory_space<hbm>> -> memref<10112x128xf32, #tpu.memory_space<hbm>>
      tpu.enqueue_indirect_dma source(%dma_start3A_165 : memref<10112x128xf32, #tpu.memory_space<hbm>>) target(%arg14 : memref<128x128xf32, #tpu.memory_space<vmem>>) offsets(%dma_start3A_162 : memref<128xi32, #tpu.memory_space<vmem>>) semaphore(%arg17 : memref<!tpu.dma_semaphore, #tpu.memory_space<semaphore_mem>>)
      %dma_wait3A_166 = arith.constant 3 : i32
      %dma_wait3A_167 = arith.constant 0 : i32
      %dma_wait3A_168 = tpu.memref_slice %arg12[%dma_wait3A_166, %dma_wait3A_167] : memref<8x128xi32, #tpu.memory_space<vmem>> -> memref<1x128xi32, #tpu.memory_space<vmem>>
      %dma_wait3A_169 = tpu.memref_squeeze %dma_wait3A_168 : memref<1x128xi32, #tpu.memory_space<vmem>> -> memref<128xi32, #tpu.memory_space<vmem>>
      %dma_wait3A_170 = arith.constant 0 : i32
      %dma_wait3A_171 = arith.constant 0 : i32
      %dma_wait3A_172 = tpu.memref_slice %arg2[%dma_wait3A_170, %dma_wait3A_171] : memref<10112x128xf32, #tpu.memory_space<hbm>> -> memref<10112x128xf32, #tpu.memory_space<hbm>>
      tpu.wait_indirect_dma semaphore(%arg18 : memref<!tpu.dma_semaphore, #tpu.memory_space<semaphore_mem>>) src(%dma_wait3A_172 : memref<10112x128xf32, #tpu.memory_space<hbm>>) dst(%arg15 : memref<128x128xf32, #tpu.memory_space<vmem>>)
      %run_scoped3A_173 = arith.constant 3 : i32
      "tpu.region"() ({
        %run_scoped3A_227 = tpu.sem_alloc : memref<!tpu.dma_semaphore, #tpu.memory_space<semaphore_mem>>
        %dma_start3A_228 = arith.constant 0 : i32
        %dma_start3A_229 = tpu.memref_slice %arg13[%run_scoped3A_173, %dma_start3A_228] : memref<8x128xi32, #tpu.memory_space<vmem>> -> memref<1x128xi32, #tpu.memory_space<vmem>>
        %dma_start3A_230 = tpu.memref_squeeze %dma_start3A_229 : memref<1x128xi32, #tpu.memory_space<vmem>> -> memref<128xi32, #tpu.memory_space<vmem>>
        %dma_start3A_231 = arith.constant 0 : i32
        %dma_start3A_232 = arith.constant 0 : i32
        %dma_start3A_233 = tpu.memref_slice %arg16[%dma_start3A_231, %dma_start3A_232] : memref<10112x128xf32, #tpu.memory_space<vmem_shared>> -> memref<10112x128xf32, #tpu.memory_space<vmem_shared>>
        tpu.enqueue_indirect_dma source(%arg15 : memref<128x128xf32, #tpu.memory_space<vmem>>) target(%dma_start3A_233 : memref<10112x128xf32, #tpu.memory_space<vmem_shared>>) offsets(%dma_start3A_230 : memref<128xi32, #tpu.memory_space<vmem>>) semaphore(%run_scoped3A_227 : memref<!tpu.dma_semaphore, #tpu.memory_space<semaphore_mem>>) {add = true}
        %dma_wait3A_234 = arith.constant 0 : i32
        %dma_wait3A_235 = tpu.memref_slice %arg13[%run_scoped3A_173, %dma_wait3A_234] : memref<8x128xi32, #tpu.memory_space<vmem>> -> memref<1x128xi32, #tpu.memory_space<vmem>>
        %dma_wait3A_236 = tpu.memref_squeeze %dma_wait3A_235 : memref<1x128xi32, #tpu.memory_space<vmem>> -> memref<128xi32, #tpu.memory_space<vmem>>
        %dma_wait3A_237 = arith.constant 0 : i32
        %dma_wait3A_238 = arith.constant 0 : i32
        %dma_wait3A_239 = tpu.memref_slice %arg16[%dma_wait3A_237, %dma_wait3A_238] : memref<10112x128xf32, #tpu.memory_space<vmem_shared>> -> memref<10112x128xf32, #tpu.memory_space<vmem_shared>>
        tpu.wait_indirect_dma semaphore(%run_scoped3A_227 : memref<!tpu.dma_semaphore, #tpu.memory_space<semaphore_mem>>) src(%arg15 : memref<128x128xf32, #tpu.memory_space<vmem>>) dst(%dma_wait3A_239 : memref<10112x128xf32, #tpu.memory_space<vmem_shared>>)
        tpu.yield
      }) : () -> ()
      %dma_start3A_174 = arith.constant 5 : i32
      %dma_start3A_175 = arith.constant 0 : i32
      %dma_start3A_176 = tpu.memref_slice %arg12[%dma_start3A_174, %dma_start3A_175] : memref<8x128xi32, #tpu.memory_space<vmem>> -> memref<1x128xi32, #tpu.memory_space<vmem>>
      %dma_start3A_177 = tpu.memref_squeeze %dma_start3A_176 : memref<1x128xi32, #tpu.memory_space<vmem>> -> memref<128xi32, #tpu.memory_space<vmem>>
      %dma_start3A_178 = arith.constant 0 : i32
      %dma_start3A_179 = arith.constant 0 : i32
      %dma_start3A_180 = tpu.memref_slice %arg2[%dma_start3A_178, %dma_start3A_179] : memref<10112x128xf32, #tpu.memory_space<hbm>> -> memref<10112x128xf32, #tpu.memory_space<hbm>>
      tpu.enqueue_indirect_dma source(%dma_start3A_180 : memref<10112x128xf32, #tpu.memory_space<hbm>>) target(%arg15 : memref<128x128xf32, #tpu.memory_space<vmem>>) offsets(%dma_start3A_177 : memref<128xi32, #tpu.memory_space<vmem>>) semaphore(%arg18 : memref<!tpu.dma_semaphore, #tpu.memory_space<semaphore_mem>>)
      %dma_wait3A_181 = arith.constant 4 : i32
      %dma_wait3A_182 = arith.constant 0 : i32
      %dma_wait3A_183 = tpu.memref_slice %arg12[%dma_wait3A_181, %dma_wait3A_182] : memref<8x128xi32, #tpu.memory_space<vmem>> -> memref<1x128xi32, #tpu.memory_space<vmem>>
      %dma_wait3A_184 = tpu.memref_squeeze %dma_wait3A_183 : memref<1x128xi32, #tpu.memory_space<vmem>> -> memref<128xi32, #tpu.memory_space<vmem>>
      %dma_wait3A_185 = arith.constant 0 : i32
      %dma_wait3A_186 = arith.constant 0 : i32
      %dma_wait3A_187 = tpu.memref_slice %arg2[%dma_wait3A_185, %dma_wait3A_186] : memref<10112x128xf32, #tpu.memory_space<hbm>> -> memref<10112x128xf32, #tpu.memory_space<hbm>>
      tpu.wait_indirect_dma semaphore(%arg17 : memref<!tpu.dma_semaphore, #tpu.memory_space<semaphore_mem>>) src(%dma_wait3A_187 : memref<10112x128xf32, #tpu.memory_space<hbm>>) dst(%arg14 : memref<128x128xf32, #tpu.memory_space<vmem>>)
      %run_scoped3A_188 = arith.constant 4 : i32
      "tpu.region"() ({
        %run_scoped3A_227 = tpu.sem_alloc : memref<!tpu.dma_semaphore, #tpu.memory_space<semaphore_mem>>
        %dma_start3A_228 = arith.constant 0 : i32
        %dma_start3A_229 = tpu.memref_slice %arg13[%run_scoped3A_188, %dma_start3A_228] : memref<8x128xi32, #tpu.memory_space<vmem>> -> memref<1x128xi32, #tpu.memory_space<vmem>>
        %dma_start3A_230 = tpu.memref_squeeze %dma_start3A_229 : memref<1x128xi32, #tpu.memory_space<vmem>> -> memref<128xi32, #tpu.memory_space<vmem>>
        %dma_start3A_231 = arith.constant 0 : i32
        %dma_start3A_232 = arith.constant 0 : i32
        %dma_start3A_233 = tpu.memref_slice %arg16[%dma_start3A_231, %dma_start3A_232] : memref<10112x128xf32, #tpu.memory_space<vmem_shared>> -> memref<10112x128xf32, #tpu.memory_space<vmem_shared>>
        tpu.enqueue_indirect_dma source(%arg14 : memref<128x128xf32, #tpu.memory_space<vmem>>) target(%dma_start3A_233 : memref<10112x128xf32, #tpu.memory_space<vmem_shared>>) offsets(%dma_start3A_230 : memref<128xi32, #tpu.memory_space<vmem>>) semaphore(%run_scoped3A_227 : memref<!tpu.dma_semaphore, #tpu.memory_space<semaphore_mem>>) {add = true}
        %dma_wait3A_234 = arith.constant 0 : i32
        %dma_wait3A_235 = tpu.memref_slice %arg13[%run_scoped3A_188, %dma_wait3A_234] : memref<8x128xi32, #tpu.memory_space<vmem>> -> memref<1x128xi32, #tpu.memory_space<vmem>>
        %dma_wait3A_236 = tpu.memref_squeeze %dma_wait3A_235 : memref<1x128xi32, #tpu.memory_space<vmem>> -> memref<128xi32, #tpu.memory_space<vmem>>
        %dma_wait3A_237 = arith.constant 0 : i32
        %dma_wait3A_238 = arith.constant 0 : i32
        %dma_wait3A_239 = tpu.memref_slice %arg16[%dma_wait3A_237, %dma_wait3A_238] : memref<10112x128xf32, #tpu.memory_space<vmem_shared>> -> memref<10112x128xf32, #tpu.memory_space<vmem_shared>>
        tpu.wait_indirect_dma semaphore(%run_scoped3A_227 : memref<!tpu.dma_semaphore, #tpu.memory_space<semaphore_mem>>) src(%arg14 : memref<128x128xf32, #tpu.memory_space<vmem>>) dst(%dma_wait3A_239 : memref<10112x128xf32, #tpu.memory_space<vmem_shared>>)
        tpu.yield
      }) : () -> ()
      %dma_start3A_189 = arith.constant 6 : i32
      %dma_start3A_190 = arith.constant 0 : i32
      %dma_start3A_191 = tpu.memref_slice %arg12[%dma_start3A_189, %dma_start3A_190] : memref<8x128xi32, #tpu.memory_space<vmem>> -> memref<1x128xi32, #tpu.memory_space<vmem>>
      %dma_start3A_192 = tpu.memref_squeeze %dma_start3A_191 : memref<1x128xi32, #tpu.memory_space<vmem>> -> memref<128xi32, #tpu.memory_space<vmem>>
      %dma_start3A_193 = arith.constant 0 : i32
      %dma_start3A_194 = arith.constant 0 : i32
      %dma_start3A_195 = tpu.memref_slice %arg2[%dma_start3A_193, %dma_start3A_194] : memref<10112x128xf32, #tpu.memory_space<hbm>> -> memref<10112x128xf32, #tpu.memory_space<hbm>>
      tpu.enqueue_indirect_dma source(%dma_start3A_195 : memref<10112x128xf32, #tpu.memory_space<hbm>>) target(%arg14 : memref<128x128xf32, #tpu.memory_space<vmem>>) offsets(%dma_start3A_192 : memref<128xi32, #tpu.memory_space<vmem>>) semaphore(%arg17 : memref<!tpu.dma_semaphore, #tpu.memory_space<semaphore_mem>>)
      %dma_wait3A_196 = arith.constant 5 : i32
      %dma_wait3A_197 = arith.constant 0 : i32
      %dma_wait3A_198 = tpu.memref_slice %arg12[%dma_wait3A_196, %dma_wait3A_197] : memref<8x128xi32, #tpu.memory_space<vmem>> -> memref<1x128xi32, #tpu.memory_space<vmem>>
      %dma_wait3A_199 = tpu.memref_squeeze %dma_wait3A_198 : memref<1x128xi32, #tpu.memory_space<vmem>> -> memref<128xi32, #tpu.memory_space<vmem>>
      %dma_wait3A_200 = arith.constant 0 : i32
      %dma_wait3A_201 = arith.constant 0 : i32
      %dma_wait3A_202 = tpu.memref_slice %arg2[%dma_wait3A_200, %dma_wait3A_201] : memref<10112x128xf32, #tpu.memory_space<hbm>> -> memref<10112x128xf32, #tpu.memory_space<hbm>>
      tpu.wait_indirect_dma semaphore(%arg18 : memref<!tpu.dma_semaphore, #tpu.memory_space<semaphore_mem>>) src(%dma_wait3A_202 : memref<10112x128xf32, #tpu.memory_space<hbm>>) dst(%arg15 : memref<128x128xf32, #tpu.memory_space<vmem>>)
      %run_scoped3A_203 = arith.constant 5 : i32
      "tpu.region"() ({
        %run_scoped3A_227 = tpu.sem_alloc : memref<!tpu.dma_semaphore, #tpu.memory_space<semaphore_mem>>
        %dma_start3A_228 = arith.constant 0 : i32
        %dma_start3A_229 = tpu.memref_slice %arg13[%run_scoped3A_203, %dma_start3A_228] : memref<8x128xi32, #tpu.memory_space<vmem>> -> memref<1x128xi32, #tpu.memory_space<vmem>>
        %dma_start3A_230 = tpu.memref_squeeze %dma_start3A_229 : memref<1x128xi32, #tpu.memory_space<vmem>> -> memref<128xi32, #tpu.memory_space<vmem>>
        %dma_start3A_231 = arith.constant 0 : i32
        %dma_start3A_232 = arith.constant 0 : i32
        %dma_start3A_233 = tpu.memref_slice %arg16[%dma_start3A_231, %dma_start3A_232] : memref<10112x128xf32, #tpu.memory_space<vmem_shared>> -> memref<10112x128xf32, #tpu.memory_space<vmem_shared>>
        tpu.enqueue_indirect_dma source(%arg15 : memref<128x128xf32, #tpu.memory_space<vmem>>) target(%dma_start3A_233 : memref<10112x128xf32, #tpu.memory_space<vmem_shared>>) offsets(%dma_start3A_230 : memref<128xi32, #tpu.memory_space<vmem>>) semaphore(%run_scoped3A_227 : memref<!tpu.dma_semaphore, #tpu.memory_space<semaphore_mem>>) {add = true}
        %dma_wait3A_234 = arith.constant 0 : i32
        %dma_wait3A_235 = tpu.memref_slice %arg13[%run_scoped3A_203, %dma_wait3A_234] : memref<8x128xi32, #tpu.memory_space<vmem>> -> memref<1x128xi32, #tpu.memory_space<vmem>>
        %dma_wait3A_236 = tpu.memref_squeeze %dma_wait3A_235 : memref<1x128xi32, #tpu.memory_space<vmem>> -> memref<128xi32, #tpu.memory_space<vmem>>
        %dma_wait3A_237 = arith.constant 0 : i32
        %dma_wait3A_238 = arith.constant 0 : i32
        %dma_wait3A_239 = tpu.memref_slice %arg16[%dma_wait3A_237, %dma_wait3A_238] : memref<10112x128xf32, #tpu.memory_space<vmem_shared>> -> memref<10112x128xf32, #tpu.memory_space<vmem_shared>>
        tpu.wait_indirect_dma semaphore(%run_scoped3A_227 : memref<!tpu.dma_semaphore, #tpu.memory_space<semaphore_mem>>) src(%arg15 : memref<128x128xf32, #tpu.memory_space<vmem>>) dst(%dma_wait3A_239 : memref<10112x128xf32, #tpu.memory_space<vmem_shared>>)
        tpu.yield
      }) : () -> ()
      %dma_start3A_204 = arith.constant 7 : i32
      %dma_start3A_205 = arith.constant 0 : i32
      %dma_start3A_206 = tpu.memref_slice %arg12[%dma_start3A_204, %dma_start3A_205] : memref<8x128xi32, #tpu.memory_space<vmem>> -> memref<1x128xi32, #tpu.memory_space<vmem>>
      %dma_start3A_207 = tpu.memref_squeeze %dma_start3A_206 : memref<1x128xi32, #tpu.memory_space<vmem>> -> memref<128xi32, #tpu.memory_space<vmem>>
      %dma_start3A_208 = arith.constant 0 : i32
      %dma_start3A_209 = arith.constant 0 : i32
      %dma_start3A_210 = tpu.memref_slice %arg2[%dma_start3A_208, %dma_start3A_209] : memref<10112x128xf32, #tpu.memory_space<hbm>> -> memref<10112x128xf32, #tpu.memory_space<hbm>>
      tpu.enqueue_indirect_dma source(%dma_start3A_210 : memref<10112x128xf32, #tpu.memory_space<hbm>>) target(%arg15 : memref<128x128xf32, #tpu.memory_space<vmem>>) offsets(%dma_start3A_207 : memref<128xi32, #tpu.memory_space<vmem>>) semaphore(%arg18 : memref<!tpu.dma_semaphore, #tpu.memory_space<semaphore_mem>>)
      %dma_wait3A_211 = arith.constant 6 : i32
      %dma_wait3A_212 = arith.constant 0 : i32
      %dma_wait3A_213 = tpu.memref_slice %arg12[%dma_wait3A_211, %dma_wait3A_212] : memref<8x128xi32, #tpu.memory_space<vmem>> -> memref<1x128xi32, #tpu.memory_space<vmem>>
      %dma_wait3A_214 = tpu.memref_squeeze %dma_wait3A_213 : memref<1x128xi32, #tpu.memory_space<vmem>> -> memref<128xi32, #tpu.memory_space<vmem>>
      %dma_wait3A_215 = arith.constant 0 : i32
      %dma_wait3A_216 = arith.constant 0 : i32
      %dma_wait3A_217 = tpu.memref_slice %arg2[%dma_wait3A_215, %dma_wait3A_216] : memref<10112x128xf32, #tpu.memory_space<hbm>> -> memref<10112x128xf32, #tpu.memory_space<hbm>>
      tpu.wait_indirect_dma semaphore(%arg17 : memref<!tpu.dma_semaphore, #tpu.memory_space<semaphore_mem>>) src(%dma_wait3A_217 : memref<10112x128xf32, #tpu.memory_space<hbm>>) dst(%arg14 : memref<128x128xf32, #tpu.memory_space<vmem>>)
      %run_scoped3A_218 = arith.constant 6 : i32
      "tpu.region"() ({
        %run_scoped3A_227 = tpu.sem_alloc : memref<!tpu.dma_semaphore, #tpu.memory_space<semaphore_mem>>
        %dma_start3A_228 = arith.constant 0 : i32
        %dma_start3A_229 = tpu.memref_slice %arg13[%run_scoped3A_218, %dma_start3A_228] : memref<8x128xi32, #tpu.memory_space<vmem>> -> memref<1x128xi32, #tpu.memory_space<vmem>>
        %dma_start3A_230 = tpu.memref_squeeze %dma_start3A_229 : memref<1x128xi32, #tpu.memory_space<vmem>> -> memref<128xi32, #tpu.memory_space<vmem>>
        %dma_start3A_231 = arith.constant 0 : i32
        %dma_start3A_232 = arith.constant 0 : i32
        %dma_start3A_233 = tpu.memref_slice %arg16[%dma_start3A_231, %dma_start3A_232] : memref<10112x128xf32, #tpu.memory_space<vmem_shared>> -> memref<10112x128xf32, #tpu.memory_space<vmem_shared>>
        tpu.enqueue_indirect_dma source(%arg14 : memref<128x128xf32, #tpu.memory_space<vmem>>) target(%dma_start3A_233 : memref<10112x128xf32, #tpu.memory_space<vmem_shared>>) offsets(%dma_start3A_230 : memref<128xi32, #tpu.memory_space<vmem>>) semaphore(%run_scoped3A_227 : memref<!tpu.dma_semaphore, #tpu.memory_space<semaphore_mem>>) {add = true}
        %dma_wait3A_234 = arith.constant 0 : i32
        %dma_wait3A_235 = tpu.memref_slice %arg13[%run_scoped3A_218, %dma_wait3A_234] : memref<8x128xi32, #tpu.memory_space<vmem>> -> memref<1x128xi32, #tpu.memory_space<vmem>>
        %dma_wait3A_236 = tpu.memref_squeeze %dma_wait3A_235 : memref<1x128xi32, #tpu.memory_space<vmem>> -> memref<128xi32, #tpu.memory_space<vmem>>
        %dma_wait3A_237 = arith.constant 0 : i32
        %dma_wait3A_238 = arith.constant 0 : i32
        %dma_wait3A_239 = tpu.memref_slice %arg16[%dma_wait3A_237, %dma_wait3A_238] : memref<10112x128xf32, #tpu.memory_space<vmem_shared>> -> memref<10112x128xf32, #tpu.memory_space<vmem_shared>>
        tpu.wait_indirect_dma semaphore(%run_scoped3A_227 : memref<!tpu.dma_semaphore, #tpu.memory_space<semaphore_mem>>) src(%arg14 : memref<128x128xf32, #tpu.memory_space<vmem>>) dst(%dma_wait3A_239 : memref<10112x128xf32, #tpu.memory_space<vmem_shared>>)
        tpu.yield
      }) : () -> ()
      %dma_wait3A_219 = arith.constant 7 : i32
      %dma_wait3A_220 = arith.constant 0 : i32
      %dma_wait3A_221 = tpu.memref_slice %arg12[%dma_wait3A_219, %dma_wait3A_220] : memref<8x128xi32, #tpu.memory_space<vmem>> -> memref<1x128xi32, #tpu.memory_space<vmem>>
      %dma_wait3A_222 = tpu.memref_squeeze %dma_wait3A_221 : memref<1x128xi32, #tpu.memory_space<vmem>> -> memref<128xi32, #tpu.memory_space<vmem>>
      %dma_wait3A_223 = arith.constant 0 : i32
      %dma_wait3A_224 = arith.constant 0 : i32
      %dma_wait3A_225 = tpu.memref_slice %arg2[%dma_wait3A_223, %dma_wait3A_224] : memref<10112x128xf32, #tpu.memory_space<hbm>> -> memref<10112x128xf32, #tpu.memory_space<hbm>>
      tpu.wait_indirect_dma semaphore(%arg18 : memref<!tpu.dma_semaphore, #tpu.memory_space<semaphore_mem>>) src(%dma_wait3A_225 : memref<10112x128xf32, #tpu.memory_space<hbm>>) dst(%arg15 : memref<128x128xf32, #tpu.memory_space<vmem>>)
      %run_scoped3A_226 = arith.constant 7 : i32
      "tpu.region"() ({
        %run_scoped3A_227 = tpu.sem_alloc : memref<!tpu.dma_semaphore, #tpu.memory_space<semaphore_mem>>
        %dma_start3A_228 = arith.constant 0 : i32
        %dma_start3A_229 = tpu.memref_slice %arg13[%run_scoped3A_226, %dma_start3A_228] : memref<8x128xi32, #tpu.memory_space<vmem>> -> memref<1x128xi32, #tpu.memory_space<vmem>>
        %dma_start3A_230 = tpu.memref_squeeze %dma_start3A_229 : memref<1x128xi32, #tpu.memory_space<vmem>> -> memref<128xi32, #tpu.memory_space<vmem>>
        %dma_start3A_231 = arith.constant 0 : i32
        %dma_start3A_232 = arith.constant 0 : i32
        %dma_start3A_233 = tpu.memref_slice %arg16[%dma_start3A_231, %dma_start3A_232] : memref<10112x128xf32, #tpu.memory_space<vmem_shared>> -> memref<10112x128xf32, #tpu.memory_space<vmem_shared>>
        tpu.enqueue_indirect_dma source(%arg15 : memref<128x128xf32, #tpu.memory_space<vmem>>) target(%dma_start3A_233 : memref<10112x128xf32, #tpu.memory_space<vmem_shared>>) offsets(%dma_start3A_230 : memref<128xi32, #tpu.memory_space<vmem>>) semaphore(%run_scoped3A_227 : memref<!tpu.dma_semaphore, #tpu.memory_space<semaphore_mem>>) {add = true}
        %dma_wait3A_234 = arith.constant 0 : i32
        %dma_wait3A_235 = tpu.memref_slice %arg13[%run_scoped3A_226, %dma_wait3A_234] : memref<8x128xi32, #tpu.memory_space<vmem>> -> memref<1x128xi32, #tpu.memory_space<vmem>>
        %dma_wait3A_236 = tpu.memref_squeeze %dma_wait3A_235 : memref<1x128xi32, #tpu.memory_space<vmem>> -> memref<128xi32, #tpu.memory_space<vmem>>
        %dma_wait3A_237 = arith.constant 0 : i32
        %dma_wait3A_238 = arith.constant 0 : i32
        %dma_wait3A_239 = tpu.memref_slice %arg16[%dma_wait3A_237, %dma_wait3A_238] : memref<10112x128xf32, #tpu.memory_space<vmem_shared>> -> memref<10112x128xf32, #tpu.memory_space<vmem_shared>>
        tpu.wait_indirect_dma semaphore(%run_scoped3A_227 : memref<!tpu.dma_semaphore, #tpu.memory_space<semaphore_mem>>) src(%arg15 : memref<128x128xf32, #tpu.memory_space<vmem>>) dst(%dma_wait3A_239 : memref<10112x128xf32, #tpu.memory_space<vmem_shared>>)
        tpu.yield
      }) : () -> ()
    }
    %scan3A_45 = arith.constant 10 : i32
    %barrier3A_46 = arith.constant 0 : index
    tpu.barrier barrier_id(%barrier3A_46)
    %add3A_47 = arith.constant 0 : i32
    %add3A_48 = arith.addi %mul3A_2, %add3A_47 : i32
    "tpu.region"() ({
      %run_scoped3A = tpu.sem_alloc : memref<!tpu.dma_semaphore, #tpu.memory_space<semaphore_mem>>
      %dma_start3A = arith.constant 0 : i32
      %dma_start3A_105 = arith.constant 0 : i32
      %dma_start3A_106 = tpu.memref_slice %arg14[%dma_start3A, %dma_start3A_105] : memref<128x128xf32, #tpu.memory_space<vmem>> -> memref<128x128xf32, #tpu.memory_space<vmem>>
      %dma_start3A_107 = arith.constant 0 : i32
      %dma_start3A_108 = tpu.memref_slice %arg16[%add3A_48, %dma_start3A_107] : memref<10112x128xf32, #tpu.memory_space<vmem_shared>> -> memref<128x128xf32, #tpu.memory_space<vmem_shared>>
      %dma_start3A_109 = arith.constant 0 : i32
      %dma_start3A_110 = arith.constant 0 : i32
      %dma_start3A_111 = tpu.memref_slice %arg14[%dma_start3A_109, %dma_start3A_110] : memref<128x128xf32, #tpu.memory_space<vmem>> -> memref<128x128xf32, #tpu.memory_space<vmem>>
      %dma_start3A_112 = arith.constant 0 : i32
      %dma_start3A_113 = tpu.memref_slice %arg16[%add3A_48, %dma_start3A_112] : memref<10112x128xf32, #tpu.memory_space<vmem_shared>> -> memref<128x128xf32, #tpu.memory_space<vmem_shared>>
      tpu.enqueue_dma source(%dma_start3A_113 : memref<128x128xf32, #tpu.memory_space<vmem_shared>>) target(%dma_start3A_111 : memref<128x128xf32, #tpu.memory_space<vmem>>) target_semaphore(%run_scoped3A : memref<!tpu.dma_semaphore, #tpu.memory_space<semaphore_mem>>)
      %dma_wait3A = arith.constant 0 : i32
      %dma_wait3A_114 = arith.constant 0 : i32
      %dma_wait3A_115 = tpu.memref_slice %arg14[%dma_wait3A, %dma_wait3A_114] : memref<128x128xf32, #tpu.memory_space<vmem>> -> memref<128x128xf32, #tpu.memory_space<vmem>>
      %dma_wait3A_116 = arith.constant 0 : i32
      %dma_wait3A_117 = tpu.memref_slice %arg16[%add3A_48, %dma_wait3A_116] : memref<10112x128xf32, #tpu.memory_space<vmem_shared>> -> memref<128x128xf32, #tpu.memory_space<vmem_shared>>
      %dma_wait3A_118 = arith.constant 0 : i32
      %dma_wait3A_119 = arith.constant 0 : i32
      %dma_wait3A_120 = tpu.memref_slice %arg14[%dma_wait3A_118, %dma_wait3A_119] : memref<128x128xf32, #tpu.memory_space<vmem>> -> memref<128x128xf32, #tpu.memory_space<vmem>>
      %dma_wait3A_121 = arith.constant 0 : i32
      %dma_wait3A_122 = tpu.memref_slice %arg16[%add3A_48, %dma_wait3A_121] : memref<10112x128xf32, #tpu.memory_space<vmem_shared>> -> memref<128x128xf32, #tpu.memory_space<vmem_shared>>
      tpu.wait_dma2 semaphore(%run_scoped3A : memref<!tpu.dma_semaphore, #tpu.memory_space<semaphore_mem>>) src(%dma_wait3A_122 : memref<128x128xf32, #tpu.memory_space<vmem_shared>>) dst(%dma_wait3A_120 : memref<128x128xf32, #tpu.memory_space<vmem>>)
      tpu.yield
    }) : () -> ()
    %add3A_49 = arith.constant 0 : i32
    %add3A_50 = arith.addi %mul3A_2, %add3A_49 : i32
    "tpu.region"() ({
      %run_scoped3A = tpu.sem_alloc : memref<!tpu.dma_semaphore, #tpu.memory_space<semaphore_mem>>
      %dma_start3A = arith.constant 0 : i32
      %dma_start3A_105 = arith.constant 0 : i32
      %dma_start3A_106 = tpu.memref_slice %arg14[%dma_start3A, %dma_start3A_105] : memref<128x128xf32, #tpu.memory_space<vmem>> -> memref<128x128xf32, #tpu.memory_space<vmem>>
      %dma_start3A_107 = arith.constant 0 : i32
      %dma_start3A_108 = tpu.memref_slice %arg9[%arg0, %add3A_50, %dma_start3A_107] : memref<2x10112x128xf32, #tpu.memory_space<hbm>> -> memref<1x128x128xf32, #tpu.memory_space<hbm>>
      %dma_start3A_109 = tpu.memref_squeeze %dma_start3A_108 : memref<1x128x128xf32, #tpu.memory_space<hbm>> -> memref<128x128xf32, #tpu.memory_space<hbm>>
      %dma_start3A_110 = arith.constant 0 : i32
      %dma_start3A_111 = tpu.memref_slice %arg9[%arg0, %add3A_50, %dma_start3A_110] : memref<2x10112x128xf32, #tpu.memory_space<hbm>> -> memref<1x128x128xf32, #tpu.memory_space<hbm>>
      %dma_start3A_112 = tpu.memref_squeeze %dma_start3A_111 : memref<1x128x128xf32, #tpu.memory_space<hbm>> -> memref<128x128xf32, #tpu.memory_space<hbm>>
      %dma_start3A_113 = arith.constant 0 : i32
      %dma_start3A_114 = arith.constant 0 : i32
      %dma_start3A_115 = tpu.memref_slice %arg14[%dma_start3A_113, %dma_start3A_114] : memref<128x128xf32, #tpu.memory_space<vmem>> -> memref<128x128xf32, #tpu.memory_space<vmem>>
      tpu.enqueue_dma source(%dma_start3A_115 : memref<128x128xf32, #tpu.memory_space<vmem>>) target(%dma_start3A_112 : memref<128x128xf32, #tpu.memory_space<hbm>>) target_semaphore(%run_scoped3A : memref<!tpu.dma_semaphore, #tpu.memory_space<semaphore_mem>>)
      %dma_wait3A = arith.constant 0 : i32
      %dma_wait3A_116 = arith.constant 0 : i32
      %dma_wait3A_117 = tpu.memref_slice %arg14[%dma_wait3A, %dma_wait3A_116] : memref<128x128xf32, #tpu.memory_space<vmem>> -> memref<128x128xf32, #tpu.memory_space<vmem>>
      %dma_wait3A_118 = arith.constant 0 : i32
      %dma_wait3A_119 = tpu.memref_slice %arg9[%arg0, %add3A_50, %dma_wait3A_118] : memref<2x10112x128xf32, #tpu.memory_space<hbm>> -> memref<1x128x128xf32, #tpu.memory_space<hbm>>
      %dma_wait3A_120 = tpu.memref_squeeze %dma_wait3A_119 : memref<1x128x128xf32, #tpu.memory_space<hbm>> -> memref<128x128xf32, #tpu.memory_space<hbm>>
      %dma_wait3A_121 = arith.constant 0 : i32
      %dma_wait3A_122 = tpu.memref_slice %arg9[%arg0, %add3A_50, %dma_wait3A_121] : memref<2x10112x128xf32, #tpu.memory_space<hbm>> -> memref<1x128x128xf32, #tpu.memory_space<hbm>>
      %dma_wait3A_123 = tpu.memref_squeeze %dma_wait3A_122 : memref<1x128x128xf32, #tpu.memory_space<hbm>> -> memref<128x128xf32, #tpu.memory_space<hbm>>
      %dma_wait3A_124 = arith.constant 0 : i32
      %dma_wait3A_125 = arith.constant 0 : i32
      %dma_wait3A_126 = tpu.memref_slice %arg14[%dma_wait3A_124, %dma_wait3A_125] : memref<128x128xf32, #tpu.memory_space<vmem>> -> memref<128x128xf32, #tpu.memory_space<vmem>>
      tpu.wait_dma2 semaphore(%run_scoped3A : memref<!tpu.dma_semaphore, #tpu.memory_space<semaphore_mem>>) src(%dma_wait3A_126 : memref<128x128xf32, #tpu.memory_space<vmem>>) dst(%dma_wait3A_123 : memref<128x128xf32, #tpu.memory_space<hbm>>)
      tpu.yield
    }) : () -> ()
    %add3A_51 = arith.constant 128 : i32
    %add3A_52 = arith.addi %mul3A_2, %add3A_51 : i32
    "tpu.region"() ({
      %run_scoped3A = tpu.sem_alloc : memref<!tpu.dma_semaphore, #tpu.memory_space<semaphore_mem>>
      %dma_start3A = arith.constant 0 : i32
      %dma_start3A_105 = arith.constant 0 : i32
      %dma_start3A_106 = tpu.memref_slice %arg14[%dma_start3A, %dma_start3A_105] : memref<128x128xf32, #tpu.memory_space<vmem>> -> memref<128x128xf32, #tpu.memory_space<vmem>>
      %dma_start3A_107 = arith.constant 0 : i32
      %dma_start3A_108 = tpu.memref_slice %arg16[%add3A_52, %dma_start3A_107] : memref<10112x128xf32, #tpu.memory_space<vmem_shared>> -> memref<128x128xf32, #tpu.memory_space<vmem_shared>>
      %dma_start3A_109 = arith.constant 0 : i32
      %dma_start3A_110 = arith.constant 0 : i32
      %dma_start3A_111 = tpu.memref_slice %arg14[%dma_start3A_109, %dma_start3A_110] : memref<128x128xf32, #tpu.memory_space<vmem>> -> memref<128x128xf32, #tpu.memory_space<vmem>>
      %dma_start3A_112 = arith.constant 0 : i32
      %dma_start3A_113 = tpu.memref_slice %arg16[%add3A_52, %dma_start3A_112] : memref<10112x128xf32, #tpu.memory_space<vmem_shared>> -> memref<128x128xf32, #tpu.memory_space<vmem_shared>>
      tpu.enqueue_dma source(%dma_start3A_113 : memref<128x128xf32, #tpu.memory_space<vmem_shared>>) target(%dma_start3A_111 : memref<128x128xf32, #tpu.memory_space<vmem>>) target_semaphore(%run_scoped3A : memref<!tpu.dma_semaphore, #tpu.memory_space<semaphore_mem>>)
      %dma_wait3A = arith.constant 0 : i32
      %dma_wait3A_114 = arith.constant 0 : i32
      %dma_wait3A_115 = tpu.memref_slice %arg14[%dma_wait3A, %dma_wait3A_114] : memref<128x128xf32, #tpu.memory_space<vmem>> -> memref<128x128xf32, #tpu.memory_space<vmem>>
      %dma_wait3A_116 = arith.constant 0 : i32
      %dma_wait3A_117 = tpu.memref_slice %arg16[%add3A_52, %dma_wait3A_116] : memref<10112x128xf32, #tpu.memory_space<vmem_shared>> -> memref<128x128xf32, #tpu.memory_space<vmem_shared>>
      %dma_wait3A_118 = arith.constant 0 : i32
      %dma_wait3A_119 = arith.constant 0 : i32
      %dma_wait3A_120 = tpu.memref_slice %arg14[%dma_wait3A_118, %dma_wait3A_119] : memref<128x128xf32, #tpu.memory_space<vmem>> -> memref<128x128xf32, #tpu.memory_space<vmem>>
      %dma_wait3A_121 = arith.constant 0 : i32
      %dma_wait3A_122 = tpu.memref_slice %arg16[%add3A_52, %dma_wait3A_121] : memref<10112x128xf32, #tpu.memory_space<vmem_shared>> -> memref<128x128xf32, #tpu.memory_space<vmem_shared>>
      tpu.wait_dma2 semaphore(%run_scoped3A : memref<!tpu.dma_semaphore, #tpu.memory_space<semaphore_mem>>) src(%dma_wait3A_122 : memref<128x128xf32, #tpu.memory_space<vmem_shared>>) dst(%dma_wait3A_120 : memref<128x128xf32, #tpu.memory_space<vmem>>)
      tpu.yield
    }) : () -> ()
    %add3A_53 = arith.constant 128 : i32
    %add3A_54 = arith.addi %mul3A_2, %add3A_53 : i32
    "tpu.region"() ({
      %run_scoped3A = tpu.sem_alloc : memref<!tpu.dma_semaphore, #tpu.memory_space<semaphore_mem>>
      %dma_start3A = arith.constant 0 : i32
      %dma_start3A_105 = arith.constant 0 : i32
      %dma_start3A_106 = tpu.memref_slice %arg14[%dma_start3A, %dma_start3A_105] : memref<128x128xf32, #tpu.memory_space<vmem>> -> memref<128x128xf32, #tpu.memory_space<vmem>>
      %dma_start3A_107 = arith.constant 0 : i32
      %dma_start3A_108 = tpu.memref_slice %arg9[%arg0, %add3A_54, %dma_start3A_107] : memref<2x10112x128xf32, #tpu.memory_space<hbm>> -> memref<1x128x128xf32, #tpu.memory_space<hbm>>
      %dma_start3A_109 = tpu.memref_squeeze %dma_start3A_108 : memref<1x128x128xf32, #tpu.memory_space<hbm>> -> memref<128x128xf32, #tpu.memory_space<hbm>>
      %dma_start3A_110 = arith.constant 0 : i32
      %dma_start3A_111 = tpu.memref_slice %arg9[%arg0, %add3A_54, %dma_start3A_110] : memref<2x10112x128xf32, #tpu.memory_space<hbm>> -> memref<1x128x128xf32, #tpu.memory_space<hbm>>
      %dma_start3A_112 = tpu.memref_squeeze %dma_start3A_111 : memref<1x128x128xf32, #tpu.memory_space<hbm>> -> memref<128x128xf32, #tpu.memory_space<hbm>>
      %dma_start3A_113 = arith.constant 0 : i32
      %dma_start3A_114 = arith.constant 0 : i32
      %dma_start3A_115 = tpu.memref_slice %arg14[%dma_start3A_113, %dma_start3A_114] : memref<128x128xf32, #tpu.memory_space<vmem>> -> memref<128x128xf32, #tpu.memory_space<vmem>>
      tpu.enqueue_dma source(%dma_start3A_115 : memref<128x128xf32, #tpu.memory_space<vmem>>) target(%dma_start3A_112 : memref<128x128xf32, #tpu.memory_space<hbm>>) target_semaphore(%run_scoped3A : memref<!tpu.dma_semaphore, #tpu.memory_space<semaphore_mem>>)
      %dma_wait3A = arith.constant 0 : i32
      %dma_wait3A_116 = arith.constant 0 : i32
      %dma_wait3A_117 = tpu.memref_slice %arg14[%dma_wait3A, %dma_wait3A_116] : memref<128x128xf32, #tpu.memory_space<vmem>> -> memref<128x128xf32, #tpu.memory_space<vmem>>
      %dma_wait3A_118 = arith.constant 0 : i32
      %dma_wait3A_119 = tpu.memref_slice %arg9[%arg0, %add3A_54, %dma_wait3A_118] : memref<2x10112x128xf32, #tpu.memory_space<hbm>> -> memref<1x128x128xf32, #tpu.memory_space<hbm>>
      %dma_wait3A_120 = tpu.memref_squeeze %dma_wait3A_119 : memref<1x128x128xf32, #tpu.memory_space<hbm>> -> memref<128x128xf32, #tpu.memory_space<hbm>>
      %dma_wait3A_121 = arith.constant 0 : i32
      %dma_wait3A_122 = tpu.memref_slice %arg9[%arg0, %add3A_54, %dma_wait3A_121] : memref<2x10112x128xf32, #tpu.memory_space<hbm>> -> memref<1x128x128xf32, #tpu.memory_space<hbm>>
      %dma_wait3A_123 = tpu.memref_squeeze %dma_wait3A_122 : memref<1x128x128xf32, #tpu.memory_space<hbm>> -> memref<128x128xf32, #tpu.memory_space<hbm>>
      %dma_wait3A_124 = arith.constant 0 : i32
      %dma_wait3A_125 = arith.constant 0 : i32
      %dma_wait3A_126 = tpu.memref_slice %arg14[%dma_wait3A_124, %dma_wait3A_125] : memref<128x128xf32, #tpu.memory_space<vmem>> -> memref<128x128xf32, #tpu.memory_space<vmem>>
      tpu.wait_dma2 semaphore(%run_scoped3A : memref<!tpu.dma_semaphore, #tpu.memory_space<semaphore_mem>>) src(%dma_wait3A_126 : memref<128x128xf32, #tpu.memory_space<vmem>>) dst(%dma_wait3A_123 : memref<128x128xf32, #tpu.memory_space<hbm>>)
      tpu.yield
    }) : () -> ()
    %add3A_55 = arith.constant 256 : i32
    %add3A_56 = arith.addi %mul3A_2, %add3A_55 : i32
    "tpu.region"() ({
      %run_scoped3A = tpu.sem_alloc : memref<!tpu.dma_semaphore, #tpu.memory_space<semaphore_mem>>
      %dma_start3A = arith.constant 0 : i32
      %dma_start3A_105 = arith.constant 0 : i32
      %dma_start3A_106 = tpu.memref_slice %arg14[%dma_start3A, %dma_start3A_105] : memref<128x128xf32, #tpu.memory_space<vmem>> -> memref<128x128xf32, #tpu.memory_space<vmem>>
      %dma_start3A_107 = arith.constant 0 : i32
      %dma_start3A_108 = tpu.memref_slice %arg16[%add3A_56, %dma_start3A_107] : memref<10112x128xf32, #tpu.memory_space<vmem_shared>> -> memref<128x128xf32, #tpu.memory_space<vmem_shared>>
      %dma_start3A_109 = arith.constant 0 : i32
      %dma_start3A_110 = arith.constant 0 : i32
      %dma_start3A_111 = tpu.memref_slice %arg14[%dma_start3A_109, %dma_start3A_110] : memref<128x128xf32, #tpu.memory_space<vmem>> -> memref<128x128xf32, #tpu.memory_space<vmem>>
      %dma_start3A_112 = arith.constant 0 : i32
      %dma_start3A_113 = tpu.memref_slice %arg16[%add3A_56, %dma_start3A_112] : memref<10112x128xf32, #tpu.memory_space<vmem_shared>> -> memref<128x128xf32, #tpu.memory_space<vmem_shared>>
      tpu.enqueue_dma source(%dma_start3A_113 : memref<128x128xf32, #tpu.memory_space<vmem_shared>>) target(%dma_start3A_111 : memref<128x128xf32, #tpu.memory_space<vmem>>) target_semaphore(%run_scoped3A : memref<!tpu.dma_semaphore, #tpu.memory_space<semaphore_mem>>)
      %dma_wait3A = arith.constant 0 : i32
      %dma_wait3A_114 = arith.constant 0 : i32
      %dma_wait3A_115 = tpu.memref_slice %arg14[%dma_wait3A, %dma_wait3A_114] : memref<128x128xf32, #tpu.memory_space<vmem>> -> memref<128x128xf32, #tpu.memory_space<vmem>>
      %dma_wait3A_116 = arith.constant 0 : i32
      %dma_wait3A_117 = tpu.memref_slice %arg16[%add3A_56, %dma_wait3A_116] : memref<10112x128xf32, #tpu.memory_space<vmem_shared>> -> memref<128x128xf32, #tpu.memory_space<vmem_shared>>
      %dma_wait3A_118 = arith.constant 0 : i32
      %dma_wait3A_119 = arith.constant 0 : i32
      %dma_wait3A_120 = tpu.memref_slice %arg14[%dma_wait3A_118, %dma_wait3A_119] : memref<128x128xf32, #tpu.memory_space<vmem>> -> memref<128x128xf32, #tpu.memory_space<vmem>>
      %dma_wait3A_121 = arith.constant 0 : i32
      %dma_wait3A_122 = tpu.memref_slice %arg16[%add3A_56, %dma_wait3A_121] : memref<10112x128xf32, #tpu.memory_space<vmem_shared>> -> memref<128x128xf32, #tpu.memory_space<vmem_shared>>
      tpu.wait_dma2 semaphore(%run_scoped3A : memref<!tpu.dma_semaphore, #tpu.memory_space<semaphore_mem>>) src(%dma_wait3A_122 : memref<128x128xf32, #tpu.memory_space<vmem_shared>>) dst(%dma_wait3A_120 : memref<128x128xf32, #tpu.memory_space<vmem>>)
      tpu.yield
    }) : () -> ()
    %add3A_57 = arith.constant 256 : i32
    %add3A_58 = arith.addi %mul3A_2, %add3A_57 : i32
    "tpu.region"() ({
      %run_scoped3A = tpu.sem_alloc : memref<!tpu.dma_semaphore, #tpu.memory_space<semaphore_mem>>
      %dma_start3A = arith.constant 0 : i32
      %dma_start3A_105 = arith.constant 0 : i32
      %dma_start3A_106 = tpu.memref_slice %arg14[%dma_start3A, %dma_start3A_105] : memref<128x128xf32, #tpu.memory_space<vmem>> -> memref<128x128xf32, #tpu.memory_space<vmem>>
      %dma_start3A_107 = arith.constant 0 : i32
      %dma_start3A_108 = tpu.memref_slice %arg9[%arg0, %add3A_58, %dma_start3A_107] : memref<2x10112x128xf32, #tpu.memory_space<hbm>> -> memref<1x128x128xf32, #tpu.memory_space<hbm>>
      %dma_start3A_109 = tpu.memref_squeeze %dma_start3A_108 : memref<1x128x128xf32, #tpu.memory_space<hbm>> -> memref<128x128xf32, #tpu.memory_space<hbm>>
      %dma_start3A_110 = arith.constant 0 : i32
      %dma_start3A_111 = tpu.memref_slice %arg9[%arg0, %add3A_58, %dma_start3A_110] : memref<2x10112x128xf32, #tpu.memory_space<hbm>> -> memref<1x128x128xf32, #tpu.memory_space<hbm>>
      %dma_start3A_112 = tpu.memref_squeeze %dma_start3A_111 : memref<1x128x128xf32, #tpu.memory_space<hbm>> -> memref<128x128xf32, #tpu.memory_space<hbm>>
      %dma_start3A_113 = arith.constant 0 : i32
      %dma_start3A_114 = arith.constant 0 : i32
      %dma_start3A_115 = tpu.memref_slice %arg14[%dma_start3A_113, %dma_start3A_114] : memref<128x128xf32, #tpu.memory_space<vmem>> -> memref<128x128xf32, #tpu.memory_space<vmem>>
      tpu.enqueue_dma source(%dma_start3A_115 : memref<128x128xf32, #tpu.memory_space<vmem>>) target(%dma_start3A_112 : memref<128x128xf32, #tpu.memory_space<hbm>>) target_semaphore(%run_scoped3A : memref<!tpu.dma_semaphore, #tpu.memory_space<semaphore_mem>>)
      %dma_wait3A = arith.constant 0 : i32
      %dma_wait3A_116 = arith.constant 0 : i32
      %dma_wait3A_117 = tpu.memref_slice %arg14[%dma_wait3A, %dma_wait3A_116] : memref<128x128xf32, #tpu.memory_space<vmem>> -> memref<128x128xf32, #tpu.memory_space<vmem>>
      %dma_wait3A_118 = arith.constant 0 : i32
      %dma_wait3A_119 = tpu.memref_slice %arg9[%arg0, %add3A_58, %dma_wait3A_118] : memref<2x10112x128xf32, #tpu.memory_space<hbm>> -> memref<1x128x128xf32, #tpu.memory_space<hbm>>
      %dma_wait3A_120 = tpu.memref_squeeze %dma_wait3A_119 : memref<1x128x128xf32, #tpu.memory_space<hbm>> -> memref<128x128xf32, #tpu.memory_space<hbm>>
      %dma_wait3A_121 = arith.constant 0 : i32
      %dma_wait3A_122 = tpu.memref_slice %arg9[%arg0, %add3A_58, %dma_wait3A_121] : memref<2x10112x128xf32, #tpu.memory_space<hbm>> -> memref<1x128x128xf32, #tpu.memory_space<hbm>>
      %dma_wait3A_123 = tpu.memref_squeeze %dma_wait3A_122 : memref<1x128x128xf32, #tpu.memory_space<hbm>> -> memref<128x128xf32, #tpu.memory_space<hbm>>
      %dma_wait3A_124 = arith.constant 0 : i32
      %dma_wait3A_125 = arith.constant 0 : i32
      %dma_wait3A_126 = tpu.memref_slice %arg14[%dma_wait3A_124, %dma_wait3A_125] : memref<128x128xf32, #tpu.memory_space<vmem>> -> memref<128x128xf32, #tpu.memory_space<vmem>>
      tpu.wait_dma2 semaphore(%run_scoped3A : memref<!tpu.dma_semaphore, #tpu.memory_space<semaphore_mem>>) src(%dma_wait3A_126 : memref<128x128xf32, #tpu.memory_space<vmem>>) dst(%dma_wait3A_123 : memref<128x128xf32, #tpu.memory_space<hbm>>)
      tpu.yield
    }) : () -> ()
    %add3A_59 = arith.constant 384 : i32
    %add3A_60 = arith.addi %mul3A_2, %add3A_59 : i32
    "tpu.region"() ({
      %run_scoped3A = tpu.sem_alloc : memref<!tpu.dma_semaphore, #tpu.memory_space<semaphore_mem>>
      %dma_start3A = arith.constant 0 : i32
      %dma_start3A_105 = arith.constant 0 : i32
      %dma_start3A_106 = tpu.memref_slice %arg14[%dma_start3A, %dma_start3A_105] : memref<128x128xf32, #tpu.memory_space<vmem>> -> memref<128x128xf32, #tpu.memory_space<vmem>>
      %dma_start3A_107 = arith.constant 0 : i32
      %dma_start3A_108 = tpu.memref_slice %arg16[%add3A_60, %dma_start3A_107] : memref<10112x128xf32, #tpu.memory_space<vmem_shared>> -> memref<128x128xf32, #tpu.memory_space<vmem_shared>>
      %dma_start3A_109 = arith.constant 0 : i32
      %dma_start3A_110 = arith.constant 0 : i32
      %dma_start3A_111 = tpu.memref_slice %arg14[%dma_start3A_109, %dma_start3A_110] : memref<128x128xf32, #tpu.memory_space<vmem>> -> memref<128x128xf32, #tpu.memory_space<vmem>>
      %dma_start3A_112 = arith.constant 0 : i32
      %dma_start3A_113 = tpu.memref_slice %arg16[%add3A_60, %dma_start3A_112] : memref<10112x128xf32, #tpu.memory_space<vmem_shared>> -> memref<128x128xf32, #tpu.memory_space<vmem_shared>>
      tpu.enqueue_dma source(%dma_start3A_113 : memref<128x128xf32, #tpu.memory_space<vmem_shared>>) target(%dma_start3A_111 : memref<128x128xf32, #tpu.memory_space<vmem>>) target_semaphore(%run_scoped3A : memref<!tpu.dma_semaphore, #tpu.memory_space<semaphore_mem>>)
      %dma_wait3A = arith.constant 0 : i32
      %dma_wait3A_114 = arith.constant 0 : i32
      %dma_wait3A_115 = tpu.memref_slice %arg14[%dma_wait3A, %dma_wait3A_114] : memref<128x128xf32, #tpu.memory_space<vmem>> -> memref<128x128xf32, #tpu.memory_space<vmem>>
      %dma_wait3A_116 = arith.constant 0 : i32
      %dma_wait3A_117 = tpu.memref_slice %arg16[%add3A_60, %dma_wait3A_116] : memref<10112x128xf32, #tpu.memory_space<vmem_shared>> -> memref<128x128xf32, #tpu.memory_space<vmem_shared>>
      %dma_wait3A_118 = arith.constant 0 : i32
      %dma_wait3A_119 = arith.constant 0 : i32
      %dma_wait3A_120 = tpu.memref_slice %arg14[%dma_wait3A_118, %dma_wait3A_119] : memref<128x128xf32, #tpu.memory_space<vmem>> -> memref<128x128xf32, #tpu.memory_space<vmem>>
      %dma_wait3A_121 = arith.constant 0 : i32
      %dma_wait3A_122 = tpu.memref_slice %arg16[%add3A_60, %dma_wait3A_121] : memref<10112x128xf32, #tpu.memory_space<vmem_shared>> -> memref<128x128xf32, #tpu.memory_space<vmem_shared>>
      tpu.wait_dma2 semaphore(%run_scoped3A : memref<!tpu.dma_semaphore, #tpu.memory_space<semaphore_mem>>) src(%dma_wait3A_122 : memref<128x128xf32, #tpu.memory_space<vmem_shared>>) dst(%dma_wait3A_120 : memref<128x128xf32, #tpu.memory_space<vmem>>)
      tpu.yield
    }) : () -> ()
    %add3A_61 = arith.constant 384 : i32
    %add3A_62 = arith.addi %mul3A_2, %add3A_61 : i32
    "tpu.region"() ({
      %run_scoped3A = tpu.sem_alloc : memref<!tpu.dma_semaphore, #tpu.memory_space<semaphore_mem>>
      %dma_start3A = arith.constant 0 : i32
      %dma_start3A_105 = arith.constant 0 : i32
      %dma_start3A_106 = tpu.memref_slice %arg14[%dma_start3A, %dma_start3A_105] : memref<128x128xf32, #tpu.memory_space<vmem>> -> memref<128x128xf32, #tpu.memory_space<vmem>>
      %dma_start3A_107 = arith.constant 0 : i32
      %dma_start3A_108 = tpu.memref_slice %arg9[%arg0, %add3A_62, %dma_start3A_107] : memref<2x10112x128xf32, #tpu.memory_space<hbm>> -> memref<1x128x128xf32, #tpu.memory_space<hbm>>
      %dma_start3A_109 = tpu.memref_squeeze %dma_start3A_108 : memref<1x128x128xf32, #tpu.memory_space<hbm>> -> memref<128x128xf32, #tpu.memory_space<hbm>>
      %dma_start3A_110 = arith.constant 0 : i32
      %dma_start3A_111 = tpu.memref_slice %arg9[%arg0, %add3A_62, %dma_start3A_110] : memref<2x10112x128xf32, #tpu.memory_space<hbm>> -> memref<1x128x128xf32, #tpu.memory_space<hbm>>
      %dma_start3A_112 = tpu.memref_squeeze %dma_start3A_111 : memref<1x128x128xf32, #tpu.memory_space<hbm>> -> memref<128x128xf32, #tpu.memory_space<hbm>>
      %dma_start3A_113 = arith.constant 0 : i32
      %dma_start3A_114 = arith.constant 0 : i32
      %dma_start3A_115 = tpu.memref_slice %arg14[%dma_start3A_113, %dma_start3A_114] : memref<128x128xf32, #tpu.memory_space<vmem>> -> memref<128x128xf32, #tpu.memory_space<vmem>>
      tpu.enqueue_dma source(%dma_start3A_115 : memref<128x128xf32, #tpu.memory_space<vmem>>) target(%dma_start3A_112 : memref<128x128xf32, #tpu.memory_space<hbm>>) target_semaphore(%run_scoped3A : memref<!tpu.dma_semaphore, #tpu.memory_space<semaphore_mem>>)
      %dma_wait3A = arith.constant 0 : i32
      %dma_wait3A_116 = arith.constant 0 : i32
      %dma_wait3A_117 = tpu.memref_slice %arg14[%dma_wait3A, %dma_wait3A_116] : memref<128x128xf32, #tpu.memory_space<vmem>> -> memref<128x128xf32, #tpu.memory_space<vmem>>
      %dma_wait3A_118 = arith.constant 0 : i32
      %dma_wait3A_119 = tpu.memref_slice %arg9[%arg0, %add3A_62, %dma_wait3A_118] : memref<2x10112x128xf32, #tpu.memory_space<hbm>> -> memref<1x128x128xf32, #tpu.memory_space<hbm>>
      %dma_wait3A_120 = tpu.memref_squeeze %dma_wait3A_119 : memref<1x128x128xf32, #tpu.memory_space<hbm>> -> memref<128x128xf32, #tpu.memory_space<hbm>>
      %dma_wait3A_121 = arith.constant 0 : i32
      %dma_wait3A_122 = tpu.memref_slice %arg9[%arg0, %add3A_62, %dma_wait3A_121] : memref<2x10112x128xf32, #tpu.memory_space<hbm>> -> memref<1x128x128xf32, #tpu.memory_space<hbm>>
      %dma_wait3A_123 = tpu.memref_squeeze %dma_wait3A_122 : memref<1x128x128xf32, #tpu.memory_space<hbm>> -> memref<128x128xf32, #tpu.memory_space<hbm>>
      %dma_wait3A_124 = arith.constant 0 : i32
      %dma_wait3A_125 = arith.constant 0 : i32
      %dma_wait3A_126 = tpu.memref_slice %arg14[%dma_wait3A_124, %dma_wait3A_125] : memref<128x128xf32, #tpu.memory_space<vmem>> -> memref<128x128xf32, #tpu.memory_space<vmem>>
      tpu.wait_dma2 semaphore(%run_scoped3A : memref<!tpu.dma_semaphore, #tpu.memory_space<semaphore_mem>>) src(%dma_wait3A_126 : memref<128x128xf32, #tpu.memory_space<vmem>>) dst(%dma_wait3A_123 : memref<128x128xf32, #tpu.memory_space<hbm>>)
      tpu.yield
    }) : () -> ()
    %add3A_63 = arith.constant 512 : i32
    %add3A_64 = arith.addi %mul3A_2, %add3A_63 : i32
    "tpu.region"() ({
      %run_scoped3A = tpu.sem_alloc : memref<!tpu.dma_semaphore, #tpu.memory_space<semaphore_mem>>
      %dma_start3A = arith.constant 0 : i32
      %dma_start3A_105 = arith.constant 0 : i32
      %dma_start3A_106 = tpu.memref_slice %arg14[%dma_start3A, %dma_start3A_105] : memref<128x128xf32, #tpu.memory_space<vmem>> -> memref<120x128xf32, #tpu.memory_space<vmem>>
      %dma_start3A_107 = arith.constant 0 : i32
      %dma_start3A_108 = tpu.memref_slice %arg16[%add3A_64, %dma_start3A_107] : memref<10112x128xf32, #tpu.memory_space<vmem_shared>> -> memref<120x128xf32, #tpu.memory_space<vmem_shared>>
      %dma_start3A_109 = arith.constant 0 : i32
      %dma_start3A_110 = arith.constant 0 : i32
      %dma_start3A_111 = tpu.memref_slice %arg14[%dma_start3A_109, %dma_start3A_110] : memref<128x128xf32, #tpu.memory_space<vmem>> -> memref<120x128xf32, #tpu.memory_space<vmem>>
      %dma_start3A_112 = arith.constant 0 : i32
      %dma_start3A_113 = tpu.memref_slice %arg16[%add3A_64, %dma_start3A_112] : memref<10112x128xf32, #tpu.memory_space<vmem_shared>> -> memref<120x128xf32, #tpu.memory_space<vmem_shared>>
      tpu.enqueue_dma source(%dma_start3A_113 : memref<120x128xf32, #tpu.memory_space<vmem_shared>>) target(%dma_start3A_111 : memref<120x128xf32, #tpu.memory_space<vmem>>) target_semaphore(%run_scoped3A : memref<!tpu.dma_semaphore, #tpu.memory_space<semaphore_mem>>)
      %dma_wait3A = arith.constant 0 : i32
      %dma_wait3A_114 = arith.constant 0 : i32
      %dma_wait3A_115 = tpu.memref_slice %arg14[%dma_wait3A, %dma_wait3A_114] : memref<128x128xf32, #tpu.memory_space<vmem>> -> memref<120x128xf32, #tpu.memory_space<vmem>>
      %dma_wait3A_116 = arith.constant 0 : i32
      %dma_wait3A_117 = tpu.memref_slice %arg16[%add3A_64, %dma_wait3A_116] : memref<10112x128xf32, #tpu.memory_space<vmem_shared>> -> memref<120x128xf32, #tpu.memory_space<vmem_shared>>
      %dma_wait3A_118 = arith.constant 0 : i32
      %dma_wait3A_119 = arith.constant 0 : i32
      %dma_wait3A_120 = tpu.memref_slice %arg14[%dma_wait3A_118, %dma_wait3A_119] : memref<128x128xf32, #tpu.memory_space<vmem>> -> memref<120x128xf32, #tpu.memory_space<vmem>>
      %dma_wait3A_121 = arith.constant 0 : i32
      %dma_wait3A_122 = tpu.memref_slice %arg16[%add3A_64, %dma_wait3A_121] : memref<10112x128xf32, #tpu.memory_space<vmem_shared>> -> memref<120x128xf32, #tpu.memory_space<vmem_shared>>
      tpu.wait_dma2 semaphore(%run_scoped3A : memref<!tpu.dma_semaphore, #tpu.memory_space<semaphore_mem>>) src(%dma_wait3A_122 : memref<120x128xf32, #tpu.memory_space<vmem_shared>>) dst(%dma_wait3A_120 : memref<120x128xf32, #tpu.memory_space<vmem>>)
      tpu.yield
    }) : () -> ()
    %add3A_65 = arith.constant 512 : i32
    %add3A_66 = arith.addi %mul3A_2, %add3A_65 : i32
    "tpu.region"() ({
      %run_scoped3A = tpu.sem_alloc : memref<!tpu.dma_semaphore, #tpu.memory_space<semaphore_mem>>
      %dma_start3A = arith.constant 0 : i32
      %dma_start3A_105 = arith.constant 0 : i32
      %dma_start3A_106 = tpu.memref_slice %arg14[%dma_start3A, %dma_start3A_105] : memref<128x128xf32, #tpu.memory_space<vmem>> -> memref<120x128xf32, #tpu.memory_space<vmem>>
      %dma_start3A_107 = arith.constant 0 : i32
      %dma_start3A_108 = tpu.memref_slice %arg9[%arg0, %add3A_66, %dma_start3A_107] : memref<2x10112x128xf32, #tpu.memory_space<hbm>> -> memref<1x120x128xf32, #tpu.memory_space<hbm>>
      %dma_start3A_109 = tpu.memref_squeeze %dma_start3A_108 : memref<1x120x128xf32, #tpu.memory_space<hbm>> -> memref<120x128xf32, #tpu.memory_space<hbm>>
      %dma_start3A_110 = arith.constant 0 : i32
      %dma_start3A_111 = tpu.memref_slice %arg9[%arg0, %add3A_66, %dma_start3A_110] : memref<2x10112x128xf32, #tpu.memory_space<hbm>> -> memref<1x120x128xf32, #tpu.memory_space<hbm>>
      %dma_start3A_112 = tpu.memref_squeeze %dma_start3A_111 : memref<1x120x128xf32, #tpu.memory_space<hbm>> -> memref<120x128xf32, #tpu.memory_space<hbm>>
      %dma_start3A_113 = arith.constant 0 : i32
      %dma_start3A_114 = arith.constant 0 : i32
      %dma_start3A_115 = tpu.memref_slice %arg14[%dma_start3A_113, %dma_start3A_114] : memref<128x128xf32, #tpu.memory_space<vmem>> -> memref<120x128xf32, #tpu.memory_space<vmem>>
      tpu.enqueue_dma source(%dma_start3A_115 : memref<120x128xf32, #tpu.memory_space<vmem>>) target(%dma_start3A_112 : memref<120x128xf32, #tpu.memory_space<hbm>>) target_semaphore(%run_scoped3A : memref<!tpu.dma_semaphore, #tpu.memory_space<semaphore_mem>>)
      %dma_wait3A = arith.constant 0 : i32
      %dma_wait3A_116 = arith.constant 0 : i32
      %dma_wait3A_117 = tpu.memref_slice %arg14[%dma_wait3A, %dma_wait3A_116] : memref<128x128xf32, #tpu.memory_space<vmem>> -> memref<120x128xf32, #tpu.memory_space<vmem>>
      %dma_wait3A_118 = arith.constant 0 : i32
      %dma_wait3A_119 = tpu.memref_slice %arg9[%arg0, %add3A_66, %dma_wait3A_118] : memref<2x10112x128xf32, #tpu.memory_space<hbm>> -> memref<1x120x128xf32, #tpu.memory_space<hbm>>
      %dma_wait3A_120 = tpu.memref_squeeze %dma_wait3A_119 : memref<1x120x128xf32, #tpu.memory_space<hbm>> -> memref<120x128xf32, #tpu.memory_space<hbm>>
      %dma_wait3A_121 = arith.constant 0 : i32
      %dma_wait3A_122 = tpu.memref_slice %arg9[%arg0, %add3A_66, %dma_wait3A_121] : memref<2x10112x128xf32, #tpu.memory_space<hbm>> -> memref<1x120x128xf32, #tpu.memory_space<hbm>>
      %dma_wait3A_123 = tpu.memref_squeeze %dma_wait3A_122 : memref<1x120x128xf32, #tpu.memory_space<hbm>> -> memref<120x128xf32, #tpu.memory_space<hbm>>
      %dma_wait3A_124 = arith.constant 0 : i32
      %dma_wait3A_125 = arith.constant 0 : i32
      %dma_wait3A_126 = tpu.memref_slice %arg14[%dma_wait3A_124, %dma_wait3A_125] : memref<128x128xf32, #tpu.memory_space<vmem>> -> memref<120x128xf32, #tpu.memory_space<vmem>>
      tpu.wait_dma2 semaphore(%run_scoped3A : memref<!tpu.dma_semaphore, #tpu.memory_space<semaphore_mem>>) src(%dma_wait3A_126 : memref<120x128xf32, #tpu.memory_space<vmem>>) dst(%dma_wait3A_123 : memref<120x128xf32, #tpu.memory_space<hbm>>)
      tpu.yield
    }) : () -> ()
    "tpu.region"() ({
      %run_scoped3A = tpu.sem_alloc : memref<!tpu.dma_semaphore, #tpu.memory_space<semaphore_mem>>
      tpu.enqueue_dma source(%arg7 : memref<128x128xf32, #tpu.memory_space<hbm>>) target(%arg14 : memref<128x128xf32, #tpu.memory_space<vmem>>) target_semaphore(%run_scoped3A : memref<!tpu.dma_semaphore, #tpu.memory_space<semaphore_mem>>)
      tpu.wait_dma2 semaphore(%run_scoped3A : memref<!tpu.dma_semaphore, #tpu.memory_space<semaphore_mem>>) src(%arg7 : memref<128x128xf32, #tpu.memory_space<hbm>>) dst(%arg14 : memref<128x128xf32, #tpu.memory_space<vmem>>)
      tpu.yield
    }) : () -> ()
    %add3A_67 = arith.constant 0 : i32
    %add3A_68 = arith.addi %mul3A_2, %add3A_67 : i32
    "tpu.region"() ({
      %run_scoped3A = tpu.sem_alloc : memref<!tpu.dma_semaphore, #tpu.memory_space<semaphore_mem>>
      %dma_start3A = arith.constant 0 : i32
      %dma_start3A_105 = arith.constant 0 : i32
      %dma_start3A_106 = tpu.memref_slice %arg14[%dma_start3A, %dma_start3A_105] : memref<128x128xf32, #tpu.memory_space<vmem>> -> memref<128x128xf32, #tpu.memory_space<vmem>>
      %dma_start3A_107 = arith.constant 0 : i32
      %dma_start3A_108 = tpu.memref_slice %arg16[%add3A_68, %dma_start3A_107] : memref<10112x128xf32, #tpu.memory_space<vmem_shared>> -> memref<128x128xf32, #tpu.memory_space<vmem_shared>>
      %dma_start3A_109 = arith.constant 0 : i32
      %dma_start3A_110 = tpu.memref_slice %arg16[%add3A_68, %dma_start3A_109] : memref<10112x128xf32, #tpu.memory_space<vmem_shared>> -> memref<128x128xf32, #tpu.memory_space<vmem_shared>>
      %dma_start3A_111 = arith.constant 0 : i32
      %dma_start3A_112 = arith.constant 0 : i32
      %dma_start3A_113 = tpu.memref_slice %arg14[%dma_start3A_111, %dma_start3A_112] : memref<128x128xf32, #tpu.memory_space<vmem>> -> memref<128x128xf32, #tpu.memory_space<vmem>>
      tpu.enqueue_dma source(%dma_start3A_113 : memref<128x128xf32, #tpu.memory_space<vmem>>) target(%dma_start3A_110 : memref<128x128xf32, #tpu.memory_space<vmem_shared>>) target_semaphore(%run_scoped3A : memref<!tpu.dma_semaphore, #tpu.memory_space<semaphore_mem>>)
      %dma_wait3A = arith.constant 0 : i32
      %dma_wait3A_114 = arith.constant 0 : i32
      %dma_wait3A_115 = tpu.memref_slice %arg14[%dma_wait3A, %dma_wait3A_114] : memref<128x128xf32, #tpu.memory_space<vmem>> -> memref<128x128xf32, #tpu.memory_space<vmem>>
      %dma_wait3A_116 = arith.constant 0 : i32
      %dma_wait3A_117 = tpu.memref_slice %arg16[%add3A_68, %dma_wait3A_116] : memref<10112x128xf32, #tpu.memory_space<vmem_shared>> -> memref<128x128xf32, #tpu.memory_space<vmem_shared>>
      %dma_wait3A_118 = arith.constant 0 : i32
      %dma_wait3A_119 = tpu.memref_slice %arg16[%add3A_68, %dma_wait3A_118] : memref<10112x128xf32, #tpu.memory_space<vmem_shared>> -> memref<128x128xf32, #tpu.memory_space<vmem_shared>>
      %dma_wait3A_120 = arith.constant 0 : i32
      %dma_wait3A_121 = arith.constant 0 : i32
      %dma_wait3A_122 = tpu.memref_slice %arg14[%dma_wait3A_120, %dma_wait3A_121] : memref<128x128xf32, #tpu.memory_space<vmem>> -> memref<128x128xf32, #tpu.memory_space<vmem>>
      tpu.wait_dma2 semaphore(%run_scoped3A : memref<!tpu.dma_semaphore, #tpu.memory_space<semaphore_mem>>) src(%dma_wait3A_122 : memref<128x128xf32, #tpu.memory_space<vmem>>) dst(%dma_wait3A_119 : memref<128x128xf32, #tpu.memory_space<vmem_shared>>)
      tpu.yield
    }) : () -> ()
    %add3A_69 = arith.constant 128 : i32
    %add3A_70 = arith.addi %mul3A_2, %add3A_69 : i32
    "tpu.region"() ({
      %run_scoped3A = tpu.sem_alloc : memref<!tpu.dma_semaphore, #tpu.memory_space<semaphore_mem>>
      %dma_start3A = arith.constant 0 : i32
      %dma_start3A_105 = arith.constant 0 : i32
      %dma_start3A_106 = tpu.memref_slice %arg14[%dma_start3A, %dma_start3A_105] : memref<128x128xf32, #tpu.memory_space<vmem>> -> memref<128x128xf32, #tpu.memory_space<vmem>>
      %dma_start3A_107 = arith.constant 0 : i32
      %dma_start3A_108 = tpu.memref_slice %arg16[%add3A_70, %dma_start3A_107] : memref<10112x128xf32, #tpu.memory_space<vmem_shared>> -> memref<128x128xf32, #tpu.memory_space<vmem_shared>>
      %dma_start3A_109 = arith.constant 0 : i32
      %dma_start3A_110 = tpu.memref_slice %arg16[%add3A_70, %dma_start3A_109] : memref<10112x128xf32, #tpu.memory_space<vmem_shared>> -> memref<128x128xf32, #tpu.memory_space<vmem_shared>>
      %dma_start3A_111 = arith.constant 0 : i32
      %dma_start3A_112 = arith.constant 0 : i32
      %dma_start3A_113 = tpu.memref_slice %arg14[%dma_start3A_111, %dma_start3A_112] : memref<128x128xf32, #tpu.memory_space<vmem>> -> memref<128x128xf32, #tpu.memory_space<vmem>>
      tpu.enqueue_dma source(%dma_start3A_113 : memref<128x128xf32, #tpu.memory_space<vmem>>) target(%dma_start3A_110 : memref<128x128xf32, #tpu.memory_space<vmem_shared>>) target_semaphore(%run_scoped3A : memref<!tpu.dma_semaphore, #tpu.memory_space<semaphore_mem>>)
      %dma_wait3A = arith.constant 0 : i32
      %dma_wait3A_114 = arith.constant 0 : i32
      %dma_wait3A_115 = tpu.memref_slice %arg14[%dma_wait3A, %dma_wait3A_114] : memref<128x128xf32, #tpu.memory_space<vmem>> -> memref<128x128xf32, #tpu.memory_space<vmem>>
      %dma_wait3A_116 = arith.constant 0 : i32
      %dma_wait3A_117 = tpu.memref_slice %arg16[%add3A_70, %dma_wait3A_116] : memref<10112x128xf32, #tpu.memory_space<vmem_shared>> -> memref<128x128xf32, #tpu.memory_space<vmem_shared>>
      %dma_wait3A_118 = arith.constant 0 : i32
      %dma_wait3A_119 = tpu.memref_slice %arg16[%add3A_70, %dma_wait3A_118] : memref<10112x128xf32, #tpu.memory_space<vmem_shared>> -> memref<128x128xf32, #tpu.memory_space<vmem_shared>>
      %dma_wait3A_120 = arith.constant 0 : i32
      %dma_wait3A_121 = arith.constant 0 : i32
      %dma_wait3A_122 = tpu.memref_slice %arg14[%dma_wait3A_120, %dma_wait3A_121] : memref<128x128xf32, #tpu.memory_space<vmem>> -> memref<128x128xf32, #tpu.memory_space<vmem>>
      tpu.wait_dma2 semaphore(%run_scoped3A : memref<!tpu.dma_semaphore, #tpu.memory_space<semaphore_mem>>) src(%dma_wait3A_122 : memref<128x128xf32, #tpu.memory_space<vmem>>) dst(%dma_wait3A_119 : memref<128x128xf32, #tpu.memory_space<vmem_shared>>)
      tpu.yield
    }) : () -> ()
    %add3A_71 = arith.constant 256 : i32
    %add3A_72 = arith.addi %mul3A_2, %add3A_71 : i32
    "tpu.region"() ({
      %run_scoped3A = tpu.sem_alloc : memref<!tpu.dma_semaphore, #tpu.memory_space<semaphore_mem>>
      %dma_start3A = arith.constant 0 : i32
      %dma_start3A_105 = arith.constant 0 : i32
      %dma_start3A_106 = tpu.memref_slice %arg14[%dma_start3A, %dma_start3A_105] : memref<128x128xf32, #tpu.memory_space<vmem>> -> memref<128x128xf32, #tpu.memory_space<vmem>>
      %dma_start3A_107 = arith.constant 0 : i32
      %dma_start3A_108 = tpu.memref_slice %arg16[%add3A_72, %dma_start3A_107] : memref<10112x128xf32, #tpu.memory_space<vmem_shared>> -> memref<128x128xf32, #tpu.memory_space<vmem_shared>>
      %dma_start3A_109 = arith.constant 0 : i32
      %dma_start3A_110 = tpu.memref_slice %arg16[%add3A_72, %dma_start3A_109] : memref<10112x128xf32, #tpu.memory_space<vmem_shared>> -> memref<128x128xf32, #tpu.memory_space<vmem_shared>>
      %dma_start3A_111 = arith.constant 0 : i32
      %dma_start3A_112 = arith.constant 0 : i32
      %dma_start3A_113 = tpu.memref_slice %arg14[%dma_start3A_111, %dma_start3A_112] : memref<128x128xf32, #tpu.memory_space<vmem>> -> memref<128x128xf32, #tpu.memory_space<vmem>>
      tpu.enqueue_dma source(%dma_start3A_113 : memref<128x128xf32, #tpu.memory_space<vmem>>) target(%dma_start3A_110 : memref<128x128xf32, #tpu.memory_space<vmem_shared>>) target_semaphore(%run_scoped3A : memref<!tpu.dma_semaphore, #tpu.memory_space<semaphore_mem>>)
      %dma_wait3A = arith.constant 0 : i32
      %dma_wait3A_114 = arith.constant 0 : i32
      %dma_wait3A_115 = tpu.memref_slice %arg14[%dma_wait3A, %dma_wait3A_114] : memref<128x128xf32, #tpu.memory_space<vmem>> -> memref<128x128xf32, #tpu.memory_space<vmem>>
      %dma_wait3A_116 = arith.constant 0 : i32
      %dma_wait3A_117 = tpu.memref_slice %arg16[%add3A_72, %dma_wait3A_116] : memref<10112x128xf32, #tpu.memory_space<vmem_shared>> -> memref<128x128xf32, #tpu.memory_space<vmem_shared>>
      %dma_wait3A_118 = arith.constant 0 : i32
      %dma_wait3A_119 = tpu.memref_slice %arg16[%add3A_72, %dma_wait3A_118] : memref<10112x128xf32, #tpu.memory_space<vmem_shared>> -> memref<128x128xf32, #tpu.memory_space<vmem_shared>>
      %dma_wait3A_120 = arith.constant 0 : i32
      %dma_wait3A_121 = arith.constant 0 : i32
      %dma_wait3A_122 = tpu.memref_slice %arg14[%dma_wait3A_120, %dma_wait3A_121] : memref<128x128xf32, #tpu.memory_space<vmem>> -> memref<128x128xf32, #tpu.memory_space<vmem>>
      tpu.wait_dma2 semaphore(%run_scoped3A : memref<!tpu.dma_semaphore, #tpu.memory_space<semaphore_mem>>) src(%dma_wait3A_122 : memref<128x128xf32, #tpu.memory_space<vmem>>) dst(%dma_wait3A_119 : memref<128x128xf32, #tpu.memory_space<vmem_shared>>)
      tpu.yield
    }) : () -> ()
    %add3A_73 = arith.constant 384 : i32
    %add3A_74 = arith.addi %mul3A_2, %add3A_73 : i32
    "tpu.region"() ({
      %run_scoped3A = tpu.sem_alloc : memref<!tpu.dma_semaphore, #tpu.memory_space<semaphore_mem>>
      %dma_start3A = arith.constant 0 : i32
      %dma_start3A_105 = arith.constant 0 : i32
      %dma_start3A_106 = tpu.memref_slice %arg14[%dma_start3A, %dma_start3A_105] : memref<128x128xf32, #tpu.memory_space<vmem>> -> memref<128x128xf32, #tpu.memory_space<vmem>>
      %dma_start3A_107 = arith.constant 0 : i32
      %dma_start3A_108 = tpu.memref_slice %arg16[%add3A_74, %dma_start3A_107] : memref<10112x128xf32, #tpu.memory_space<vmem_shared>> -> memref<128x128xf32, #tpu.memory_space<vmem_shared>>
      %dma_start3A_109 = arith.constant 0 : i32
      %dma_start3A_110 = tpu.memref_slice %arg16[%add3A_74, %dma_start3A_109] : memref<10112x128xf32, #tpu.memory_space<vmem_shared>> -> memref<128x128xf32, #tpu.memory_space<vmem_shared>>
      %dma_start3A_111 = arith.constant 0 : i32
      %dma_start3A_112 = arith.constant 0 : i32
      %dma_start3A_113 = tpu.memref_slice %arg14[%dma_start3A_111, %dma_start3A_112] : memref<128x128xf32, #tpu.memory_space<vmem>> -> memref<128x128xf32, #tpu.memory_space<vmem>>
      tpu.enqueue_dma source(%dma_start3A_113 : memref<128x128xf32, #tpu.memory_space<vmem>>) target(%dma_start3A_110 : memref<128x128xf32, #tpu.memory_space<vmem_shared>>) target_semaphore(%run_scoped3A : memref<!tpu.dma_semaphore, #tpu.memory_space<semaphore_mem>>)
      %dma_wait3A = arith.constant 0 : i32
      %dma_wait3A_114 = arith.constant 0 : i32
      %dma_wait3A_115 = tpu.memref_slice %arg14[%dma_wait3A, %dma_wait3A_114] : memref<128x128xf32, #tpu.memory_space<vmem>> -> memref<128x128xf32, #tpu.memory_space<vmem>>
      %dma_wait3A_116 = arith.constant 0 : i32
      %dma_wait3A_117 = tpu.memref_slice %arg16[%add3A_74, %dma_wait3A_116] : memref<10112x128xf32, #tpu.memory_space<vmem_shared>> -> memref<128x128xf32, #tpu.memory_space<vmem_shared>>
      %dma_wait3A_118 = arith.constant 0 : i32
      %dma_wait3A_119 = tpu.memref_slice %arg16[%add3A_74, %dma_wait3A_118] : memref<10112x128xf32, #tpu.memory_space<vmem_shared>> -> memref<128x128xf32, #tpu.memory_space<vmem_shared>>
      %dma_wait3A_120 = arith.constant 0 : i32
      %dma_wait3A_121 = arith.constant 0 : i32
      %dma_wait3A_122 = tpu.memref_slice %arg14[%dma_wait3A_120, %dma_wait3A_121] : memref<128x128xf32, #tpu.memory_space<vmem>> -> memref<128x128xf32, #tpu.memory_space<vmem>>
      tpu.wait_dma2 semaphore(%run_scoped3A : memref<!tpu.dma_semaphore, #tpu.memory_space<semaphore_mem>>) src(%dma_wait3A_122 : memref<128x128xf32, #tpu.memory_space<vmem>>) dst(%dma_wait3A_119 : memref<128x128xf32, #tpu.memory_space<vmem_shared>>)
      tpu.yield
    }) : () -> ()
    %add3A_75 = arith.constant 512 : i32
    %add3A_76 = arith.addi %mul3A_2, %add3A_75 : i32
    "tpu.region"() ({
      %run_scoped3A = tpu.sem_alloc : memref<!tpu.dma_semaphore, #tpu.memory_space<semaphore_mem>>
      %dma_start3A = arith.constant 0 : i32
      %dma_start3A_105 = arith.constant 0 : i32
      %dma_start3A_106 = tpu.memref_slice %arg14[%dma_start3A, %dma_start3A_105] : memref<128x128xf32, #tpu.memory_space<vmem>> -> memref<120x128xf32, #tpu.memory_space<vmem>>
      %dma_start3A_107 = arith.constant 0 : i32
      %dma_start3A_108 = tpu.memref_slice %arg16[%add3A_76, %dma_start3A_107] : memref<10112x128xf32, #tpu.memory_space<vmem_shared>> -> memref<120x128xf32, #tpu.memory_space<vmem_shared>>
      %dma_start3A_109 = arith.constant 0 : i32
      %dma_start3A_110 = tpu.memref_slice %arg16[%add3A_76, %dma_start3A_109] : memref<10112x128xf32, #tpu.memory_space<vmem_shared>> -> memref<120x128xf32, #tpu.memory_space<vmem_shared>>
      %dma_start3A_111 = arith.constant 0 : i32
      %dma_start3A_112 = arith.constant 0 : i32
      %dma_start3A_113 = tpu.memref_slice %arg14[%dma_start3A_111, %dma_start3A_112] : memref<128x128xf32, #tpu.memory_space<vmem>> -> memref<120x128xf32, #tpu.memory_space<vmem>>
      tpu.enqueue_dma source(%dma_start3A_113 : memref<120x128xf32, #tpu.memory_space<vmem>>) target(%dma_start3A_110 : memref<120x128xf32, #tpu.memory_space<vmem_shared>>) target_semaphore(%run_scoped3A : memref<!tpu.dma_semaphore, #tpu.memory_space<semaphore_mem>>)
      %dma_wait3A = arith.constant 0 : i32
      %dma_wait3A_114 = arith.constant 0 : i32
      %dma_wait3A_115 = tpu.memref_slice %arg14[%dma_wait3A, %dma_wait3A_114] : memref<128x128xf32, #tpu.memory_space<vmem>> -> memref<120x128xf32, #tpu.memory_space<vmem>>
      %dma_wait3A_116 = arith.constant 0 : i32
      %dma_wait3A_117 = tpu.memref_slice %arg16[%add3A_76, %dma_wait3A_116] : memref<10112x128xf32, #tpu.memory_space<vmem_shared>> -> memref<120x128xf32, #tpu.memory_space<vmem_shared>>
      %dma_wait3A_118 = arith.constant 0 : i32
      %dma_wait3A_119 = tpu.memref_slice %arg16[%add3A_76, %dma_wait3A_118] : memref<10112x128xf32, #tpu.memory_space<vmem_shared>> -> memref<120x128xf32, #tpu.memory_space<vmem_shared>>
      %dma_wait3A_120 = arith.constant 0 : i32
      %dma_wait3A_121 = arith.constant 0 : i32
      %dma_wait3A_122 = tpu.memref_slice %arg14[%dma_wait3A_120, %dma_wait3A_121] : memref<128x128xf32, #tpu.memory_space<vmem>> -> memref<120x128xf32, #tpu.memory_space<vmem>>
      tpu.wait_dma2 semaphore(%run_scoped3A : memref<!tpu.dma_semaphore, #tpu.memory_space<semaphore_mem>>) src(%dma_wait3A_122 : memref<120x128xf32, #tpu.memory_space<vmem>>) dst(%dma_wait3A_119 : memref<120x128xf32, #tpu.memory_space<vmem_shared>>)
      tpu.yield
    }) : () -> ()
    %barrier3A_77 = arith.constant 0 : index
    tpu.barrier barrier_id(%barrier3A_77)
    "tpu.region"() ({
      %run_scoped3A = tpu.sem_alloc : memref<!tpu.dma_semaphore, #tpu.memory_space<semaphore_mem>>
      tpu.enqueue_dma source(%arg8 : memref<128x128xf32, #tpu.memory_space<hbm>>) target(%arg14 : memref<128x128xf32, #tpu.memory_space<vmem>>) target_semaphore(%run_scoped3A : memref<!tpu.dma_semaphore, #tpu.memory_space<semaphore_mem>>)
      tpu.wait_dma2 semaphore(%run_scoped3A : memref<!tpu.dma_semaphore, #tpu.memory_space<semaphore_mem>>) src(%arg8 : memref<128x128xf32, #tpu.memory_space<hbm>>) dst(%arg14 : memref<128x128xf32, #tpu.memory_space<vmem>>)
      tpu.yield
    }) : () -> ()
    %scan3A_78 = arith.constant 0 : i32
    %scan3A_79 = arith.constant 0 : i32
    %scan3A_80 = arith.constant 10 : i32
    %scan3A_81 = arith.addi %scan3A_79, %scan3A_80 : i32
    %scan3A_82 = arith.constant 1 : i32
    scf.for %scan3A_105 = %scan3A_79 to %scan3A_81 step %scan3A_82  : i32 {
      %mul3A_106 = arith.constant 8 : i32
      %mul3A_107 = arith.muli %scan3A_105, %mul3A_106 : i32
      "tpu.region"() ({
        %run_scoped3A_115 = tpu.sem_alloc : memref<!tpu.dma_semaphore, #tpu.memory_space<semaphore_mem>>
        %dma_start3A = arith.constant 0 : i32
        %dma_start3A_116 = tpu.memref_slice %arg6[%add3A, %mul3A_107, %dma_start3A] : memref<32x80x128xi32, #tpu.memory_space<hbm>> -> memref<1x8x128xi32, #tpu.memory_space<hbm>>
        %dma_start3A_117 = tpu.memref_squeeze %dma_start3A_116 : memref<1x8x128xi32, #tpu.memory_space<hbm>> -> memref<8x128xi32, #tpu.memory_space<hbm>>
        %dma_start3A_118 = arith.constant 0 : i32
        %dma_start3A_119 = tpu.memref_slice %arg6[%add3A, %mul3A_107, %dma_start3A_118] : memref<32x80x128xi32, #tpu.memory_space<hbm>> -> memref<1x8x128xi32, #tpu.memory_space<hbm>>
        %dma_start3A_120 = tpu.memref_squeeze %dma_start3A_119 : memref<1x8x128xi32, #tpu.memory_space<hbm>> -> memref<8x128xi32, #tpu.memory_space<hbm>>
        tpu.enqueue_dma source(%dma_start3A_120 : memref<8x128xi32, #tpu.memory_space<hbm>>) target(%arg13 : memref<8x128xi32, #tpu.memory_space<vmem>>) target_semaphore(%run_scoped3A_115 : memref<!tpu.dma_semaphore, #tpu.memory_space<semaphore_mem>>)
        %dma_wait3A = arith.constant 0 : i32
        %dma_wait3A_121 = tpu.memref_slice %arg6[%add3A, %mul3A_107, %dma_wait3A] : memref<32x80x128xi32, #tpu.memory_space<hbm>> -> memref<1x8x128xi32, #tpu.memory_space<hbm>>
        %dma_wait3A_122 = tpu.memref_squeeze %dma_wait3A_121 : memref<1x8x128xi32, #tpu.memory_space<hbm>> -> memref<8x128xi32, #tpu.memory_space<hbm>>
        %dma_wait3A_123 = arith.constant 0 : i32
        %dma_wait3A_124 = tpu.memref_slice %arg6[%add3A, %mul3A_107, %dma_wait3A_123] : memref<32x80x128xi32, #tpu.memory_space<hbm>> -> memref<1x8x128xi32, #tpu.memory_space<hbm>>
        %dma_wait3A_125 = tpu.memref_squeeze %dma_wait3A_124 : memref<1x8x128xi32, #tpu.memory_space<hbm>> -> memref<8x128xi32, #tpu.memory_space<hbm>>
        tpu.wait_dma2 semaphore(%run_scoped3A_115 : memref<!tpu.dma_semaphore, #tpu.memory_space<semaphore_mem>>) src(%dma_wait3A_125 : memref<8x128xi32, #tpu.memory_space<hbm>>) dst(%arg13 : memref<8x128xi32, #tpu.memory_space<vmem>>)
        tpu.yield
      }) : () -> ()
      %run_scoped3A = arith.constant 0 : i32
      "tpu.region"() ({
        %run_scoped3A_115 = tpu.sem_alloc : memref<!tpu.dma_semaphore, #tpu.memory_space<semaphore_mem>>
        %dma_start3A = arith.constant 0 : i32
        %dma_start3A_116 = tpu.memref_slice %arg13[%run_scoped3A, %dma_start3A] : memref<8x128xi32, #tpu.memory_space<vmem>> -> memref<1x128xi32, #tpu.memory_space<vmem>>
        %dma_start3A_117 = tpu.memref_squeeze %dma_start3A_116 : memref<1x128xi32, #tpu.memory_space<vmem>> -> memref<128xi32, #tpu.memory_space<vmem>>
        %dma_start3A_118 = arith.constant 0 : i32
        %dma_start3A_119 = arith.constant 0 : i32
        %dma_start3A_120 = tpu.memref_slice %arg16[%dma_start3A_118, %dma_start3A_119] : memref<10112x128xf32, #tpu.memory_space<vmem_shared>> -> memref<10112x128xf32, #tpu.memory_space<vmem_shared>>
        tpu.enqueue_indirect_dma source(%arg14 : memref<128x128xf32, #tpu.memory_space<vmem>>) target(%dma_start3A_120 : memref<10112x128xf32, #tpu.memory_space<vmem_shared>>) offsets(%dma_start3A_117 : memref<128xi32, #tpu.memory_space<vmem>>) semaphore(%run_scoped3A_115 : memref<!tpu.dma_semaphore, #tpu.memory_space<semaphore_mem>>) {add = true}
        %dma_wait3A = arith.constant 0 : i32
        %dma_wait3A_121 = tpu.memref_slice %arg13[%run_scoped3A, %dma_wait3A] : memref<8x128xi32, #tpu.memory_space<vmem>> -> memref<1x128xi32, #tpu.memory_space<vmem>>
        %dma_wait3A_122 = tpu.memref_squeeze %dma_wait3A_121 : memref<1x128xi32, #tpu.memory_space<vmem>> -> memref<128xi32, #tpu.memory_space<vmem>>
        %dma_wait3A_123 = arith.constant 0 : i32
        %dma_wait3A_124 = arith.constant 0 : i32
        %dma_wait3A_125 = tpu.memref_slice %arg16[%dma_wait3A_123, %dma_wait3A_124] : memref<10112x128xf32, #tpu.memory_space<vmem_shared>> -> memref<10112x128xf32, #tpu.memory_space<vmem_shared>>
        tpu.wait_indirect_dma semaphore(%run_scoped3A_115 : memref<!tpu.dma_semaphore, #tpu.memory_space<semaphore_mem>>) src(%arg14 : memref<128x128xf32, #tpu.memory_space<vmem>>) dst(%dma_wait3A_125 : memref<10112x128xf32, #tpu.memory_space<vmem_shared>>)
        tpu.yield
      }) : () -> ()
      %run_scoped3A_108 = arith.constant 1 : i32
      "tpu.region"() ({
        %run_scoped3A_115 = tpu.sem_alloc : memref<!tpu.dma_semaphore, #tpu.memory_space<semaphore_mem>>
        %dma_start3A = arith.constant 0 : i32
        %dma_start3A_116 = tpu.memref_slice %arg13[%run_scoped3A_108, %dma_start3A] : memref<8x128xi32, #tpu.memory_space<vmem>> -> memref<1x128xi32, #tpu.memory_space<vmem>>
        %dma_start3A_117 = tpu.memref_squeeze %dma_start3A_116 : memref<1x128xi32, #tpu.memory_space<vmem>> -> memref<128xi32, #tpu.memory_space<vmem>>
        %dma_start3A_118 = arith.constant 0 : i32
        %dma_start3A_119 = arith.constant 0 : i32
        %dma_start3A_120 = tpu.memref_slice %arg16[%dma_start3A_118, %dma_start3A_119] : memref<10112x128xf32, #tpu.memory_space<vmem_shared>> -> memref<10112x128xf32, #tpu.memory_space<vmem_shared>>
        tpu.enqueue_indirect_dma source(%arg14 : memref<128x128xf32, #tpu.memory_space<vmem>>) target(%dma_start3A_120 : memref<10112x128xf32, #tpu.memory_space<vmem_shared>>) offsets(%dma_start3A_117 : memref<128xi32, #tpu.memory_space<vmem>>) semaphore(%run_scoped3A_115 : memref<!tpu.dma_semaphore, #tpu.memory_space<semaphore_mem>>) {add = true}
        %dma_wait3A = arith.constant 0 : i32
        %dma_wait3A_121 = tpu.memref_slice %arg13[%run_scoped3A_108, %dma_wait3A] : memref<8x128xi32, #tpu.memory_space<vmem>> -> memref<1x128xi32, #tpu.memory_space<vmem>>
        %dma_wait3A_122 = tpu.memref_squeeze %dma_wait3A_121 : memref<1x128xi32, #tpu.memory_space<vmem>> -> memref<128xi32, #tpu.memory_space<vmem>>
        %dma_wait3A_123 = arith.constant 0 : i32
        %dma_wait3A_124 = arith.constant 0 : i32
        %dma_wait3A_125 = tpu.memref_slice %arg16[%dma_wait3A_123, %dma_wait3A_124] : memref<10112x128xf32, #tpu.memory_space<vmem_shared>> -> memref<10112x128xf32, #tpu.memory_space<vmem_shared>>
        tpu.wait_indirect_dma semaphore(%run_scoped3A_115 : memref<!tpu.dma_semaphore, #tpu.memory_space<semaphore_mem>>) src(%arg14 : memref<128x128xf32, #tpu.memory_space<vmem>>) dst(%dma_wait3A_125 : memref<10112x128xf32, #tpu.memory_space<vmem_shared>>)
        tpu.yield
      }) : () -> ()
      %run_scoped3A_109 = arith.constant 2 : i32
      "tpu.region"() ({
        %run_scoped3A_115 = tpu.sem_alloc : memref<!tpu.dma_semaphore, #tpu.memory_space<semaphore_mem>>
        %dma_start3A = arith.constant 0 : i32
        %dma_start3A_116 = tpu.memref_slice %arg13[%run_scoped3A_109, %dma_start3A] : memref<8x128xi32, #tpu.memory_space<vmem>> -> memref<1x128xi32, #tpu.memory_space<vmem>>
        %dma_start3A_117 = tpu.memref_squeeze %dma_start3A_116 : memref<1x128xi32, #tpu.memory_space<vmem>> -> memref<128xi32, #tpu.memory_space<vmem>>
        %dma_start3A_118 = arith.constant 0 : i32
        %dma_start3A_119 = arith.constant 0 : i32
        %dma_start3A_120 = tpu.memref_slice %arg16[%dma_start3A_118, %dma_start3A_119] : memref<10112x128xf32, #tpu.memory_space<vmem_shared>> -> memref<10112x128xf32, #tpu.memory_space<vmem_shared>>
        tpu.enqueue_indirect_dma source(%arg14 : memref<128x128xf32, #tpu.memory_space<vmem>>) target(%dma_start3A_120 : memref<10112x128xf32, #tpu.memory_space<vmem_shared>>) offsets(%dma_start3A_117 : memref<128xi32, #tpu.memory_space<vmem>>) semaphore(%run_scoped3A_115 : memref<!tpu.dma_semaphore, #tpu.memory_space<semaphore_mem>>) {add = true}
        %dma_wait3A = arith.constant 0 : i32
        %dma_wait3A_121 = tpu.memref_slice %arg13[%run_scoped3A_109, %dma_wait3A] : memref<8x128xi32, #tpu.memory_space<vmem>> -> memref<1x128xi32, #tpu.memory_space<vmem>>
        %dma_wait3A_122 = tpu.memref_squeeze %dma_wait3A_121 : memref<1x128xi32, #tpu.memory_space<vmem>> -> memref<128xi32, #tpu.memory_space<vmem>>
        %dma_wait3A_123 = arith.constant 0 : i32
        %dma_wait3A_124 = arith.constant 0 : i32
        %dma_wait3A_125 = tpu.memref_slice %arg16[%dma_wait3A_123, %dma_wait3A_124] : memref<10112x128xf32, #tpu.memory_space<vmem_shared>> -> memref<10112x128xf32, #tpu.memory_space<vmem_shared>>
        tpu.wait_indirect_dma semaphore(%run_scoped3A_115 : memref<!tpu.dma_semaphore, #tpu.memory_space<semaphore_mem>>) src(%arg14 : memref<128x128xf32, #tpu.memory_space<vmem>>) dst(%dma_wait3A_125 : memref<10112x128xf32, #tpu.memory_space<vmem_shared>>)
        tpu.yield
      }) : () -> ()
      %run_scoped3A_110 = arith.constant 3 : i32
      "tpu.region"() ({
        %run_scoped3A_115 = tpu.sem_alloc : memref<!tpu.dma_semaphore, #tpu.memory_space<semaphore_mem>>
        %dma_start3A = arith.constant 0 : i32
        %dma_start3A_116 = tpu.memref_slice %arg13[%run_scoped3A_110, %dma_start3A] : memref<8x128xi32, #tpu.memory_space<vmem>> -> memref<1x128xi32, #tpu.memory_space<vmem>>
        %dma_start3A_117 = tpu.memref_squeeze %dma_start3A_116 : memref<1x128xi32, #tpu.memory_space<vmem>> -> memref<128xi32, #tpu.memory_space<vmem>>
        %dma_start3A_118 = arith.constant 0 : i32
        %dma_start3A_119 = arith.constant 0 : i32
        %dma_start3A_120 = tpu.memref_slice %arg16[%dma_start3A_118, %dma_start3A_119] : memref<10112x128xf32, #tpu.memory_space<vmem_shared>> -> memref<10112x128xf32, #tpu.memory_space<vmem_shared>>
        tpu.enqueue_indirect_dma source(%arg14 : memref<128x128xf32, #tpu.memory_space<vmem>>) target(%dma_start3A_120 : memref<10112x128xf32, #tpu.memory_space<vmem_shared>>) offsets(%dma_start3A_117 : memref<128xi32, #tpu.memory_space<vmem>>) semaphore(%run_scoped3A_115 : memref<!tpu.dma_semaphore, #tpu.memory_space<semaphore_mem>>) {add = true}
        %dma_wait3A = arith.constant 0 : i32
        %dma_wait3A_121 = tpu.memref_slice %arg13[%run_scoped3A_110, %dma_wait3A] : memref<8x128xi32, #tpu.memory_space<vmem>> -> memref<1x128xi32, #tpu.memory_space<vmem>>
        %dma_wait3A_122 = tpu.memref_squeeze %dma_wait3A_121 : memref<1x128xi32, #tpu.memory_space<vmem>> -> memref<128xi32, #tpu.memory_space<vmem>>
        %dma_wait3A_123 = arith.constant 0 : i32
        %dma_wait3A_124 = arith.constant 0 : i32
        %dma_wait3A_125 = tpu.memref_slice %arg16[%dma_wait3A_123, %dma_wait3A_124] : memref<10112x128xf32, #tpu.memory_space<vmem_shared>> -> memref<10112x128xf32, #tpu.memory_space<vmem_shared>>
        tpu.wait_indirect_dma semaphore(%run_scoped3A_115 : memref<!tpu.dma_semaphore, #tpu.memory_space<semaphore_mem>>) src(%arg14 : memref<128x128xf32, #tpu.memory_space<vmem>>) dst(%dma_wait3A_125 : memref<10112x128xf32, #tpu.memory_space<vmem_shared>>)
        tpu.yield
      }) : () -> ()
      %run_scoped3A_111 = arith.constant 4 : i32
      "tpu.region"() ({
        %run_scoped3A_115 = tpu.sem_alloc : memref<!tpu.dma_semaphore, #tpu.memory_space<semaphore_mem>>
        %dma_start3A = arith.constant 0 : i32
        %dma_start3A_116 = tpu.memref_slice %arg13[%run_scoped3A_111, %dma_start3A] : memref<8x128xi32, #tpu.memory_space<vmem>> -> memref<1x128xi32, #tpu.memory_space<vmem>>
        %dma_start3A_117 = tpu.memref_squeeze %dma_start3A_116 : memref<1x128xi32, #tpu.memory_space<vmem>> -> memref<128xi32, #tpu.memory_space<vmem>>
        %dma_start3A_118 = arith.constant 0 : i32
        %dma_start3A_119 = arith.constant 0 : i32
        %dma_start3A_120 = tpu.memref_slice %arg16[%dma_start3A_118, %dma_start3A_119] : memref<10112x128xf32, #tpu.memory_space<vmem_shared>> -> memref<10112x128xf32, #tpu.memory_space<vmem_shared>>
        tpu.enqueue_indirect_dma source(%arg14 : memref<128x128xf32, #tpu.memory_space<vmem>>) target(%dma_start3A_120 : memref<10112x128xf32, #tpu.memory_space<vmem_shared>>) offsets(%dma_start3A_117 : memref<128xi32, #tpu.memory_space<vmem>>) semaphore(%run_scoped3A_115 : memref<!tpu.dma_semaphore, #tpu.memory_space<semaphore_mem>>) {add = true}
        %dma_wait3A = arith.constant 0 : i32
        %dma_wait3A_121 = tpu.memref_slice %arg13[%run_scoped3A_111, %dma_wait3A] : memref<8x128xi32, #tpu.memory_space<vmem>> -> memref<1x128xi32, #tpu.memory_space<vmem>>
        %dma_wait3A_122 = tpu.memref_squeeze %dma_wait3A_121 : memref<1x128xi32, #tpu.memory_space<vmem>> -> memref<128xi32, #tpu.memory_space<vmem>>
        %dma_wait3A_123 = arith.constant 0 : i32
        %dma_wait3A_124 = arith.constant 0 : i32
        %dma_wait3A_125 = tpu.memref_slice %arg16[%dma_wait3A_123, %dma_wait3A_124] : memref<10112x128xf32, #tpu.memory_space<vmem_shared>> -> memref<10112x128xf32, #tpu.memory_space<vmem_shared>>
        tpu.wait_indirect_dma semaphore(%run_scoped3A_115 : memref<!tpu.dma_semaphore, #tpu.memory_space<semaphore_mem>>) src(%arg14 : memref<128x128xf32, #tpu.memory_space<vmem>>) dst(%dma_wait3A_125 : memref<10112x128xf32, #tpu.memory_space<vmem_shared>>)
        tpu.yield
      }) : () -> ()
      %run_scoped3A_112 = arith.constant 5 : i32
      "tpu.region"() ({
        %run_scoped3A_115 = tpu.sem_alloc : memref<!tpu.dma_semaphore, #tpu.memory_space<semaphore_mem>>
        %dma_start3A = arith.constant 0 : i32
        %dma_start3A_116 = tpu.memref_slice %arg13[%run_scoped3A_112, %dma_start3A] : memref<8x128xi32, #tpu.memory_space<vmem>> -> memref<1x128xi32, #tpu.memory_space<vmem>>
        %dma_start3A_117 = tpu.memref_squeeze %dma_start3A_116 : memref<1x128xi32, #tpu.memory_space<vmem>> -> memref<128xi32, #tpu.memory_space<vmem>>
        %dma_start3A_118 = arith.constant 0 : i32
        %dma_start3A_119 = arith.constant 0 : i32
        %dma_start3A_120 = tpu.memref_slice %arg16[%dma_start3A_118, %dma_start3A_119] : memref<10112x128xf32, #tpu.memory_space<vmem_shared>> -> memref<10112x128xf32, #tpu.memory_space<vmem_shared>>
        tpu.enqueue_indirect_dma source(%arg14 : memref<128x128xf32, #tpu.memory_space<vmem>>) target(%dma_start3A_120 : memref<10112x128xf32, #tpu.memory_space<vmem_shared>>) offsets(%dma_start3A_117 : memref<128xi32, #tpu.memory_space<vmem>>) semaphore(%run_scoped3A_115 : memref<!tpu.dma_semaphore, #tpu.memory_space<semaphore_mem>>) {add = true}
        %dma_wait3A = arith.constant 0 : i32
        %dma_wait3A_121 = tpu.memref_slice %arg13[%run_scoped3A_112, %dma_wait3A] : memref<8x128xi32, #tpu.memory_space<vmem>> -> memref<1x128xi32, #tpu.memory_space<vmem>>
        %dma_wait3A_122 = tpu.memref_squeeze %dma_wait3A_121 : memref<1x128xi32, #tpu.memory_space<vmem>> -> memref<128xi32, #tpu.memory_space<vmem>>
        %dma_wait3A_123 = arith.constant 0 : i32
        %dma_wait3A_124 = arith.constant 0 : i32
        %dma_wait3A_125 = tpu.memref_slice %arg16[%dma_wait3A_123, %dma_wait3A_124] : memref<10112x128xf32, #tpu.memory_space<vmem_shared>> -> memref<10112x128xf32, #tpu.memory_space<vmem_shared>>
        tpu.wait_indirect_dma semaphore(%run_scoped3A_115 : memref<!tpu.dma_semaphore, #tpu.memory_space<semaphore_mem>>) src(%arg14 : memref<128x128xf32, #tpu.memory_space<vmem>>) dst(%dma_wait3A_125 : memref<10112x128xf32, #tpu.memory_space<vmem_shared>>)
        tpu.yield
      }) : () -> ()
      %run_scoped3A_113 = arith.constant 6 : i32
      "tpu.region"() ({
        %run_scoped3A_115 = tpu.sem_alloc : memref<!tpu.dma_semaphore, #tpu.memory_space<semaphore_mem>>
        %dma_start3A = arith.constant 0 : i32
        %dma_start3A_116 = tpu.memref_slice %arg13[%run_scoped3A_113, %dma_start3A] : memref<8x128xi32, #tpu.memory_space<vmem>> -> memref<1x128xi32, #tpu.memory_space<vmem>>
        %dma_start3A_117 = tpu.memref_squeeze %dma_start3A_116 : memref<1x128xi32, #tpu.memory_space<vmem>> -> memref<128xi32, #tpu.memory_space<vmem>>
        %dma_start3A_118 = arith.constant 0 : i32
        %dma_start3A_119 = arith.constant 0 : i32
        %dma_start3A_120 = tpu.memref_slice %arg16[%dma_start3A_118, %dma_start3A_119] : memref<10112x128xf32, #tpu.memory_space<vmem_shared>> -> memref<10112x128xf32, #tpu.memory_space<vmem_shared>>
        tpu.enqueue_indirect_dma source(%arg14 : memref<128x128xf32, #tpu.memory_space<vmem>>) target(%dma_start3A_120 : memref<10112x128xf32, #tpu.memory_space<vmem_shared>>) offsets(%dma_start3A_117 : memref<128xi32, #tpu.memory_space<vmem>>) semaphore(%run_scoped3A_115 : memref<!tpu.dma_semaphore, #tpu.memory_space<semaphore_mem>>) {add = true}
        %dma_wait3A = arith.constant 0 : i32
        %dma_wait3A_121 = tpu.memref_slice %arg13[%run_scoped3A_113, %dma_wait3A] : memref<8x128xi32, #tpu.memory_space<vmem>> -> memref<1x128xi32, #tpu.memory_space<vmem>>
        %dma_wait3A_122 = tpu.memref_squeeze %dma_wait3A_121 : memref<1x128xi32, #tpu.memory_space<vmem>> -> memref<128xi32, #tpu.memory_space<vmem>>
        %dma_wait3A_123 = arith.constant 0 : i32
        %dma_wait3A_124 = arith.constant 0 : i32
        %dma_wait3A_125 = tpu.memref_slice %arg16[%dma_wait3A_123, %dma_wait3A_124] : memref<10112x128xf32, #tpu.memory_space<vmem_shared>> -> memref<10112x128xf32, #tpu.memory_space<vmem_shared>>
        tpu.wait_indirect_dma semaphore(%run_scoped3A_115 : memref<!tpu.dma_semaphore, #tpu.memory_space<semaphore_mem>>) src(%arg14 : memref<128x128xf32, #tpu.memory_space<vmem>>) dst(%dma_wait3A_125 : memref<10112x128xf32, #tpu.memory_space<vmem_shared>>)
        tpu.yield
      }) : () -> ()
      %run_scoped3A_114 = arith.constant 7 : i32
      "tpu.region"() ({
        %run_scoped3A_115 = tpu.sem_alloc : memref<!tpu.dma_semaphore, #tpu.memory_space<semaphore_mem>>
        %dma_start3A = arith.constant 0 : i32
        %dma_start3A_116 = tpu.memref_slice %arg13[%run_scoped3A_114, %dma_start3A] : memref<8x128xi32, #tpu.memory_space<vmem>> -> memref<1x128xi32, #tpu.memory_space<vmem>>
        %dma_start3A_117 = tpu.memref_squeeze %dma_start3A_116 : memref<1x128xi32, #tpu.memory_space<vmem>> -> memref<128xi32, #tpu.memory_space<vmem>>
        %dma_start3A_118 = arith.constant 0 : i32
        %dma_start3A_119 = arith.constant 0 : i32
        %dma_start3A_120 = tpu.memref_slice %arg16[%dma_start3A_118, %dma_start3A_119] : memref<10112x128xf32, #tpu.memory_space<vmem_shared>> -> memref<10112x128xf32, #tpu.memory_space<vmem_shared>>
        tpu.enqueue_indirect_dma source(%arg14 : memref<128x128xf32, #tpu.memory_space<vmem>>) target(%dma_start3A_120 : memref<10112x128xf32, #tpu.memory_space<vmem_shared>>) offsets(%dma_start3A_117 : memref<128xi32, #tpu.memory_space<vmem>>) semaphore(%run_scoped3A_115 : memref<!tpu.dma_semaphore, #tpu.memory_space<semaphore_mem>>) {add = true}
        %dma_wait3A = arith.constant 0 : i32
        %dma_wait3A_121 = tpu.memref_slice %arg13[%run_scoped3A_114, %dma_wait3A] : memref<8x128xi32, #tpu.memory_space<vmem>> -> memref<1x128xi32, #tpu.memory_space<vmem>>
        %dma_wait3A_122 = tpu.memref_squeeze %dma_wait3A_121 : memref<1x128xi32, #tpu.memory_space<vmem>> -> memref<128xi32, #tpu.memory_space<vmem>>
        %dma_wait3A_123 = arith.constant 0 : i32
        %dma_wait3A_124 = arith.constant 0 : i32
        %dma_wait3A_125 = tpu.memref_slice %arg16[%dma_wait3A_123, %dma_wait3A_124] : memref<10112x128xf32, #tpu.memory_space<vmem_shared>> -> memref<10112x128xf32, #tpu.memory_space<vmem_shared>>
        tpu.wait_indirect_dma semaphore(%run_scoped3A_115 : memref<!tpu.dma_semaphore, #tpu.memory_space<semaphore_mem>>) src(%arg14 : memref<128x128xf32, #tpu.memory_space<vmem>>) dst(%dma_wait3A_125 : memref<10112x128xf32, #tpu.memory_space<vmem_shared>>)
        tpu.yield
      }) : () -> ()
    }
    %scan3A_83 = arith.constant 10 : i32
    %barrier3A_84 = arith.constant 0 : index
    tpu.barrier barrier_id(%barrier3A_84)
    %add3A_85 = arith.constant 0 : i32
    %add3A_86 = arith.addi %mul3A_2, %add3A_85 : i32
    "tpu.region"() ({
      %run_scoped3A = tpu.sem_alloc : memref<!tpu.dma_semaphore, #tpu.memory_space<semaphore_mem>>
      %dma_start3A = arith.constant 0 : i32
      %dma_start3A_105 = arith.constant 0 : i32
      %dma_start3A_106 = tpu.memref_slice %arg14[%dma_start3A, %dma_start3A_105] : memref<128x128xf32, #tpu.memory_space<vmem>> -> memref<128x128xf32, #tpu.memory_space<vmem>>
      %dma_start3A_107 = arith.constant 0 : i32
      %dma_start3A_108 = tpu.memref_slice %arg16[%add3A_86, %dma_start3A_107] : memref<10112x128xf32, #tpu.memory_space<vmem_shared>> -> memref<128x128xf32, #tpu.memory_space<vmem_shared>>
      %dma_start3A_109 = arith.constant 0 : i32
      %dma_start3A_110 = arith.constant 0 : i32
      %dma_start3A_111 = tpu.memref_slice %arg14[%dma_start3A_109, %dma_start3A_110] : memref<128x128xf32, #tpu.memory_space<vmem>> -> memref<128x128xf32, #tpu.memory_space<vmem>>
      %dma_start3A_112 = arith.constant 0 : i32
      %dma_start3A_113 = tpu.memref_slice %arg16[%add3A_86, %dma_start3A_112] : memref<10112x128xf32, #tpu.memory_space<vmem_shared>> -> memref<128x128xf32, #tpu.memory_space<vmem_shared>>
      tpu.enqueue_dma source(%dma_start3A_113 : memref<128x128xf32, #tpu.memory_space<vmem_shared>>) target(%dma_start3A_111 : memref<128x128xf32, #tpu.memory_space<vmem>>) target_semaphore(%run_scoped3A : memref<!tpu.dma_semaphore, #tpu.memory_space<semaphore_mem>>)
      %dma_wait3A = arith.constant 0 : i32
      %dma_wait3A_114 = arith.constant 0 : i32
      %dma_wait3A_115 = tpu.memref_slice %arg14[%dma_wait3A, %dma_wait3A_114] : memref<128x128xf32, #tpu.memory_space<vmem>> -> memref<128x128xf32, #tpu.memory_space<vmem>>
      %dma_wait3A_116 = arith.constant 0 : i32
      %dma_wait3A_117 = tpu.memref_slice %arg16[%add3A_86, %dma_wait3A_116] : memref<10112x128xf32, #tpu.memory_space<vmem_shared>> -> memref<128x128xf32, #tpu.memory_space<vmem_shared>>
      %dma_wait3A_118 = arith.constant 0 : i32
      %dma_wait3A_119 = arith.constant 0 : i32
      %dma_wait3A_120 = tpu.memref_slice %arg14[%dma_wait3A_118, %dma_wait3A_119] : memref<128x128xf32, #tpu.memory_space<vmem>> -> memref<128x128xf32, #tpu.memory_space<vmem>>
      %dma_wait3A_121 = arith.constant 0 : i32
      %dma_wait3A_122 = tpu.memref_slice %arg16[%add3A_86, %dma_wait3A_121] : memref<10112x128xf32, #tpu.memory_space<vmem_shared>> -> memref<128x128xf32, #tpu.memory_space<vmem_shared>>
      tpu.wait_dma2 semaphore(%run_scoped3A : memref<!tpu.dma_semaphore, #tpu.memory_space<semaphore_mem>>) src(%dma_wait3A_122 : memref<128x128xf32, #tpu.memory_space<vmem_shared>>) dst(%dma_wait3A_120 : memref<128x128xf32, #tpu.memory_space<vmem>>)
      tpu.yield
    }) : () -> ()
    %add3A_87 = arith.constant 0 : i32
    %add3A_88 = arith.addi %mul3A_2, %add3A_87 : i32
    "tpu.region"() ({
      %run_scoped3A = tpu.sem_alloc : memref<!tpu.dma_semaphore, #tpu.memory_space<semaphore_mem>>
      %dma_start3A = arith.constant 0 : i32
      %dma_start3A_105 = arith.constant 0 : i32
      %dma_start3A_106 = tpu.memref_slice %arg14[%dma_start3A, %dma_start3A_105] : memref<128x128xf32, #tpu.memory_space<vmem>> -> memref<128x128xf32, #tpu.memory_space<vmem>>
      %dma_start3A_107 = arith.constant 0 : i32
      %dma_start3A_108 = tpu.memref_slice %arg11[%arg0, %add3A_88, %dma_start3A_107] : memref<2x10112x128xf32, #tpu.memory_space<hbm>> -> memref<1x128x128xf32, #tpu.memory_space<hbm>>
      %dma_start3A_109 = tpu.memref_squeeze %dma_start3A_108 : memref<1x128x128xf32, #tpu.memory_space<hbm>> -> memref<128x128xf32, #tpu.memory_space<hbm>>
      %dma_start3A_110 = arith.constant 0 : i32
      %dma_start3A_111 = tpu.memref_slice %arg11[%arg0, %add3A_88, %dma_start3A_110] : memref<2x10112x128xf32, #tpu.memory_space<hbm>> -> memref<1x128x128xf32, #tpu.memory_space<hbm>>
      %dma_start3A_112 = tpu.memref_squeeze %dma_start3A_111 : memref<1x128x128xf32, #tpu.memory_space<hbm>> -> memref<128x128xf32, #tpu.memory_space<hbm>>
      %dma_start3A_113 = arith.constant 0 : i32
      %dma_start3A_114 = arith.constant 0 : i32
      %dma_start3A_115 = tpu.memref_slice %arg14[%dma_start3A_113, %dma_start3A_114] : memref<128x128xf32, #tpu.memory_space<vmem>> -> memref<128x128xf32, #tpu.memory_space<vmem>>
      tpu.enqueue_dma source(%dma_start3A_115 : memref<128x128xf32, #tpu.memory_space<vmem>>) target(%dma_start3A_112 : memref<128x128xf32, #tpu.memory_space<hbm>>) target_semaphore(%run_scoped3A : memref<!tpu.dma_semaphore, #tpu.memory_space<semaphore_mem>>)
      %dma_wait3A = arith.constant 0 : i32
      %dma_wait3A_116 = arith.constant 0 : i32
      %dma_wait3A_117 = tpu.memref_slice %arg14[%dma_wait3A, %dma_wait3A_116] : memref<128x128xf32, #tpu.memory_space<vmem>> -> memref<128x128xf32, #tpu.memory_space<vmem>>
      %dma_wait3A_118 = arith.constant 0 : i32
      %dma_wait3A_119 = tpu.memref_slice %arg11[%arg0, %add3A_88, %dma_wait3A_118] : memref<2x10112x128xf32, #tpu.memory_space<hbm>> -> memref<1x128x128xf32, #tpu.memory_space<hbm>>
      %dma_wait3A_120 = tpu.memref_squeeze %dma_wait3A_119 : memref<1x128x128xf32, #tpu.memory_space<hbm>> -> memref<128x128xf32, #tpu.memory_space<hbm>>
      %dma_wait3A_121 = arith.constant 0 : i32
      %dma_wait3A_122 = tpu.memref_slice %arg11[%arg0, %add3A_88, %dma_wait3A_121] : memref<2x10112x128xf32, #tpu.memory_space<hbm>> -> memref<1x128x128xf32, #tpu.memory_space<hbm>>
      %dma_wait3A_123 = tpu.memref_squeeze %dma_wait3A_122 : memref<1x128x128xf32, #tpu.memory_space<hbm>> -> memref<128x128xf32, #tpu.memory_space<hbm>>
      %dma_wait3A_124 = arith.constant 0 : i32
      %dma_wait3A_125 = arith.constant 0 : i32
      %dma_wait3A_126 = tpu.memref_slice %arg14[%dma_wait3A_124, %dma_wait3A_125] : memref<128x128xf32, #tpu.memory_space<vmem>> -> memref<128x128xf32, #tpu.memory_space<vmem>>
      tpu.wait_dma2 semaphore(%run_scoped3A : memref<!tpu.dma_semaphore, #tpu.memory_space<semaphore_mem>>) src(%dma_wait3A_126 : memref<128x128xf32, #tpu.memory_space<vmem>>) dst(%dma_wait3A_123 : memref<128x128xf32, #tpu.memory_space<hbm>>)
      tpu.yield
    }) : () -> ()
    %add3A_89 = arith.constant 128 : i32
    %add3A_90 = arith.addi %mul3A_2, %add3A_89 : i32
    "tpu.region"() ({
      %run_scoped3A = tpu.sem_alloc : memref<!tpu.dma_semaphore, #tpu.memory_space<semaphore_mem>>
      %dma_start3A = arith.constant 0 : i32
      %dma_start3A_105 = arith.constant 0 : i32
      %dma_start3A_106 = tpu.memref_slice %arg14[%dma_start3A, %dma_start3A_105] : memref<128x128xf32, #tpu.memory_space<vmem>> -> memref<128x128xf32, #tpu.memory_space<vmem>>
      %dma_start3A_107 = arith.constant 0 : i32
      %dma_start3A_108 = tpu.memref_slice %arg16[%add3A_90, %dma_start3A_107] : memref<10112x128xf32, #tpu.memory_space<vmem_shared>> -> memref<128x128xf32, #tpu.memory_space<vmem_shared>>
      %dma_start3A_109 = arith.constant 0 : i32
      %dma_start3A_110 = arith.constant 0 : i32
      %dma_start3A_111 = tpu.memref_slice %arg14[%dma_start3A_109, %dma_start3A_110] : memref<128x128xf32, #tpu.memory_space<vmem>> -> memref<128x128xf32, #tpu.memory_space<vmem>>
      %dma_start3A_112 = arith.constant 0 : i32
      %dma_start3A_113 = tpu.memref_slice %arg16[%add3A_90, %dma_start3A_112] : memref<10112x128xf32, #tpu.memory_space<vmem_shared>> -> memref<128x128xf32, #tpu.memory_space<vmem_shared>>
      tpu.enqueue_dma source(%dma_start3A_113 : memref<128x128xf32, #tpu.memory_space<vmem_shared>>) target(%dma_start3A_111 : memref<128x128xf32, #tpu.memory_space<vmem>>) target_semaphore(%run_scoped3A : memref<!tpu.dma_semaphore, #tpu.memory_space<semaphore_mem>>)
      %dma_wait3A = arith.constant 0 : i32
      %dma_wait3A_114 = arith.constant 0 : i32
      %dma_wait3A_115 = tpu.memref_slice %arg14[%dma_wait3A, %dma_wait3A_114] : memref<128x128xf32, #tpu.memory_space<vmem>> -> memref<128x128xf32, #tpu.memory_space<vmem>>
      %dma_wait3A_116 = arith.constant 0 : i32
      %dma_wait3A_117 = tpu.memref_slice %arg16[%add3A_90, %dma_wait3A_116] : memref<10112x128xf32, #tpu.memory_space<vmem_shared>> -> memref<128x128xf32, #tpu.memory_space<vmem_shared>>
      %dma_wait3A_118 = arith.constant 0 : i32
      %dma_wait3A_119 = arith.constant 0 : i32
      %dma_wait3A_120 = tpu.memref_slice %arg14[%dma_wait3A_118, %dma_wait3A_119] : memref<128x128xf32, #tpu.memory_space<vmem>> -> memref<128x128xf32, #tpu.memory_space<vmem>>
      %dma_wait3A_121 = arith.constant 0 : i32
      %dma_wait3A_122 = tpu.memref_slice %arg16[%add3A_90, %dma_wait3A_121] : memref<10112x128xf32, #tpu.memory_space<vmem_shared>> -> memref<128x128xf32, #tpu.memory_space<vmem_shared>>
      tpu.wait_dma2 semaphore(%run_scoped3A : memref<!tpu.dma_semaphore, #tpu.memory_space<semaphore_mem>>) src(%dma_wait3A_122 : memref<128x128xf32, #tpu.memory_space<vmem_shared>>) dst(%dma_wait3A_120 : memref<128x128xf32, #tpu.memory_space<vmem>>)
      tpu.yield
    }) : () -> ()
    %add3A_91 = arith.constant 128 : i32
    %add3A_92 = arith.addi %mul3A_2, %add3A_91 : i32
    "tpu.region"() ({
      %run_scoped3A = tpu.sem_alloc : memref<!tpu.dma_semaphore, #tpu.memory_space<semaphore_mem>>
      %dma_start3A = arith.constant 0 : i32
      %dma_start3A_105 = arith.constant 0 : i32
      %dma_start3A_106 = tpu.memref_slice %arg14[%dma_start3A, %dma_start3A_105] : memref<128x128xf32, #tpu.memory_space<vmem>> -> memref<128x128xf32, #tpu.memory_space<vmem>>
      %dma_start3A_107 = arith.constant 0 : i32
      %dma_start3A_108 = tpu.memref_slice %arg11[%arg0, %add3A_92, %dma_start3A_107] : memref<2x10112x128xf32, #tpu.memory_space<hbm>> -> memref<1x128x128xf32, #tpu.memory_space<hbm>>
      %dma_start3A_109 = tpu.memref_squeeze %dma_start3A_108 : memref<1x128x128xf32, #tpu.memory_space<hbm>> -> memref<128x128xf32, #tpu.memory_space<hbm>>
      %dma_start3A_110 = arith.constant 0 : i32
      %dma_start3A_111 = tpu.memref_slice %arg11[%arg0, %add3A_92, %dma_start3A_110] : memref<2x10112x128xf32, #tpu.memory_space<hbm>> -> memref<1x128x128xf32, #tpu.memory_space<hbm>>
      %dma_start3A_112 = tpu.memref_squeeze %dma_start3A_111 : memref<1x128x128xf32, #tpu.memory_space<hbm>> -> memref<128x128xf32, #tpu.memory_space<hbm>>
      %dma_start3A_113 = arith.constant 0 : i32
      %dma_start3A_114 = arith.constant 0 : i32
      %dma_start3A_115 = tpu.memref_slice %arg14[%dma_start3A_113, %dma_start3A_114] : memref<128x128xf32, #tpu.memory_space<vmem>> -> memref<128x128xf32, #tpu.memory_space<vmem>>
      tpu.enqueue_dma source(%dma_start3A_115 : memref<128x128xf32, #tpu.memory_space<vmem>>) target(%dma_start3A_112 : memref<128x128xf32, #tpu.memory_space<hbm>>) target_semaphore(%run_scoped3A : memref<!tpu.dma_semaphore, #tpu.memory_space<semaphore_mem>>)
      %dma_wait3A = arith.constant 0 : i32
      %dma_wait3A_116 = arith.constant 0 : i32
      %dma_wait3A_117 = tpu.memref_slice %arg14[%dma_wait3A, %dma_wait3A_116] : memref<128x128xf32, #tpu.memory_space<vmem>> -> memref<128x128xf32, #tpu.memory_space<vmem>>
      %dma_wait3A_118 = arith.constant 0 : i32
      %dma_wait3A_119 = tpu.memref_slice %arg11[%arg0, %add3A_92, %dma_wait3A_118] : memref<2x10112x128xf32, #tpu.memory_space<hbm>> -> memref<1x128x128xf32, #tpu.memory_space<hbm>>
      %dma_wait3A_120 = tpu.memref_squeeze %dma_wait3A_119 : memref<1x128x128xf32, #tpu.memory_space<hbm>> -> memref<128x128xf32, #tpu.memory_space<hbm>>
      %dma_wait3A_121 = arith.constant 0 : i32
      %dma_wait3A_122 = tpu.memref_slice %arg11[%arg0, %add3A_92, %dma_wait3A_121] : memref<2x10112x128xf32, #tpu.memory_space<hbm>> -> memref<1x128x128xf32, #tpu.memory_space<hbm>>
      %dma_wait3A_123 = tpu.memref_squeeze %dma_wait3A_122 : memref<1x128x128xf32, #tpu.memory_space<hbm>> -> memref<128x128xf32, #tpu.memory_space<hbm>>
      %dma_wait3A_124 = arith.constant 0 : i32
      %dma_wait3A_125 = arith.constant 0 : i32
      %dma_wait3A_126 = tpu.memref_slice %arg14[%dma_wait3A_124, %dma_wait3A_125] : memref<128x128xf32, #tpu.memory_space<vmem>> -> memref<128x128xf32, #tpu.memory_space<vmem>>
      tpu.wait_dma2 semaphore(%run_scoped3A : memref<!tpu.dma_semaphore, #tpu.memory_space<semaphore_mem>>) src(%dma_wait3A_126 : memref<128x128xf32, #tpu.memory_space<vmem>>) dst(%dma_wait3A_123 : memref<128x128xf32, #tpu.memory_space<hbm>>)
      tpu.yield
    }) : () -> ()
    %add3A_93 = arith.constant 256 : i32
    %add3A_94 = arith.addi %mul3A_2, %add3A_93 : i32
    "tpu.region"() ({
      %run_scoped3A = tpu.sem_alloc : memref<!tpu.dma_semaphore, #tpu.memory_space<semaphore_mem>>
      %dma_start3A = arith.constant 0 : i32
      %dma_start3A_105 = arith.constant 0 : i32
      %dma_start3A_106 = tpu.memref_slice %arg14[%dma_start3A, %dma_start3A_105] : memref<128x128xf32, #tpu.memory_space<vmem>> -> memref<128x128xf32, #tpu.memory_space<vmem>>
      %dma_start3A_107 = arith.constant 0 : i32
      %dma_start3A_108 = tpu.memref_slice %arg16[%add3A_94, %dma_start3A_107] : memref<10112x128xf32, #tpu.memory_space<vmem_shared>> -> memref<128x128xf32, #tpu.memory_space<vmem_shared>>
      %dma_start3A_109 = arith.constant 0 : i32
      %dma_start3A_110 = arith.constant 0 : i32
      %dma_start3A_111 = tpu.memref_slice %arg14[%dma_start3A_109, %dma_start3A_110] : memref<128x128xf32, #tpu.memory_space<vmem>> -> memref<128x128xf32, #tpu.memory_space<vmem>>
      %dma_start3A_112 = arith.constant 0 : i32
      %dma_start3A_113 = tpu.memref_slice %arg16[%add3A_94, %dma_start3A_112] : memref<10112x128xf32, #tpu.memory_space<vmem_shared>> -> memref<128x128xf32, #tpu.memory_space<vmem_shared>>
      tpu.enqueue_dma source(%dma_start3A_113 : memref<128x128xf32, #tpu.memory_space<vmem_shared>>) target(%dma_start3A_111 : memref<128x128xf32, #tpu.memory_space<vmem>>) target_semaphore(%run_scoped3A : memref<!tpu.dma_semaphore, #tpu.memory_space<semaphore_mem>>)
      %dma_wait3A = arith.constant 0 : i32
      %dma_wait3A_114 = arith.constant 0 : i32
      %dma_wait3A_115 = tpu.memref_slice %arg14[%dma_wait3A, %dma_wait3A_114] : memref<128x128xf32, #tpu.memory_space<vmem>> -> memref<128x128xf32, #tpu.memory_space<vmem>>
      %dma_wait3A_116 = arith.constant 0 : i32
      %dma_wait3A_117 = tpu.memref_slice %arg16[%add3A_94, %dma_wait3A_116] : memref<10112x128xf32, #tpu.memory_space<vmem_shared>> -> memref<128x128xf32, #tpu.memory_space<vmem_shared>>
      %dma_wait3A_118 = arith.constant 0 : i32
      %dma_wait3A_119 = arith.constant 0 : i32
      %dma_wait3A_120 = tpu.memref_slice %arg14[%dma_wait3A_118, %dma_wait3A_119] : memref<128x128xf32, #tpu.memory_space<vmem>> -> memref<128x128xf32, #tpu.memory_space<vmem>>
      %dma_wait3A_121 = arith.constant 0 : i32
      %dma_wait3A_122 = tpu.memref_slice %arg16[%add3A_94, %dma_wait3A_121] : memref<10112x128xf32, #tpu.memory_space<vmem_shared>> -> memref<128x128xf32, #tpu.memory_space<vmem_shared>>
      tpu.wait_dma2 semaphore(%run_scoped3A : memref<!tpu.dma_semaphore, #tpu.memory_space<semaphore_mem>>) src(%dma_wait3A_122 : memref<128x128xf32, #tpu.memory_space<vmem_shared>>) dst(%dma_wait3A_120 : memref<128x128xf32, #tpu.memory_space<vmem>>)
      tpu.yield
    }) : () -> ()
    %add3A_95 = arith.constant 256 : i32
    %add3A_96 = arith.addi %mul3A_2, %add3A_95 : i32
    "tpu.region"() ({
      %run_scoped3A = tpu.sem_alloc : memref<!tpu.dma_semaphore, #tpu.memory_space<semaphore_mem>>
      %dma_start3A = arith.constant 0 : i32
      %dma_start3A_105 = arith.constant 0 : i32
      %dma_start3A_106 = tpu.memref_slice %arg14[%dma_start3A, %dma_start3A_105] : memref<128x128xf32, #tpu.memory_space<vmem>> -> memref<128x128xf32, #tpu.memory_space<vmem>>
      %dma_start3A_107 = arith.constant 0 : i32
      %dma_start3A_108 = tpu.memref_slice %arg11[%arg0, %add3A_96, %dma_start3A_107] : memref<2x10112x128xf32, #tpu.memory_space<hbm>> -> memref<1x128x128xf32, #tpu.memory_space<hbm>>
      %dma_start3A_109 = tpu.memref_squeeze %dma_start3A_108 : memref<1x128x128xf32, #tpu.memory_space<hbm>> -> memref<128x128xf32, #tpu.memory_space<hbm>>
      %dma_start3A_110 = arith.constant 0 : i32
      %dma_start3A_111 = tpu.memref_slice %arg11[%arg0, %add3A_96, %dma_start3A_110] : memref<2x10112x128xf32, #tpu.memory_space<hbm>> -> memref<1x128x128xf32, #tpu.memory_space<hbm>>
      %dma_start3A_112 = tpu.memref_squeeze %dma_start3A_111 : memref<1x128x128xf32, #tpu.memory_space<hbm>> -> memref<128x128xf32, #tpu.memory_space<hbm>>
      %dma_start3A_113 = arith.constant 0 : i32
      %dma_start3A_114 = arith.constant 0 : i32
      %dma_start3A_115 = tpu.memref_slice %arg14[%dma_start3A_113, %dma_start3A_114] : memref<128x128xf32, #tpu.memory_space<vmem>> -> memref<128x128xf32, #tpu.memory_space<vmem>>
      tpu.enqueue_dma source(%dma_start3A_115 : memref<128x128xf32, #tpu.memory_space<vmem>>) target(%dma_start3A_112 : memref<128x128xf32, #tpu.memory_space<hbm>>) target_semaphore(%run_scoped3A : memref<!tpu.dma_semaphore, #tpu.memory_space<semaphore_mem>>)
      %dma_wait3A = arith.constant 0 : i32
      %dma_wait3A_116 = arith.constant 0 : i32
      %dma_wait3A_117 = tpu.memref_slice %arg14[%dma_wait3A, %dma_wait3A_116] : memref<128x128xf32, #tpu.memory_space<vmem>> -> memref<128x128xf32, #tpu.memory_space<vmem>>
      %dma_wait3A_118 = arith.constant 0 : i32
      %dma_wait3A_119 = tpu.memref_slice %arg11[%arg0, %add3A_96, %dma_wait3A_118] : memref<2x10112x128xf32, #tpu.memory_space<hbm>> -> memref<1x128x128xf32, #tpu.memory_space<hbm>>
      %dma_wait3A_120 = tpu.memref_squeeze %dma_wait3A_119 : memref<1x128x128xf32, #tpu.memory_space<hbm>> -> memref<128x128xf32, #tpu.memory_space<hbm>>
      %dma_wait3A_121 = arith.constant 0 : i32
      %dma_wait3A_122 = tpu.memref_slice %arg11[%arg0, %add3A_96, %dma_wait3A_121] : memref<2x10112x128xf32, #tpu.memory_space<hbm>> -> memref<1x128x128xf32, #tpu.memory_space<hbm>>
      %dma_wait3A_123 = tpu.memref_squeeze %dma_wait3A_122 : memref<1x128x128xf32, #tpu.memory_space<hbm>> -> memref<128x128xf32, #tpu.memory_space<hbm>>
      %dma_wait3A_124 = arith.constant 0 : i32
      %dma_wait3A_125 = arith.constant 0 : i32
      %dma_wait3A_126 = tpu.memref_slice %arg14[%dma_wait3A_124, %dma_wait3A_125] : memref<128x128xf32, #tpu.memory_space<vmem>> -> memref<128x128xf32, #tpu.memory_space<vmem>>
      tpu.wait_dma2 semaphore(%run_scoped3A : memref<!tpu.dma_semaphore, #tpu.memory_space<semaphore_mem>>) src(%dma_wait3A_126 : memref<128x128xf32, #tpu.memory_space<vmem>>) dst(%dma_wait3A_123 : memref<128x128xf32, #tpu.memory_space<hbm>>)
      tpu.yield
    }) : () -> ()
    %add3A_97 = arith.constant 384 : i32
    %add3A_98 = arith.addi %mul3A_2, %add3A_97 : i32
    "tpu.region"() ({
      %run_scoped3A = tpu.sem_alloc : memref<!tpu.dma_semaphore, #tpu.memory_space<semaphore_mem>>
      %dma_start3A = arith.constant 0 : i32
      %dma_start3A_105 = arith.constant 0 : i32
      %dma_start3A_106 = tpu.memref_slice %arg14[%dma_start3A, %dma_start3A_105] : memref<128x128xf32, #tpu.memory_space<vmem>> -> memref<128x128xf32, #tpu.memory_space<vmem>>
      %dma_start3A_107 = arith.constant 0 : i32
      %dma_start3A_108 = tpu.memref_slice %arg16[%add3A_98, %dma_start3A_107] : memref<10112x128xf32, #tpu.memory_space<vmem_shared>> -> memref<128x128xf32, #tpu.memory_space<vmem_shared>>
      %dma_start3A_109 = arith.constant 0 : i32
      %dma_start3A_110 = arith.constant 0 : i32
      %dma_start3A_111 = tpu.memref_slice %arg14[%dma_start3A_109, %dma_start3A_110] : memref<128x128xf32, #tpu.memory_space<vmem>> -> memref<128x128xf32, #tpu.memory_space<vmem>>
      %dma_start3A_112 = arith.constant 0 : i32
      %dma_start3A_113 = tpu.memref_slice %arg16[%add3A_98, %dma_start3A_112] : memref<10112x128xf32, #tpu.memory_space<vmem_shared>> -> memref<128x128xf32, #tpu.memory_space<vmem_shared>>
      tpu.enqueue_dma source(%dma_start3A_113 : memref<128x128xf32, #tpu.memory_space<vmem_shared>>) target(%dma_start3A_111 : memref<128x128xf32, #tpu.memory_space<vmem>>) target_semaphore(%run_scoped3A : memref<!tpu.dma_semaphore, #tpu.memory_space<semaphore_mem>>)
      %dma_wait3A = arith.constant 0 : i32
      %dma_wait3A_114 = arith.constant 0 : i32
      %dma_wait3A_115 = tpu.memref_slice %arg14[%dma_wait3A, %dma_wait3A_114] : memref<128x128xf32, #tpu.memory_space<vmem>> -> memref<128x128xf32, #tpu.memory_space<vmem>>
      %dma_wait3A_116 = arith.constant 0 : i32
      %dma_wait3A_117 = tpu.memref_slice %arg16[%add3A_98, %dma_wait3A_116] : memref<10112x128xf32, #tpu.memory_space<vmem_shared>> -> memref<128x128xf32, #tpu.memory_space<vmem_shared>>
      %dma_wait3A_118 = arith.constant 0 : i32
      %dma_wait3A_119 = arith.constant 0 : i32
      %dma_wait3A_120 = tpu.memref_slice %arg14[%dma_wait3A_118, %dma_wait3A_119] : memref<128x128xf32, #tpu.memory_space<vmem>> -> memref<128x128xf32, #tpu.memory_space<vmem>>
      %dma_wait3A_121 = arith.constant 0 : i32
      %dma_wait3A_122 = tpu.memref_slice %arg16[%add3A_98, %dma_wait3A_121] : memref<10112x128xf32, #tpu.memory_space<vmem_shared>> -> memref<128x128xf32, #tpu.memory_space<vmem_shared>>
      tpu.wait_dma2 semaphore(%run_scoped3A : memref<!tpu.dma_semaphore, #tpu.memory_space<semaphore_mem>>) src(%dma_wait3A_122 : memref<128x128xf32, #tpu.memory_space<vmem_shared>>) dst(%dma_wait3A_120 : memref<128x128xf32, #tpu.memory_space<vmem>>)
      tpu.yield
    }) : () -> ()
    %add3A_99 = arith.constant 384 : i32
    %add3A_100 = arith.addi %mul3A_2, %add3A_99 : i32
    "tpu.region"() ({
      %run_scoped3A = tpu.sem_alloc : memref<!tpu.dma_semaphore, #tpu.memory_space<semaphore_mem>>
      %dma_start3A = arith.constant 0 : i32
      %dma_start3A_105 = arith.constant 0 : i32
      %dma_start3A_106 = tpu.memref_slice %arg14[%dma_start3A, %dma_start3A_105] : memref<128x128xf32, #tpu.memory_space<vmem>> -> memref<128x128xf32, #tpu.memory_space<vmem>>
      %dma_start3A_107 = arith.constant 0 : i32
      %dma_start3A_108 = tpu.memref_slice %arg11[%arg0, %add3A_100, %dma_start3A_107] : memref<2x10112x128xf32, #tpu.memory_space<hbm>> -> memref<1x128x128xf32, #tpu.memory_space<hbm>>
      %dma_start3A_109 = tpu.memref_squeeze %dma_start3A_108 : memref<1x128x128xf32, #tpu.memory_space<hbm>> -> memref<128x128xf32, #tpu.memory_space<hbm>>
      %dma_start3A_110 = arith.constant 0 : i32
      %dma_start3A_111 = tpu.memref_slice %arg11[%arg0, %add3A_100, %dma_start3A_110] : memref<2x10112x128xf32, #tpu.memory_space<hbm>> -> memref<1x128x128xf32, #tpu.memory_space<hbm>>
      %dma_start3A_112 = tpu.memref_squeeze %dma_start3A_111 : memref<1x128x128xf32, #tpu.memory_space<hbm>> -> memref<128x128xf32, #tpu.memory_space<hbm>>
      %dma_start3A_113 = arith.constant 0 : i32
      %dma_start3A_114 = arith.constant 0 : i32
      %dma_start3A_115 = tpu.memref_slice %arg14[%dma_start3A_113, %dma_start3A_114] : memref<128x128xf32, #tpu.memory_space<vmem>> -> memref<128x128xf32, #tpu.memory_space<vmem>>
      tpu.enqueue_dma source(%dma_start3A_115 : memref<128x128xf32, #tpu.memory_space<vmem>>) target(%dma_start3A_112 : memref<128x128xf32, #tpu.memory_space<hbm>>) target_semaphore(%run_scoped3A : memref<!tpu.dma_semaphore, #tpu.memory_space<semaphore_mem>>)
      %dma_wait3A = arith.constant 0 : i32
      %dma_wait3A_116 = arith.constant 0 : i32
      %dma_wait3A_117 = tpu.memref_slice %arg14[%dma_wait3A, %dma_wait3A_116] : memref<128x128xf32, #tpu.memory_space<vmem>> -> memref<128x128xf32, #tpu.memory_space<vmem>>
      %dma_wait3A_118 = arith.constant 0 : i32
      %dma_wait3A_119 = tpu.memref_slice %arg11[%arg0, %add3A_100, %dma_wait3A_118] : memref<2x10112x128xf32, #tpu.memory_space<hbm>> -> memref<1x128x128xf32, #tpu.memory_space<hbm>>
      %dma_wait3A_120 = tpu.memref_squeeze %dma_wait3A_119 : memref<1x128x128xf32, #tpu.memory_space<hbm>> -> memref<128x128xf32, #tpu.memory_space<hbm>>
      %dma_wait3A_121 = arith.constant 0 : i32
      %dma_wait3A_122 = tpu.memref_slice %arg11[%arg0, %add3A_100, %dma_wait3A_121] : memref<2x10112x128xf32, #tpu.memory_space<hbm>> -> memref<1x128x128xf32, #tpu.memory_space<hbm>>
      %dma_wait3A_123 = tpu.memref_squeeze %dma_wait3A_122 : memref<1x128x128xf32, #tpu.memory_space<hbm>> -> memref<128x128xf32, #tpu.memory_space<hbm>>
      %dma_wait3A_124 = arith.constant 0 : i32
      %dma_wait3A_125 = arith.constant 0 : i32
      %dma_wait3A_126 = tpu.memref_slice %arg14[%dma_wait3A_124, %dma_wait3A_125] : memref<128x128xf32, #tpu.memory_space<vmem>> -> memref<128x128xf32, #tpu.memory_space<vmem>>
      tpu.wait_dma2 semaphore(%run_scoped3A : memref<!tpu.dma_semaphore, #tpu.memory_space<semaphore_mem>>) src(%dma_wait3A_126 : memref<128x128xf32, #tpu.memory_space<vmem>>) dst(%dma_wait3A_123 : memref<128x128xf32, #tpu.memory_space<hbm>>)
      tpu.yield
    }) : () -> ()
    %add3A_101 = arith.constant 512 : i32
    %add3A_102 = arith.addi %mul3A_2, %add3A_101 : i32
    "tpu.region"() ({
      %run_scoped3A = tpu.sem_alloc : memref<!tpu.dma_semaphore, #tpu.memory_space<semaphore_mem>>
      %dma_start3A = arith.constant 0 : i32
      %dma_start3A_105 = arith.constant 0 : i32
      %dma_start3A_106 = tpu.memref_slice %arg14[%dma_start3A, %dma_start3A_105] : memref<128x128xf32, #tpu.memory_space<vmem>> -> memref<120x128xf32, #tpu.memory_space<vmem>>
      %dma_start3A_107 = arith.constant 0 : i32
      %dma_start3A_108 = tpu.memref_slice %arg16[%add3A_102, %dma_start3A_107] : memref<10112x128xf32, #tpu.memory_space<vmem_shared>> -> memref<120x128xf32, #tpu.memory_space<vmem_shared>>
      %dma_start3A_109 = arith.constant 0 : i32
      %dma_start3A_110 = arith.constant 0 : i32
      %dma_start3A_111 = tpu.memref_slice %arg14[%dma_start3A_109, %dma_start3A_110] : memref<128x128xf32, #tpu.memory_space<vmem>> -> memref<120x128xf32, #tpu.memory_space<vmem>>
      %dma_start3A_112 = arith.constant 0 : i32
      %dma_start3A_113 = tpu.memref_slice %arg16[%add3A_102, %dma_start3A_112] : memref<10112x128xf32, #tpu.memory_space<vmem_shared>> -> memref<120x128xf32, #tpu.memory_space<vmem_shared>>
      tpu.enqueue_dma source(%dma_start3A_113 : memref<120x128xf32, #tpu.memory_space<vmem_shared>>) target(%dma_start3A_111 : memref<120x128xf32, #tpu.memory_space<vmem>>) target_semaphore(%run_scoped3A : memref<!tpu.dma_semaphore, #tpu.memory_space<semaphore_mem>>)
      %dma_wait3A = arith.constant 0 : i32
      %dma_wait3A_114 = arith.constant 0 : i32
      %dma_wait3A_115 = tpu.memref_slice %arg14[%dma_wait3A, %dma_wait3A_114] : memref<128x128xf32, #tpu.memory_space<vmem>> -> memref<120x128xf32, #tpu.memory_space<vmem>>
      %dma_wait3A_116 = arith.constant 0 : i32
      %dma_wait3A_117 = tpu.memref_slice %arg16[%add3A_102, %dma_wait3A_116] : memref<10112x128xf32, #tpu.memory_space<vmem_shared>> -> memref<120x128xf32, #tpu.memory_space<vmem_shared>>
      %dma_wait3A_118 = arith.constant 0 : i32
      %dma_wait3A_119 = arith.constant 0 : i32
      %dma_wait3A_120 = tpu.memref_slice %arg14[%dma_wait3A_118, %dma_wait3A_119] : memref<128x128xf32, #tpu.memory_space<vmem>> -> memref<120x128xf32, #tpu.memory_space<vmem>>
      %dma_wait3A_121 = arith.constant 0 : i32
      %dma_wait3A_122 = tpu.memref_slice %arg16[%add3A_102, %dma_wait3A_121] : memref<10112x128xf32, #tpu.memory_space<vmem_shared>> -> memref<120x128xf32, #tpu.memory_space<vmem_shared>>
      tpu.wait_dma2 semaphore(%run_scoped3A : memref<!tpu.dma_semaphore, #tpu.memory_space<semaphore_mem>>) src(%dma_wait3A_122 : memref<120x128xf32, #tpu.memory_space<vmem_shared>>) dst(%dma_wait3A_120 : memref<120x128xf32, #tpu.memory_space<vmem>>)
      tpu.yield
    }) : () -> ()
    %add3A_103 = arith.constant 512 : i32
    %add3A_104 = arith.addi %mul3A_2, %add3A_103 : i32
    "tpu.region"() ({
      %run_scoped3A = tpu.sem_alloc : memref<!tpu.dma_semaphore, #tpu.memory_space<semaphore_mem>>
      %dma_start3A = arith.constant 0 : i32
      %dma_start3A_105 = arith.constant 0 : i32
      %dma_start3A_106 = tpu.memref_slice %arg14[%dma_start3A, %dma_start3A_105] : memref<128x128xf32, #tpu.memory_space<vmem>> -> memref<120x128xf32, #tpu.memory_space<vmem>>
      %dma_start3A_107 = arith.constant 0 : i32
      %dma_start3A_108 = tpu.memref_slice %arg11[%arg0, %add3A_104, %dma_start3A_107] : memref<2x10112x128xf32, #tpu.memory_space<hbm>> -> memref<1x120x128xf32, #tpu.memory_space<hbm>>
      %dma_start3A_109 = tpu.memref_squeeze %dma_start3A_108 : memref<1x120x128xf32, #tpu.memory_space<hbm>> -> memref<120x128xf32, #tpu.memory_space<hbm>>
      %dma_start3A_110 = arith.constant 0 : i32
      %dma_start3A_111 = tpu.memref_slice %arg11[%arg0, %add3A_104, %dma_start3A_110] : memref<2x10112x128xf32, #tpu.memory_space<hbm>> -> memref<1x120x128xf32, #tpu.memory_space<hbm>>
      %dma_start3A_112 = tpu.memref_squeeze %dma_start3A_111 : memref<1x120x128xf32, #tpu.memory_space<hbm>> -> memref<120x128xf32, #tpu.memory_space<hbm>>
      %dma_start3A_113 = arith.constant 0 : i32
      %dma_start3A_114 = arith.constant 0 : i32
      %dma_start3A_115 = tpu.memref_slice %arg14[%dma_start3A_113, %dma_start3A_114] : memref<128x128xf32, #tpu.memory_space<vmem>> -> memref<120x128xf32, #tpu.memory_space<vmem>>
      tpu.enqueue_dma source(%dma_start3A_115 : memref<120x128xf32, #tpu.memory_space<vmem>>) target(%dma_start3A_112 : memref<120x128xf32, #tpu.memory_space<hbm>>) target_semaphore(%run_scoped3A : memref<!tpu.dma_semaphore, #tpu.memory_space<semaphore_mem>>)
      %dma_wait3A = arith.constant 0 : i32
      %dma_wait3A_116 = arith.constant 0 : i32
      %dma_wait3A_117 = tpu.memref_slice %arg14[%dma_wait3A, %dma_wait3A_116] : memref<128x128xf32, #tpu.memory_space<vmem>> -> memref<120x128xf32, #tpu.memory_space<vmem>>
      %dma_wait3A_118 = arith.constant 0 : i32
      %dma_wait3A_119 = tpu.memref_slice %arg11[%arg0, %add3A_104, %dma_wait3A_118] : memref<2x10112x128xf32, #tpu.memory_space<hbm>> -> memref<1x120x128xf32, #tpu.memory_space<hbm>>
      %dma_wait3A_120 = tpu.memref_squeeze %dma_wait3A_119 : memref<1x120x128xf32, #tpu.memory_space<hbm>> -> memref<120x128xf32, #tpu.memory_space<hbm>>
      %dma_wait3A_121 = arith.constant 0 : i32
      %dma_wait3A_122 = tpu.memref_slice %arg11[%arg0, %add3A_104, %dma_wait3A_121] : memref<2x10112x128xf32, #tpu.memory_space<hbm>> -> memref<1x120x128xf32, #tpu.memory_space<hbm>>
      %dma_wait3A_123 = tpu.memref_squeeze %dma_wait3A_122 : memref<1x120x128xf32, #tpu.memory_space<hbm>> -> memref<120x128xf32, #tpu.memory_space<hbm>>
      %dma_wait3A_124 = arith.constant 0 : i32
      %dma_wait3A_125 = arith.constant 0 : i32
      %dma_wait3A_126 = tpu.memref_slice %arg14[%dma_wait3A_124, %dma_wait3A_125] : memref<128x128xf32, #tpu.memory_space<vmem>> -> memref<120x128xf32, #tpu.memory_space<vmem>>
      tpu.wait_dma2 semaphore(%run_scoped3A : memref<!tpu.dma_semaphore, #tpu.memory_space<semaphore_mem>>) src(%dma_wait3A_126 : memref<120x128xf32, #tpu.memory_space<vmem>>) dst(%dma_wait3A_123 : memref<120x128xf32, #tpu.memory_space<hbm>>)
      tpu.yield
    }) : () -> ()
    return
  }
}

#map = affine_map<(d0, d1) -> (0, 0)>
#map1 = affine_map<(d0, d1) -> (0, 0, 0)>
module attributes {stable_mosaic.version = 14 : i64} {
  func.func @sc_second(%arg0: i32, %arg1: i32, %arg2: memref<10112x128xf32, #tpu.memory_space<hbm>>, %arg3: memref<32x80x128xi32, #tpu.memory_space<hbm>>, %arg4: memref<32x80x128xi32, #tpu.memory_space<hbm>>, %arg5: memref<2x10112x128xf32, #tpu.memory_space<hbm>>, %arg6: memref<2x10112x128xf32, #tpu.memory_space<hbm>>, %arg7: memref<8x128xi32, #tpu.memory_space<vmem>>, %arg8: memref<8x128xi32, #tpu.memory_space<vmem>>, %arg9: memref<128x128xf32, #tpu.memory_space<vmem>>, %arg10: memref<128x128xf32, #tpu.memory_space<vmem>>, %arg11: memref<10112x128xf32, #tpu.memory_space<vmem_shared>>, %arg12: memref<!tpu.dma_semaphore, #tpu.memory_space<semaphore_mem>>, %arg13: memref<!tpu.dma_semaphore, #tpu.memory_space<semaphore_mem>>) attributes {dimension_semantics = [#tpu.dimension_semantics<core_parallel>, #tpu.dimension_semantics<subcore_parallel>], iteration_bounds = array<i64: 2, 16>, scalar_prefetch = 0 : i64, scratch_operands = 7 : i64, tpu.core_type = #tpu.core_type<sc_vector_subcore>, window_params = [{transform_indices = #map}, {transform_indices = #map1}, {transform_indices = #map1}, {transform_indices = #map1}, {transform_indices = #map1}]} {
    %mul3A = arith.constant 2 : i32
    %mul3A_0 = arith.muli %arg1, %mul3A : i32
    %add3A = arith.addi %mul3A_0, %arg0 : i32
    %mul3A_1 = arith.constant 632 : i32
    %mul3A_2 = arith.muli %arg1, %mul3A_1 : i32
    %add3A_3 = arith.constant 0 : i32
    %add3A_4 = arith.addi %mul3A_2, %add3A_3 : i32
    "tpu.region"() ({
      %run_scoped3A = tpu.sem_alloc : memref<!tpu.dma_semaphore, #tpu.memory_space<semaphore_mem>>
      %dma_start3A = arith.constant 0 : i32
      %dma_start3A_49 = arith.constant 0 : i32
      %dma_start3A_50 = tpu.memref_slice %arg9[%dma_start3A, %dma_start3A_49] : memref<128x128xf32, #tpu.memory_space<vmem>> -> memref<128x128xf32, #tpu.memory_space<vmem>>
      %dma_start3A_51 = arith.constant 0 : i32
      %dma_start3A_52 = tpu.memref_slice %arg5[%arg0, %add3A_4, %dma_start3A_51] : memref<2x10112x128xf32, #tpu.memory_space<hbm>> -> memref<1x128x128xf32, #tpu.memory_space<hbm>>
      %dma_start3A_53 = tpu.memref_squeeze %dma_start3A_52 : memref<1x128x128xf32, #tpu.memory_space<hbm>> -> memref<128x128xf32, #tpu.memory_space<hbm>>
      %dma_start3A_54 = arith.constant 0 : i32
      %dma_start3A_55 = arith.constant 0 : i32
      %dma_start3A_56 = tpu.memref_slice %arg9[%dma_start3A_54, %dma_start3A_55] : memref<128x128xf32, #tpu.memory_space<vmem>> -> memref<128x128xf32, #tpu.memory_space<vmem>>
      %dma_start3A_57 = arith.constant 0 : i32
      %dma_start3A_58 = tpu.memref_slice %arg5[%arg0, %add3A_4, %dma_start3A_57] : memref<2x10112x128xf32, #tpu.memory_space<hbm>> -> memref<1x128x128xf32, #tpu.memory_space<hbm>>
      %dma_start3A_59 = tpu.memref_squeeze %dma_start3A_58 : memref<1x128x128xf32, #tpu.memory_space<hbm>> -> memref<128x128xf32, #tpu.memory_space<hbm>>
      tpu.enqueue_dma source(%dma_start3A_59 : memref<128x128xf32, #tpu.memory_space<hbm>>) target(%dma_start3A_56 : memref<128x128xf32, #tpu.memory_space<vmem>>) target_semaphore(%run_scoped3A : memref<!tpu.dma_semaphore, #tpu.memory_space<semaphore_mem>>)
      %dma_wait3A = arith.constant 0 : i32
      %dma_wait3A_60 = arith.constant 0 : i32
      %dma_wait3A_61 = tpu.memref_slice %arg9[%dma_wait3A, %dma_wait3A_60] : memref<128x128xf32, #tpu.memory_space<vmem>> -> memref<128x128xf32, #tpu.memory_space<vmem>>
      %dma_wait3A_62 = arith.constant 0 : i32
      %dma_wait3A_63 = tpu.memref_slice %arg5[%arg0, %add3A_4, %dma_wait3A_62] : memref<2x10112x128xf32, #tpu.memory_space<hbm>> -> memref<1x128x128xf32, #tpu.memory_space<hbm>>
      %dma_wait3A_64 = tpu.memref_squeeze %dma_wait3A_63 : memref<1x128x128xf32, #tpu.memory_space<hbm>> -> memref<128x128xf32, #tpu.memory_space<hbm>>
      %dma_wait3A_65 = arith.constant 0 : i32
      %dma_wait3A_66 = arith.constant 0 : i32
      %dma_wait3A_67 = tpu.memref_slice %arg9[%dma_wait3A_65, %dma_wait3A_66] : memref<128x128xf32, #tpu.memory_space<vmem>> -> memref<128x128xf32, #tpu.memory_space<vmem>>
      %dma_wait3A_68 = arith.constant 0 : i32
      %dma_wait3A_69 = tpu.memref_slice %arg5[%arg0, %add3A_4, %dma_wait3A_68] : memref<2x10112x128xf32, #tpu.memory_space<hbm>> -> memref<1x128x128xf32, #tpu.memory_space<hbm>>
      %dma_wait3A_70 = tpu.memref_squeeze %dma_wait3A_69 : memref<1x128x128xf32, #tpu.memory_space<hbm>> -> memref<128x128xf32, #tpu.memory_space<hbm>>
      tpu.wait_dma2 semaphore(%run_scoped3A : memref<!tpu.dma_semaphore, #tpu.memory_space<semaphore_mem>>) src(%dma_wait3A_70 : memref<128x128xf32, #tpu.memory_space<hbm>>) dst(%dma_wait3A_67 : memref<128x128xf32, #tpu.memory_space<vmem>>)
      tpu.yield
    }) : () -> ()
    %add3A_5 = arith.constant 0 : i32
    %add3A_6 = arith.addi %mul3A_2, %add3A_5 : i32
    "tpu.region"() ({
      %run_scoped3A = tpu.sem_alloc : memref<!tpu.dma_semaphore, #tpu.memory_space<semaphore_mem>>
      %dma_start3A = arith.constant 0 : i32
      %dma_start3A_49 = arith.constant 0 : i32
      %dma_start3A_50 = tpu.memref_slice %arg9[%dma_start3A, %dma_start3A_49] : memref<128x128xf32, #tpu.memory_space<vmem>> -> memref<128x128xf32, #tpu.memory_space<vmem>>
      %dma_start3A_51 = arith.constant 0 : i32
      %dma_start3A_52 = tpu.memref_slice %arg11[%add3A_6, %dma_start3A_51] : memref<10112x128xf32, #tpu.memory_space<vmem_shared>> -> memref<128x128xf32, #tpu.memory_space<vmem_shared>>
      %dma_start3A_53 = arith.constant 0 : i32
      %dma_start3A_54 = tpu.memref_slice %arg11[%add3A_6, %dma_start3A_53] : memref<10112x128xf32, #tpu.memory_space<vmem_shared>> -> memref<128x128xf32, #tpu.memory_space<vmem_shared>>
      %dma_start3A_55 = arith.constant 0 : i32
      %dma_start3A_56 = arith.constant 0 : i32
      %dma_start3A_57 = tpu.memref_slice %arg9[%dma_start3A_55, %dma_start3A_56] : memref<128x128xf32, #tpu.memory_space<vmem>> -> memref<128x128xf32, #tpu.memory_space<vmem>>
      tpu.enqueue_dma source(%dma_start3A_57 : memref<128x128xf32, #tpu.memory_space<vmem>>) target(%dma_start3A_54 : memref<128x128xf32, #tpu.memory_space<vmem_shared>>) target_semaphore(%run_scoped3A : memref<!tpu.dma_semaphore, #tpu.memory_space<semaphore_mem>>)
      %dma_wait3A = arith.constant 0 : i32
      %dma_wait3A_58 = arith.constant 0 : i32
      %dma_wait3A_59 = tpu.memref_slice %arg9[%dma_wait3A, %dma_wait3A_58] : memref<128x128xf32, #tpu.memory_space<vmem>> -> memref<128x128xf32, #tpu.memory_space<vmem>>
      %dma_wait3A_60 = arith.constant 0 : i32
      %dma_wait3A_61 = tpu.memref_slice %arg11[%add3A_6, %dma_wait3A_60] : memref<10112x128xf32, #tpu.memory_space<vmem_shared>> -> memref<128x128xf32, #tpu.memory_space<vmem_shared>>
      %dma_wait3A_62 = arith.constant 0 : i32
      %dma_wait3A_63 = tpu.memref_slice %arg11[%add3A_6, %dma_wait3A_62] : memref<10112x128xf32, #tpu.memory_space<vmem_shared>> -> memref<128x128xf32, #tpu.memory_space<vmem_shared>>
      %dma_wait3A_64 = arith.constant 0 : i32
      %dma_wait3A_65 = arith.constant 0 : i32
      %dma_wait3A_66 = tpu.memref_slice %arg9[%dma_wait3A_64, %dma_wait3A_65] : memref<128x128xf32, #tpu.memory_space<vmem>> -> memref<128x128xf32, #tpu.memory_space<vmem>>
      tpu.wait_dma2 semaphore(%run_scoped3A : memref<!tpu.dma_semaphore, #tpu.memory_space<semaphore_mem>>) src(%dma_wait3A_66 : memref<128x128xf32, #tpu.memory_space<vmem>>) dst(%dma_wait3A_63 : memref<128x128xf32, #tpu.memory_space<vmem_shared>>)
      tpu.yield
    }) : () -> ()
    %add3A_7 = arith.constant 128 : i32
    %add3A_8 = arith.addi %mul3A_2, %add3A_7 : i32
    "tpu.region"() ({
      %run_scoped3A = tpu.sem_alloc : memref<!tpu.dma_semaphore, #tpu.memory_space<semaphore_mem>>
      %dma_start3A = arith.constant 0 : i32
      %dma_start3A_49 = arith.constant 0 : i32
      %dma_start3A_50 = tpu.memref_slice %arg9[%dma_start3A, %dma_start3A_49] : memref<128x128xf32, #tpu.memory_space<vmem>> -> memref<128x128xf32, #tpu.memory_space<vmem>>
      %dma_start3A_51 = arith.constant 0 : i32
      %dma_start3A_52 = tpu.memref_slice %arg5[%arg0, %add3A_8, %dma_start3A_51] : memref<2x10112x128xf32, #tpu.memory_space<hbm>> -> memref<1x128x128xf32, #tpu.memory_space<hbm>>
      %dma_start3A_53 = tpu.memref_squeeze %dma_start3A_52 : memref<1x128x128xf32, #tpu.memory_space<hbm>> -> memref<128x128xf32, #tpu.memory_space<hbm>>
      %dma_start3A_54 = arith.constant 0 : i32
      %dma_start3A_55 = arith.constant 0 : i32
      %dma_start3A_56 = tpu.memref_slice %arg9[%dma_start3A_54, %dma_start3A_55] : memref<128x128xf32, #tpu.memory_space<vmem>> -> memref<128x128xf32, #tpu.memory_space<vmem>>
      %dma_start3A_57 = arith.constant 0 : i32
      %dma_start3A_58 = tpu.memref_slice %arg5[%arg0, %add3A_8, %dma_start3A_57] : memref<2x10112x128xf32, #tpu.memory_space<hbm>> -> memref<1x128x128xf32, #tpu.memory_space<hbm>>
      %dma_start3A_59 = tpu.memref_squeeze %dma_start3A_58 : memref<1x128x128xf32, #tpu.memory_space<hbm>> -> memref<128x128xf32, #tpu.memory_space<hbm>>
      tpu.enqueue_dma source(%dma_start3A_59 : memref<128x128xf32, #tpu.memory_space<hbm>>) target(%dma_start3A_56 : memref<128x128xf32, #tpu.memory_space<vmem>>) target_semaphore(%run_scoped3A : memref<!tpu.dma_semaphore, #tpu.memory_space<semaphore_mem>>)
      %dma_wait3A = arith.constant 0 : i32
      %dma_wait3A_60 = arith.constant 0 : i32
      %dma_wait3A_61 = tpu.memref_slice %arg9[%dma_wait3A, %dma_wait3A_60] : memref<128x128xf32, #tpu.memory_space<vmem>> -> memref<128x128xf32, #tpu.memory_space<vmem>>
      %dma_wait3A_62 = arith.constant 0 : i32
      %dma_wait3A_63 = tpu.memref_slice %arg5[%arg0, %add3A_8, %dma_wait3A_62] : memref<2x10112x128xf32, #tpu.memory_space<hbm>> -> memref<1x128x128xf32, #tpu.memory_space<hbm>>
      %dma_wait3A_64 = tpu.memref_squeeze %dma_wait3A_63 : memref<1x128x128xf32, #tpu.memory_space<hbm>> -> memref<128x128xf32, #tpu.memory_space<hbm>>
      %dma_wait3A_65 = arith.constant 0 : i32
      %dma_wait3A_66 = arith.constant 0 : i32
      %dma_wait3A_67 = tpu.memref_slice %arg9[%dma_wait3A_65, %dma_wait3A_66] : memref<128x128xf32, #tpu.memory_space<vmem>> -> memref<128x128xf32, #tpu.memory_space<vmem>>
      %dma_wait3A_68 = arith.constant 0 : i32
      %dma_wait3A_69 = tpu.memref_slice %arg5[%arg0, %add3A_8, %dma_wait3A_68] : memref<2x10112x128xf32, #tpu.memory_space<hbm>> -> memref<1x128x128xf32, #tpu.memory_space<hbm>>
      %dma_wait3A_70 = tpu.memref_squeeze %dma_wait3A_69 : memref<1x128x128xf32, #tpu.memory_space<hbm>> -> memref<128x128xf32, #tpu.memory_space<hbm>>
      tpu.wait_dma2 semaphore(%run_scoped3A : memref<!tpu.dma_semaphore, #tpu.memory_space<semaphore_mem>>) src(%dma_wait3A_70 : memref<128x128xf32, #tpu.memory_space<hbm>>) dst(%dma_wait3A_67 : memref<128x128xf32, #tpu.memory_space<vmem>>)
      tpu.yield
    }) : () -> ()
    %add3A_9 = arith.constant 128 : i32
    %add3A_10 = arith.addi %mul3A_2, %add3A_9 : i32
    "tpu.region"() ({
      %run_scoped3A = tpu.sem_alloc : memref<!tpu.dma_semaphore, #tpu.memory_space<semaphore_mem>>
      %dma_start3A = arith.constant 0 : i32
      %dma_start3A_49 = arith.constant 0 : i32
      %dma_start3A_50 = tpu.memref_slice %arg9[%dma_start3A, %dma_start3A_49] : memref<128x128xf32, #tpu.memory_space<vmem>> -> memref<128x128xf32, #tpu.memory_space<vmem>>
      %dma_start3A_51 = arith.constant 0 : i32
      %dma_start3A_52 = tpu.memref_slice %arg11[%add3A_10, %dma_start3A_51] : memref<10112x128xf32, #tpu.memory_space<vmem_shared>> -> memref<128x128xf32, #tpu.memory_space<vmem_shared>>
      %dma_start3A_53 = arith.constant 0 : i32
      %dma_start3A_54 = tpu.memref_slice %arg11[%add3A_10, %dma_start3A_53] : memref<10112x128xf32, #tpu.memory_space<vmem_shared>> -> memref<128x128xf32, #tpu.memory_space<vmem_shared>>
      %dma_start3A_55 = arith.constant 0 : i32
      %dma_start3A_56 = arith.constant 0 : i32
      %dma_start3A_57 = tpu.memref_slice %arg9[%dma_start3A_55, %dma_start3A_56] : memref<128x128xf32, #tpu.memory_space<vmem>> -> memref<128x128xf32, #tpu.memory_space<vmem>>
      tpu.enqueue_dma source(%dma_start3A_57 : memref<128x128xf32, #tpu.memory_space<vmem>>) target(%dma_start3A_54 : memref<128x128xf32, #tpu.memory_space<vmem_shared>>) target_semaphore(%run_scoped3A : memref<!tpu.dma_semaphore, #tpu.memory_space<semaphore_mem>>)
      %dma_wait3A = arith.constant 0 : i32
      %dma_wait3A_58 = arith.constant 0 : i32
      %dma_wait3A_59 = tpu.memref_slice %arg9[%dma_wait3A, %dma_wait3A_58] : memref<128x128xf32, #tpu.memory_space<vmem>> -> memref<128x128xf32, #tpu.memory_space<vmem>>
      %dma_wait3A_60 = arith.constant 0 : i32
      %dma_wait3A_61 = tpu.memref_slice %arg11[%add3A_10, %dma_wait3A_60] : memref<10112x128xf32, #tpu.memory_space<vmem_shared>> -> memref<128x128xf32, #tpu.memory_space<vmem_shared>>
      %dma_wait3A_62 = arith.constant 0 : i32
      %dma_wait3A_63 = tpu.memref_slice %arg11[%add3A_10, %dma_wait3A_62] : memref<10112x128xf32, #tpu.memory_space<vmem_shared>> -> memref<128x128xf32, #tpu.memory_space<vmem_shared>>
      %dma_wait3A_64 = arith.constant 0 : i32
      %dma_wait3A_65 = arith.constant 0 : i32
      %dma_wait3A_66 = tpu.memref_slice %arg9[%dma_wait3A_64, %dma_wait3A_65] : memref<128x128xf32, #tpu.memory_space<vmem>> -> memref<128x128xf32, #tpu.memory_space<vmem>>
      tpu.wait_dma2 semaphore(%run_scoped3A : memref<!tpu.dma_semaphore, #tpu.memory_space<semaphore_mem>>) src(%dma_wait3A_66 : memref<128x128xf32, #tpu.memory_space<vmem>>) dst(%dma_wait3A_63 : memref<128x128xf32, #tpu.memory_space<vmem_shared>>)
      tpu.yield
    }) : () -> ()
    %add3A_11 = arith.constant 256 : i32
    %add3A_12 = arith.addi %mul3A_2, %add3A_11 : i32
    "tpu.region"() ({
      %run_scoped3A = tpu.sem_alloc : memref<!tpu.dma_semaphore, #tpu.memory_space<semaphore_mem>>
      %dma_start3A = arith.constant 0 : i32
      %dma_start3A_49 = arith.constant 0 : i32
      %dma_start3A_50 = tpu.memref_slice %arg9[%dma_start3A, %dma_start3A_49] : memref<128x128xf32, #tpu.memory_space<vmem>> -> memref<128x128xf32, #tpu.memory_space<vmem>>
      %dma_start3A_51 = arith.constant 0 : i32
      %dma_start3A_52 = tpu.memref_slice %arg5[%arg0, %add3A_12, %dma_start3A_51] : memref<2x10112x128xf32, #tpu.memory_space<hbm>> -> memref<1x128x128xf32, #tpu.memory_space<hbm>>
      %dma_start3A_53 = tpu.memref_squeeze %dma_start3A_52 : memref<1x128x128xf32, #tpu.memory_space<hbm>> -> memref<128x128xf32, #tpu.memory_space<hbm>>
      %dma_start3A_54 = arith.constant 0 : i32
      %dma_start3A_55 = arith.constant 0 : i32
      %dma_start3A_56 = tpu.memref_slice %arg9[%dma_start3A_54, %dma_start3A_55] : memref<128x128xf32, #tpu.memory_space<vmem>> -> memref<128x128xf32, #tpu.memory_space<vmem>>
      %dma_start3A_57 = arith.constant 0 : i32
      %dma_start3A_58 = tpu.memref_slice %arg5[%arg0, %add3A_12, %dma_start3A_57] : memref<2x10112x128xf32, #tpu.memory_space<hbm>> -> memref<1x128x128xf32, #tpu.memory_space<hbm>>
      %dma_start3A_59 = tpu.memref_squeeze %dma_start3A_58 : memref<1x128x128xf32, #tpu.memory_space<hbm>> -> memref<128x128xf32, #tpu.memory_space<hbm>>
      tpu.enqueue_dma source(%dma_start3A_59 : memref<128x128xf32, #tpu.memory_space<hbm>>) target(%dma_start3A_56 : memref<128x128xf32, #tpu.memory_space<vmem>>) target_semaphore(%run_scoped3A : memref<!tpu.dma_semaphore, #tpu.memory_space<semaphore_mem>>)
      %dma_wait3A = arith.constant 0 : i32
      %dma_wait3A_60 = arith.constant 0 : i32
      %dma_wait3A_61 = tpu.memref_slice %arg9[%dma_wait3A, %dma_wait3A_60] : memref<128x128xf32, #tpu.memory_space<vmem>> -> memref<128x128xf32, #tpu.memory_space<vmem>>
      %dma_wait3A_62 = arith.constant 0 : i32
      %dma_wait3A_63 = tpu.memref_slice %arg5[%arg0, %add3A_12, %dma_wait3A_62] : memref<2x10112x128xf32, #tpu.memory_space<hbm>> -> memref<1x128x128xf32, #tpu.memory_space<hbm>>
      %dma_wait3A_64 = tpu.memref_squeeze %dma_wait3A_63 : memref<1x128x128xf32, #tpu.memory_space<hbm>> -> memref<128x128xf32, #tpu.memory_space<hbm>>
      %dma_wait3A_65 = arith.constant 0 : i32
      %dma_wait3A_66 = arith.constant 0 : i32
      %dma_wait3A_67 = tpu.memref_slice %arg9[%dma_wait3A_65, %dma_wait3A_66] : memref<128x128xf32, #tpu.memory_space<vmem>> -> memref<128x128xf32, #tpu.memory_space<vmem>>
      %dma_wait3A_68 = arith.constant 0 : i32
      %dma_wait3A_69 = tpu.memref_slice %arg5[%arg0, %add3A_12, %dma_wait3A_68] : memref<2x10112x128xf32, #tpu.memory_space<hbm>> -> memref<1x128x128xf32, #tpu.memory_space<hbm>>
      %dma_wait3A_70 = tpu.memref_squeeze %dma_wait3A_69 : memref<1x128x128xf32, #tpu.memory_space<hbm>> -> memref<128x128xf32, #tpu.memory_space<hbm>>
      tpu.wait_dma2 semaphore(%run_scoped3A : memref<!tpu.dma_semaphore, #tpu.memory_space<semaphore_mem>>) src(%dma_wait3A_70 : memref<128x128xf32, #tpu.memory_space<hbm>>) dst(%dma_wait3A_67 : memref<128x128xf32, #tpu.memory_space<vmem>>)
      tpu.yield
    }) : () -> ()
    %add3A_13 = arith.constant 256 : i32
    %add3A_14 = arith.addi %mul3A_2, %add3A_13 : i32
    "tpu.region"() ({
      %run_scoped3A = tpu.sem_alloc : memref<!tpu.dma_semaphore, #tpu.memory_space<semaphore_mem>>
      %dma_start3A = arith.constant 0 : i32
      %dma_start3A_49 = arith.constant 0 : i32
      %dma_start3A_50 = tpu.memref_slice %arg9[%dma_start3A, %dma_start3A_49] : memref<128x128xf32, #tpu.memory_space<vmem>> -> memref<128x128xf32, #tpu.memory_space<vmem>>
      %dma_start3A_51 = arith.constant 0 : i32
      %dma_start3A_52 = tpu.memref_slice %arg11[%add3A_14, %dma_start3A_51] : memref<10112x128xf32, #tpu.memory_space<vmem_shared>> -> memref<128x128xf32, #tpu.memory_space<vmem_shared>>
      %dma_start3A_53 = arith.constant 0 : i32
      %dma_start3A_54 = tpu.memref_slice %arg11[%add3A_14, %dma_start3A_53] : memref<10112x128xf32, #tpu.memory_space<vmem_shared>> -> memref<128x128xf32, #tpu.memory_space<vmem_shared>>
      %dma_start3A_55 = arith.constant 0 : i32
      %dma_start3A_56 = arith.constant 0 : i32
      %dma_start3A_57 = tpu.memref_slice %arg9[%dma_start3A_55, %dma_start3A_56] : memref<128x128xf32, #tpu.memory_space<vmem>> -> memref<128x128xf32, #tpu.memory_space<vmem>>
      tpu.enqueue_dma source(%dma_start3A_57 : memref<128x128xf32, #tpu.memory_space<vmem>>) target(%dma_start3A_54 : memref<128x128xf32, #tpu.memory_space<vmem_shared>>) target_semaphore(%run_scoped3A : memref<!tpu.dma_semaphore, #tpu.memory_space<semaphore_mem>>)
      %dma_wait3A = arith.constant 0 : i32
      %dma_wait3A_58 = arith.constant 0 : i32
      %dma_wait3A_59 = tpu.memref_slice %arg9[%dma_wait3A, %dma_wait3A_58] : memref<128x128xf32, #tpu.memory_space<vmem>> -> memref<128x128xf32, #tpu.memory_space<vmem>>
      %dma_wait3A_60 = arith.constant 0 : i32
      %dma_wait3A_61 = tpu.memref_slice %arg11[%add3A_14, %dma_wait3A_60] : memref<10112x128xf32, #tpu.memory_space<vmem_shared>> -> memref<128x128xf32, #tpu.memory_space<vmem_shared>>
      %dma_wait3A_62 = arith.constant 0 : i32
      %dma_wait3A_63 = tpu.memref_slice %arg11[%add3A_14, %dma_wait3A_62] : memref<10112x128xf32, #tpu.memory_space<vmem_shared>> -> memref<128x128xf32, #tpu.memory_space<vmem_shared>>
      %dma_wait3A_64 = arith.constant 0 : i32
      %dma_wait3A_65 = arith.constant 0 : i32
      %dma_wait3A_66 = tpu.memref_slice %arg9[%dma_wait3A_64, %dma_wait3A_65] : memref<128x128xf32, #tpu.memory_space<vmem>> -> memref<128x128xf32, #tpu.memory_space<vmem>>
      tpu.wait_dma2 semaphore(%run_scoped3A : memref<!tpu.dma_semaphore, #tpu.memory_space<semaphore_mem>>) src(%dma_wait3A_66 : memref<128x128xf32, #tpu.memory_space<vmem>>) dst(%dma_wait3A_63 : memref<128x128xf32, #tpu.memory_space<vmem_shared>>)
      tpu.yield
    }) : () -> ()
    %add3A_15 = arith.constant 384 : i32
    %add3A_16 = arith.addi %mul3A_2, %add3A_15 : i32
    "tpu.region"() ({
      %run_scoped3A = tpu.sem_alloc : memref<!tpu.dma_semaphore, #tpu.memory_space<semaphore_mem>>
      %dma_start3A = arith.constant 0 : i32
      %dma_start3A_49 = arith.constant 0 : i32
      %dma_start3A_50 = tpu.memref_slice %arg9[%dma_start3A, %dma_start3A_49] : memref<128x128xf32, #tpu.memory_space<vmem>> -> memref<128x128xf32, #tpu.memory_space<vmem>>
      %dma_start3A_51 = arith.constant 0 : i32
      %dma_start3A_52 = tpu.memref_slice %arg5[%arg0, %add3A_16, %dma_start3A_51] : memref<2x10112x128xf32, #tpu.memory_space<hbm>> -> memref<1x128x128xf32, #tpu.memory_space<hbm>>
      %dma_start3A_53 = tpu.memref_squeeze %dma_start3A_52 : memref<1x128x128xf32, #tpu.memory_space<hbm>> -> memref<128x128xf32, #tpu.memory_space<hbm>>
      %dma_start3A_54 = arith.constant 0 : i32
      %dma_start3A_55 = arith.constant 0 : i32
      %dma_start3A_56 = tpu.memref_slice %arg9[%dma_start3A_54, %dma_start3A_55] : memref<128x128xf32, #tpu.memory_space<vmem>> -> memref<128x128xf32, #tpu.memory_space<vmem>>
      %dma_start3A_57 = arith.constant 0 : i32
      %dma_start3A_58 = tpu.memref_slice %arg5[%arg0, %add3A_16, %dma_start3A_57] : memref<2x10112x128xf32, #tpu.memory_space<hbm>> -> memref<1x128x128xf32, #tpu.memory_space<hbm>>
      %dma_start3A_59 = tpu.memref_squeeze %dma_start3A_58 : memref<1x128x128xf32, #tpu.memory_space<hbm>> -> memref<128x128xf32, #tpu.memory_space<hbm>>
      tpu.enqueue_dma source(%dma_start3A_59 : memref<128x128xf32, #tpu.memory_space<hbm>>) target(%dma_start3A_56 : memref<128x128xf32, #tpu.memory_space<vmem>>) target_semaphore(%run_scoped3A : memref<!tpu.dma_semaphore, #tpu.memory_space<semaphore_mem>>)
      %dma_wait3A = arith.constant 0 : i32
      %dma_wait3A_60 = arith.constant 0 : i32
      %dma_wait3A_61 = tpu.memref_slice %arg9[%dma_wait3A, %dma_wait3A_60] : memref<128x128xf32, #tpu.memory_space<vmem>> -> memref<128x128xf32, #tpu.memory_space<vmem>>
      %dma_wait3A_62 = arith.constant 0 : i32
      %dma_wait3A_63 = tpu.memref_slice %arg5[%arg0, %add3A_16, %dma_wait3A_62] : memref<2x10112x128xf32, #tpu.memory_space<hbm>> -> memref<1x128x128xf32, #tpu.memory_space<hbm>>
      %dma_wait3A_64 = tpu.memref_squeeze %dma_wait3A_63 : memref<1x128x128xf32, #tpu.memory_space<hbm>> -> memref<128x128xf32, #tpu.memory_space<hbm>>
      %dma_wait3A_65 = arith.constant 0 : i32
      %dma_wait3A_66 = arith.constant 0 : i32
      %dma_wait3A_67 = tpu.memref_slice %arg9[%dma_wait3A_65, %dma_wait3A_66] : memref<128x128xf32, #tpu.memory_space<vmem>> -> memref<128x128xf32, #tpu.memory_space<vmem>>
      %dma_wait3A_68 = arith.constant 0 : i32
      %dma_wait3A_69 = tpu.memref_slice %arg5[%arg0, %add3A_16, %dma_wait3A_68] : memref<2x10112x128xf32, #tpu.memory_space<hbm>> -> memref<1x128x128xf32, #tpu.memory_space<hbm>>
      %dma_wait3A_70 = tpu.memref_squeeze %dma_wait3A_69 : memref<1x128x128xf32, #tpu.memory_space<hbm>> -> memref<128x128xf32, #tpu.memory_space<hbm>>
      tpu.wait_dma2 semaphore(%run_scoped3A : memref<!tpu.dma_semaphore, #tpu.memory_space<semaphore_mem>>) src(%dma_wait3A_70 : memref<128x128xf32, #tpu.memory_space<hbm>>) dst(%dma_wait3A_67 : memref<128x128xf32, #tpu.memory_space<vmem>>)
      tpu.yield
    }) : () -> ()
    %add3A_17 = arith.constant 384 : i32
    %add3A_18 = arith.addi %mul3A_2, %add3A_17 : i32
    "tpu.region"() ({
      %run_scoped3A = tpu.sem_alloc : memref<!tpu.dma_semaphore, #tpu.memory_space<semaphore_mem>>
      %dma_start3A = arith.constant 0 : i32
      %dma_start3A_49 = arith.constant 0 : i32
      %dma_start3A_50 = tpu.memref_slice %arg9[%dma_start3A, %dma_start3A_49] : memref<128x128xf32, #tpu.memory_space<vmem>> -> memref<128x128xf32, #tpu.memory_space<vmem>>
      %dma_start3A_51 = arith.constant 0 : i32
      %dma_start3A_52 = tpu.memref_slice %arg11[%add3A_18, %dma_start3A_51] : memref<10112x128xf32, #tpu.memory_space<vmem_shared>> -> memref<128x128xf32, #tpu.memory_space<vmem_shared>>
      %dma_start3A_53 = arith.constant 0 : i32
      %dma_start3A_54 = tpu.memref_slice %arg11[%add3A_18, %dma_start3A_53] : memref<10112x128xf32, #tpu.memory_space<vmem_shared>> -> memref<128x128xf32, #tpu.memory_space<vmem_shared>>
      %dma_start3A_55 = arith.constant 0 : i32
      %dma_start3A_56 = arith.constant 0 : i32
      %dma_start3A_57 = tpu.memref_slice %arg9[%dma_start3A_55, %dma_start3A_56] : memref<128x128xf32, #tpu.memory_space<vmem>> -> memref<128x128xf32, #tpu.memory_space<vmem>>
      tpu.enqueue_dma source(%dma_start3A_57 : memref<128x128xf32, #tpu.memory_space<vmem>>) target(%dma_start3A_54 : memref<128x128xf32, #tpu.memory_space<vmem_shared>>) target_semaphore(%run_scoped3A : memref<!tpu.dma_semaphore, #tpu.memory_space<semaphore_mem>>)
      %dma_wait3A = arith.constant 0 : i32
      %dma_wait3A_58 = arith.constant 0 : i32
      %dma_wait3A_59 = tpu.memref_slice %arg9[%dma_wait3A, %dma_wait3A_58] : memref<128x128xf32, #tpu.memory_space<vmem>> -> memref<128x128xf32, #tpu.memory_space<vmem>>
      %dma_wait3A_60 = arith.constant 0 : i32
      %dma_wait3A_61 = tpu.memref_slice %arg11[%add3A_18, %dma_wait3A_60] : memref<10112x128xf32, #tpu.memory_space<vmem_shared>> -> memref<128x128xf32, #tpu.memory_space<vmem_shared>>
      %dma_wait3A_62 = arith.constant 0 : i32
      %dma_wait3A_63 = tpu.memref_slice %arg11[%add3A_18, %dma_wait3A_62] : memref<10112x128xf32, #tpu.memory_space<vmem_shared>> -> memref<128x128xf32, #tpu.memory_space<vmem_shared>>
      %dma_wait3A_64 = arith.constant 0 : i32
      %dma_wait3A_65 = arith.constant 0 : i32
      %dma_wait3A_66 = tpu.memref_slice %arg9[%dma_wait3A_64, %dma_wait3A_65] : memref<128x128xf32, #tpu.memory_space<vmem>> -> memref<128x128xf32, #tpu.memory_space<vmem>>
      tpu.wait_dma2 semaphore(%run_scoped3A : memref<!tpu.dma_semaphore, #tpu.memory_space<semaphore_mem>>) src(%dma_wait3A_66 : memref<128x128xf32, #tpu.memory_space<vmem>>) dst(%dma_wait3A_63 : memref<128x128xf32, #tpu.memory_space<vmem_shared>>)
      tpu.yield
    }) : () -> ()
    %add3A_19 = arith.constant 512 : i32
    %add3A_20 = arith.addi %mul3A_2, %add3A_19 : i32
    "tpu.region"() ({
      %run_scoped3A = tpu.sem_alloc : memref<!tpu.dma_semaphore, #tpu.memory_space<semaphore_mem>>
      %dma_start3A = arith.constant 0 : i32
      %dma_start3A_49 = arith.constant 0 : i32
      %dma_start3A_50 = tpu.memref_slice %arg9[%dma_start3A, %dma_start3A_49] : memref<128x128xf32, #tpu.memory_space<vmem>> -> memref<120x128xf32, #tpu.memory_space<vmem>>
      %dma_start3A_51 = arith.constant 0 : i32
      %dma_start3A_52 = tpu.memref_slice %arg5[%arg0, %add3A_20, %dma_start3A_51] : memref<2x10112x128xf32, #tpu.memory_space<hbm>> -> memref<1x120x128xf32, #tpu.memory_space<hbm>>
      %dma_start3A_53 = tpu.memref_squeeze %dma_start3A_52 : memref<1x120x128xf32, #tpu.memory_space<hbm>> -> memref<120x128xf32, #tpu.memory_space<hbm>>
      %dma_start3A_54 = arith.constant 0 : i32
      %dma_start3A_55 = arith.constant 0 : i32
      %dma_start3A_56 = tpu.memref_slice %arg9[%dma_start3A_54, %dma_start3A_55] : memref<128x128xf32, #tpu.memory_space<vmem>> -> memref<120x128xf32, #tpu.memory_space<vmem>>
      %dma_start3A_57 = arith.constant 0 : i32
      %dma_start3A_58 = tpu.memref_slice %arg5[%arg0, %add3A_20, %dma_start3A_57] : memref<2x10112x128xf32, #tpu.memory_space<hbm>> -> memref<1x120x128xf32, #tpu.memory_space<hbm>>
      %dma_start3A_59 = tpu.memref_squeeze %dma_start3A_58 : memref<1x120x128xf32, #tpu.memory_space<hbm>> -> memref<120x128xf32, #tpu.memory_space<hbm>>
      tpu.enqueue_dma source(%dma_start3A_59 : memref<120x128xf32, #tpu.memory_space<hbm>>) target(%dma_start3A_56 : memref<120x128xf32, #tpu.memory_space<vmem>>) target_semaphore(%run_scoped3A : memref<!tpu.dma_semaphore, #tpu.memory_space<semaphore_mem>>)
      %dma_wait3A = arith.constant 0 : i32
      %dma_wait3A_60 = arith.constant 0 : i32
      %dma_wait3A_61 = tpu.memref_slice %arg9[%dma_wait3A, %dma_wait3A_60] : memref<128x128xf32, #tpu.memory_space<vmem>> -> memref<120x128xf32, #tpu.memory_space<vmem>>
      %dma_wait3A_62 = arith.constant 0 : i32
      %dma_wait3A_63 = tpu.memref_slice %arg5[%arg0, %add3A_20, %dma_wait3A_62] : memref<2x10112x128xf32, #tpu.memory_space<hbm>> -> memref<1x120x128xf32, #tpu.memory_space<hbm>>
      %dma_wait3A_64 = tpu.memref_squeeze %dma_wait3A_63 : memref<1x120x128xf32, #tpu.memory_space<hbm>> -> memref<120x128xf32, #tpu.memory_space<hbm>>
      %dma_wait3A_65 = arith.constant 0 : i32
      %dma_wait3A_66 = arith.constant 0 : i32
      %dma_wait3A_67 = tpu.memref_slice %arg9[%dma_wait3A_65, %dma_wait3A_66] : memref<128x128xf32, #tpu.memory_space<vmem>> -> memref<120x128xf32, #tpu.memory_space<vmem>>
      %dma_wait3A_68 = arith.constant 0 : i32
      %dma_wait3A_69 = tpu.memref_slice %arg5[%arg0, %add3A_20, %dma_wait3A_68] : memref<2x10112x128xf32, #tpu.memory_space<hbm>> -> memref<1x120x128xf32, #tpu.memory_space<hbm>>
      %dma_wait3A_70 = tpu.memref_squeeze %dma_wait3A_69 : memref<1x120x128xf32, #tpu.memory_space<hbm>> -> memref<120x128xf32, #tpu.memory_space<hbm>>
      tpu.wait_dma2 semaphore(%run_scoped3A : memref<!tpu.dma_semaphore, #tpu.memory_space<semaphore_mem>>) src(%dma_wait3A_70 : memref<120x128xf32, #tpu.memory_space<hbm>>) dst(%dma_wait3A_67 : memref<120x128xf32, #tpu.memory_space<vmem>>)
      tpu.yield
    }) : () -> ()
    %add3A_21 = arith.constant 512 : i32
    %add3A_22 = arith.addi %mul3A_2, %add3A_21 : i32
    "tpu.region"() ({
      %run_scoped3A = tpu.sem_alloc : memref<!tpu.dma_semaphore, #tpu.memory_space<semaphore_mem>>
      %dma_start3A = arith.constant 0 : i32
      %dma_start3A_49 = arith.constant 0 : i32
      %dma_start3A_50 = tpu.memref_slice %arg9[%dma_start3A, %dma_start3A_49] : memref<128x128xf32, #tpu.memory_space<vmem>> -> memref<120x128xf32, #tpu.memory_space<vmem>>
      %dma_start3A_51 = arith.constant 0 : i32
      %dma_start3A_52 = tpu.memref_slice %arg11[%add3A_22, %dma_start3A_51] : memref<10112x128xf32, #tpu.memory_space<vmem_shared>> -> memref<120x128xf32, #tpu.memory_space<vmem_shared>>
      %dma_start3A_53 = arith.constant 0 : i32
      %dma_start3A_54 = tpu.memref_slice %arg11[%add3A_22, %dma_start3A_53] : memref<10112x128xf32, #tpu.memory_space<vmem_shared>> -> memref<120x128xf32, #tpu.memory_space<vmem_shared>>
      %dma_start3A_55 = arith.constant 0 : i32
      %dma_start3A_56 = arith.constant 0 : i32
      %dma_start3A_57 = tpu.memref_slice %arg9[%dma_start3A_55, %dma_start3A_56] : memref<128x128xf32, #tpu.memory_space<vmem>> -> memref<120x128xf32, #tpu.memory_space<vmem>>
      tpu.enqueue_dma source(%dma_start3A_57 : memref<120x128xf32, #tpu.memory_space<vmem>>) target(%dma_start3A_54 : memref<120x128xf32, #tpu.memory_space<vmem_shared>>) target_semaphore(%run_scoped3A : memref<!tpu.dma_semaphore, #tpu.memory_space<semaphore_mem>>)
      %dma_wait3A = arith.constant 0 : i32
      %dma_wait3A_58 = arith.constant 0 : i32
      %dma_wait3A_59 = tpu.memref_slice %arg9[%dma_wait3A, %dma_wait3A_58] : memref<128x128xf32, #tpu.memory_space<vmem>> -> memref<120x128xf32, #tpu.memory_space<vmem>>
      %dma_wait3A_60 = arith.constant 0 : i32
      %dma_wait3A_61 = tpu.memref_slice %arg11[%add3A_22, %dma_wait3A_60] : memref<10112x128xf32, #tpu.memory_space<vmem_shared>> -> memref<120x128xf32, #tpu.memory_space<vmem_shared>>
      %dma_wait3A_62 = arith.constant 0 : i32
      %dma_wait3A_63 = tpu.memref_slice %arg11[%add3A_22, %dma_wait3A_62] : memref<10112x128xf32, #tpu.memory_space<vmem_shared>> -> memref<120x128xf32, #tpu.memory_space<vmem_shared>>
      %dma_wait3A_64 = arith.constant 0 : i32
      %dma_wait3A_65 = arith.constant 0 : i32
      %dma_wait3A_66 = tpu.memref_slice %arg9[%dma_wait3A_64, %dma_wait3A_65] : memref<128x128xf32, #tpu.memory_space<vmem>> -> memref<120x128xf32, #tpu.memory_space<vmem>>
      tpu.wait_dma2 semaphore(%run_scoped3A : memref<!tpu.dma_semaphore, #tpu.memory_space<semaphore_mem>>) src(%dma_wait3A_66 : memref<120x128xf32, #tpu.memory_space<vmem>>) dst(%dma_wait3A_63 : memref<120x128xf32, #tpu.memory_space<vmem_shared>>)
      tpu.yield
    }) : () -> ()
    %barrier3A = arith.constant 0 : index
    tpu.barrier barrier_id(%barrier3A)
    %scan3A = arith.constant 0 : i32
    %scan3A_23 = arith.constant 0 : i32
    %scan3A_24 = arith.constant 10 : i32
    %scan3A_25 = arith.addi %scan3A_23, %scan3A_24 : i32
    %scan3A_26 = arith.constant 1 : i32
    scf.for %scan3A_49 = %scan3A_23 to %scan3A_25 step %scan3A_26  : i32 {
      %mul3A_50 = arith.constant 8 : i32
      %mul3A_51 = arith.muli %scan3A_49, %mul3A_50 : i32
      "tpu.region"() ({
        %run_scoped3A_171 = tpu.sem_alloc : memref<!tpu.dma_semaphore, #tpu.memory_space<semaphore_mem>>
        %dma_start3A_172 = arith.constant 0 : i32
        %dma_start3A_173 = tpu.memref_slice %arg3[%add3A, %mul3A_51, %dma_start3A_172] : memref<32x80x128xi32, #tpu.memory_space<hbm>> -> memref<1x8x128xi32, #tpu.memory_space<hbm>>
        %dma_start3A_174 = tpu.memref_squeeze %dma_start3A_173 : memref<1x8x128xi32, #tpu.memory_space<hbm>> -> memref<8x128xi32, #tpu.memory_space<hbm>>
        %dma_start3A_175 = arith.constant 0 : i32
        %dma_start3A_176 = tpu.memref_slice %arg3[%add3A, %mul3A_51, %dma_start3A_175] : memref<32x80x128xi32, #tpu.memory_space<hbm>> -> memref<1x8x128xi32, #tpu.memory_space<hbm>>
        %dma_start3A_177 = tpu.memref_squeeze %dma_start3A_176 : memref<1x8x128xi32, #tpu.memory_space<hbm>> -> memref<8x128xi32, #tpu.memory_space<hbm>>
        tpu.enqueue_dma source(%dma_start3A_177 : memref<8x128xi32, #tpu.memory_space<hbm>>) target(%arg7 : memref<8x128xi32, #tpu.memory_space<vmem>>) target_semaphore(%run_scoped3A_171 : memref<!tpu.dma_semaphore, #tpu.memory_space<semaphore_mem>>)
        %dma_wait3A_178 = arith.constant 0 : i32
        %dma_wait3A_179 = tpu.memref_slice %arg3[%add3A, %mul3A_51, %dma_wait3A_178] : memref<32x80x128xi32, #tpu.memory_space<hbm>> -> memref<1x8x128xi32, #tpu.memory_space<hbm>>
        %dma_wait3A_180 = tpu.memref_squeeze %dma_wait3A_179 : memref<1x8x128xi32, #tpu.memory_space<hbm>> -> memref<8x128xi32, #tpu.memory_space<hbm>>
        %dma_wait3A_181 = arith.constant 0 : i32
        %dma_wait3A_182 = tpu.memref_slice %arg3[%add3A, %mul3A_51, %dma_wait3A_181] : memref<32x80x128xi32, #tpu.memory_space<hbm>> -> memref<1x8x128xi32, #tpu.memory_space<hbm>>
        %dma_wait3A_183 = tpu.memref_squeeze %dma_wait3A_182 : memref<1x8x128xi32, #tpu.memory_space<hbm>> -> memref<8x128xi32, #tpu.memory_space<hbm>>
        tpu.wait_dma2 semaphore(%run_scoped3A_171 : memref<!tpu.dma_semaphore, #tpu.memory_space<semaphore_mem>>) src(%dma_wait3A_183 : memref<8x128xi32, #tpu.memory_space<hbm>>) dst(%arg7 : memref<8x128xi32, #tpu.memory_space<vmem>>)
        tpu.yield
      }) : () -> ()
      %mul3A_52 = arith.constant 8 : i32
      %mul3A_53 = arith.muli %scan3A_49, %mul3A_52 : i32
      "tpu.region"() ({
        %run_scoped3A_171 = tpu.sem_alloc : memref<!tpu.dma_semaphore, #tpu.memory_space<semaphore_mem>>
        %dma_start3A_172 = arith.constant 0 : i32
        %dma_start3A_173 = tpu.memref_slice %arg4[%add3A, %mul3A_53, %dma_start3A_172] : memref<32x80x128xi32, #tpu.memory_space<hbm>> -> memref<1x8x128xi32, #tpu.memory_space<hbm>>
        %dma_start3A_174 = tpu.memref_squeeze %dma_start3A_173 : memref<1x8x128xi32, #tpu.memory_space<hbm>> -> memref<8x128xi32, #tpu.memory_space<hbm>>
        %dma_start3A_175 = arith.constant 0 : i32
        %dma_start3A_176 = tpu.memref_slice %arg4[%add3A, %mul3A_53, %dma_start3A_175] : memref<32x80x128xi32, #tpu.memory_space<hbm>> -> memref<1x8x128xi32, #tpu.memory_space<hbm>>
        %dma_start3A_177 = tpu.memref_squeeze %dma_start3A_176 : memref<1x8x128xi32, #tpu.memory_space<hbm>> -> memref<8x128xi32, #tpu.memory_space<hbm>>
        tpu.enqueue_dma source(%dma_start3A_177 : memref<8x128xi32, #tpu.memory_space<hbm>>) target(%arg8 : memref<8x128xi32, #tpu.memory_space<vmem>>) target_semaphore(%run_scoped3A_171 : memref<!tpu.dma_semaphore, #tpu.memory_space<semaphore_mem>>)
        %dma_wait3A_178 = arith.constant 0 : i32
        %dma_wait3A_179 = tpu.memref_slice %arg4[%add3A, %mul3A_53, %dma_wait3A_178] : memref<32x80x128xi32, #tpu.memory_space<hbm>> -> memref<1x8x128xi32, #tpu.memory_space<hbm>>
        %dma_wait3A_180 = tpu.memref_squeeze %dma_wait3A_179 : memref<1x8x128xi32, #tpu.memory_space<hbm>> -> memref<8x128xi32, #tpu.memory_space<hbm>>
        %dma_wait3A_181 = arith.constant 0 : i32
        %dma_wait3A_182 = tpu.memref_slice %arg4[%add3A, %mul3A_53, %dma_wait3A_181] : memref<32x80x128xi32, #tpu.memory_space<hbm>> -> memref<1x8x128xi32, #tpu.memory_space<hbm>>
        %dma_wait3A_183 = tpu.memref_squeeze %dma_wait3A_182 : memref<1x8x128xi32, #tpu.memory_space<hbm>> -> memref<8x128xi32, #tpu.memory_space<hbm>>
        tpu.wait_dma2 semaphore(%run_scoped3A_171 : memref<!tpu.dma_semaphore, #tpu.memory_space<semaphore_mem>>) src(%dma_wait3A_183 : memref<8x128xi32, #tpu.memory_space<hbm>>) dst(%arg8 : memref<8x128xi32, #tpu.memory_space<vmem>>)
        tpu.yield
      }) : () -> ()
      %dma_start3A = arith.constant 0 : i32
      %dma_start3A_54 = arith.constant 0 : i32
      %dma_start3A_55 = tpu.memref_slice %arg7[%dma_start3A, %dma_start3A_54] : memref<8x128xi32, #tpu.memory_space<vmem>> -> memref<1x128xi32, #tpu.memory_space<vmem>>
      %dma_start3A_56 = tpu.memref_squeeze %dma_start3A_55 : memref<1x128xi32, #tpu.memory_space<vmem>> -> memref<128xi32, #tpu.memory_space<vmem>>
      %dma_start3A_57 = arith.constant 0 : i32
      %dma_start3A_58 = arith.constant 0 : i32
      %dma_start3A_59 = tpu.memref_slice %arg2[%dma_start3A_57, %dma_start3A_58] : memref<10112x128xf32, #tpu.memory_space<hbm>> -> memref<10112x128xf32, #tpu.memory_space<hbm>>
      tpu.enqueue_indirect_dma source(%dma_start3A_59 : memref<10112x128xf32, #tpu.memory_space<hbm>>) target(%arg9 : memref<128x128xf32, #tpu.memory_space<vmem>>) offsets(%dma_start3A_56 : memref<128xi32, #tpu.memory_space<vmem>>) semaphore(%arg12 : memref<!tpu.dma_semaphore, #tpu.memory_space<semaphore_mem>>)
      %dma_start3A_60 = arith.constant 1 : i32
      %dma_start3A_61 = arith.constant 0 : i32
      %dma_start3A_62 = tpu.memref_slice %arg7[%dma_start3A_60, %dma_start3A_61] : memref<8x128xi32, #tpu.memory_space<vmem>> -> memref<1x128xi32, #tpu.memory_space<vmem>>
      %dma_start3A_63 = tpu.memref_squeeze %dma_start3A_62 : memref<1x128xi32, #tpu.memory_space<vmem>> -> memref<128xi32, #tpu.memory_space<vmem>>
      %dma_start3A_64 = arith.constant 0 : i32
      %dma_start3A_65 = arith.constant 0 : i32
      %dma_start3A_66 = tpu.memref_slice %arg2[%dma_start3A_64, %dma_start3A_65] : memref<10112x128xf32, #tpu.memory_space<hbm>> -> memref<10112x128xf32, #tpu.memory_space<hbm>>
      tpu.enqueue_indirect_dma source(%dma_start3A_66 : memref<10112x128xf32, #tpu.memory_space<hbm>>) target(%arg10 : memref<128x128xf32, #tpu.memory_space<vmem>>) offsets(%dma_start3A_63 : memref<128xi32, #tpu.memory_space<vmem>>) semaphore(%arg13 : memref<!tpu.dma_semaphore, #tpu.memory_space<semaphore_mem>>)
      %dma_wait3A = arith.constant 0 : i32
      %dma_wait3A_67 = arith.constant 0 : i32
      %dma_wait3A_68 = tpu.memref_slice %arg7[%dma_wait3A, %dma_wait3A_67] : memref<8x128xi32, #tpu.memory_space<vmem>> -> memref<1x128xi32, #tpu.memory_space<vmem>>
      %dma_wait3A_69 = tpu.memref_squeeze %dma_wait3A_68 : memref<1x128xi32, #tpu.memory_space<vmem>> -> memref<128xi32, #tpu.memory_space<vmem>>
      %dma_wait3A_70 = arith.constant 0 : i32
      %dma_wait3A_71 = arith.constant 0 : i32
      %dma_wait3A_72 = tpu.memref_slice %arg2[%dma_wait3A_70, %dma_wait3A_71] : memref<10112x128xf32, #tpu.memory_space<hbm>> -> memref<10112x128xf32, #tpu.memory_space<hbm>>
      tpu.wait_indirect_dma semaphore(%arg12 : memref<!tpu.dma_semaphore, #tpu.memory_space<semaphore_mem>>) src(%dma_wait3A_72 : memref<10112x128xf32, #tpu.memory_space<hbm>>) dst(%arg9 : memref<128x128xf32, #tpu.memory_space<vmem>>)
      %run_scoped3A = arith.constant 0 : i32
      "tpu.region"() ({
        %run_scoped3A_171 = tpu.sem_alloc : memref<!tpu.dma_semaphore, #tpu.memory_space<semaphore_mem>>
        %dma_start3A_172 = arith.constant 0 : i32
        %dma_start3A_173 = tpu.memref_slice %arg8[%run_scoped3A, %dma_start3A_172] : memref<8x128xi32, #tpu.memory_space<vmem>> -> memref<1x128xi32, #tpu.memory_space<vmem>>
        %dma_start3A_174 = tpu.memref_squeeze %dma_start3A_173 : memref<1x128xi32, #tpu.memory_space<vmem>> -> memref<128xi32, #tpu.memory_space<vmem>>
        %dma_start3A_175 = arith.constant 0 : i32
        %dma_start3A_176 = arith.constant 0 : i32
        %dma_start3A_177 = tpu.memref_slice %arg11[%dma_start3A_175, %dma_start3A_176] : memref<10112x128xf32, #tpu.memory_space<vmem_shared>> -> memref<10112x128xf32, #tpu.memory_space<vmem_shared>>
        tpu.enqueue_indirect_dma source(%arg9 : memref<128x128xf32, #tpu.memory_space<vmem>>) target(%dma_start3A_177 : memref<10112x128xf32, #tpu.memory_space<vmem_shared>>) offsets(%dma_start3A_174 : memref<128xi32, #tpu.memory_space<vmem>>) semaphore(%run_scoped3A_171 : memref<!tpu.dma_semaphore, #tpu.memory_space<semaphore_mem>>) {add = true}
        %dma_wait3A_178 = arith.constant 0 : i32
        %dma_wait3A_179 = tpu.memref_slice %arg8[%run_scoped3A, %dma_wait3A_178] : memref<8x128xi32, #tpu.memory_space<vmem>> -> memref<1x128xi32, #tpu.memory_space<vmem>>
        %dma_wait3A_180 = tpu.memref_squeeze %dma_wait3A_179 : memref<1x128xi32, #tpu.memory_space<vmem>> -> memref<128xi32, #tpu.memory_space<vmem>>
        %dma_wait3A_181 = arith.constant 0 : i32
        %dma_wait3A_182 = arith.constant 0 : i32
        %dma_wait3A_183 = tpu.memref_slice %arg11[%dma_wait3A_181, %dma_wait3A_182] : memref<10112x128xf32, #tpu.memory_space<vmem_shared>> -> memref<10112x128xf32, #tpu.memory_space<vmem_shared>>
        tpu.wait_indirect_dma semaphore(%run_scoped3A_171 : memref<!tpu.dma_semaphore, #tpu.memory_space<semaphore_mem>>) src(%arg9 : memref<128x128xf32, #tpu.memory_space<vmem>>) dst(%dma_wait3A_183 : memref<10112x128xf32, #tpu.memory_space<vmem_shared>>)
        tpu.yield
      }) : () -> ()
      %dma_start3A_73 = arith.constant 2 : i32
      %dma_start3A_74 = arith.constant 0 : i32
      %dma_start3A_75 = tpu.memref_slice %arg7[%dma_start3A_73, %dma_start3A_74] : memref<8x128xi32, #tpu.memory_space<vmem>> -> memref<1x128xi32, #tpu.memory_space<vmem>>
      %dma_start3A_76 = tpu.memref_squeeze %dma_start3A_75 : memref<1x128xi32, #tpu.memory_space<vmem>> -> memref<128xi32, #tpu.memory_space<vmem>>
      %dma_start3A_77 = arith.constant 0 : i32
      %dma_start3A_78 = arith.constant 0 : i32
      %dma_start3A_79 = tpu.memref_slice %arg2[%dma_start3A_77, %dma_start3A_78] : memref<10112x128xf32, #tpu.memory_space<hbm>> -> memref<10112x128xf32, #tpu.memory_space<hbm>>
      tpu.enqueue_indirect_dma source(%dma_start3A_79 : memref<10112x128xf32, #tpu.memory_space<hbm>>) target(%arg9 : memref<128x128xf32, #tpu.memory_space<vmem>>) offsets(%dma_start3A_76 : memref<128xi32, #tpu.memory_space<vmem>>) semaphore(%arg12 : memref<!tpu.dma_semaphore, #tpu.memory_space<semaphore_mem>>)
      %dma_wait3A_80 = arith.constant 1 : i32
      %dma_wait3A_81 = arith.constant 0 : i32
      %dma_wait3A_82 = tpu.memref_slice %arg7[%dma_wait3A_80, %dma_wait3A_81] : memref<8x128xi32, #tpu.memory_space<vmem>> -> memref<1x128xi32, #tpu.memory_space<vmem>>
      %dma_wait3A_83 = tpu.memref_squeeze %dma_wait3A_82 : memref<1x128xi32, #tpu.memory_space<vmem>> -> memref<128xi32, #tpu.memory_space<vmem>>
      %dma_wait3A_84 = arith.constant 0 : i32
      %dma_wait3A_85 = arith.constant 0 : i32
      %dma_wait3A_86 = tpu.memref_slice %arg2[%dma_wait3A_84, %dma_wait3A_85] : memref<10112x128xf32, #tpu.memory_space<hbm>> -> memref<10112x128xf32, #tpu.memory_space<hbm>>
      tpu.wait_indirect_dma semaphore(%arg13 : memref<!tpu.dma_semaphore, #tpu.memory_space<semaphore_mem>>) src(%dma_wait3A_86 : memref<10112x128xf32, #tpu.memory_space<hbm>>) dst(%arg10 : memref<128x128xf32, #tpu.memory_space<vmem>>)
      %run_scoped3A_87 = arith.constant 1 : i32
      "tpu.region"() ({
        %run_scoped3A_171 = tpu.sem_alloc : memref<!tpu.dma_semaphore, #tpu.memory_space<semaphore_mem>>
        %dma_start3A_172 = arith.constant 0 : i32
        %dma_start3A_173 = tpu.memref_slice %arg8[%run_scoped3A_87, %dma_start3A_172] : memref<8x128xi32, #tpu.memory_space<vmem>> -> memref<1x128xi32, #tpu.memory_space<vmem>>
        %dma_start3A_174 = tpu.memref_squeeze %dma_start3A_173 : memref<1x128xi32, #tpu.memory_space<vmem>> -> memref<128xi32, #tpu.memory_space<vmem>>
        %dma_start3A_175 = arith.constant 0 : i32
        %dma_start3A_176 = arith.constant 0 : i32
        %dma_start3A_177 = tpu.memref_slice %arg11[%dma_start3A_175, %dma_start3A_176] : memref<10112x128xf32, #tpu.memory_space<vmem_shared>> -> memref<10112x128xf32, #tpu.memory_space<vmem_shared>>
        tpu.enqueue_indirect_dma source(%arg10 : memref<128x128xf32, #tpu.memory_space<vmem>>) target(%dma_start3A_177 : memref<10112x128xf32, #tpu.memory_space<vmem_shared>>) offsets(%dma_start3A_174 : memref<128xi32, #tpu.memory_space<vmem>>) semaphore(%run_scoped3A_171 : memref<!tpu.dma_semaphore, #tpu.memory_space<semaphore_mem>>) {add = true}
        %dma_wait3A_178 = arith.constant 0 : i32
        %dma_wait3A_179 = tpu.memref_slice %arg8[%run_scoped3A_87, %dma_wait3A_178] : memref<8x128xi32, #tpu.memory_space<vmem>> -> memref<1x128xi32, #tpu.memory_space<vmem>>
        %dma_wait3A_180 = tpu.memref_squeeze %dma_wait3A_179 : memref<1x128xi32, #tpu.memory_space<vmem>> -> memref<128xi32, #tpu.memory_space<vmem>>
        %dma_wait3A_181 = arith.constant 0 : i32
        %dma_wait3A_182 = arith.constant 0 : i32
        %dma_wait3A_183 = tpu.memref_slice %arg11[%dma_wait3A_181, %dma_wait3A_182] : memref<10112x128xf32, #tpu.memory_space<vmem_shared>> -> memref<10112x128xf32, #tpu.memory_space<vmem_shared>>
        tpu.wait_indirect_dma semaphore(%run_scoped3A_171 : memref<!tpu.dma_semaphore, #tpu.memory_space<semaphore_mem>>) src(%arg10 : memref<128x128xf32, #tpu.memory_space<vmem>>) dst(%dma_wait3A_183 : memref<10112x128xf32, #tpu.memory_space<vmem_shared>>)
        tpu.yield
      }) : () -> ()
      %dma_start3A_88 = arith.constant 3 : i32
      %dma_start3A_89 = arith.constant 0 : i32
      %dma_start3A_90 = tpu.memref_slice %arg7[%dma_start3A_88, %dma_start3A_89] : memref<8x128xi32, #tpu.memory_space<vmem>> -> memref<1x128xi32, #tpu.memory_space<vmem>>
      %dma_start3A_91 = tpu.memref_squeeze %dma_start3A_90 : memref<1x128xi32, #tpu.memory_space<vmem>> -> memref<128xi32, #tpu.memory_space<vmem>>
      %dma_start3A_92 = arith.constant 0 : i32
      %dma_start3A_93 = arith.constant 0 : i32
      %dma_start3A_94 = tpu.memref_slice %arg2[%dma_start3A_92, %dma_start3A_93] : memref<10112x128xf32, #tpu.memory_space<hbm>> -> memref<10112x128xf32, #tpu.memory_space<hbm>>
      tpu.enqueue_indirect_dma source(%dma_start3A_94 : memref<10112x128xf32, #tpu.memory_space<hbm>>) target(%arg10 : memref<128x128xf32, #tpu.memory_space<vmem>>) offsets(%dma_start3A_91 : memref<128xi32, #tpu.memory_space<vmem>>) semaphore(%arg13 : memref<!tpu.dma_semaphore, #tpu.memory_space<semaphore_mem>>)
      %dma_wait3A_95 = arith.constant 2 : i32
      %dma_wait3A_96 = arith.constant 0 : i32
      %dma_wait3A_97 = tpu.memref_slice %arg7[%dma_wait3A_95, %dma_wait3A_96] : memref<8x128xi32, #tpu.memory_space<vmem>> -> memref<1x128xi32, #tpu.memory_space<vmem>>
      %dma_wait3A_98 = tpu.memref_squeeze %dma_wait3A_97 : memref<1x128xi32, #tpu.memory_space<vmem>> -> memref<128xi32, #tpu.memory_space<vmem>>
      %dma_wait3A_99 = arith.constant 0 : i32
      %dma_wait3A_100 = arith.constant 0 : i32
      %dma_wait3A_101 = tpu.memref_slice %arg2[%dma_wait3A_99, %dma_wait3A_100] : memref<10112x128xf32, #tpu.memory_space<hbm>> -> memref<10112x128xf32, #tpu.memory_space<hbm>>
      tpu.wait_indirect_dma semaphore(%arg12 : memref<!tpu.dma_semaphore, #tpu.memory_space<semaphore_mem>>) src(%dma_wait3A_101 : memref<10112x128xf32, #tpu.memory_space<hbm>>) dst(%arg9 : memref<128x128xf32, #tpu.memory_space<vmem>>)
      %run_scoped3A_102 = arith.constant 2 : i32
      "tpu.region"() ({
        %run_scoped3A_171 = tpu.sem_alloc : memref<!tpu.dma_semaphore, #tpu.memory_space<semaphore_mem>>
        %dma_start3A_172 = arith.constant 0 : i32
        %dma_start3A_173 = tpu.memref_slice %arg8[%run_scoped3A_102, %dma_start3A_172] : memref<8x128xi32, #tpu.memory_space<vmem>> -> memref<1x128xi32, #tpu.memory_space<vmem>>
        %dma_start3A_174 = tpu.memref_squeeze %dma_start3A_173 : memref<1x128xi32, #tpu.memory_space<vmem>> -> memref<128xi32, #tpu.memory_space<vmem>>
        %dma_start3A_175 = arith.constant 0 : i32
        %dma_start3A_176 = arith.constant 0 : i32
        %dma_start3A_177 = tpu.memref_slice %arg11[%dma_start3A_175, %dma_start3A_176] : memref<10112x128xf32, #tpu.memory_space<vmem_shared>> -> memref<10112x128xf32, #tpu.memory_space<vmem_shared>>
        tpu.enqueue_indirect_dma source(%arg9 : memref<128x128xf32, #tpu.memory_space<vmem>>) target(%dma_start3A_177 : memref<10112x128xf32, #tpu.memory_space<vmem_shared>>) offsets(%dma_start3A_174 : memref<128xi32, #tpu.memory_space<vmem>>) semaphore(%run_scoped3A_171 : memref<!tpu.dma_semaphore, #tpu.memory_space<semaphore_mem>>) {add = true}
        %dma_wait3A_178 = arith.constant 0 : i32
        %dma_wait3A_179 = tpu.memref_slice %arg8[%run_scoped3A_102, %dma_wait3A_178] : memref<8x128xi32, #tpu.memory_space<vmem>> -> memref<1x128xi32, #tpu.memory_space<vmem>>
        %dma_wait3A_180 = tpu.memref_squeeze %dma_wait3A_179 : memref<1x128xi32, #tpu.memory_space<vmem>> -> memref<128xi32, #tpu.memory_space<vmem>>
        %dma_wait3A_181 = arith.constant 0 : i32
        %dma_wait3A_182 = arith.constant 0 : i32
        %dma_wait3A_183 = tpu.memref_slice %arg11[%dma_wait3A_181, %dma_wait3A_182] : memref<10112x128xf32, #tpu.memory_space<vmem_shared>> -> memref<10112x128xf32, #tpu.memory_space<vmem_shared>>
        tpu.wait_indirect_dma semaphore(%run_scoped3A_171 : memref<!tpu.dma_semaphore, #tpu.memory_space<semaphore_mem>>) src(%arg9 : memref<128x128xf32, #tpu.memory_space<vmem>>) dst(%dma_wait3A_183 : memref<10112x128xf32, #tpu.memory_space<vmem_shared>>)
        tpu.yield
      }) : () -> ()
      %dma_start3A_103 = arith.constant 4 : i32
      %dma_start3A_104 = arith.constant 0 : i32
      %dma_start3A_105 = tpu.memref_slice %arg7[%dma_start3A_103, %dma_start3A_104] : memref<8x128xi32, #tpu.memory_space<vmem>> -> memref<1x128xi32, #tpu.memory_space<vmem>>
      %dma_start3A_106 = tpu.memref_squeeze %dma_start3A_105 : memref<1x128xi32, #tpu.memory_space<vmem>> -> memref<128xi32, #tpu.memory_space<vmem>>
      %dma_start3A_107 = arith.constant 0 : i32
      %dma_start3A_108 = arith.constant 0 : i32
      %dma_start3A_109 = tpu.memref_slice %arg2[%dma_start3A_107, %dma_start3A_108] : memref<10112x128xf32, #tpu.memory_space<hbm>> -> memref<10112x128xf32, #tpu.memory_space<hbm>>
      tpu.enqueue_indirect_dma source(%dma_start3A_109 : memref<10112x128xf32, #tpu.memory_space<hbm>>) target(%arg9 : memref<128x128xf32, #tpu.memory_space<vmem>>) offsets(%dma_start3A_106 : memref<128xi32, #tpu.memory_space<vmem>>) semaphore(%arg12 : memref<!tpu.dma_semaphore, #tpu.memory_space<semaphore_mem>>)
      %dma_wait3A_110 = arith.constant 3 : i32
      %dma_wait3A_111 = arith.constant 0 : i32
      %dma_wait3A_112 = tpu.memref_slice %arg7[%dma_wait3A_110, %dma_wait3A_111] : memref<8x128xi32, #tpu.memory_space<vmem>> -> memref<1x128xi32, #tpu.memory_space<vmem>>
      %dma_wait3A_113 = tpu.memref_squeeze %dma_wait3A_112 : memref<1x128xi32, #tpu.memory_space<vmem>> -> memref<128xi32, #tpu.memory_space<vmem>>
      %dma_wait3A_114 = arith.constant 0 : i32
      %dma_wait3A_115 = arith.constant 0 : i32
      %dma_wait3A_116 = tpu.memref_slice %arg2[%dma_wait3A_114, %dma_wait3A_115] : memref<10112x128xf32, #tpu.memory_space<hbm>> -> memref<10112x128xf32, #tpu.memory_space<hbm>>
      tpu.wait_indirect_dma semaphore(%arg13 : memref<!tpu.dma_semaphore, #tpu.memory_space<semaphore_mem>>) src(%dma_wait3A_116 : memref<10112x128xf32, #tpu.memory_space<hbm>>) dst(%arg10 : memref<128x128xf32, #tpu.memory_space<vmem>>)
      %run_scoped3A_117 = arith.constant 3 : i32
      "tpu.region"() ({
        %run_scoped3A_171 = tpu.sem_alloc : memref<!tpu.dma_semaphore, #tpu.memory_space<semaphore_mem>>
        %dma_start3A_172 = arith.constant 0 : i32
        %dma_start3A_173 = tpu.memref_slice %arg8[%run_scoped3A_117, %dma_start3A_172] : memref<8x128xi32, #tpu.memory_space<vmem>> -> memref<1x128xi32, #tpu.memory_space<vmem>>
        %dma_start3A_174 = tpu.memref_squeeze %dma_start3A_173 : memref<1x128xi32, #tpu.memory_space<vmem>> -> memref<128xi32, #tpu.memory_space<vmem>>
        %dma_start3A_175 = arith.constant 0 : i32
        %dma_start3A_176 = arith.constant 0 : i32
        %dma_start3A_177 = tpu.memref_slice %arg11[%dma_start3A_175, %dma_start3A_176] : memref<10112x128xf32, #tpu.memory_space<vmem_shared>> -> memref<10112x128xf32, #tpu.memory_space<vmem_shared>>
        tpu.enqueue_indirect_dma source(%arg10 : memref<128x128xf32, #tpu.memory_space<vmem>>) target(%dma_start3A_177 : memref<10112x128xf32, #tpu.memory_space<vmem_shared>>) offsets(%dma_start3A_174 : memref<128xi32, #tpu.memory_space<vmem>>) semaphore(%run_scoped3A_171 : memref<!tpu.dma_semaphore, #tpu.memory_space<semaphore_mem>>) {add = true}
        %dma_wait3A_178 = arith.constant 0 : i32
        %dma_wait3A_179 = tpu.memref_slice %arg8[%run_scoped3A_117, %dma_wait3A_178] : memref<8x128xi32, #tpu.memory_space<vmem>> -> memref<1x128xi32, #tpu.memory_space<vmem>>
        %dma_wait3A_180 = tpu.memref_squeeze %dma_wait3A_179 : memref<1x128xi32, #tpu.memory_space<vmem>> -> memref<128xi32, #tpu.memory_space<vmem>>
        %dma_wait3A_181 = arith.constant 0 : i32
        %dma_wait3A_182 = arith.constant 0 : i32
        %dma_wait3A_183 = tpu.memref_slice %arg11[%dma_wait3A_181, %dma_wait3A_182] : memref<10112x128xf32, #tpu.memory_space<vmem_shared>> -> memref<10112x128xf32, #tpu.memory_space<vmem_shared>>
        tpu.wait_indirect_dma semaphore(%run_scoped3A_171 : memref<!tpu.dma_semaphore, #tpu.memory_space<semaphore_mem>>) src(%arg10 : memref<128x128xf32, #tpu.memory_space<vmem>>) dst(%dma_wait3A_183 : memref<10112x128xf32, #tpu.memory_space<vmem_shared>>)
        tpu.yield
      }) : () -> ()
      %dma_start3A_118 = arith.constant 5 : i32
      %dma_start3A_119 = arith.constant 0 : i32
      %dma_start3A_120 = tpu.memref_slice %arg7[%dma_start3A_118, %dma_start3A_119] : memref<8x128xi32, #tpu.memory_space<vmem>> -> memref<1x128xi32, #tpu.memory_space<vmem>>
      %dma_start3A_121 = tpu.memref_squeeze %dma_start3A_120 : memref<1x128xi32, #tpu.memory_space<vmem>> -> memref<128xi32, #tpu.memory_space<vmem>>
      %dma_start3A_122 = arith.constant 0 : i32
      %dma_start3A_123 = arith.constant 0 : i32
      %dma_start3A_124 = tpu.memref_slice %arg2[%dma_start3A_122, %dma_start3A_123] : memref<10112x128xf32, #tpu.memory_space<hbm>> -> memref<10112x128xf32, #tpu.memory_space<hbm>>
      tpu.enqueue_indirect_dma source(%dma_start3A_124 : memref<10112x128xf32, #tpu.memory_space<hbm>>) target(%arg10 : memref<128x128xf32, #tpu.memory_space<vmem>>) offsets(%dma_start3A_121 : memref<128xi32, #tpu.memory_space<vmem>>) semaphore(%arg13 : memref<!tpu.dma_semaphore, #tpu.memory_space<semaphore_mem>>)
      %dma_wait3A_125 = arith.constant 4 : i32
      %dma_wait3A_126 = arith.constant 0 : i32
      %dma_wait3A_127 = tpu.memref_slice %arg7[%dma_wait3A_125, %dma_wait3A_126] : memref<8x128xi32, #tpu.memory_space<vmem>> -> memref<1x128xi32, #tpu.memory_space<vmem>>
      %dma_wait3A_128 = tpu.memref_squeeze %dma_wait3A_127 : memref<1x128xi32, #tpu.memory_space<vmem>> -> memref<128xi32, #tpu.memory_space<vmem>>
      %dma_wait3A_129 = arith.constant 0 : i32
      %dma_wait3A_130 = arith.constant 0 : i32
      %dma_wait3A_131 = tpu.memref_slice %arg2[%dma_wait3A_129, %dma_wait3A_130] : memref<10112x128xf32, #tpu.memory_space<hbm>> -> memref<10112x128xf32, #tpu.memory_space<hbm>>
      tpu.wait_indirect_dma semaphore(%arg12 : memref<!tpu.dma_semaphore, #tpu.memory_space<semaphore_mem>>) src(%dma_wait3A_131 : memref<10112x128xf32, #tpu.memory_space<hbm>>) dst(%arg9 : memref<128x128xf32, #tpu.memory_space<vmem>>)
      %run_scoped3A_132 = arith.constant 4 : i32
      "tpu.region"() ({
        %run_scoped3A_171 = tpu.sem_alloc : memref<!tpu.dma_semaphore, #tpu.memory_space<semaphore_mem>>
        %dma_start3A_172 = arith.constant 0 : i32
        %dma_start3A_173 = tpu.memref_slice %arg8[%run_scoped3A_132, %dma_start3A_172] : memref<8x128xi32, #tpu.memory_space<vmem>> -> memref<1x128xi32, #tpu.memory_space<vmem>>
        %dma_start3A_174 = tpu.memref_squeeze %dma_start3A_173 : memref<1x128xi32, #tpu.memory_space<vmem>> -> memref<128xi32, #tpu.memory_space<vmem>>
        %dma_start3A_175 = arith.constant 0 : i32
        %dma_start3A_176 = arith.constant 0 : i32
        %dma_start3A_177 = tpu.memref_slice %arg11[%dma_start3A_175, %dma_start3A_176] : memref<10112x128xf32, #tpu.memory_space<vmem_shared>> -> memref<10112x128xf32, #tpu.memory_space<vmem_shared>>
        tpu.enqueue_indirect_dma source(%arg9 : memref<128x128xf32, #tpu.memory_space<vmem>>) target(%dma_start3A_177 : memref<10112x128xf32, #tpu.memory_space<vmem_shared>>) offsets(%dma_start3A_174 : memref<128xi32, #tpu.memory_space<vmem>>) semaphore(%run_scoped3A_171 : memref<!tpu.dma_semaphore, #tpu.memory_space<semaphore_mem>>) {add = true}
        %dma_wait3A_178 = arith.constant 0 : i32
        %dma_wait3A_179 = tpu.memref_slice %arg8[%run_scoped3A_132, %dma_wait3A_178] : memref<8x128xi32, #tpu.memory_space<vmem>> -> memref<1x128xi32, #tpu.memory_space<vmem>>
        %dma_wait3A_180 = tpu.memref_squeeze %dma_wait3A_179 : memref<1x128xi32, #tpu.memory_space<vmem>> -> memref<128xi32, #tpu.memory_space<vmem>>
        %dma_wait3A_181 = arith.constant 0 : i32
        %dma_wait3A_182 = arith.constant 0 : i32
        %dma_wait3A_183 = tpu.memref_slice %arg11[%dma_wait3A_181, %dma_wait3A_182] : memref<10112x128xf32, #tpu.memory_space<vmem_shared>> -> memref<10112x128xf32, #tpu.memory_space<vmem_shared>>
        tpu.wait_indirect_dma semaphore(%run_scoped3A_171 : memref<!tpu.dma_semaphore, #tpu.memory_space<semaphore_mem>>) src(%arg9 : memref<128x128xf32, #tpu.memory_space<vmem>>) dst(%dma_wait3A_183 : memref<10112x128xf32, #tpu.memory_space<vmem_shared>>)
        tpu.yield
      }) : () -> ()
      %dma_start3A_133 = arith.constant 6 : i32
      %dma_start3A_134 = arith.constant 0 : i32
      %dma_start3A_135 = tpu.memref_slice %arg7[%dma_start3A_133, %dma_start3A_134] : memref<8x128xi32, #tpu.memory_space<vmem>> -> memref<1x128xi32, #tpu.memory_space<vmem>>
      %dma_start3A_136 = tpu.memref_squeeze %dma_start3A_135 : memref<1x128xi32, #tpu.memory_space<vmem>> -> memref<128xi32, #tpu.memory_space<vmem>>
      %dma_start3A_137 = arith.constant 0 : i32
      %dma_start3A_138 = arith.constant 0 : i32
      %dma_start3A_139 = tpu.memref_slice %arg2[%dma_start3A_137, %dma_start3A_138] : memref<10112x128xf32, #tpu.memory_space<hbm>> -> memref<10112x128xf32, #tpu.memory_space<hbm>>
      tpu.enqueue_indirect_dma source(%dma_start3A_139 : memref<10112x128xf32, #tpu.memory_space<hbm>>) target(%arg9 : memref<128x128xf32, #tpu.memory_space<vmem>>) offsets(%dma_start3A_136 : memref<128xi32, #tpu.memory_space<vmem>>) semaphore(%arg12 : memref<!tpu.dma_semaphore, #tpu.memory_space<semaphore_mem>>)
      %dma_wait3A_140 = arith.constant 5 : i32
      %dma_wait3A_141 = arith.constant 0 : i32
      %dma_wait3A_142 = tpu.memref_slice %arg7[%dma_wait3A_140, %dma_wait3A_141] : memref<8x128xi32, #tpu.memory_space<vmem>> -> memref<1x128xi32, #tpu.memory_space<vmem>>
      %dma_wait3A_143 = tpu.memref_squeeze %dma_wait3A_142 : memref<1x128xi32, #tpu.memory_space<vmem>> -> memref<128xi32, #tpu.memory_space<vmem>>
      %dma_wait3A_144 = arith.constant 0 : i32
      %dma_wait3A_145 = arith.constant 0 : i32
      %dma_wait3A_146 = tpu.memref_slice %arg2[%dma_wait3A_144, %dma_wait3A_145] : memref<10112x128xf32, #tpu.memory_space<hbm>> -> memref<10112x128xf32, #tpu.memory_space<hbm>>
      tpu.wait_indirect_dma semaphore(%arg13 : memref<!tpu.dma_semaphore, #tpu.memory_space<semaphore_mem>>) src(%dma_wait3A_146 : memref<10112x128xf32, #tpu.memory_space<hbm>>) dst(%arg10 : memref<128x128xf32, #tpu.memory_space<vmem>>)
      %run_scoped3A_147 = arith.constant 5 : i32
      "tpu.region"() ({
        %run_scoped3A_171 = tpu.sem_alloc : memref<!tpu.dma_semaphore, #tpu.memory_space<semaphore_mem>>
        %dma_start3A_172 = arith.constant 0 : i32
        %dma_start3A_173 = tpu.memref_slice %arg8[%run_scoped3A_147, %dma_start3A_172] : memref<8x128xi32, #tpu.memory_space<vmem>> -> memref<1x128xi32, #tpu.memory_space<vmem>>
        %dma_start3A_174 = tpu.memref_squeeze %dma_start3A_173 : memref<1x128xi32, #tpu.memory_space<vmem>> -> memref<128xi32, #tpu.memory_space<vmem>>
        %dma_start3A_175 = arith.constant 0 : i32
        %dma_start3A_176 = arith.constant 0 : i32
        %dma_start3A_177 = tpu.memref_slice %arg11[%dma_start3A_175, %dma_start3A_176] : memref<10112x128xf32, #tpu.memory_space<vmem_shared>> -> memref<10112x128xf32, #tpu.memory_space<vmem_shared>>
        tpu.enqueue_indirect_dma source(%arg10 : memref<128x128xf32, #tpu.memory_space<vmem>>) target(%dma_start3A_177 : memref<10112x128xf32, #tpu.memory_space<vmem_shared>>) offsets(%dma_start3A_174 : memref<128xi32, #tpu.memory_space<vmem>>) semaphore(%run_scoped3A_171 : memref<!tpu.dma_semaphore, #tpu.memory_space<semaphore_mem>>) {add = true}
        %dma_wait3A_178 = arith.constant 0 : i32
        %dma_wait3A_179 = tpu.memref_slice %arg8[%run_scoped3A_147, %dma_wait3A_178] : memref<8x128xi32, #tpu.memory_space<vmem>> -> memref<1x128xi32, #tpu.memory_space<vmem>>
        %dma_wait3A_180 = tpu.memref_squeeze %dma_wait3A_179 : memref<1x128xi32, #tpu.memory_space<vmem>> -> memref<128xi32, #tpu.memory_space<vmem>>
        %dma_wait3A_181 = arith.constant 0 : i32
        %dma_wait3A_182 = arith.constant 0 : i32
        %dma_wait3A_183 = tpu.memref_slice %arg11[%dma_wait3A_181, %dma_wait3A_182] : memref<10112x128xf32, #tpu.memory_space<vmem_shared>> -> memref<10112x128xf32, #tpu.memory_space<vmem_shared>>
        tpu.wait_indirect_dma semaphore(%run_scoped3A_171 : memref<!tpu.dma_semaphore, #tpu.memory_space<semaphore_mem>>) src(%arg10 : memref<128x128xf32, #tpu.memory_space<vmem>>) dst(%dma_wait3A_183 : memref<10112x128xf32, #tpu.memory_space<vmem_shared>>)
        tpu.yield
      }) : () -> ()
      %dma_start3A_148 = arith.constant 7 : i32
      %dma_start3A_149 = arith.constant 0 : i32
      %dma_start3A_150 = tpu.memref_slice %arg7[%dma_start3A_148, %dma_start3A_149] : memref<8x128xi32, #tpu.memory_space<vmem>> -> memref<1x128xi32, #tpu.memory_space<vmem>>
      %dma_start3A_151 = tpu.memref_squeeze %dma_start3A_150 : memref<1x128xi32, #tpu.memory_space<vmem>> -> memref<128xi32, #tpu.memory_space<vmem>>
      %dma_start3A_152 = arith.constant 0 : i32
      %dma_start3A_153 = arith.constant 0 : i32
      %dma_start3A_154 = tpu.memref_slice %arg2[%dma_start3A_152, %dma_start3A_153] : memref<10112x128xf32, #tpu.memory_space<hbm>> -> memref<10112x128xf32, #tpu.memory_space<hbm>>
      tpu.enqueue_indirect_dma source(%dma_start3A_154 : memref<10112x128xf32, #tpu.memory_space<hbm>>) target(%arg10 : memref<128x128xf32, #tpu.memory_space<vmem>>) offsets(%dma_start3A_151 : memref<128xi32, #tpu.memory_space<vmem>>) semaphore(%arg13 : memref<!tpu.dma_semaphore, #tpu.memory_space<semaphore_mem>>)
      %dma_wait3A_155 = arith.constant 6 : i32
      %dma_wait3A_156 = arith.constant 0 : i32
      %dma_wait3A_157 = tpu.memref_slice %arg7[%dma_wait3A_155, %dma_wait3A_156] : memref<8x128xi32, #tpu.memory_space<vmem>> -> memref<1x128xi32, #tpu.memory_space<vmem>>
      %dma_wait3A_158 = tpu.memref_squeeze %dma_wait3A_157 : memref<1x128xi32, #tpu.memory_space<vmem>> -> memref<128xi32, #tpu.memory_space<vmem>>
      %dma_wait3A_159 = arith.constant 0 : i32
      %dma_wait3A_160 = arith.constant 0 : i32
      %dma_wait3A_161 = tpu.memref_slice %arg2[%dma_wait3A_159, %dma_wait3A_160] : memref<10112x128xf32, #tpu.memory_space<hbm>> -> memref<10112x128xf32, #tpu.memory_space<hbm>>
      tpu.wait_indirect_dma semaphore(%arg12 : memref<!tpu.dma_semaphore, #tpu.memory_space<semaphore_mem>>) src(%dma_wait3A_161 : memref<10112x128xf32, #tpu.memory_space<hbm>>) dst(%arg9 : memref<128x128xf32, #tpu.memory_space<vmem>>)
      %run_scoped3A_162 = arith.constant 6 : i32
      "tpu.region"() ({
        %run_scoped3A_171 = tpu.sem_alloc : memref<!tpu.dma_semaphore, #tpu.memory_space<semaphore_mem>>
        %dma_start3A_172 = arith.constant 0 : i32
        %dma_start3A_173 = tpu.memref_slice %arg8[%run_scoped3A_162, %dma_start3A_172] : memref<8x128xi32, #tpu.memory_space<vmem>> -> memref<1x128xi32, #tpu.memory_space<vmem>>
        %dma_start3A_174 = tpu.memref_squeeze %dma_start3A_173 : memref<1x128xi32, #tpu.memory_space<vmem>> -> memref<128xi32, #tpu.memory_space<vmem>>
        %dma_start3A_175 = arith.constant 0 : i32
        %dma_start3A_176 = arith.constant 0 : i32
        %dma_start3A_177 = tpu.memref_slice %arg11[%dma_start3A_175, %dma_start3A_176] : memref<10112x128xf32, #tpu.memory_space<vmem_shared>> -> memref<10112x128xf32, #tpu.memory_space<vmem_shared>>
        tpu.enqueue_indirect_dma source(%arg9 : memref<128x128xf32, #tpu.memory_space<vmem>>) target(%dma_start3A_177 : memref<10112x128xf32, #tpu.memory_space<vmem_shared>>) offsets(%dma_start3A_174 : memref<128xi32, #tpu.memory_space<vmem>>) semaphore(%run_scoped3A_171 : memref<!tpu.dma_semaphore, #tpu.memory_space<semaphore_mem>>) {add = true}
        %dma_wait3A_178 = arith.constant 0 : i32
        %dma_wait3A_179 = tpu.memref_slice %arg8[%run_scoped3A_162, %dma_wait3A_178] : memref<8x128xi32, #tpu.memory_space<vmem>> -> memref<1x128xi32, #tpu.memory_space<vmem>>
        %dma_wait3A_180 = tpu.memref_squeeze %dma_wait3A_179 : memref<1x128xi32, #tpu.memory_space<vmem>> -> memref<128xi32, #tpu.memory_space<vmem>>
        %dma_wait3A_181 = arith.constant 0 : i32
        %dma_wait3A_182 = arith.constant 0 : i32
        %dma_wait3A_183 = tpu.memref_slice %arg11[%dma_wait3A_181, %dma_wait3A_182] : memref<10112x128xf32, #tpu.memory_space<vmem_shared>> -> memref<10112x128xf32, #tpu.memory_space<vmem_shared>>
        tpu.wait_indirect_dma semaphore(%run_scoped3A_171 : memref<!tpu.dma_semaphore, #tpu.memory_space<semaphore_mem>>) src(%arg9 : memref<128x128xf32, #tpu.memory_space<vmem>>) dst(%dma_wait3A_183 : memref<10112x128xf32, #tpu.memory_space<vmem_shared>>)
        tpu.yield
      }) : () -> ()
      %dma_wait3A_163 = arith.constant 7 : i32
      %dma_wait3A_164 = arith.constant 0 : i32
      %dma_wait3A_165 = tpu.memref_slice %arg7[%dma_wait3A_163, %dma_wait3A_164] : memref<8x128xi32, #tpu.memory_space<vmem>> -> memref<1x128xi32, #tpu.memory_space<vmem>>
      %dma_wait3A_166 = tpu.memref_squeeze %dma_wait3A_165 : memref<1x128xi32, #tpu.memory_space<vmem>> -> memref<128xi32, #tpu.memory_space<vmem>>
      %dma_wait3A_167 = arith.constant 0 : i32
      %dma_wait3A_168 = arith.constant 0 : i32
      %dma_wait3A_169 = tpu.memref_slice %arg2[%dma_wait3A_167, %dma_wait3A_168] : memref<10112x128xf32, #tpu.memory_space<hbm>> -> memref<10112x128xf32, #tpu.memory_space<hbm>>
      tpu.wait_indirect_dma semaphore(%arg13 : memref<!tpu.dma_semaphore, #tpu.memory_space<semaphore_mem>>) src(%dma_wait3A_169 : memref<10112x128xf32, #tpu.memory_space<hbm>>) dst(%arg10 : memref<128x128xf32, #tpu.memory_space<vmem>>)
      %run_scoped3A_170 = arith.constant 7 : i32
      "tpu.region"() ({
        %run_scoped3A_171 = tpu.sem_alloc : memref<!tpu.dma_semaphore, #tpu.memory_space<semaphore_mem>>
        %dma_start3A_172 = arith.constant 0 : i32
        %dma_start3A_173 = tpu.memref_slice %arg8[%run_scoped3A_170, %dma_start3A_172] : memref<8x128xi32, #tpu.memory_space<vmem>> -> memref<1x128xi32, #tpu.memory_space<vmem>>
        %dma_start3A_174 = tpu.memref_squeeze %dma_start3A_173 : memref<1x128xi32, #tpu.memory_space<vmem>> -> memref<128xi32, #tpu.memory_space<vmem>>
        %dma_start3A_175 = arith.constant 0 : i32
        %dma_start3A_176 = arith.constant 0 : i32
        %dma_start3A_177 = tpu.memref_slice %arg11[%dma_start3A_175, %dma_start3A_176] : memref<10112x128xf32, #tpu.memory_space<vmem_shared>> -> memref<10112x128xf32, #tpu.memory_space<vmem_shared>>
        tpu.enqueue_indirect_dma source(%arg10 : memref<128x128xf32, #tpu.memory_space<vmem>>) target(%dma_start3A_177 : memref<10112x128xf32, #tpu.memory_space<vmem_shared>>) offsets(%dma_start3A_174 : memref<128xi32, #tpu.memory_space<vmem>>) semaphore(%run_scoped3A_171 : memref<!tpu.dma_semaphore, #tpu.memory_space<semaphore_mem>>) {add = true}
        %dma_wait3A_178 = arith.constant 0 : i32
        %dma_wait3A_179 = tpu.memref_slice %arg8[%run_scoped3A_170, %dma_wait3A_178] : memref<8x128xi32, #tpu.memory_space<vmem>> -> memref<1x128xi32, #tpu.memory_space<vmem>>
        %dma_wait3A_180 = tpu.memref_squeeze %dma_wait3A_179 : memref<1x128xi32, #tpu.memory_space<vmem>> -> memref<128xi32, #tpu.memory_space<vmem>>
        %dma_wait3A_181 = arith.constant 0 : i32
        %dma_wait3A_182 = arith.constant 0 : i32
        %dma_wait3A_183 = tpu.memref_slice %arg11[%dma_wait3A_181, %dma_wait3A_182] : memref<10112x128xf32, #tpu.memory_space<vmem_shared>> -> memref<10112x128xf32, #tpu.memory_space<vmem_shared>>
        tpu.wait_indirect_dma semaphore(%run_scoped3A_171 : memref<!tpu.dma_semaphore, #tpu.memory_space<semaphore_mem>>) src(%arg10 : memref<128x128xf32, #tpu.memory_space<vmem>>) dst(%dma_wait3A_183 : memref<10112x128xf32, #tpu.memory_space<vmem_shared>>)
        tpu.yield
      }) : () -> ()
    }
    %scan3A_27 = arith.constant 10 : i32
    %barrier3A_28 = arith.constant 0 : index
    tpu.barrier barrier_id(%barrier3A_28)
    %add3A_29 = arith.constant 0 : i32
    %add3A_30 = arith.addi %mul3A_2, %add3A_29 : i32
    "tpu.region"() ({
      %run_scoped3A = tpu.sem_alloc : memref<!tpu.dma_semaphore, #tpu.memory_space<semaphore_mem>>
      %dma_start3A = arith.constant 0 : i32
      %dma_start3A_49 = arith.constant 0 : i32
      %dma_start3A_50 = tpu.memref_slice %arg9[%dma_start3A, %dma_start3A_49] : memref<128x128xf32, #tpu.memory_space<vmem>> -> memref<128x128xf32, #tpu.memory_space<vmem>>
      %dma_start3A_51 = arith.constant 0 : i32
      %dma_start3A_52 = tpu.memref_slice %arg11[%add3A_30, %dma_start3A_51] : memref<10112x128xf32, #tpu.memory_space<vmem_shared>> -> memref<128x128xf32, #tpu.memory_space<vmem_shared>>
      %dma_start3A_53 = arith.constant 0 : i32
      %dma_start3A_54 = arith.constant 0 : i32
      %dma_start3A_55 = tpu.memref_slice %arg9[%dma_start3A_53, %dma_start3A_54] : memref<128x128xf32, #tpu.memory_space<vmem>> -> memref<128x128xf32, #tpu.memory_space<vmem>>
      %dma_start3A_56 = arith.constant 0 : i32
      %dma_start3A_57 = tpu.memref_slice %arg11[%add3A_30, %dma_start3A_56] : memref<10112x128xf32, #tpu.memory_space<vmem_shared>> -> memref<128x128xf32, #tpu.memory_space<vmem_shared>>
      tpu.enqueue_dma source(%dma_start3A_57 : memref<128x128xf32, #tpu.memory_space<vmem_shared>>) target(%dma_start3A_55 : memref<128x128xf32, #tpu.memory_space<vmem>>) target_semaphore(%run_scoped3A : memref<!tpu.dma_semaphore, #tpu.memory_space<semaphore_mem>>)
      %dma_wait3A = arith.constant 0 : i32
      %dma_wait3A_58 = arith.constant 0 : i32
      %dma_wait3A_59 = tpu.memref_slice %arg9[%dma_wait3A, %dma_wait3A_58] : memref<128x128xf32, #tpu.memory_space<vmem>> -> memref<128x128xf32, #tpu.memory_space<vmem>>
      %dma_wait3A_60 = arith.constant 0 : i32
      %dma_wait3A_61 = tpu.memref_slice %arg11[%add3A_30, %dma_wait3A_60] : memref<10112x128xf32, #tpu.memory_space<vmem_shared>> -> memref<128x128xf32, #tpu.memory_space<vmem_shared>>
      %dma_wait3A_62 = arith.constant 0 : i32
      %dma_wait3A_63 = arith.constant 0 : i32
      %dma_wait3A_64 = tpu.memref_slice %arg9[%dma_wait3A_62, %dma_wait3A_63] : memref<128x128xf32, #tpu.memory_space<vmem>> -> memref<128x128xf32, #tpu.memory_space<vmem>>
      %dma_wait3A_65 = arith.constant 0 : i32
      %dma_wait3A_66 = tpu.memref_slice %arg11[%add3A_30, %dma_wait3A_65] : memref<10112x128xf32, #tpu.memory_space<vmem_shared>> -> memref<128x128xf32, #tpu.memory_space<vmem_shared>>
      tpu.wait_dma2 semaphore(%run_scoped3A : memref<!tpu.dma_semaphore, #tpu.memory_space<semaphore_mem>>) src(%dma_wait3A_66 : memref<128x128xf32, #tpu.memory_space<vmem_shared>>) dst(%dma_wait3A_64 : memref<128x128xf32, #tpu.memory_space<vmem>>)
      tpu.yield
    }) : () -> ()
    %add3A_31 = arith.constant 0 : i32
    %add3A_32 = arith.addi %mul3A_2, %add3A_31 : i32
    "tpu.region"() ({
      %run_scoped3A = tpu.sem_alloc : memref<!tpu.dma_semaphore, #tpu.memory_space<semaphore_mem>>
      %dma_start3A = arith.constant 0 : i32
      %dma_start3A_49 = arith.constant 0 : i32
      %dma_start3A_50 = tpu.memref_slice %arg9[%dma_start3A, %dma_start3A_49] : memref<128x128xf32, #tpu.memory_space<vmem>> -> memref<128x128xf32, #tpu.memory_space<vmem>>
      %dma_start3A_51 = arith.constant 0 : i32
      %dma_start3A_52 = tpu.memref_slice %arg6[%arg0, %add3A_32, %dma_start3A_51] : memref<2x10112x128xf32, #tpu.memory_space<hbm>> -> memref<1x128x128xf32, #tpu.memory_space<hbm>>
      %dma_start3A_53 = tpu.memref_squeeze %dma_start3A_52 : memref<1x128x128xf32, #tpu.memory_space<hbm>> -> memref<128x128xf32, #tpu.memory_space<hbm>>
      %dma_start3A_54 = arith.constant 0 : i32
      %dma_start3A_55 = tpu.memref_slice %arg6[%arg0, %add3A_32, %dma_start3A_54] : memref<2x10112x128xf32, #tpu.memory_space<hbm>> -> memref<1x128x128xf32, #tpu.memory_space<hbm>>
      %dma_start3A_56 = tpu.memref_squeeze %dma_start3A_55 : memref<1x128x128xf32, #tpu.memory_space<hbm>> -> memref<128x128xf32, #tpu.memory_space<hbm>>
      %dma_start3A_57 = arith.constant 0 : i32
      %dma_start3A_58 = arith.constant 0 : i32
      %dma_start3A_59 = tpu.memref_slice %arg9[%dma_start3A_57, %dma_start3A_58] : memref<128x128xf32, #tpu.memory_space<vmem>> -> memref<128x128xf32, #tpu.memory_space<vmem>>
      tpu.enqueue_dma source(%dma_start3A_59 : memref<128x128xf32, #tpu.memory_space<vmem>>) target(%dma_start3A_56 : memref<128x128xf32, #tpu.memory_space<hbm>>) target_semaphore(%run_scoped3A : memref<!tpu.dma_semaphore, #tpu.memory_space<semaphore_mem>>)
      %dma_wait3A = arith.constant 0 : i32
      %dma_wait3A_60 = arith.constant 0 : i32
      %dma_wait3A_61 = tpu.memref_slice %arg9[%dma_wait3A, %dma_wait3A_60] : memref<128x128xf32, #tpu.memory_space<vmem>> -> memref<128x128xf32, #tpu.memory_space<vmem>>
      %dma_wait3A_62 = arith.constant 0 : i32
      %dma_wait3A_63 = tpu.memref_slice %arg6[%arg0, %add3A_32, %dma_wait3A_62] : memref<2x10112x128xf32, #tpu.memory_space<hbm>> -> memref<1x128x128xf32, #tpu.memory_space<hbm>>
      %dma_wait3A_64 = tpu.memref_squeeze %dma_wait3A_63 : memref<1x128x128xf32, #tpu.memory_space<hbm>> -> memref<128x128xf32, #tpu.memory_space<hbm>>
      %dma_wait3A_65 = arith.constant 0 : i32
      %dma_wait3A_66 = tpu.memref_slice %arg6[%arg0, %add3A_32, %dma_wait3A_65] : memref<2x10112x128xf32, #tpu.memory_space<hbm>> -> memref<1x128x128xf32, #tpu.memory_space<hbm>>
      %dma_wait3A_67 = tpu.memref_squeeze %dma_wait3A_66 : memref<1x128x128xf32, #tpu.memory_space<hbm>> -> memref<128x128xf32, #tpu.memory_space<hbm>>
      %dma_wait3A_68 = arith.constant 0 : i32
      %dma_wait3A_69 = arith.constant 0 : i32
      %dma_wait3A_70 = tpu.memref_slice %arg9[%dma_wait3A_68, %dma_wait3A_69] : memref<128x128xf32, #tpu.memory_space<vmem>> -> memref<128x128xf32, #tpu.memory_space<vmem>>
      tpu.wait_dma2 semaphore(%run_scoped3A : memref<!tpu.dma_semaphore, #tpu.memory_space<semaphore_mem>>) src(%dma_wait3A_70 : memref<128x128xf32, #tpu.memory_space<vmem>>) dst(%dma_wait3A_67 : memref<128x128xf32, #tpu.memory_space<hbm>>)
      tpu.yield
    }) : () -> ()
    %add3A_33 = arith.constant 128 : i32
    %add3A_34 = arith.addi %mul3A_2, %add3A_33 : i32
    "tpu.region"() ({
      %run_scoped3A = tpu.sem_alloc : memref<!tpu.dma_semaphore, #tpu.memory_space<semaphore_mem>>
      %dma_start3A = arith.constant 0 : i32
      %dma_start3A_49 = arith.constant 0 : i32
      %dma_start3A_50 = tpu.memref_slice %arg9[%dma_start3A, %dma_start3A_49] : memref<128x128xf32, #tpu.memory_space<vmem>> -> memref<128x128xf32, #tpu.memory_space<vmem>>
      %dma_start3A_51 = arith.constant 0 : i32
      %dma_start3A_52 = tpu.memref_slice %arg11[%add3A_34, %dma_start3A_51] : memref<10112x128xf32, #tpu.memory_space<vmem_shared>> -> memref<128x128xf32, #tpu.memory_space<vmem_shared>>
      %dma_start3A_53 = arith.constant 0 : i32
      %dma_start3A_54 = arith.constant 0 : i32
      %dma_start3A_55 = tpu.memref_slice %arg9[%dma_start3A_53, %dma_start3A_54] : memref<128x128xf32, #tpu.memory_space<vmem>> -> memref<128x128xf32, #tpu.memory_space<vmem>>
      %dma_start3A_56 = arith.constant 0 : i32
      %dma_start3A_57 = tpu.memref_slice %arg11[%add3A_34, %dma_start3A_56] : memref<10112x128xf32, #tpu.memory_space<vmem_shared>> -> memref<128x128xf32, #tpu.memory_space<vmem_shared>>
      tpu.enqueue_dma source(%dma_start3A_57 : memref<128x128xf32, #tpu.memory_space<vmem_shared>>) target(%dma_start3A_55 : memref<128x128xf32, #tpu.memory_space<vmem>>) target_semaphore(%run_scoped3A : memref<!tpu.dma_semaphore, #tpu.memory_space<semaphore_mem>>)
      %dma_wait3A = arith.constant 0 : i32
      %dma_wait3A_58 = arith.constant 0 : i32
      %dma_wait3A_59 = tpu.memref_slice %arg9[%dma_wait3A, %dma_wait3A_58] : memref<128x128xf32, #tpu.memory_space<vmem>> -> memref<128x128xf32, #tpu.memory_space<vmem>>
      %dma_wait3A_60 = arith.constant 0 : i32
      %dma_wait3A_61 = tpu.memref_slice %arg11[%add3A_34, %dma_wait3A_60] : memref<10112x128xf32, #tpu.memory_space<vmem_shared>> -> memref<128x128xf32, #tpu.memory_space<vmem_shared>>
      %dma_wait3A_62 = arith.constant 0 : i32
      %dma_wait3A_63 = arith.constant 0 : i32
      %dma_wait3A_64 = tpu.memref_slice %arg9[%dma_wait3A_62, %dma_wait3A_63] : memref<128x128xf32, #tpu.memory_space<vmem>> -> memref<128x128xf32, #tpu.memory_space<vmem>>
      %dma_wait3A_65 = arith.constant 0 : i32
      %dma_wait3A_66 = tpu.memref_slice %arg11[%add3A_34, %dma_wait3A_65] : memref<10112x128xf32, #tpu.memory_space<vmem_shared>> -> memref<128x128xf32, #tpu.memory_space<vmem_shared>>
      tpu.wait_dma2 semaphore(%run_scoped3A : memref<!tpu.dma_semaphore, #tpu.memory_space<semaphore_mem>>) src(%dma_wait3A_66 : memref<128x128xf32, #tpu.memory_space<vmem_shared>>) dst(%dma_wait3A_64 : memref<128x128xf32, #tpu.memory_space<vmem>>)
      tpu.yield
    }) : () -> ()
    %add3A_35 = arith.constant 128 : i32
    %add3A_36 = arith.addi %mul3A_2, %add3A_35 : i32
    "tpu.region"() ({
      %run_scoped3A = tpu.sem_alloc : memref<!tpu.dma_semaphore, #tpu.memory_space<semaphore_mem>>
      %dma_start3A = arith.constant 0 : i32
      %dma_start3A_49 = arith.constant 0 : i32
      %dma_start3A_50 = tpu.memref_slice %arg9[%dma_start3A, %dma_start3A_49] : memref<128x128xf32, #tpu.memory_space<vmem>> -> memref<128x128xf32, #tpu.memory_space<vmem>>
      %dma_start3A_51 = arith.constant 0 : i32
      %dma_start3A_52 = tpu.memref_slice %arg6[%arg0, %add3A_36, %dma_start3A_51] : memref<2x10112x128xf32, #tpu.memory_space<hbm>> -> memref<1x128x128xf32, #tpu.memory_space<hbm>>
      %dma_start3A_53 = tpu.memref_squeeze %dma_start3A_52 : memref<1x128x128xf32, #tpu.memory_space<hbm>> -> memref<128x128xf32, #tpu.memory_space<hbm>>
      %dma_start3A_54 = arith.constant 0 : i32
      %dma_start3A_55 = tpu.memref_slice %arg6[%arg0, %add3A_36, %dma_start3A_54] : memref<2x10112x128xf32, #tpu.memory_space<hbm>> -> memref<1x128x128xf32, #tpu.memory_space<hbm>>
      %dma_start3A_56 = tpu.memref_squeeze %dma_start3A_55 : memref<1x128x128xf32, #tpu.memory_space<hbm>> -> memref<128x128xf32, #tpu.memory_space<hbm>>
      %dma_start3A_57 = arith.constant 0 : i32
      %dma_start3A_58 = arith.constant 0 : i32
      %dma_start3A_59 = tpu.memref_slice %arg9[%dma_start3A_57, %dma_start3A_58] : memref<128x128xf32, #tpu.memory_space<vmem>> -> memref<128x128xf32, #tpu.memory_space<vmem>>
      tpu.enqueue_dma source(%dma_start3A_59 : memref<128x128xf32, #tpu.memory_space<vmem>>) target(%dma_start3A_56 : memref<128x128xf32, #tpu.memory_space<hbm>>) target_semaphore(%run_scoped3A : memref<!tpu.dma_semaphore, #tpu.memory_space<semaphore_mem>>)
      %dma_wait3A = arith.constant 0 : i32
      %dma_wait3A_60 = arith.constant 0 : i32
      %dma_wait3A_61 = tpu.memref_slice %arg9[%dma_wait3A, %dma_wait3A_60] : memref<128x128xf32, #tpu.memory_space<vmem>> -> memref<128x128xf32, #tpu.memory_space<vmem>>
      %dma_wait3A_62 = arith.constant 0 : i32
      %dma_wait3A_63 = tpu.memref_slice %arg6[%arg0, %add3A_36, %dma_wait3A_62] : memref<2x10112x128xf32, #tpu.memory_space<hbm>> -> memref<1x128x128xf32, #tpu.memory_space<hbm>>
      %dma_wait3A_64 = tpu.memref_squeeze %dma_wait3A_63 : memref<1x128x128xf32, #tpu.memory_space<hbm>> -> memref<128x128xf32, #tpu.memory_space<hbm>>
      %dma_wait3A_65 = arith.constant 0 : i32
      %dma_wait3A_66 = tpu.memref_slice %arg6[%arg0, %add3A_36, %dma_wait3A_65] : memref<2x10112x128xf32, #tpu.memory_space<hbm>> -> memref<1x128x128xf32, #tpu.memory_space<hbm>>
      %dma_wait3A_67 = tpu.memref_squeeze %dma_wait3A_66 : memref<1x128x128xf32, #tpu.memory_space<hbm>> -> memref<128x128xf32, #tpu.memory_space<hbm>>
      %dma_wait3A_68 = arith.constant 0 : i32
      %dma_wait3A_69 = arith.constant 0 : i32
      %dma_wait3A_70 = tpu.memref_slice %arg9[%dma_wait3A_68, %dma_wait3A_69] : memref<128x128xf32, #tpu.memory_space<vmem>> -> memref<128x128xf32, #tpu.memory_space<vmem>>
      tpu.wait_dma2 semaphore(%run_scoped3A : memref<!tpu.dma_semaphore, #tpu.memory_space<semaphore_mem>>) src(%dma_wait3A_70 : memref<128x128xf32, #tpu.memory_space<vmem>>) dst(%dma_wait3A_67 : memref<128x128xf32, #tpu.memory_space<hbm>>)
      tpu.yield
    }) : () -> ()
    %add3A_37 = arith.constant 256 : i32
    %add3A_38 = arith.addi %mul3A_2, %add3A_37 : i32
    "tpu.region"() ({
      %run_scoped3A = tpu.sem_alloc : memref<!tpu.dma_semaphore, #tpu.memory_space<semaphore_mem>>
      %dma_start3A = arith.constant 0 : i32
      %dma_start3A_49 = arith.constant 0 : i32
      %dma_start3A_50 = tpu.memref_slice %arg9[%dma_start3A, %dma_start3A_49] : memref<128x128xf32, #tpu.memory_space<vmem>> -> memref<128x128xf32, #tpu.memory_space<vmem>>
      %dma_start3A_51 = arith.constant 0 : i32
      %dma_start3A_52 = tpu.memref_slice %arg11[%add3A_38, %dma_start3A_51] : memref<10112x128xf32, #tpu.memory_space<vmem_shared>> -> memref<128x128xf32, #tpu.memory_space<vmem_shared>>
      %dma_start3A_53 = arith.constant 0 : i32
      %dma_start3A_54 = arith.constant 0 : i32
      %dma_start3A_55 = tpu.memref_slice %arg9[%dma_start3A_53, %dma_start3A_54] : memref<128x128xf32, #tpu.memory_space<vmem>> -> memref<128x128xf32, #tpu.memory_space<vmem>>
      %dma_start3A_56 = arith.constant 0 : i32
      %dma_start3A_57 = tpu.memref_slice %arg11[%add3A_38, %dma_start3A_56] : memref<10112x128xf32, #tpu.memory_space<vmem_shared>> -> memref<128x128xf32, #tpu.memory_space<vmem_shared>>
      tpu.enqueue_dma source(%dma_start3A_57 : memref<128x128xf32, #tpu.memory_space<vmem_shared>>) target(%dma_start3A_55 : memref<128x128xf32, #tpu.memory_space<vmem>>) target_semaphore(%run_scoped3A : memref<!tpu.dma_semaphore, #tpu.memory_space<semaphore_mem>>)
      %dma_wait3A = arith.constant 0 : i32
      %dma_wait3A_58 = arith.constant 0 : i32
      %dma_wait3A_59 = tpu.memref_slice %arg9[%dma_wait3A, %dma_wait3A_58] : memref<128x128xf32, #tpu.memory_space<vmem>> -> memref<128x128xf32, #tpu.memory_space<vmem>>
      %dma_wait3A_60 = arith.constant 0 : i32
      %dma_wait3A_61 = tpu.memref_slice %arg11[%add3A_38, %dma_wait3A_60] : memref<10112x128xf32, #tpu.memory_space<vmem_shared>> -> memref<128x128xf32, #tpu.memory_space<vmem_shared>>
      %dma_wait3A_62 = arith.constant 0 : i32
      %dma_wait3A_63 = arith.constant 0 : i32
      %dma_wait3A_64 = tpu.memref_slice %arg9[%dma_wait3A_62, %dma_wait3A_63] : memref<128x128xf32, #tpu.memory_space<vmem>> -> memref<128x128xf32, #tpu.memory_space<vmem>>
      %dma_wait3A_65 = arith.constant 0 : i32
      %dma_wait3A_66 = tpu.memref_slice %arg11[%add3A_38, %dma_wait3A_65] : memref<10112x128xf32, #tpu.memory_space<vmem_shared>> -> memref<128x128xf32, #tpu.memory_space<vmem_shared>>
      tpu.wait_dma2 semaphore(%run_scoped3A : memref<!tpu.dma_semaphore, #tpu.memory_space<semaphore_mem>>) src(%dma_wait3A_66 : memref<128x128xf32, #tpu.memory_space<vmem_shared>>) dst(%dma_wait3A_64 : memref<128x128xf32, #tpu.memory_space<vmem>>)
      tpu.yield
    }) : () -> ()
    %add3A_39 = arith.constant 256 : i32
    %add3A_40 = arith.addi %mul3A_2, %add3A_39 : i32
    "tpu.region"() ({
      %run_scoped3A = tpu.sem_alloc : memref<!tpu.dma_semaphore, #tpu.memory_space<semaphore_mem>>
      %dma_start3A = arith.constant 0 : i32
      %dma_start3A_49 = arith.constant 0 : i32
      %dma_start3A_50 = tpu.memref_slice %arg9[%dma_start3A, %dma_start3A_49] : memref<128x128xf32, #tpu.memory_space<vmem>> -> memref<128x128xf32, #tpu.memory_space<vmem>>
      %dma_start3A_51 = arith.constant 0 : i32
      %dma_start3A_52 = tpu.memref_slice %arg6[%arg0, %add3A_40, %dma_start3A_51] : memref<2x10112x128xf32, #tpu.memory_space<hbm>> -> memref<1x128x128xf32, #tpu.memory_space<hbm>>
      %dma_start3A_53 = tpu.memref_squeeze %dma_start3A_52 : memref<1x128x128xf32, #tpu.memory_space<hbm>> -> memref<128x128xf32, #tpu.memory_space<hbm>>
      %dma_start3A_54 = arith.constant 0 : i32
      %dma_start3A_55 = tpu.memref_slice %arg6[%arg0, %add3A_40, %dma_start3A_54] : memref<2x10112x128xf32, #tpu.memory_space<hbm>> -> memref<1x128x128xf32, #tpu.memory_space<hbm>>
      %dma_start3A_56 = tpu.memref_squeeze %dma_start3A_55 : memref<1x128x128xf32, #tpu.memory_space<hbm>> -> memref<128x128xf32, #tpu.memory_space<hbm>>
      %dma_start3A_57 = arith.constant 0 : i32
      %dma_start3A_58 = arith.constant 0 : i32
      %dma_start3A_59 = tpu.memref_slice %arg9[%dma_start3A_57, %dma_start3A_58] : memref<128x128xf32, #tpu.memory_space<vmem>> -> memref<128x128xf32, #tpu.memory_space<vmem>>
      tpu.enqueue_dma source(%dma_start3A_59 : memref<128x128xf32, #tpu.memory_space<vmem>>) target(%dma_start3A_56 : memref<128x128xf32, #tpu.memory_space<hbm>>) target_semaphore(%run_scoped3A : memref<!tpu.dma_semaphore, #tpu.memory_space<semaphore_mem>>)
      %dma_wait3A = arith.constant 0 : i32
      %dma_wait3A_60 = arith.constant 0 : i32
      %dma_wait3A_61 = tpu.memref_slice %arg9[%dma_wait3A, %dma_wait3A_60] : memref<128x128xf32, #tpu.memory_space<vmem>> -> memref<128x128xf32, #tpu.memory_space<vmem>>
      %dma_wait3A_62 = arith.constant 0 : i32
      %dma_wait3A_63 = tpu.memref_slice %arg6[%arg0, %add3A_40, %dma_wait3A_62] : memref<2x10112x128xf32, #tpu.memory_space<hbm>> -> memref<1x128x128xf32, #tpu.memory_space<hbm>>
      %dma_wait3A_64 = tpu.memref_squeeze %dma_wait3A_63 : memref<1x128x128xf32, #tpu.memory_space<hbm>> -> memref<128x128xf32, #tpu.memory_space<hbm>>
      %dma_wait3A_65 = arith.constant 0 : i32
      %dma_wait3A_66 = tpu.memref_slice %arg6[%arg0, %add3A_40, %dma_wait3A_65] : memref<2x10112x128xf32, #tpu.memory_space<hbm>> -> memref<1x128x128xf32, #tpu.memory_space<hbm>>
      %dma_wait3A_67 = tpu.memref_squeeze %dma_wait3A_66 : memref<1x128x128xf32, #tpu.memory_space<hbm>> -> memref<128x128xf32, #tpu.memory_space<hbm>>
      %dma_wait3A_68 = arith.constant 0 : i32
      %dma_wait3A_69 = arith.constant 0 : i32
      %dma_wait3A_70 = tpu.memref_slice %arg9[%dma_wait3A_68, %dma_wait3A_69] : memref<128x128xf32, #tpu.memory_space<vmem>> -> memref<128x128xf32, #tpu.memory_space<vmem>>
      tpu.wait_dma2 semaphore(%run_scoped3A : memref<!tpu.dma_semaphore, #tpu.memory_space<semaphore_mem>>) src(%dma_wait3A_70 : memref<128x128xf32, #tpu.memory_space<vmem>>) dst(%dma_wait3A_67 : memref<128x128xf32, #tpu.memory_space<hbm>>)
      tpu.yield
    }) : () -> ()
    %add3A_41 = arith.constant 384 : i32
    %add3A_42 = arith.addi %mul3A_2, %add3A_41 : i32
    "tpu.region"() ({
      %run_scoped3A = tpu.sem_alloc : memref<!tpu.dma_semaphore, #tpu.memory_space<semaphore_mem>>
      %dma_start3A = arith.constant 0 : i32
      %dma_start3A_49 = arith.constant 0 : i32
      %dma_start3A_50 = tpu.memref_slice %arg9[%dma_start3A, %dma_start3A_49] : memref<128x128xf32, #tpu.memory_space<vmem>> -> memref<128x128xf32, #tpu.memory_space<vmem>>
      %dma_start3A_51 = arith.constant 0 : i32
      %dma_start3A_52 = tpu.memref_slice %arg11[%add3A_42, %dma_start3A_51] : memref<10112x128xf32, #tpu.memory_space<vmem_shared>> -> memref<128x128xf32, #tpu.memory_space<vmem_shared>>
      %dma_start3A_53 = arith.constant 0 : i32
      %dma_start3A_54 = arith.constant 0 : i32
      %dma_start3A_55 = tpu.memref_slice %arg9[%dma_start3A_53, %dma_start3A_54] : memref<128x128xf32, #tpu.memory_space<vmem>> -> memref<128x128xf32, #tpu.memory_space<vmem>>
      %dma_start3A_56 = arith.constant 0 : i32
      %dma_start3A_57 = tpu.memref_slice %arg11[%add3A_42, %dma_start3A_56] : memref<10112x128xf32, #tpu.memory_space<vmem_shared>> -> memref<128x128xf32, #tpu.memory_space<vmem_shared>>
      tpu.enqueue_dma source(%dma_start3A_57 : memref<128x128xf32, #tpu.memory_space<vmem_shared>>) target(%dma_start3A_55 : memref<128x128xf32, #tpu.memory_space<vmem>>) target_semaphore(%run_scoped3A : memref<!tpu.dma_semaphore, #tpu.memory_space<semaphore_mem>>)
      %dma_wait3A = arith.constant 0 : i32
      %dma_wait3A_58 = arith.constant 0 : i32
      %dma_wait3A_59 = tpu.memref_slice %arg9[%dma_wait3A, %dma_wait3A_58] : memref<128x128xf32, #tpu.memory_space<vmem>> -> memref<128x128xf32, #tpu.memory_space<vmem>>
      %dma_wait3A_60 = arith.constant 0 : i32
      %dma_wait3A_61 = tpu.memref_slice %arg11[%add3A_42, %dma_wait3A_60] : memref<10112x128xf32, #tpu.memory_space<vmem_shared>> -> memref<128x128xf32, #tpu.memory_space<vmem_shared>>
      %dma_wait3A_62 = arith.constant 0 : i32
      %dma_wait3A_63 = arith.constant 0 : i32
      %dma_wait3A_64 = tpu.memref_slice %arg9[%dma_wait3A_62, %dma_wait3A_63] : memref<128x128xf32, #tpu.memory_space<vmem>> -> memref<128x128xf32, #tpu.memory_space<vmem>>
      %dma_wait3A_65 = arith.constant 0 : i32
      %dma_wait3A_66 = tpu.memref_slice %arg11[%add3A_42, %dma_wait3A_65] : memref<10112x128xf32, #tpu.memory_space<vmem_shared>> -> memref<128x128xf32, #tpu.memory_space<vmem_shared>>
      tpu.wait_dma2 semaphore(%run_scoped3A : memref<!tpu.dma_semaphore, #tpu.memory_space<semaphore_mem>>) src(%dma_wait3A_66 : memref<128x128xf32, #tpu.memory_space<vmem_shared>>) dst(%dma_wait3A_64 : memref<128x128xf32, #tpu.memory_space<vmem>>)
      tpu.yield
    }) : () -> ()
    %add3A_43 = arith.constant 384 : i32
    %add3A_44 = arith.addi %mul3A_2, %add3A_43 : i32
    "tpu.region"() ({
      %run_scoped3A = tpu.sem_alloc : memref<!tpu.dma_semaphore, #tpu.memory_space<semaphore_mem>>
      %dma_start3A = arith.constant 0 : i32
      %dma_start3A_49 = arith.constant 0 : i32
      %dma_start3A_50 = tpu.memref_slice %arg9[%dma_start3A, %dma_start3A_49] : memref<128x128xf32, #tpu.memory_space<vmem>> -> memref<128x128xf32, #tpu.memory_space<vmem>>
      %dma_start3A_51 = arith.constant 0 : i32
      %dma_start3A_52 = tpu.memref_slice %arg6[%arg0, %add3A_44, %dma_start3A_51] : memref<2x10112x128xf32, #tpu.memory_space<hbm>> -> memref<1x128x128xf32, #tpu.memory_space<hbm>>
      %dma_start3A_53 = tpu.memref_squeeze %dma_start3A_52 : memref<1x128x128xf32, #tpu.memory_space<hbm>> -> memref<128x128xf32, #tpu.memory_space<hbm>>
      %dma_start3A_54 = arith.constant 0 : i32
      %dma_start3A_55 = tpu.memref_slice %arg6[%arg0, %add3A_44, %dma_start3A_54] : memref<2x10112x128xf32, #tpu.memory_space<hbm>> -> memref<1x128x128xf32, #tpu.memory_space<hbm>>
      %dma_start3A_56 = tpu.memref_squeeze %dma_start3A_55 : memref<1x128x128xf32, #tpu.memory_space<hbm>> -> memref<128x128xf32, #tpu.memory_space<hbm>>
      %dma_start3A_57 = arith.constant 0 : i32
      %dma_start3A_58 = arith.constant 0 : i32
      %dma_start3A_59 = tpu.memref_slice %arg9[%dma_start3A_57, %dma_start3A_58] : memref<128x128xf32, #tpu.memory_space<vmem>> -> memref<128x128xf32, #tpu.memory_space<vmem>>
      tpu.enqueue_dma source(%dma_start3A_59 : memref<128x128xf32, #tpu.memory_space<vmem>>) target(%dma_start3A_56 : memref<128x128xf32, #tpu.memory_space<hbm>>) target_semaphore(%run_scoped3A : memref<!tpu.dma_semaphore, #tpu.memory_space<semaphore_mem>>)
      %dma_wait3A = arith.constant 0 : i32
      %dma_wait3A_60 = arith.constant 0 : i32
      %dma_wait3A_61 = tpu.memref_slice %arg9[%dma_wait3A, %dma_wait3A_60] : memref<128x128xf32, #tpu.memory_space<vmem>> -> memref<128x128xf32, #tpu.memory_space<vmem>>
      %dma_wait3A_62 = arith.constant 0 : i32
      %dma_wait3A_63 = tpu.memref_slice %arg6[%arg0, %add3A_44, %dma_wait3A_62] : memref<2x10112x128xf32, #tpu.memory_space<hbm>> -> memref<1x128x128xf32, #tpu.memory_space<hbm>>
      %dma_wait3A_64 = tpu.memref_squeeze %dma_wait3A_63 : memref<1x128x128xf32, #tpu.memory_space<hbm>> -> memref<128x128xf32, #tpu.memory_space<hbm>>
      %dma_wait3A_65 = arith.constant 0 : i32
      %dma_wait3A_66 = tpu.memref_slice %arg6[%arg0, %add3A_44, %dma_wait3A_65] : memref<2x10112x128xf32, #tpu.memory_space<hbm>> -> memref<1x128x128xf32, #tpu.memory_space<hbm>>
      %dma_wait3A_67 = tpu.memref_squeeze %dma_wait3A_66 : memref<1x128x128xf32, #tpu.memory_space<hbm>> -> memref<128x128xf32, #tpu.memory_space<hbm>>
      %dma_wait3A_68 = arith.constant 0 : i32
      %dma_wait3A_69 = arith.constant 0 : i32
      %dma_wait3A_70 = tpu.memref_slice %arg9[%dma_wait3A_68, %dma_wait3A_69] : memref<128x128xf32, #tpu.memory_space<vmem>> -> memref<128x128xf32, #tpu.memory_space<vmem>>
      tpu.wait_dma2 semaphore(%run_scoped3A : memref<!tpu.dma_semaphore, #tpu.memory_space<semaphore_mem>>) src(%dma_wait3A_70 : memref<128x128xf32, #tpu.memory_space<vmem>>) dst(%dma_wait3A_67 : memref<128x128xf32, #tpu.memory_space<hbm>>)
      tpu.yield
    }) : () -> ()
    %add3A_45 = arith.constant 512 : i32
    %add3A_46 = arith.addi %mul3A_2, %add3A_45 : i32
    "tpu.region"() ({
      %run_scoped3A = tpu.sem_alloc : memref<!tpu.dma_semaphore, #tpu.memory_space<semaphore_mem>>
      %dma_start3A = arith.constant 0 : i32
      %dma_start3A_49 = arith.constant 0 : i32
      %dma_start3A_50 = tpu.memref_slice %arg9[%dma_start3A, %dma_start3A_49] : memref<128x128xf32, #tpu.memory_space<vmem>> -> memref<120x128xf32, #tpu.memory_space<vmem>>
      %dma_start3A_51 = arith.constant 0 : i32
      %dma_start3A_52 = tpu.memref_slice %arg11[%add3A_46, %dma_start3A_51] : memref<10112x128xf32, #tpu.memory_space<vmem_shared>> -> memref<120x128xf32, #tpu.memory_space<vmem_shared>>
      %dma_start3A_53 = arith.constant 0 : i32
      %dma_start3A_54 = arith.constant 0 : i32
      %dma_start3A_55 = tpu.memref_slice %arg9[%dma_start3A_53, %dma_start3A_54] : memref<128x128xf32, #tpu.memory_space<vmem>> -> memref<120x128xf32, #tpu.memory_space<vmem>>
      %dma_start3A_56 = arith.constant 0 : i32
      %dma_start3A_57 = tpu.memref_slice %arg11[%add3A_46, %dma_start3A_56] : memref<10112x128xf32, #tpu.memory_space<vmem_shared>> -> memref<120x128xf32, #tpu.memory_space<vmem_shared>>
      tpu.enqueue_dma source(%dma_start3A_57 : memref<120x128xf32, #tpu.memory_space<vmem_shared>>) target(%dma_start3A_55 : memref<120x128xf32, #tpu.memory_space<vmem>>) target_semaphore(%run_scoped3A : memref<!tpu.dma_semaphore, #tpu.memory_space<semaphore_mem>>)
      %dma_wait3A = arith.constant 0 : i32
      %dma_wait3A_58 = arith.constant 0 : i32
      %dma_wait3A_59 = tpu.memref_slice %arg9[%dma_wait3A, %dma_wait3A_58] : memref<128x128xf32, #tpu.memory_space<vmem>> -> memref<120x128xf32, #tpu.memory_space<vmem>>
      %dma_wait3A_60 = arith.constant 0 : i32
      %dma_wait3A_61 = tpu.memref_slice %arg11[%add3A_46, %dma_wait3A_60] : memref<10112x128xf32, #tpu.memory_space<vmem_shared>> -> memref<120x128xf32, #tpu.memory_space<vmem_shared>>
      %dma_wait3A_62 = arith.constant 0 : i32
      %dma_wait3A_63 = arith.constant 0 : i32
      %dma_wait3A_64 = tpu.memref_slice %arg9[%dma_wait3A_62, %dma_wait3A_63] : memref<128x128xf32, #tpu.memory_space<vmem>> -> memref<120x128xf32, #tpu.memory_space<vmem>>
      %dma_wait3A_65 = arith.constant 0 : i32
      %dma_wait3A_66 = tpu.memref_slice %arg11[%add3A_46, %dma_wait3A_65] : memref<10112x128xf32, #tpu.memory_space<vmem_shared>> -> memref<120x128xf32, #tpu.memory_space<vmem_shared>>
      tpu.wait_dma2 semaphore(%run_scoped3A : memref<!tpu.dma_semaphore, #tpu.memory_space<semaphore_mem>>) src(%dma_wait3A_66 : memref<120x128xf32, #tpu.memory_space<vmem_shared>>) dst(%dma_wait3A_64 : memref<120x128xf32, #tpu.memory_space<vmem>>)
      tpu.yield
    }) : () -> ()
    %add3A_47 = arith.constant 512 : i32
    %add3A_48 = arith.addi %mul3A_2, %add3A_47 : i32
    "tpu.region"() ({
      %run_scoped3A = tpu.sem_alloc : memref<!tpu.dma_semaphore, #tpu.memory_space<semaphore_mem>>
      %dma_start3A = arith.constant 0 : i32
      %dma_start3A_49 = arith.constant 0 : i32
      %dma_start3A_50 = tpu.memref_slice %arg9[%dma_start3A, %dma_start3A_49] : memref<128x128xf32, #tpu.memory_space<vmem>> -> memref<120x128xf32, #tpu.memory_space<vmem>>
      %dma_start3A_51 = arith.constant 0 : i32
      %dma_start3A_52 = tpu.memref_slice %arg6[%arg0, %add3A_48, %dma_start3A_51] : memref<2x10112x128xf32, #tpu.memory_space<hbm>> -> memref<1x120x128xf32, #tpu.memory_space<hbm>>
      %dma_start3A_53 = tpu.memref_squeeze %dma_start3A_52 : memref<1x120x128xf32, #tpu.memory_space<hbm>> -> memref<120x128xf32, #tpu.memory_space<hbm>>
      %dma_start3A_54 = arith.constant 0 : i32
      %dma_start3A_55 = tpu.memref_slice %arg6[%arg0, %add3A_48, %dma_start3A_54] : memref<2x10112x128xf32, #tpu.memory_space<hbm>> -> memref<1x120x128xf32, #tpu.memory_space<hbm>>
      %dma_start3A_56 = tpu.memref_squeeze %dma_start3A_55 : memref<1x120x128xf32, #tpu.memory_space<hbm>> -> memref<120x128xf32, #tpu.memory_space<hbm>>
      %dma_start3A_57 = arith.constant 0 : i32
      %dma_start3A_58 = arith.constant 0 : i32
      %dma_start3A_59 = tpu.memref_slice %arg9[%dma_start3A_57, %dma_start3A_58] : memref<128x128xf32, #tpu.memory_space<vmem>> -> memref<120x128xf32, #tpu.memory_space<vmem>>
      tpu.enqueue_dma source(%dma_start3A_59 : memref<120x128xf32, #tpu.memory_space<vmem>>) target(%dma_start3A_56 : memref<120x128xf32, #tpu.memory_space<hbm>>) target_semaphore(%run_scoped3A : memref<!tpu.dma_semaphore, #tpu.memory_space<semaphore_mem>>)
      %dma_wait3A = arith.constant 0 : i32
      %dma_wait3A_60 = arith.constant 0 : i32
      %dma_wait3A_61 = tpu.memref_slice %arg9[%dma_wait3A, %dma_wait3A_60] : memref<128x128xf32, #tpu.memory_space<vmem>> -> memref<120x128xf32, #tpu.memory_space<vmem>>
      %dma_wait3A_62 = arith.constant 0 : i32
      %dma_wait3A_63 = tpu.memref_slice %arg6[%arg0, %add3A_48, %dma_wait3A_62] : memref<2x10112x128xf32, #tpu.memory_space<hbm>> -> memref<1x120x128xf32, #tpu.memory_space<hbm>>
      %dma_wait3A_64 = tpu.memref_squeeze %dma_wait3A_63 : memref<1x120x128xf32, #tpu.memory_space<hbm>> -> memref<120x128xf32, #tpu.memory_space<hbm>>
      %dma_wait3A_65 = arith.constant 0 : i32
      %dma_wait3A_66 = tpu.memref_slice %arg6[%arg0, %add3A_48, %dma_wait3A_65] : memref<2x10112x128xf32, #tpu.memory_space<hbm>> -> memref<1x120x128xf32, #tpu.memory_space<hbm>>
      %dma_wait3A_67 = tpu.memref_squeeze %dma_wait3A_66 : memref<1x120x128xf32, #tpu.memory_space<hbm>> -> memref<120x128xf32, #tpu.memory_space<hbm>>
      %dma_wait3A_68 = arith.constant 0 : i32
      %dma_wait3A_69 = arith.constant 0 : i32
      %dma_wait3A_70 = tpu.memref_slice %arg9[%dma_wait3A_68, %dma_wait3A_69] : memref<128x128xf32, #tpu.memory_space<vmem>> -> memref<120x128xf32, #tpu.memory_space<vmem>>
      tpu.wait_dma2 semaphore(%run_scoped3A : memref<!tpu.dma_semaphore, #tpu.memory_space<semaphore_mem>>) src(%dma_wait3A_70 : memref<120x128xf32, #tpu.memory_space<vmem>>) dst(%dma_wait3A_67 : memref<120x128xf32, #tpu.memory_space<hbm>>)
      tpu.yield
    }) : () -> ()
    return
  }
}

module attributes {stable_mosaic.version = 14 : i64} {
  func.func @body(%arg0: i32, %arg1: memref<2x1264x128xf32, #tpu.memory_space<vmem>>, %arg2: memref<2x1264x128xf32, #tpu.memory_space<vmem>>, %arg3: memref<1264x128xf32, #tpu.memory_space<vmem>>, %arg4: memref<128x128xf32, #tpu.memory_space<vmem>>, %arg5: memref<128x128xf32, #tpu.memory_space<vmem>>, %arg6: memref<1264x128xf32, #tpu.memory_space<vmem>>) attributes {dimension_semantics = [#tpu.dimension_semantics<arbitrary>], iteration_bounds = array<i64: 8>, scalar_prefetch = 0 : i64, scratch_operands = 0 : i64, tpu.core_type = #tpu.core_type<tc>, window_params = [{transform_indices = @transform_0, window_bounds = array<i64: 2, 1264, 128>}, {transform_indices = @transform_1, window_bounds = array<i64: 2, 1264, 128>}, {transform_indices = @transform_2, window_bounds = array<i64: 1264, 128>}, {pipeline_mode = #tpu.pipeline_mode<synchronous>, transform_indices = @transform_3, window_bounds = array<i64: 128, 128>}, {pipeline_mode = #tpu.pipeline_mode<synchronous>, transform_indices = @transform_4, window_bounds = array<i64: 128, 128>}, {transform_indices = @transform_5, window_bounds = array<i64: 1264, 128>}]} {
    %get3A = arith.constant 0 : index
    %get3A_0 = arith.constant 0 : index
    %get3A_1 = arith.constant 0 : index
    %get3A_2 = vector.load %arg1[%get3A, %get3A_0, %get3A_1] : memref<2x1264x128xf32, #tpu.memory_space<vmem>>, vector<1x1264x128xf32>
    %get3A_3 = vector.shape_cast %get3A_2 : vector<1x1264x128xf32> to vector<1264x128xf32>
    %get3A_4 = arith.constant 1 : index
    %get3A_5 = arith.constant 0 : index
    %get3A_6 = arith.constant 0 : index
    %get3A_7 = vector.load %arg1[%get3A_4, %get3A_5, %get3A_6] : memref<2x1264x128xf32, #tpu.memory_space<vmem>>, vector<1x1264x128xf32>
    %get3A_8 = vector.shape_cast %get3A_7 : vector<1x1264x128xf32> to vector<1264x128xf32>
    %add3A = arith.addf %get3A_3, %get3A_8 : vector<1264x128xf32>
    %get3A_9 = arith.constant 0 : index
    %get3A_10 = arith.constant 0 : index
    %get3A_11 = arith.constant 0 : index
    %get3A_12 = vector.load %arg2[%get3A_9, %get3A_10, %get3A_11] : memref<2x1264x128xf32, #tpu.memory_space<vmem>>, vector<1x1264x1xf32>
    %get3A_13 = vector.shape_cast %get3A_12 : vector<1x1264x1xf32> to vector<1264x1xf32>
    %get3A_14 = arith.constant 1 : index
    %get3A_15 = arith.constant 0 : index
    %get3A_16 = arith.constant 0 : index
    %get3A_17 = vector.load %arg2[%get3A_14, %get3A_15, %get3A_16] : memref<2x1264x128xf32, #tpu.memory_space<vmem>>, vector<1x1264x1xf32>
    %get3A_18 = vector.shape_cast %get3A_17 : vector<1x1264x1xf32> to vector<1264x1xf32>
    %add3A_19 = arith.addf %get3A_13, %get3A_18 : vector<1264x1xf32>
    %max3A = arith.constant 1.000000e+00 : f32
    %max3A_20 = vector.broadcast %max3A : f32 to vector<1264x1xf32>
    %max3A_21 = arith.maximumf %add3A_19, %max3A_20 : vector<1264x1xf32>
    %div3A = vector.broadcast %max3A_21 : vector<1264x1xf32> to vector<1264x128xf32>
    %div3A_22 = arith.divf %add3A, %div3A : vector<1264x128xf32>
    %get3A_23 = arith.constant 0 : index
    %get3A_24 = arith.constant 0 : index
    %get3A_25 = vector.load %arg4[%get3A_23, %get3A_24] : memref<128x128xf32, #tpu.memory_space<vmem>>, vector<128x128xf32>
    %dot_general3A = arith.constant dense<0.000000e+00> : vector<1264x128xf32>
    %dot_general3A_26 = tpu.matmul %div3A_22, %get3A_25, %dot_general3A {dimension_numbers = #tpu.dot_dimension_numbers<[1], [0], [0], [1], [0, 0, 1, 1], [], []>, transpose_lhs_hint = false} : vector<1264x128xf32>, vector<128x128xf32>, vector<1264x128xf32> -> vector<1264x128xf32>
    %get3A_27 = arith.constant 0 : index
    %get3A_28 = arith.constant 0 : index
    %get3A_29 = vector.load %arg3[%get3A_27, %get3A_28] : memref<1264x128xf32, #tpu.memory_space<vmem>>, vector<1264x128xf32>
    %get3A_30 = arith.constant 0 : index
    %get3A_31 = arith.constant 0 : index
    %get3A_32 = vector.load %arg5[%get3A_30, %get3A_31] : memref<128x128xf32, #tpu.memory_space<vmem>>, vector<128x128xf32>
    %dot_general3A_33 = arith.constant dense<0.000000e+00> : vector<1264x128xf32>
    %dot_general3A_34 = tpu.matmul %get3A_29, %get3A_32, %dot_general3A_33 {dimension_numbers = #tpu.dot_dimension_numbers<[1], [0], [0], [1], [0, 0, 1, 1], [], []>, transpose_lhs_hint = false} : vector<1264x128xf32>, vector<128x128xf32>, vector<1264x128xf32> -> vector<1264x128xf32>
    %add3A_35 = arith.addf %dot_general3A_26, %dot_general3A_34 : vector<1264x128xf32>
    %ge3A = arith.constant 0.000000e+00 : f32
    %ge3A_36 = vector.broadcast %ge3A : f32 to vector<1264x128xf32>
    %ge3A_37 = arith.cmpf oge, %add3A_35, %ge3A_36 : vector<1264x128xf32>
    %mul3A = arith.constant 0.229166672 : f32
    %mul3A_38 = vector.broadcast %mul3A : f32 to vector<1264x128xf32>
    %mul3A_39 = arith.mulf %mul3A_38, %add3A_35 : vector<1264x128xf32>
    %select_n3A = arith.select %ge3A_37, %add3A_35, %mul3A_39 : vector<1264x128xi1>, vector<1264x128xf32>
    %swap3A = arith.constant 0 : index
    %swap3A_40 = arith.constant 0 : index
    %swap3A_41 = vector.load %arg6[%swap3A, %swap3A_40] : memref<1264x128xf32, #tpu.memory_space<vmem>>, vector<1264x128xf32>
    tpu.vector_store %arg6[%swap3A, %swap3A_40], %select_n3A {strides = array<i32>} : memref<1264x128xf32, #tpu.memory_space<vmem>>, vector<1264x128xf32>,
    return
  }
  func.func @transform_0(%arg0: i32) -> (i32, i32, i32) {
    %c0_i32 = arith.constant 0 : i32
    %c0_i32_0 = arith.constant 0 : i32
    %c0_i32_1 = arith.constant 0 : i32
    return %c0_i32, %arg0, %c0_i32_0 : i32, i32, i32
  }
  func.func @transform_1(%arg0: i32) -> (i32, i32, i32) {
    %c0_i32 = arith.constant 0 : i32
    %c0_i32_0 = arith.constant 0 : i32
    %c0_i32_1 = arith.constant 0 : i32
    return %c0_i32, %arg0, %c0_i32_0 : i32, i32, i32
  }
  func.func @transform_2(%arg0: i32) -> (i32, i32) {
    %c0_i32 = arith.constant 0 : i32
    %c0_i32_0 = arith.constant 0 : i32
    return %arg0, %c0_i32 : i32, i32
  }
  func.func @transform_3(%arg0: i32) -> (i32, i32) {
    %c0_i32 = arith.constant 0 : i32
    %c0_i32_0 = arith.constant 0 : i32
    %c0_i32_1 = arith.constant 0 : i32
    return %c0_i32, %c0_i32_0 : i32, i32
  }
  func.func @transform_4(%arg0: i32) -> (i32, i32) {
    %c0_i32 = arith.constant 0 : i32
    %c0_i32_0 = arith.constant 0 : i32
    %c0_i32_1 = arith.constant 0 : i32
    return %c0_i32, %c0_i32_0 : i32, i32
  }
  func.func @transform_5(%arg0: i32) -> (i32, i32) {
    %c0_i32 = arith.constant 0 : i32
    %c0_i32_0 = arith.constant 0 : i32
    return %arg0, %c0_i32 : i32, i32
  }
}

</mosaic_0001>

<sc_bundles>
// kernel: kernel.6.cloned.1.call-start
scs
__scs_entry_jumppad:
0x0: {  	(pc) =	sbr.rel $0x88, $3  }
0x1: {  	(tag) =	ssettag $0x0;
	lr =	simm.s32 $0x1  }
0x2: {  	[smem:$0x3F9A] =	sst lr;
	_ =	strace $0xD0000000  }
0x3: {  	_ = 	snop  }
0x4: {  	_ = 	snop  }
0x5: {  	_ = 	snop  }
0x6: {  	_ = 	snop  }
0x7: {  	_ = 	snop  }
__scs_overlays_trampoline_lowered:
0x8: {  	[smem:$0x3FA9] =	sst s0  }
0x9: {  	[smem:$0x3FAA] =	sst s1  }
0xa: {  	[smem:$0x3FAB] =	sst s2  }
0xb: {  	[smem:$0x3FAC] =	sst s3  }
0xc: {  	[smem:$0x3FAD] =	sst s4  }
0xd: {  	[smem:$0x3FAE] =	sst s5  }
0xe: {  	[smem:$0x3FAF] =	sst s6  }
0xf: {  	[smem:$0x3FB0] =	sst s7  }
0x10: {  	[smem:$0x3FB1] =	sst s8  }
0x11: {  	[smem:$0x3FB2] =	sst s9;
	s0 =	simm.s32 @!p0 $0x0  }
0x12: {  	s1 =	sld [smem:$0x3F98];
	s0 =	simm.s32 @p0 $0x1  }
0x13: {  	[smem:$0x3FB3] =	sst s0;
	s0 =	simm.s32 @!p1 $0x0  }
0x14: {  	s2 =	sld [smem:$0x3F97];
	s0 =	simm.s32 @p1 $0x1  }
0x15: {  	[smem:$0x3FB4] =	sst s0;
	s0 =	simm.s32 @!p2 $0x0  }
0x16: {  	s3 =	sld [smem:$0x3FDB];
	s0 =	simm.s32 @p2 $0x1  }
0x17: {  	s4 =	simm.s32 $0x1BF5;
	[smem:$0x3FB6] =	sst s0  }
0x18: {  	s0 =	sld [smem:$0x3F99];
	_ =	swait.ge [sflag:s4], $0x0  }
0x19: {  	s7 =	sld [smem:$0x3F9A]  }
0x1a: {  	s8 =	sadd.s32 $0xFFFFE003, lr  }
0x1b: {  	s9 =	sadd.s32 $0xFFFFFEF7, lr;
	s5 =	simm.s32 $0xFFFFFFFF;
	p2 =	slt.u32 s8, $0xFFFFF086  }
0x1c: {  	p1 =	slt.u32 s9, $0xF7A;
	s5 =	simm.s32 @!p2 $0x0  }
0x1d: {  	s5 =	simm.s32 @p1 $0x1;
	p0 =	seq.s32 s7, s2  }
0x1e: {  	s7 =	smul.u32 @!p0 $0xF7A, s2;
	p2 =	seq.s32 @!p0 s5, $0x0  }
0x1f: {  	s9 =	smul.u32 $0xF7A, s1;
	s8 =	simm.s32 @!p0 $0x1BF5;
	p2 =	por !p2, p0  }
0x20: {  	[sflag:s8] =	ssyncset.s32 @!p0 $0xFFFFF086;
	s6 =	sadd.s32 @!p0 s3, s7;
	s7 =	simm.s32 @!p0 $0x108  }
0x21: {  	s3 =	sadd.s32 s3, s9;
	s6 =	sadd.s32 @!p0 $0x88, s6;
	s7 =	simm.s32 @p2 $0x1082  }
0x22: {  	[simem:s7], [sflag:s8] =	dma.local @!p0 [hbm:s6], $0xF7A  }
0x23: {  	s9 =	sor.u32 $0xD0000000, s2;
	s6 =	simm.s32 $0x108;
	_ =	swait.ge @!p0 [sflag:s8], $0x0  }
0x24: {  	s3 =	sadd.s32 $0x88, s3;
	s6 =	simm.s32 @!p1 $0x1082;
	[sflag:s4] =	ssyncset.s32 $0xFFFFF086  }
0x25: {  	[simem:s6], [sflag:s4] =	dma.local [hbm:s3], $0xF7A  }
0x26: {  	[smem:$0x3F9A] =	sst s1;
	(tag) =	ssettag s2;
	_ =	strace s9  }
0x27: {  	s1 =	sld [smem:$0x3FAA]  }
0x28: {  	s2 =	sld [smem:$0x3FAB]  }
0x29: {  	s4 =	sld [smem:$0x3FAD]  }
0x2a: {  	p0 =	seq.s32 s5, $0x0;
	s5 =	sld [smem:$0x3FAE]  }
0x2b: {  	s6 =	sld [smem:$0x3FAF]  }
0x2c: {  	s7 =	sld [smem:$0x3FB0]  }
0x2d: {  	s3 =	simm.s32 $0x108;
	s8 =	sld [smem:$0x3FB1]  }
0x2e: {  	s3 =	simm.s32 @!p0 $0x1082;
	s9 =	sld [smem:$0x3FB2]  }
0x2f: {  	lr =	sadd.s32 s0, s3;
	s0 =	sld [smem:$0x3FA9]  }
0x30: {  	s3 =	sld [smem:$0x3FAC]  }
0x31: {  	[smem:$0x3FB5] =	sst s10  }
0x32: {  	s10 =	sld [smem:$0x3FB3];
	_ =	sdelay $0x3  }
0x33: {  	p0 =	seq.s32 s10, $0x1;
	s10 =	sld [smem:$0x3FB5];
	_ =	sdelay $0x3  }
0x34: {  	[smem:$0x3FB5] =	sst s10  }
0x35: {  	s10 =	sld [smem:$0x3FB4];
	_ =	sdelay $0x3  }
0x36: {  	p1 =	seq.s32 s10, $0x1;
	s10 =	sld [smem:$0x3FB5];
	_ =	sdelay $0x3  }
0x37: {  	[smem:$0x3FB5] =	sst s10  }
0x38: {  	s10 =	sld [smem:$0x3FB6]  }
0x39: {  	_ = 	snop;
	(pc) =	sbr.ind lr, $3  }
0x3a: {  	_ = 	snop  }
0x3b: {  	_ = 	snop  }
0x3c: {  	p2 =	seq.s32 s10, $0x1;
	s10 =	sld [smem:$0x3FB5]  }
0x3d: {  	_ =	shalt  }
0x3e: {  	_ =	shalt  }
0x3f: {  	_ =	shalt  }
0x40: {  	_ =	shalt  }
0x41: {  	_ =	shalt  }
0x42: {  	_ =	shalt  }
0x43: {  	_ =	shalt  }
0x44: {  	_ =	shalt  }
0x45: {  	_ =	shalt  }
0x46: {  	_ =	shalt  }
0x47: {  	_ =	shalt  }
0x48: {  	_ =	shalt  }
0x49: {  	_ =	shalt  }
0x4a: {  	_ =	shalt  }
0x4b: {  	_ =	shalt  }
0x4c: {  	_ =	shalt  }
0x4d: {  	_ =	shalt  }
0x4e: {  	_ =	shalt  }
0x4f: {  	_ =	shalt  }
0x50: {  	_ =	shalt  }
0x51: {  	_ =	shalt  }
0x52: {  	_ =	shalt  }
0x53: {  	_ =	shalt  }
0x54: {  	_ =	shalt  }
0x55: {  	_ =	shalt  }
0x56: {  	_ =	shalt  }
0x57: {  	_ =	shalt  }
0x58: {  	_ =	shalt  }
0x59: {  	_ =	shalt  }
0x5a: {  	_ =	shalt  }
0x5b: {  	_ =	shalt  }
0x5c: {  	_ =	shalt  }
0x5d: {  	_ =	shalt  }
0x5e: {  	_ =	shalt  }
0x5f: {  	_ =	shalt  }
0x60: {  	_ =	shalt  }
0x61: {  	_ =	shalt  }
0x62: {  	_ =	shalt  }
0x63: {  	_ =	shalt  }
0x64: {  	_ =	shalt  }
0x65: {  	_ =	shalt  }
0x66: {  	_ =	shalt  }
0x67: {  	_ =	shalt  }
0x68: {  	_ =	shalt  }
0x69: {  	_ =	shalt  }
0x6a: {  	_ =	shalt  }
0x6b: {  	_ =	shalt  }
0x6c: {  	_ =	shalt  }
0x6d: {  	_ =	shalt  }
0x6e: {  	_ =	shalt  }
0x6f: {  	_ =	shalt  }
0x70: {  	_ =	shalt  }
0x71: {  	_ =	shalt  }
0x72: {  	_ =	shalt  }
0x73: {  	_ =	shalt  }
0x74: {  	_ =	shalt  }
0x75: {  	_ =	shalt  }
0x76: {  	_ =	shalt  }
0x77: {  	_ =	shalt  }
0x78: {  	_ =	shalt  }
0x79: {  	_ =	shalt  }
0x7a: {  	_ =	shalt  }
0x7b: {  	_ =	shalt  }
0x7c: {  	_ =	shalt  }
0x7d: {  	_ =	shalt  }
0x7e: {  	_ =	shalt  }
0x7f: {  	_ =	shalt  }
0x80: {  	_ =	shalt  }
0x81: {  	_ =	shalt  }
0x82: {  	_ =	shalt  }
0x83: {  	_ =	shalt  }
0x84: {  	_ =	shalt  }
0x85: {  	_ =	shalt  }
0x86: {  	_ =	shalt  }
0x87: {  	_ =	shalt  }
.Lfunc_end0:
.L_simem_size_0:
called_computation_lowered:
.L_overlay_start_0:
0x88: {  	s2 =	sld [smem:$0x3FD9]  }
0x89: {  	s3 =	sld [smem:$0x3FFE];
	_ =	sdelay $0x1  }
0x8a: {  	s1 =	srdreg.scid  }
0x8b: {  	s0 =	sand.u32 $0x1, s1  }
0x8c: {  	s17 =	sshll.u32 s0, $0xA;
	s2 =	sadd.s32 s3, s2  }
0x8d: {  	s2 =	sadd.s32 s2, s17  }
0x8e: {  	[smem:$0x3FC1] =	sst s2  }
0x8f: {  	_ = 	snop  }
0x90: {  	s2 =	sld [smem:$0x3FC8]  }
0x91: {  	s18 =	sld [smem:$0x3FD0];
	(tm) =	ssettm $0x1  }
0x92: {  	s4 =	sld [smem:$0x3FFB];
	_ =	sdelay $0x3  }
0x93: {  	_ =	strace s4  }
0x94: {  	s4 =	sld [smem:$0x3FFC];
	_ =	sdelay $0x3  }
0x95: {  	_ =	strace s4  }
0x96: {  	s4 =	sld [smem:$0x3FFD];
	_ =	sdelay $0x3  }
0x97: {  	_ =	strace s4  }
0x98: {  	_ =	strace $0x8FFFFFFF  }
0x99: {  	s19 =	sld [smem:$0x3FDB];
	_ =	sdelay $0x1  }
0x9a: {  	s5 =	simm.s32 $_scs_section_size  }
0x9b: {  	s6 =	simm.s32 $_size__tile_overlayer_lowered;
	s7 =	simm.s32 $_tile_overlayer_lowered  }
0x9c: {  	s22 =	simm.s32 $0x1BFF;
	s21 =	sshll.u32 s7, $0x1;
	s4 =	sadd.s32 s5, s19  }
0x9d: {  	s8 =	simm.s32 $0x0;
	s20 =	sshll.u32 s6, $0x1;
	s6 =	sadd.s32 s21, s4  }
0x9e: {  	[timem:s8], [sflag:s22] =	dma.local [hbm:s6], s20  }
0x9f: {  	_ =	swait.ge [sflag:s22], s20  }
0xa0: {  	s5 =	ssub.s32 $0x0, s20;
	[sflag:s22] =	ssyncset.done $0x0  }
0xa1: {  	[sflag:s22] =	ssyncadd.s32 s5;
	_ =	sdelay $0x1  }
0xa2: {  	s23 =	simm.s32 $0x1B8B  }
0xa3: {  	_ =	swait.ge [sflag:s23], $0x1  }
0xa4: {  	[sflag:s23] =	ssyncset.done $0x0  }
0xa5: {  	s25 =	simm.s32 $0x1B8E;
	s24 =	sld [smem:$0x3FFE];
	[sflag:s23] =	ssyncadd.s32 $0xFFFFFFFF  }
0xa6: {  	s26 =	simm.s32 $execute0_lowered;
	[smem:$0x3FD2] =	sst s25  }
0xa7: {  	s6 =	sshll.u32 s26, $0x1;
	_ =	strace $0x80000046;
	[dreg:$0x1] =	wrdreg $0xFFFFFFFF  }
0xa8: {  	s28 =	simm.s32 $_size_execute0_lowered;
	s4 =	sadd.s32 s4, s6;
	[dreg:$0x0] =	wrdreg $0x0  }
0xa9: {  	s6 =	sshll.u32 s28, $0x1;
	[dreg:$0x2] =	wrdreg s4  }
0xaa: {  	[dreg:$0x3] =	wrdreg s6  }
0xab: {  	[dreg:$0x4] =	wrdreg $0xC0  }
0xac: {  	_ =	task [dreg:s8], $0x5FFFF  }
0xad: {  	[dreg:$0x1] =	wrdreg $0xFFFFFFFF  }
0xae: {  	[dreg:$0x0] =	wrdreg $0x60  }
0xaf: {  	[dreg:$0x2] =	wrdreg s24  }
0xb0: {  	[dreg:$0x3] =	wrdreg s2  }
0xb1: {  	[dreg:$0x4] =	wrdreg s18  }
0xb2: {  	[dreg:$0x5] =	wrdreg $0x88000  }
0xb3: {  	[dreg:$0x6] =	wrdreg $0x9  }
0xb4: {  	_ =	task.clear_ibuf [dreg:s8], $0x7FFFF;
	_ =	strace $0x90000046  }
0xb5: {  	s29 =	simm.s32 $0x9;
	_ =	strace $0x80000048  }
0xb6: {  	_ =	swait.ge [sflag:s29], $0x1  }
0xb7: {  	[sflag:s29] =	ssyncadd.s32 $0xFFFFFFFF  }
0xb8: {  	_ =	strace $0x90000048  }
0xb9: {  	_ =	sfence  }
0xba: {  	s30 =	sld [smem:$0x0];
	_ =	sdelay $0x2  }
0xbb: {  	s31 =	sshll.u32 s1, $0xD;
	s1 =	sshrl.u32 s1, $0x2  }
0xbc: {  	s3 =	sand.u32 $0x4000, s31;
	s1 =	sadd.s32 s1, s30  }
0xbd: {  	s0 =	sor.u32 s3, s0;
	s1 =	sshll.u32 s1, $0x11  }
0xbe: {  	s0 =	sor.u32 s1, s0  }
0xbf: {  	s0 =	sadd.s32 $0x8F2B, s0  }
0xc0: {  	[sflag:s0] =	ssyncadd.remote.s32 $0x1  }
0xc1: {  	_ =	sfence.sel $0xFFFF  }
0xc2: {  	[dreg:$0x0] =	wrdreg $0xFFFFFFFF;
	(pc) =	sbr.abs _section_cstart, $3  }
0xc3: {  	[dreg:$0x1] =	wrdreg $0xFFFFFFFF  }
0xc4: {  	_ =	task.clear_ibuf [dreg:s8], $0x2FFFF;
	_ =	strace $0x9FFFFFFF  }
0xc5: {  	(tm) =	ssettm $0x7FFFFFFF  }
tec
execute0_lowered:
.L_overlay_start_1:
0x0: {  	(tag) =	ssettag $0x1  }
0x1: {  	s0 =	srdreg.scid;
	s4 =	rddreg [dreg:$0x0]  }
0x2: {  	s17 =	stileid.u32;
	s1 =	rddreg [dreg:$0x1]  }
0x3: {  	s2 =	simm.s32 $0x0;
	s30 =	simm.s32 $0x380;
	s3 =	smul.u32 $0x5000, s17  }
0x4: {  	s0 =	sand.u32 $0x1, s0;
	[smem:$0x7FF] =	sst s2;
	s7 =	smul.u32 $0x13C00, s17  }
0x5: {  	s19 =	sadd.s32 $0x3E800, s4;
	s8 =	sadd.s32 $0x8D800, s4;
	s5 =	smul.u32 $0x2800, s0  }
0x6: {  	s10 =	sadd.s32 $0xDC800, s4;
	s6 =	ssub.s32 $0x2, s0;
	s0 =	smul.u32 $0x13C000, s0  }
0x7: {  	s28 =	sadd.s32 $0x3E000, s4;
	s9 =	sshrl.u32 s6, $0x1;
	s11 =	sadd.s32 $0x8000, s7  }
0x8: {  	s14 =	sadd.s32 $0xC000, s7;
	s3 =	sadd.s32 s5, s3;
	s12 =	sadd.s32 s7, s0  }
0x9: {  	s6 =	ssub.s32 s6, s9;
	s16 =	sadd.s32 s0, s14;
	s12 =	sshrl.u32 s12, $0x3  }
0xa: {  	s9 =	sadd.s32 $0x4000, s7;
	s16 =	sshrl.u32 s16, $0x3;
	s15 =	sadd.s32 s8, s12  }
0xb: {  	s7 =	sadd.s32 $0x10000, s7;
	s22 =	sadd.s32 s8, s16;
	[dreg:$0x6] =	wrdreg s15  }
0xc: {  	s21 =	sadd.s32 s0, s11;
	s23 =	sadd.s32 s19, s12;
	[dreg:$0x9] =	wrdreg s22  }
0xd: {  	s13 =	sadd.s32 s0, s9;
	s26 =	sadd.s32 s19, s16;
	[dreg:$0xb] =	wrdreg s23  }
0xe: {  	s0 =	sadd.s32 s0, s7;
	s13 =	sshrl.u32 s13, $0x3;
	[dreg:$0xe] =	wrdreg s26  }
0xf: {  	s20 =	sadd.s32 s8, s13;
	s15 =	sshrl.u32 s21, $0x3;
	s21 =	rddreg [dreg:$0x2]  }
0x10: {  	s0 =	sshrl.u32 s0, $0x3;
	s24 =	sadd.s32 s19, s13;
	[dreg:$0x7] =	wrdreg s20  }
0x11: {  	s5 =	sadd.s32 s19, s0;
	s22 =	sadd.s32 s10, s16;
	[dreg:$0xc] =	wrdreg s24  }
0x12: {  	s23 =	sshrl.u32 s3, $0x3;
	s26 =	smax.u32 s6, $0x1;
	[dreg:$0xf] =	wrdreg s5  }
0x13: {  	s6 =	simm.s32 $0x4800;
	s18 =	sadd.s32 s8, s15;
	[dreg:$0x13] =	wrdreg s22  }
0x14: {  	s16 =	simm.s32 $0x280;
	s8 =	sadd.s32 s8, s0;
	[dreg:$0x8] =	wrdreg s18  }
0x15: {  	s25 =	sadd.s32 s19, s15;
	s19 =	sadd.s32 s10, s13;
	[dreg:$0xa] =	wrdreg s8  }
0x16: {  	s20 =	sadd.s32 s10, s15;
	s0 =	sadd.s32 s10, s0;
	[dreg:$0xd] =	wrdreg s25  }
0x17: {  	s24 =	smul.u32 $0x4F000, s17;
	s5 =	sadd.s32 s23, s21;
	[dreg:$0x11] =	wrdreg s19  }
0x18: {  	s21 =	sadd.s32 $0x16000, s4;
	s13 =	simm.s32 $0x200;
	[dreg:$0x12] =	wrdreg s20  }
0x19: {  	s17 =	simm.s32 $0x600;
	s22 =	simm.s32 $0x700;
	[dreg:$0x14] =	wrdreg s0  }
0x1a: {  	s18 =	sadd.s32 s10, s12;
	s19 =	rddreg [dreg:$0x3];
	s0 =	sadd.s32 s23, s4  }
0x1b: {  	s4 =	sadd.s32 $0x3D800, s4;
	s8 =	simm.s32 $0x100;
	s10 =	simm.s32 $0x480  }
0x1c: {  	s12 =	simm.s32 $0x500;
	s23 =	simm.s32 $0x680;
	[dreg:$0x10] =	wrdreg s18  }
0x1d: {  	s3 =	sshrl.u32 s24, $0x2;
	_ =	strace $0x80000047;
	[dreg:$0x5] =	wrdreg s5  }
0x1e: {  	s25 =	sadd.s32 s9, s19;
	s29 =	sadd.s32 s11, s19;
	[dreg:$0x16] =	wrdreg s4  }
0x1f: {  	s20 =	sadd.s32 s14, s19;
	s31 =	sadd.s32 $0xC000, s0;
	[dreg:$0x18] =	wrdreg s25  }
0x20: {  	s15 =	sadd.s32 $0x2000, s0;
	s0 =	simm.s32 $0x800;
	[dreg:$0x1c] =	wrdreg s26  }
0x21: {  	s9 =	simm.s32 $0x2;
	s11 =	simm.s32 $0x180;
	[dreg:$0x15] =	wrdreg s28  }
0x22: {  	s14 =	simm.s32 $0x580;
	s18 =	simm.s32 $0x300;
	[dreg:$0x19] =	wrdreg s29  }
0x23: {  	s24 =	simm.s32 $0x780;
	s3 =	sadd.s32 s3, s19;
	[dreg:$0x1a] =	wrdreg s20  }
0x24: {  	s25 =	sadd.s32 s7, s19;
	s26 =	simm.s32 $0x0;
	[dreg:$0x17] =	wrdreg s3  }
0x25: {  	s4 =	simm.s32 $0x400;
	s5 =	simm.s32 $0x80;
	[dreg:$0x1d] =	wrdreg s26  }
0x26: {  	s7 =	simm.s32 $0x1;
	s3 =	simm.s32 $0x3;
	[dreg:$0x1b] =	wrdreg s25  }
.LBB2_1:
0x27: {  	[tilespmem:s0], [sflag:$0x3] =	stream.linear.gather [hbm4b:s28+s2], $0x4000, $0x38;
	[tilespmem:$0x1C400] =	vst v63  }
0x28: {  	_ =	swait.ge [sflag:s3], $0x4000  }
0x29: {  	[sflag:s3] =	ssyncset.done $0x0  }
0x2a: {  	s26 =	rddreg [dreg:$0x17];
	[sflag:s3] =	ssyncadd.s32 $0xFFFFC000  }
0x2b: {  	[spmem:s26] =	stream.linear.scatter [tilespmem:s0], [sflag:$0x3], $0x4000, $0x38;
	[tilespmem:$0x1C400] =	vst v63  }
0x2c: {  	_ =	swait.ge [sflag:s3], $0x4000  }
0x2d: {  	[sflag:s3] =	ssyncset.done $0x0  }
0x2e: {  	s26 =	rddreg [dreg:$0x18];
	[sflag:s3] =	ssyncadd.s32 $0xFFFFC000  }
0x2f: {  	[spmem:s26] =	stream.linear.scatter [tilespmem:s0], [sflag:$0x3], $0x4000, $0x38;
	[tilespmem:$0x1C400] =	vst v63  }
0x30: {  	_ =	swait.ge [sflag:s3], $0x4000  }
0x31: {  	[sflag:s3] =	ssyncset.done $0x0  }
0x32: {  	[sflag:s3] =	ssyncadd.s32 $0xFFFFC000  }
0x33: {  	[spmem:s29] =	stream.linear.scatter [tilespmem:s0], [sflag:$0x3], $0x4000, $0x38;
	[tilespmem:$0x1C400] =	vst v63  }
0x34: {  	_ =	swait.ge [sflag:s3], $0x4000  }
0x35: {  	[sflag:s3] =	ssyncset.done $0x0  }
0x36: {  	[sflag:s3] =	ssyncadd.s32 $0xFFFFC000  }
0x37: {  	[spmem:s20] =	stream.linear.scatter [tilespmem:s0], [sflag:$0x3], $0x4000, $0x38;
	[tilespmem:$0x1C400] =	vst v63  }
0x38: {  	_ =	swait.ge [sflag:s3], $0x4000  }
0x39: {  	[sflag:s3] =	ssyncset.done $0x0  }
0x3a: {  	[sflag:s3] =	ssyncadd.s32 $0xFFFFC000  }
0x3b: {  	[spmem:s25] =	stream.linear.scatter [tilespmem:s0], [sflag:$0x3], $0x3C00, $0x38;
	[tilespmem:$0x1C400] =	vst v63  }
0x3c: {  	_ =	swait.ge [sflag:s3], $0x3C00  }
0x3d: {  	[sflag:s3] =	ssyncset.done $0x0  }
0x3e: {  	[sflag:s3] =	ssyncadd.s32 $0xFFFFC400  }
0x3f: {  	s25 =	sadd.s32 $0x0, s15;
	[bflag:$0x0] =	sbarrier.arrive $0xFFFF  }
0x40: {  	[tilespmem:s2], [sflag:$0x3] =	stream.linear.gather [hbm4b:s25+s2], $0x400, $0x38;
	[tilespmem:$0x1C400] =	vst v63  }
0x41: {  	_ =	swait.ge [sflag:s3], $0x400  }
0x42: {  	[sflag:s3] =	ssyncset.done $0x0  }
0x43: {  	s29 =	sadd.s32 $0x0, s31;
	[sflag:s3] =	ssyncadd.s32 $0xFFFFFC00  }
0x44: {  	[tilespmem:s4], [sflag:$0x3] =	stream.linear.gather [hbm4b:s29+s2], $0x400, $0x38;
	[tilespmem:$0x1C400] =	vst v63  }
0x45: {  	_ =	swait.ge [sflag:s3], $0x400  }
0x46: {  	[sflag:s3] =	ssyncset.done $0x0  }
0x47: {  	[sflag:s3] =	ssyncadd.s32 $0xFFFFFC00  }
0x48: {  	[tilespmem:s0], [sflag:$0x1] =	stream.indirect.gather [hbm4b:s1+s5], $0x80, s2, s5, $0xb8;
	[tilespmem:$0x1C400] =	vst v63  }
0x49: {  	_ = 	snop  }
0x4a: {  	[tilespmem:s6], [sflag:$0x2] =	stream.indirect.gather [hbm4b:s1+s5], $0x80, s5, s5, $0xb8;
	[tilespmem:$0x1C400] =	vst v63  }
0x4b: {  	_ =	swait.ge [sflag:s7], $0x4000  }
0x4c: {  	[sflag:s7] =	ssyncset.done $0x0  }
0x4d: {  	[sflag:s7] =	ssyncadd.s32 $0xFFFFC000  }
0x4e: {  	[spmem:s19] =	stream.indirect.scatter.add.f32 [tilespmem:s0], [sflag:$0x3], $0x80, s4, s5, $0xb8;
	[tilespmem:$0x1C400] =	vst v63  }
0x4f: {  	_ =	swait.ge [sflag:s3], $0x4000  }
0x50: {  	[sflag:s3] =	ssyncset.done $0x0  }
0x51: {  	[sflag:s3] =	ssyncadd.s32 $0xFFFFC000  }
0x52: {  	[tilespmem:s0], [sflag:$0x1] =	stream.indirect.gather [hbm4b:s1+s5], $0x80, s8, s5, $0xb8;
	[tilespmem:$0x1C400] =	vst v63  }
0x53: {  	_ =	swait.ge [sflag:s9], $0x4000  }
0x54: {  	[sflag:s9] =	ssyncset.done $0x0  }
0x55: {  	[sflag:s9] =	ssyncadd.s32 $0xFFFFC000  }
0x56: {  	[spmem:s19] =	stream.indirect.scatter.add.f32 [tilespmem:s6], [sflag:$0x3], $0x80, s10, s5, $0xb8;
	[tilespmem:$0x1C400] =	vst v63  }
0x57: {  	_ =	swait.ge [sflag:s3], $0x4000  }
0x58: {  	[sflag:s3] =	ssyncset.done $0x0  }
0x59: {  	[sflag:s3] =	ssyncadd.s32 $0xFFFFC000  }
0x5a: {  	[tilespmem:s6], [sflag:$0x2] =	stream.indirect.gather [hbm4b:s1+s5], $0x80, s11, s5, $0xb8;
	[tilespmem:$0x1C400] =	vst v63  }
0x5b: {  	_ =	swait.ge [sflag:s7], $0x4000  }
0x5c: {  	[sflag:s7] =	ssyncset.done $0x0  }
0x5d: {  	[sflag:s7] =	ssyncadd.s32 $0xFFFFC000  }
0x5e: {  	[spmem:s19] =	stream.indirect.scatter.add.f32 [tilespmem:s0], [sflag:$0x3], $0x80, s12, s5, $0xb8;
	[tilespmem:$0x1C400] =	vst v63  }
0x5f: {  	_ =	swait.ge [sflag:s3], $0x4000  }
0x60: {  	[sflag:s3] =	ssyncset.done $0x0  }
0x61: {  	[sflag:s3] =	ssyncadd.s32 $0xFFFFC000  }
0x62: {  	[tilespmem:s0], [sflag:$0x1] =	stream.indirect.gather [hbm4b:s1+s5], $0x80, s13, s5, $0xb8;
	[tilespmem:$0x1C400] =	vst v63  }
0x63: {  	_ =	swait.ge [sflag:s9], $0x4000  }
0x64: {  	[sflag:s9] =	ssyncset.done $0x0  }
0x65: {  	[sflag:s9] =	ssyncadd.s32 $0xFFFFC000  }
0x66: {  	[spmem:s19] =	stream.indirect.scatter.add.f32 [tilespmem:s6], [sflag:$0x3], $0x80, s14, s5, $0xb8;
	[tilespmem:$0x1C400] =	vst v63  }
0x67: {  	_ =	swait.ge [sflag:s3], $0x4000  }
0x68: {  	[sflag:s3] =	ssyncset.done $0x0  }
0x69: {  	[sflag:s3] =	ssyncadd.s32 $0xFFFFC000  }
0x6a: {  	[tilespmem:s6], [sflag:$0x2] =	stream.indirect.gather [hbm4b:s1+s5], $0x80, s16, s5, $0xb8;
	[tilespmem:$0x1C400] =	vst v63  }
0x6b: {  	_ =	swait.ge [sflag:s7], $0x4000  }
0x6c: {  	[sflag:s7] =	ssyncset.done $0x0  }
0x6d: {  	[sflag:s7] =	ssyncadd.s32 $0xFFFFC000  }
0x6e: {  	[spmem:s19] =	stream.indirect.scatter.add.f32 [tilespmem:s0], [sflag:$0x3], $0x80, s17, s5, $0xb8;
	[tilespmem:$0x1C400] =	vst v63  }
0x6f: {  	_ =	swait.ge [sflag:s3], $0x4000  }
0x70: {  	[sflag:s3] =	ssyncset.done $0x0  }
0x71: {  	[sflag:s3] =	ssyncadd.s32 $0xFFFFC000  }
0x72: {  	[tilespmem:s0], [sflag:$0x1] =	stream.indirect.gather [hbm4b:s1+s5], $0x80, s18, s5, $0xb8;
	[tilespmem:$0x1C400] =	vst v63  }
0x73: {  	_ =	swait.ge [sflag:s9], $0x4000  }
0x74: {  	[sflag:s9] =	ssyncset.done $0x0  }
0x75: {  	[sflag:s9] =	ssyncadd.s32 $0xFFFFC000  }
0x76: {  	[spmem:s19] =	stream.indirect.scatter.add.f32 [tilespmem:s6], [sflag:$0x3], $0x80, s23, s5, $0xb8;
	[tilespmem:$0x1C400] =	vst v63  }
0x77: {  	_ =	swait.ge [sflag:s3], $0x4000  }
0x78: {  	[sflag:s3] =	ssyncset.done $0x0  }
0x79: {  	[sflag:s3] =	ssyncadd.s32 $0xFFFFC000  }
0x7a: {  	[tilespmem:s6], [sflag:$0x2] =	stream.indirect.gather [hbm4b:s1+s5], $0x80, s30, s5, $0xb8;
	[tilespmem:$0x1C400] =	vst v63  }
0x7b: {  	_ =	swait.ge [sflag:s7], $0x4000  }
0x7c: {  	[sflag:s7] =	ssyncset.done $0x0  }
0x7d: {  	[sflag:s7] =	ssyncadd.s32 $0xFFFFC000  }
0x7e: {  	[spmem:s19] =	stream.indirect.scatter.add.f32 [tilespmem:s0], [sflag:$0x3], $0x80, s22, s5, $0xb8;
	[tilespmem:$0x1C400] =	vst v63  }
0x7f: {  	_ =	swait.ge [sflag:s3], $0x4000  }
0x80: {  	[sflag:s3] =	ssyncset.done $0x0  }
0x81: {  	[sflag:s3] =	ssyncadd.s32 $0xFFFFC000  }
0x82: {  	_ =	swait.ge [sflag:s9], $0x4000  }
0x83: {  	[sflag:s9] =	ssyncset.done $0x0  }
0x84: {  	[sflag:s9] =	ssyncadd.s32 $0xFFFFC000  }
0x85: {  	[spmem:s19] =	stream.indirect.scatter.add.f32 [tilespmem:s6], [sflag:$0x3], $0x80, s24, s5, $0xb8;
	[tilespmem:$0x1C400] =	vst v63  }
0x86: {  	_ =	swait.ge [sflag:s3], $0x4000  }
0x87: {  	s28 =	simm.s32 $0x100;
	s26 =	simm.s32 $0x80;
	[sflag:s3] =	ssyncset.done $0x0  }
.LBB2_2:
0x88: {  	s25 =	sadd.s32 s26, s15  }
0x89: {  	[sflag:s3] =	ssyncadd.s32 $0xFFFFC000;
	s20 =	smov.u32 s28;
	s29 =	sadd.s32 $0x80, s28  }
0x8a: {  	[tilespmem:s2], [sflag:$0x3] =	stream.linear.gather [hbm4b:s25+s2], $0x400, $0x38;
	[tilespmem:$0x1C400] =	vst v63  }
0x8b: {  	p0 =	sne.s32 s28, $0x480;
	_ =	swait.ge [sflag:s3], $0x400  }
0x8c: {  	[sflag:s3] =	ssyncset.done $0x0  }
0x8d: {  	s25 =	sadd.s32 s26, s31;
	s26 =	smov.u32 s20;
	[sflag:s3] =	ssyncadd.s32 $0xFFFFFC00  }
0x8e: {  	[tilespmem:s4], [sflag:$0x3] =	stream.linear.gather [hbm4b:s25+s2], $0x400, $0x38;
	[tilespmem:$0x1C400] =	vst v63  }
0x8f: {  	_ =	swait.ge [sflag:s3], $0x400  }
0x90: {  	[sflag:s3] =	ssyncset.done $0x0  }
0x91: {  	[sflag:s3] =	ssyncadd.s32 $0xFFFFFC00  }
0x92: {  	[tilespmem:s0], [sflag:$0x1] =	stream.indirect.gather [hbm4b:s1+s5], $0x80, s2, s5, $0xb8;
	[tilespmem:$0x1C400] =	vst v63  }
0x93: {  	_ = 	snop  }
0x94: {  	[tilespmem:s6], [sflag:$0x2] =	stream.indirect.gather [hbm4b:s1+s5], $0x80, s5, s5, $0xb8;
	[tilespmem:$0x1C400] =	vst v63  }
0x95: {  	_ =	swait.ge [sflag:s7], $0x4000  }
0x96: {  	[sflag:s7] =	ssyncset.done $0x0  }
0x97: {  	[sflag:s7] =	ssyncadd.s32 $0xFFFFC000  }
0x98: {  	[spmem:s19] =	stream.indirect.scatter.add.f32 [tilespmem:s0], [sflag:$0x3], $0x80, s4, s5, $0xb8;
	[tilespmem:$0x1C400] =	vst v63  }
0x99: {  	_ =	swait.ge [sflag:s3], $0x4000  }
0x9a: {  	[sflag:s3] =	ssyncset.done $0x0  }
0x9b: {  	[sflag:s3] =	ssyncadd.s32 $0xFFFFC000  }
0x9c: {  	[tilespmem:s0], [sflag:$0x1] =	stream.indirect.gather [hbm4b:s1+s5], $0x80, s8, s5, $0xb8;
	[tilespmem:$0x1C400] =	vst v63  }
0x9d: {  	_ =	swait.ge [sflag:s9], $0x4000  }
0x9e: {  	[sflag:s9] =	ssyncset.done $0x0  }
0x9f: {  	[sflag:s9] =	ssyncadd.s32 $0xFFFFC000  }
0xa0: {  	[spmem:s19] =	stream.indirect.scatter.add.f32 [tilespmem:s6], [sflag:$0x3], $0x80, s10, s5, $0xb8;
	[tilespmem:$0x1C400] =	vst v63  }
0xa1: {  	_ =	swait.ge [sflag:s3], $0x4000  }
0xa2: {  	[sflag:s3] =	ssyncset.done $0x0  }
0xa3: {  	[sflag:s3] =	ssyncadd.s32 $0xFFFFC000  }
0xa4: {  	[tilespmem:s6], [sflag:$0x2] =	stream.indirect.gather [hbm4b:s1+s5], $0x80, s11, s5, $0xb8;
	[tilespmem:$0x1C400] =	vst v63  }
0xa5: {  	_ =	swait.ge [sflag:s7], $0x4000  }
0xa6: {  	[sflag:s7] =	ssyncset.done $0x0  }
0xa7: {  	[sflag:s7] =	ssyncadd.s32 $0xFFFFC000  }
0xa8: {  	[spmem:s19] =	stream.indirect.scatter.add.f32 [tilespmem:s0], [sflag:$0x3], $0x80, s12, s5, $0xb8;
	[tilespmem:$0x1C400] =	vst v63  }
0xa9: {  	_ =	swait.ge [sflag:s3], $0x4000  }
0xaa: {  	[sflag:s3] =	ssyncset.done $0x0  }
0xab: {  	[sflag:s3] =	ssyncadd.s32 $0xFFFFC000  }
0xac: {  	[tilespmem:s0], [sflag:$0x1] =	stream.indirect.gather [hbm4b:s1+s5], $0x80, s13, s5, $0xb8;
	[tilespmem:$0x1C400] =	vst v63  }
0xad: {  	_ =	swait.ge [sflag:s9], $0x4000  }
0xae: {  	[sflag:s9] =	ssyncset.done $0x0  }
0xaf: {  	[sflag:s9] =	ssyncadd.s32 $0xFFFFC000  }
0xb0: {  	[spmem:s19] =	stream.indirect.scatter.add.f32 [tilespmem:s6], [sflag:$0x3], $0x80, s14, s5, $0xb8;
	[tilespmem:$0x1C400] =	vst v63  }
0xb1: {  	_ =	swait.ge [sflag:s3], $0x4000  }
0xb2: {  	[sflag:s3] =	ssyncset.done $0x0  }
0xb3: {  	[sflag:s3] =	ssyncadd.s32 $0xFFFFC000  }
0xb4: {  	[tilespmem:s6], [sflag:$0x2] =	stream.indirect.gather [hbm4b:s1+s5], $0x80, s16, s5, $0xb8;
	[tilespmem:$0x1C400] =	vst v63  }
0xb5: {  	_ =	swait.ge [sflag:s7], $0x4000  }
0xb6: {  	[sflag:s7] =	ssyncset.done $0x0  }
0xb7: {  	[sflag:s7] =	ssyncadd.s32 $0xFFFFC000  }
0xb8: {  	[spmem:s19] =	stream.indirect.scatter.add.f32 [tilespmem:s0], [sflag:$0x3], $0x80, s17, s5, $0xb8;
	[tilespmem:$0x1C400] =	vst v63  }
0xb9: {  	_ =	swait.ge [sflag:s3], $0x4000  }
0xba: {  	[sflag:s3] =	ssyncset.done $0x0  }
0xbb: {  	[sflag:s3] =	ssyncadd.s32 $0xFFFFC000  }
0xbc: {  	[tilespmem:s0], [sflag:$0x1] =	stream.indirect.gather [hbm4b:s1+s5], $0x80, s18, s5, $0xb8;
	[tilespmem:$0x1C400] =	vst v63  }
0xbd: {  	_ =	swait.ge [sflag:s9], $0x4000  }
0xbe: {  	[sflag:s9] =	ssyncset.done $0x0  }
0xbf: {  	[sflag:s9] =	ssyncadd.s32 $0xFFFFC000  }
0xc0: {  	[spmem:s19] =	stream.indirect.scatter.add.f32 [tilespmem:s6], [sflag:$0x3], $0x80, s23, s5, $0xb8;
	[tilespmem:$0x1C400] =	vst v63  }
0xc1: {  	_ =	swait.ge [sflag:s3], $0x4000  }
0xc2: {  	[sflag:s3] =	ssyncset.done $0x0  }
0xc3: {  	[sflag:s3] =	ssyncadd.s32 $0xFFFFC000  }
0xc4: {  	[tilespmem:s6], [sflag:$0x2] =	stream.indirect.gather [hbm4b:s1+s5], $0x80, s30, s5, $0xb8;
	[tilespmem:$0x1C400] =	vst v63  }
0xc5: {  	_ =	swait.ge [sflag:s7], $0x4000  }
0xc6: {  	[sflag:s7] =	ssyncset.done $0x0  }
0xc7: {  	[sflag:s7] =	ssyncadd.s32 $0xFFFFC000  }
0xc8: {  	[spmem:s19] =	stream.indirect.scatter.add.f32 [tilespmem:s0], [sflag:$0x3], $0x80, s22, s5, $0xb8;
	[tilespmem:$0x1C400] =	vst v63  }
0xc9: {  	_ =	swait.ge [sflag:s3], $0x4000  }
0xca: {  	[sflag:s3] =	ssyncset.done $0x0  }
0xcb: {  	[sflag:s3] =	ssyncadd.s32 $0xFFFFC000  }
0xcc: {  	_ =	swait.ge [sflag:s9], $0x4000  }
.Ltmp0:
0xcd: {  	[sflag:s9] =	ssyncset.done $0x0;
	(pc) =	sbr.rel @p0 .LBB2_2-.Ltmp0, $4  }
0xce: {  	[sflag:s9] =	ssyncadd.s32 $0xFFFFC000  }
0xcf: {  	[spmem:s19] =	stream.indirect.scatter.add.f32 [tilespmem:s6], [sflag:$0x3], $0x80, s24, s5, $0xb8;
	[tilespmem:$0x1C400] =	vst v63  }
0xd0: {  	_ =	swait.ge [sflag:s3], $0x4000  }
0xd1: {  	s28 =	smov.u32 s29;
	[sflag:s3] =	ssyncset.done $0x0  }
0xd2: {  	s20 =	sadd.s32 s26, s15;
	[sflag:s3] =	ssyncadd.s32 $0xFFFFC000  }
0xd3: {  	[tilespmem:s2], [sflag:$0x3] =	stream.linear.gather [hbm4b:s20+s2], $0x400, $0x38;
	[tilespmem:$0x1C400] =	vst v63  }
0xd4: {  	_ =	swait.ge [sflag:s3], $0x400  }
0xd5: {  	[sflag:s3] =	ssyncset.done $0x0  }
0xd6: {  	s28 =	sadd.s32 s26, s31;
	[sflag:s3] =	ssyncadd.s32 $0xFFFFFC00  }
0xd7: {  	[tilespmem:s4], [sflag:$0x3] =	stream.linear.gather [hbm4b:s28+s2], $0x400, $0x38;
	[tilespmem:$0x1C400] =	vst v63  }
0xd8: {  	_ =	swait.ge [sflag:s3], $0x400  }
0xd9: {  	[sflag:s3] =	ssyncset.done $0x0  }
0xda: {  	[sflag:s3] =	ssyncadd.s32 $0xFFFFFC00  }
0xdb: {  	[tilespmem:s0], [sflag:$0x1] =	stream.indirect.gather [hbm4b:s1+s5], $0x80, s2, s5, $0xb8;
	[tilespmem:$0x1C400] =	vst v63  }
0xdc: {  	_ = 	snop  }
0xdd: {  	[tilespmem:s6], [sflag:$0x2] =	stream.indirect.gather [hbm4b:s1+s5], $0x80, s5, s5, $0xb8;
	[tilespmem:$0x1C400] =	vst v63  }
0xde: {  	_ =	swait.ge [sflag:s7], $0x4000  }
0xdf: {  	[sflag:s7] =	ssyncset.done $0x0  }
0xe0: {  	[sflag:s7] =	ssyncadd.s32 $0xFFFFC000  }
0xe1: {  	[spmem:s19] =	stream.indirect.scatter.add.f32 [tilespmem:s0], [sflag:$0x3], $0x80, s4, s5, $0xb8;
	[tilespmem:$0x1C400] =	vst v63  }
0xe2: {  	_ =	swait.ge [sflag:s3], $0x4000  }
0xe3: {  	[sflag:s3] =	ssyncset.done $0x0  }
0xe4: {  	[sflag:s3] =	ssyncadd.s32 $0xFFFFC000  }
0xe5: {  	[tilespmem:s0], [sflag:$0x1] =	stream.indirect.gather [hbm4b:s1+s5], $0x80, s8, s5, $0xb8;
	[tilespmem:$0x1C400] =	vst v63  }
0xe6: {  	_ =	swait.ge [sflag:s9], $0x4000  }
0xe7: {  	[sflag:s9] =	ssyncset.done $0x0  }
0xe8: {  	[sflag:s9] =	ssyncadd.s32 $0xFFFFC000  }
0xe9: {  	[spmem:s19] =	stream.indirect.scatter.add.f32 [tilespmem:s6], [sflag:$0x3], $0x80, s10, s5, $0xb8;
	[tilespmem:$0x1C400] =	vst v63  }
0xea: {  	_ =	swait.ge [sflag:s3], $0x4000  }
0xeb: {  	[sflag:s3] =	ssyncset.done $0x0  }
0xec: {  	[sflag:s3] =	ssyncadd.s32 $0xFFFFC000  }
0xed: {  	[tilespmem:s6], [sflag:$0x2] =	stream.indirect.gather [hbm4b:s1+s5], $0x80, s11, s5, $0xb8;
	[tilespmem:$0x1C400] =	vst v63  }
0xee: {  	_ =	swait.ge [sflag:s7], $0x4000  }
0xef: {  	[sflag:s7] =	ssyncset.done $0x0  }
0xf0: {  	[sflag:s7] =	ssyncadd.s32 $0xFFFFC000  }
0xf1: {  	[spmem:s19] =	stream.indirect.scatter.add.f32 [tilespmem:s0], [sflag:$0x3], $0x80, s12, s5, $0xb8;
	[tilespmem:$0x1C400] =	vst v63  }
0xf2: {  	_ =	swait.ge [sflag:s3], $0x4000  }
0xf3: {  	[sflag:s3] =	ssyncset.done $0x0  }
0xf4: {  	[sflag:s3] =	ssyncadd.s32 $0xFFFFC000  }
0xf5: {  	[tilespmem:s0], [sflag:$0x1] =	stream.indirect.gather [hbm4b:s1+s5], $0x80, s13, s5, $0xb8;
	[tilespmem:$0x1C400] =	vst v63  }
0xf6: {  	_ =	swait.ge [sflag:s9], $0x4000  }
0xf7: {  	[sflag:s9] =	ssyncset.done $0x0  }
0xf8: {  	[sflag:s9] =	ssyncadd.s32 $0xFFFFC000  }
0xf9: {  	[spmem:s19] =	stream.indirect.scatter.add.f32 [tilespmem:s6], [sflag:$0x3], $0x80, s14, s5, $0xb8;
	[tilespmem:$0x1C400] =	vst v63  }
0xfa: {  	_ =	swait.ge [sflag:s3], $0x4000  }
0xfb: {  	[sflag:s3] =	ssyncset.done $0x0  }
0xfc: {  	[sflag:s3] =	ssyncadd.s32 $0xFFFFC000  }
0xfd: {  	[tilespmem:s6], [sflag:$0x2] =	stream.indirect.gather [hbm4b:s1+s5], $0x80, s16, s5, $0xb8;
	[tilespmem:$0x1C400] =	vst v63  }
0xfe: {  	_ =	swait.ge [sflag:s7], $0x4000  }
0xff: {  	[sflag:s7] =	ssyncset.done $0x0  }
0x100: {  	[sflag:s7] =	ssyncadd.s32 $0xFFFFC000  }
0x101: {  	[spmem:s19] =	stream.indirect.scatter.add.f32 [tilespmem:s0], [sflag:$0x3], $0x80, s17, s5, $0xb8;
	[tilespmem:$0x1C400] =	vst v63  }
0x102: {  	_ =	swait.ge [sflag:s3], $0x4000  }
0x103: {  	[sflag:s3] =	ssyncset.done $0x0  }
0x104: {  	[sflag:s3] =	ssyncadd.s32 $0xFFFFC000  }
0x105: {  	[tilespmem:s0], [sflag:$0x1] =	stream.indirect.gather [hbm4b:s1+s5], $0x80, s18, s5, $0xb8;
	[tilespmem:$0x1C400] =	vst v63  }
0x106: {  	_ =	swait.ge [sflag:s9], $0x4000  }
0x107: {  	[sflag:s9] =	ssyncset.done $0x0  }
0x108: {  	[sflag:s9] =	ssyncadd.s32 $0xFFFFC000  }
0x109: {  	[spmem:s19] =	stream.indirect.scatter.add.f32 [tilespmem:s6], [sflag:$0x3], $0x80, s23, s5, $0xb8;
	[tilespmem:$0x1C400] =	vst v63  }
0x10a: {  	_ =	swait.ge [sflag:s3], $0x4000  }
0x10b: {  	[sflag:s3] =	ssyncset.done $0x0  }
0x10c: {  	[sflag:s3] =	ssyncadd.s32 $0xFFFFC000  }
0x10d: {  	[tilespmem:s6], [sflag:$0x2] =	stream.indirect.gather [hbm4b:s1+s5], $0x80, s30, s5, $0xb8;
	[tilespmem:$0x1C400] =	vst v63  }
0x10e: {  	_ =	swait.ge [sflag:s7], $0x4000  }
0x10f: {  	[sflag:s7] =	ssyncset.done $0x0  }
0x110: {  	[sflag:s7] =	ssyncadd.s32 $0xFFFFC000  }
0x111: {  	[spmem:s19] =	stream.indirect.scatter.add.f32 [tilespmem:s0], [sflag:$0x3], $0x80, s22, s5, $0xb8;
	[tilespmem:$0x1C400] =	vst v63  }
0x112: {  	_ =	swait.ge [sflag:s3], $0x4000  }
0x113: {  	[sflag:s3] =	ssyncset.done $0x0  }
0x114: {  	[sflag:s3] =	ssyncadd.s32 $0xFFFFC000  }
0x115: {  	_ =	swait.ge [sflag:s9], $0x4000  }
0x116: {  	[sflag:s9] =	ssyncset.done $0x0  }
0x117: {  	[sflag:s9] =	ssyncadd.s32 $0xFFFFC000  }
0x118: {  	[spmem:s19] =	stream.indirect.scatter.add.f32 [tilespmem:s6], [sflag:$0x3], $0x80, s24, s5, $0xb8;
	[tilespmem:$0x1C400] =	vst v63  }
0x119: {  	_ =	swait.ge [sflag:s3], $0x4000  }
0x11a: {  	[sflag:s3] =	ssyncset.done $0x0  }
0x11b: {  	[sflag:s3] =	ssyncadd.s32 $0xFFFFC000  }
0x11c: {  	[bflag:$0x0] =	sbarrier.arrive $0xFFFF  }
0x11d: {  	s25 =	rddreg [dreg:$0x17]  }
0x11e: {  	[tilespmem:s0], [sflag:$0x3] =	stream.linear.gather [spmem:s25], $0x4000, $0x38;
	[tilespmem:$0x1C400] =	vst v63  }
0x11f: {  	_ =	swait.ge [sflag:s3], $0x4000  }
0x120: {  	[sflag:s3] =	ssyncset.done $0x0  }
0x121: {  	s20 =	simm.s32 $0x0;
	s25 =	rddreg [dreg:$0x6];
	[sflag:s3] =	ssyncadd.s32 $0xFFFFC000  }
0x122: {  	[hbm4b:s25+s20] =	stream.linear.scatter [tilespmem:s0], [sflag:$0x3], $0x4000, $0x38;
	[tilespmem:$0x1C400] =	vst v63  }
0x123: {  	_ =	swait.ge [sflag:s3], $0x4000  }
0x124: {  	[sflag:s3] =	ssyncset.done $0x0  }
0x125: {  	s26 =	rddreg [dreg:$0x18];
	[sflag:s3] =	ssyncadd.s32 $0xFFFFC000  }
0x126: {  	[tilespmem:s0], [sflag:$0x3] =	stream.linear.gather [spmem:s26], $0x4000, $0x38;
	[tilespmem:$0x1C400] =	vst v63  }
0x127: {  	_ =	swait.ge [sflag:s3], $0x4000  }
0x128: {  	[sflag:s3] =	ssyncset.done $0x0  }
0x129: {  	s28 =	rddreg [dreg:$0x7];
	[sflag:s3] =	ssyncadd.s32 $0xFFFFC000  }
0x12a: {  	[hbm4b:s28+s20] =	stream.linear.scatter [tilespmem:s0], [sflag:$0x3], $0x4000, $0x38;
	[tilespmem:$0x1C400] =	vst v63  }
0x12b: {  	_ =	swait.ge [sflag:s3], $0x4000  }
0x12c: {  	[sflag:s3] =	ssyncset.done $0x0  }
0x12d: {  	s26 =	rddreg [dreg:$0x19];
	[sflag:s3] =	ssyncadd.s32 $0xFFFFC000  }
0x12e: {  	[tilespmem:s0], [sflag:$0x3] =	stream.linear.gather [spmem:s26], $0x4000, $0x38;
	[tilespmem:$0x1C400] =	vst v63  }
0x12f: {  	_ =	swait.ge [sflag:s3], $0x4000  }
0x130: {  	[sflag:s3] =	ssyncset.done $0x0  }
0x131: {  	s28 =	rddreg [dreg:$0x8];
	[sflag:s3] =	ssyncadd.s32 $0xFFFFC000  }
0x132: {  	[hbm4b:s28+s20] =	stream.linear.scatter [tilespmem:s0], [sflag:$0x3], $0x4000, $0x38;
	[tilespmem:$0x1C400] =	vst v63  }
0x133: {  	_ =	swait.ge [sflag:s3], $0x4000  }
0x134: {  	[sflag:s3] =	ssyncset.done $0x0  }
0x135: {  	s26 =	rddreg [dreg:$0x1a];
	[sflag:s3] =	ssyncadd.s32 $0xFFFFC000  }
0x136: {  	[tilespmem:s0], [sflag:$0x3] =	stream.linear.gather [spmem:s26], $0x4000, $0x38;
	[tilespmem:$0x1C400] =	vst v63  }
0x137: {  	_ =	swait.ge [sflag:s3], $0x4000  }
0x138: {  	[sflag:s3] =	ssyncset.done $0x0  }
0x139: {  	s28 =	rddreg [dreg:$0x9];
	[sflag:s3] =	ssyncadd.s32 $0xFFFFC000  }
0x13a: {  	[hbm4b:s28+s20] =	stream.linear.scatter [tilespmem:s0], [sflag:$0x3], $0x4000, $0x38;
	[tilespmem:$0x1C400] =	vst v63  }
0x13b: {  	_ =	swait.ge [sflag:s3], $0x4000  }
0x13c: {  	[sflag:s3] =	ssyncset.done $0x0  }
0x13d: {  	s26 =	rddreg [dreg:$0x1b];
	[sflag:s3] =	ssyncadd.s32 $0xFFFFC000  }
0x13e: {  	[tilespmem:s0], [sflag:$0x3] =	stream.linear.gather [spmem:s26], $0x3C00, $0x38;
	[tilespmem:$0x1C400] =	vst v63  }
0x13f: {  	_ =	swait.ge [sflag:s3], $0x3C00  }
0x140: {  	[sflag:s3] =	ssyncset.done $0x0  }
0x141: {  	s28 =	rddreg [dreg:$0xa];
	[sflag:s3] =	ssyncadd.s32 $0xFFFFC400  }
0x142: {  	[hbm4b:s28+s20] =	stream.linear.scatter [tilespmem:s0], [sflag:$0x3], $0x3C00, $0x38;
	[tilespmem:$0x1C400] =	vst v63  }
0x143: {  	_ =	swait.ge [sflag:s3], $0x3C00  }
0x144: {  	[sflag:s3] =	ssyncset.done $0x0  }
0x145: {  	[sflag:s3] =	ssyncadd.s32 $0xFFFFC400  }
0x146: {  	[bflag:$0x0] =	sbarrier.arrive $0xFFFF  }
0x147: {  	s25 =	rddreg [dreg:$0x5]  }
0x148: {  	s26 =	sadd.s32 $0x0, s25  }
0x149: {  	[tilespmem:s2], [sflag:$0x3] =	stream.linear.gather [hbm4b:s26+s2], $0x400, $0x38;
	[tilespmem:$0x1C400] =	vst v63  }
0x14a: {  	_ =	swait.ge [sflag:s3], $0x400  }
0x14b: {  	[sflag:s3] =	ssyncset.done $0x0  }
0x14c: {  	s28 =	sadd.s32 $0x0, s31;
	[sflag:s3] =	ssyncadd.s32 $0xFFFFFC00  }
0x14d: {  	[tilespmem:s4], [sflag:$0x3] =	stream.linear.gather [hbm4b:s28+s2], $0x400, $0x38;
	[tilespmem:$0x1C400] =	vst v63  }
0x14e: {  	_ =	swait.ge [sflag:s3], $0x400  }
0x14f: {  	[sflag:s3] =	ssyncset.done $0x0  }
0x150: {  	[sflag:s3] =	ssyncadd.s32 $0xFFFFFC00  }
0x151: {  	[tilespmem:s0], [sflag:$0x1] =	stream.indirect.gather [hbm4b:s21+s5], $0x80, s2, s5, $0xb8;
	[tilespmem:$0x1C400] =	vst v63  }
0x152: {  	_ = 	snop  }
0x153: {  	[tilespmem:s6], [sflag:$0x2] =	stream.indirect.gather [hbm4b:s21+s5], $0x80, s5, s5, $0xb8;
	[tilespmem:$0x1C400] =	vst v63  }
0x154: {  	_ =	swait.ge [sflag:s7], $0x4000  }
0x155: {  	[sflag:s7] =	ssyncset.done $0x0  }
0x156: {  	[sflag:s7] =	ssyncadd.s32 $0xFFFFC000  }
0x157: {  	[spmem:s19] =	stream.indirect.scatter.add.f32 [tilespmem:s0], [sflag:$0x3], $0x80, s4, s5, $0xb8;
	[tilespmem:$0x1C400] =	vst v63  }
0x158: {  	_ =	swait.ge [sflag:s3], $0x4000  }
0x159: {  	[sflag:s3] =	ssyncset.done $0x0  }
0x15a: {  	[sflag:s3] =	ssyncadd.s32 $0xFFFFC000  }
0x15b: {  	[tilespmem:s0], [sflag:$0x1] =	stream.indirect.gather [hbm4b:s21+s5], $0x80, s8, s5, $0xb8;
	[tilespmem:$0x1C400] =	vst v63  }
0x15c: {  	_ =	swait.ge [sflag:s9], $0x4000  }
0x15d: {  	[sflag:s9] =	ssyncset.done $0x0  }
0x15e: {  	[sflag:s9] =	ssyncadd.s32 $0xFFFFC000  }
0x15f: {  	[spmem:s19] =	stream.indirect.scatter.add.f32 [tilespmem:s6], [sflag:$0x3], $0x80, s10, s5, $0xb8;
	[tilespmem:$0x1C400] =	vst v63  }
0x160: {  	_ =	swait.ge [sflag:s3], $0x4000  }
0x161: {  	[sflag:s3] =	ssyncset.done $0x0  }
0x162: {  	[sflag:s3] =	ssyncadd.s32 $0xFFFFC000  }
0x163: {  	[tilespmem:s6], [sflag:$0x2] =	stream.indirect.gather [hbm4b:s21+s5], $0x80, s11, s5, $0xb8;
	[tilespmem:$0x1C400] =	vst v63  }
0x164: {  	_ =	swait.ge [sflag:s7], $0x4000  }
0x165: {  	[sflag:s7] =	ssyncset.done $0x0  }
0x166: {  	[sflag:s7] =	ssyncadd.s32 $0xFFFFC000  }
0x167: {  	[spmem:s19] =	stream.indirect.scatter.add.f32 [tilespmem:s0], [sflag:$0x3], $0x80, s12, s5, $0xb8;
	[tilespmem:$0x1C400] =	vst v63  }
0x168: {  	_ =	swait.ge [sflag:s3], $0x4000  }
0x169: {  	[sflag:s3] =	ssyncset.done $0x0  }
0x16a: {  	[sflag:s3] =	ssyncadd.s32 $0xFFFFC000  }
0x16b: {  	[tilespmem:s0], [sflag:$0x1] =	stream.indirect.gather [hbm4b:s21+s5], $0x80, s13, s5, $0xb8;
	[tilespmem:$0x1C400] =	vst v63  }
0x16c: {  	_ =	swait.ge [sflag:s9], $0x4000  }
0x16d: {  	[sflag:s9] =	ssyncset.done $0x0  }
0x16e: {  	[sflag:s9] =	ssyncadd.s32 $0xFFFFC000  }
0x16f: {  	[spmem:s19] =	stream.indirect.scatter.add.f32 [tilespmem:s6], [sflag:$0x3], $0x80, s14, s5, $0xb8;
	[tilespmem:$0x1C400] =	vst v63  }
0x170: {  	_ =	swait.ge [sflag:s3], $0x4000  }
0x171: {  	[sflag:s3] =	ssyncset.done $0x0  }
0x172: {  	[sflag:s3] =	ssyncadd.s32 $0xFFFFC000  }
0x173: {  	[tilespmem:s6], [sflag:$0x2] =	stream.indirect.gather [hbm4b:s21+s5], $0x80, s16, s5, $0xb8;
	[tilespmem:$0x1C400] =	vst v63  }
0x174: {  	_ =	swait.ge [sflag:s7], $0x4000  }
0x175: {  	[sflag:s7] =	ssyncset.done $0x0  }
0x176: {  	[sflag:s7] =	ssyncadd.s32 $0xFFFFC000  }
0x177: {  	[spmem:s19] =	stream.indirect.scatter.add.f32 [tilespmem:s0], [sflag:$0x3], $0x80, s17, s5, $0xb8;
	[tilespmem:$0x1C400] =	vst v63  }
0x178: {  	_ =	swait.ge [sflag:s3], $0x4000  }
0x179: {  	[sflag:s3] =	ssyncset.done $0x0  }
0x17a: {  	[sflag:s3] =	ssyncadd.s32 $0xFFFFC000  }
0x17b: {  	[tilespmem:s0], [sflag:$0x1] =	stream.indirect.gather [hbm4b:s21+s5], $0x80, s18, s5, $0xb8;
	[tilespmem:$0x1C400] =	vst v63  }
0x17c: {  	_ =	swait.ge [sflag:s9], $0x4000  }
0x17d: {  	[sflag:s9] =	ssyncset.done $0x0  }
0x17e: {  	[sflag:s9] =	ssyncadd.s32 $0xFFFFC000  }
0x17f: {  	[spmem:s19] =	stream.indirect.scatter.add.f32 [tilespmem:s6], [sflag:$0x3], $0x80, s23, s5, $0xb8;
	[tilespmem:$0x1C400] =	vst v63  }
0x180: {  	_ =	swait.ge [sflag:s3], $0x4000  }
0x181: {  	[sflag:s3] =	ssyncset.done $0x0  }
0x182: {  	[sflag:s3] =	ssyncadd.s32 $0xFFFFC000  }
0x183: {  	[tilespmem:s6], [sflag:$0x2] =	stream.indirect.gather [hbm4b:s21+s5], $0x80, s30, s5, $0xb8;
	[tilespmem:$0x1C400] =	vst v63  }
0x184: {  	_ =	swait.ge [sflag:s7], $0x4000  }
0x185: {  	[sflag:s7] =	ssyncset.done $0x0  }
0x186: {  	[sflag:s7] =	ssyncadd.s32 $0xFFFFC000  }
0x187: {  	[spmem:s19] =	stream.indirect.scatter.add.f32 [tilespmem:s0], [sflag:$0x3], $0x80, s22, s5, $0xb8;
	[tilespmem:$0x1C400] =	vst v63  }
0x188: {  	_ =	swait.ge [sflag:s3], $0x4000  }
0x189: {  	[sflag:s3] =	ssyncset.done $0x0  }
0x18a: {  	[sflag:s3] =	ssyncadd.s32 $0xFFFFC000  }
0x18b: {  	_ =	swait.ge [sflag:s9], $0x4000  }
0x18c: {  	[sflag:s9] =	ssyncset.done $0x0  }
0x18d: {  	[sflag:s9] =	ssyncadd.s32 $0xFFFFC000  }
0x18e: {  	[spmem:s19] =	stream.indirect.scatter.add.f32 [tilespmem:s6], [sflag:$0x3], $0x80, s24, s5, $0xb8;
	[tilespmem:$0x1C400] =	vst v63  }
0x18f: {  	_ =	swait.ge [sflag:s3], $0x4000  }
0x190: {  	s29 =	simm.s32 $0x100;
	s26 =	simm.s32 $0x80;
	[sflag:s3] =	ssyncset.done $0x0  }
.LBB2_4:
0x191: {  	s20 =	sadd.s32 s26, s25;
	[sflag:s3] =	ssyncadd.s32 $0xFFFFC000  }
0x192: {  	[tilespmem:s2], [sflag:$0x3] =	stream.linear.gather [hbm4b:s20+s2], $0x400, $0x38;
	[tilespmem:$0x1C400] =	vst v63  }
0x193: {  	_ =	swait.ge [sflag:s3], $0x400  }
0x194: {  	[sflag:s3] =	ssyncset.done $0x0  }
0x195: {  	s20 =	sadd.s32 s26, s31;
	[sflag:s3] =	ssyncadd.s32 $0xFFFFFC00  }
0x196: {  	[tilespmem:s4], [sflag:$0x3] =	stream.linear.gather [hbm4b:s20+s2], $0x400, $0x38;
	[tilespmem:$0x1C400] =	vst v63  }
0x197: {  	_ =	swait.ge [sflag:s3], $0x400  }
0x198: {  	[sflag:s3] =	ssyncset.done $0x0  }
0x199: {  	[sflag:s3] =	ssyncadd.s32 $0xFFFFFC00  }
0x19a: {  	[tilespmem:s0], [sflag:$0x1] =	stream.indirect.gather [hbm4b:s21+s5], $0x80, s2, s5, $0xb8;
	[tilespmem:$0x1C400] =	vst v63  }
0x19b: {  	_ = 	snop  }
0x19c: {  	[tilespmem:s6], [sflag:$0x2] =	stream.indirect.gather [hbm4b:s21+s5], $0x80, s5, s5, $0xb8;
	[tilespmem:$0x1C400] =	vst v63  }
0x19d: {  	_ =	swait.ge [sflag:s7], $0x4000  }
0x19e: {  	[sflag:s7] =	ssyncset.done $0x0  }
0x19f: {  	[sflag:s7] =	ssyncadd.s32 $0xFFFFC000  }
0x1a0: {  	[spmem:s19] =	stream.indirect.scatter.add.f32 [tilespmem:s0], [sflag:$0x3], $0x80, s4, s5, $0xb8;
	[tilespmem:$0x1C400] =	vst v63  }
0x1a1: {  	_ =	swait.ge [sflag:s3], $0x4000  }
0x1a2: {  	[sflag:s3] =	ssyncset.done $0x0  }
0x1a3: {  	[sflag:s3] =	ssyncadd.s32 $0xFFFFC000  }
0x1a4: {  	[tilespmem:s0], [sflag:$0x1] =	stream.indirect.gather [hbm4b:s21+s5], $0x80, s8, s5, $0xb8;
	[tilespmem:$0x1C400] =	vst v63  }
0x1a5: {  	_ =	swait.ge [sflag:s9], $0x4000  }
0x1a6: {  	[sflag:s9] =	ssyncset.done $0x0  }
0x1a7: {  	[sflag:s9] =	ssyncadd.s32 $0xFFFFC000  }
0x1a8: {  	[spmem:s19] =	stream.indirect.scatter.add.f32 [tilespmem:s6], [sflag:$0x3], $0x80, s10, s5, $0xb8;
	[tilespmem:$0x1C400] =	vst v63  }
0x1a9: {  	_ =	swait.ge [sflag:s3], $0x4000  }
0x1aa: {  	[sflag:s3] =	ssyncset.done $0x0  }
0x1ab: {  	[sflag:s3] =	ssyncadd.s32 $0xFFFFC000  }
0x1ac: {  	[tilespmem:s6], [sflag:$0x2] =	stream.indirect.gather [hbm4b:s21+s5], $0x80, s11, s5, $0xb8;
	[tilespmem:$0x1C400] =	vst v63  }
0x1ad: {  	_ =	swait.ge [sflag:s7], $0x4000  }
0x1ae: {  	[sflag:s7] =	ssyncset.done $0x0  }
0x1af: {  	[sflag:s7] =	ssyncadd.s32 $0xFFFFC000  }
0x1b0: {  	[spmem:s19] =	stream.indirect.scatter.add.f32 [tilespmem:s0], [sflag:$0x3], $0x80, s12, s5, $0xb8;
	[tilespmem:$0x1C400] =	vst v63  }
0x1b1: {  	_ =	swait.ge [sflag:s3], $0x4000  }
0x1b2: {  	[sflag:s3] =	ssyncset.done $0x0  }
0x1b3: {  	[sflag:s3] =	ssyncadd.s32 $0xFFFFC000  }
0x1b4: {  	[tilespmem:s0], [sflag:$0x1] =	stream.indirect.gather [hbm4b:s21+s5], $0x80, s13, s5, $0xb8;
	[tilespmem:$0x1C400] =	vst v63  }
0x1b5: {  	_ =	swait.ge [sflag:s9], $0x4000  }
0x1b6: {  	[sflag:s9] =	ssyncset.done $0x0  }
0x1b7: {  	[sflag:s9] =	ssyncadd.s32 $0xFFFFC000  }
0x1b8: {  	[spmem:s19] =	stream.indirect.scatter.add.f32 [tilespmem:s6], [sflag:$0x3], $0x80, s14, s5, $0xb8;
	[tilespmem:$0x1C400] =	vst v63  }
0x1b9: {  	_ =	swait.ge [sflag:s3], $0x4000  }
0x1ba: {  	[sflag:s3] =	ssyncset.done $0x0  }
0x1bb: {  	[sflag:s3] =	ssyncadd.s32 $0xFFFFC000  }
0x1bc: {  	[tilespmem:s6], [sflag:$0x2] =	stream.indirect.gather [hbm4b:s21+s5], $0x80, s16, s5, $0xb8;
	[tilespmem:$0x1C400] =	vst v63  }
0x1bd: {  	_ =	swait.ge [sflag:s7], $0x4000  }
0x1be: {  	[sflag:s7] =	ssyncset.done $0x0  }
0x1bf: {  	[sflag:s7] =	ssyncadd.s32 $0xFFFFC000  }
0x1c0: {  	[spmem:s19] =	stream.indirect.scatter.add.f32 [tilespmem:s0], [sflag:$0x3], $0x80, s17, s5, $0xb8;
	[tilespmem:$0x1C400] =	vst v63  }
0x1c1: {  	_ =	swait.ge [sflag:s3], $0x4000  }
0x1c2: {  	[sflag:s3] =	ssyncset.done $0x0  }
0x1c3: {  	[sflag:s3] =	ssyncadd.s32 $0xFFFFC000  }
0x1c4: {  	[tilespmem:s0], [sflag:$0x1] =	stream.indirect.gather [hbm4b:s21+s5], $0x80, s18, s5, $0xb8;
	[tilespmem:$0x1C400] =	vst v63  }
0x1c5: {  	_ =	swait.ge [sflag:s9], $0x4000  }
0x1c6: {  	[sflag:s9] =	ssyncset.done $0x0  }
0x1c7: {  	[sflag:s9] =	ssyncadd.s32 $0xFFFFC000  }
0x1c8: {  	[spmem:s19] =	stream.indirect.scatter.add.f32 [tilespmem:s6], [sflag:$0x3], $0x80, s23, s5, $0xb8;
	[tilespmem:$0x1C400] =	vst v63  }
0x1c9: {  	_ =	swait.ge [sflag:s3], $0x4000  }
0x1ca: {  	[sflag:s3] =	ssyncset.done $0x0  }
0x1cb: {  	[sflag:s3] =	ssyncadd.s32 $0xFFFFC000  }
0x1cc: {  	[tilespmem:s6], [sflag:$0x2] =	stream.indirect.gather [hbm4b:s21+s5], $0x80, s30, s5, $0xb8;
	[tilespmem:$0x1C400] =	vst v63  }
0x1cd: {  	_ =	swait.ge [sflag:s7], $0x4000  }
0x1ce: {  	[sflag:s7] =	ssyncset.done $0x0  }
0x1cf: {  	[sflag:s7] =	ssyncadd.s32 $0xFFFFC000  }
0x1d0: {  	[spmem:s19] =	stream.indirect.scatter.add.f32 [tilespmem:s0], [sflag:$0x3], $0x80, s22, s5, $0xb8;
	[tilespmem:$0x1C400] =	vst v63  }
0x1d1: {  	_ =	swait.ge [sflag:s3], $0x4000  }
0x1d2: {  	[sflag:s3] =	ssyncset.done $0x0  }
0x1d3: {  	[sflag:s3] =	ssyncadd.s32 $0xFFFFC000  }
0x1d4: {  	p0 =	sne.s32 s29, $0x480;
	_ =	swait.ge [sflag:s9], $0x4000  }
.Ltmp1:
0x1d5: {  	[sflag:s9] =	ssyncset.done $0x0;
	(pc) =	sbr.rel @p0 .LBB2_4-.Ltmp1, $4  }
0x1d6: {  	s25 =	smov.u32 s29;
	[sflag:s9] =	ssyncadd.s32 $0xFFFFC000  }
0x1d7: {  	[spmem:s19] =	stream.indirect.scatter.add.f32 [tilespmem:s6], [sflag:$0x3], $0x80, s24, s5, $0xb8;
	[tilespmem:$0x1C400] =	vst v63  }
0x1d8: {  	s28 =	sadd.s32 $0x80, s29;
	s26 =	smov.u32 s25;
	_ =	swait.ge [sflag:s3], $0x4000  }
0x1d9: {  	s29 =	smov.u32 s28;
	[sflag:s3] =	ssyncset.done $0x0;
	s25 =	rddreg [dreg:$0x5]  }
0x1da: {  	s20 =	sadd.s32 s26, s25;
	[sflag:s3] =	ssyncadd.s32 $0xFFFFC000  }
0x1db: {  	[tilespmem:s2], [sflag:$0x3] =	stream.linear.gather [hbm4b:s20+s2], $0x400, $0x38;
	[tilespmem:$0x1C400] =	vst v63  }
0x1dc: {  	_ =	swait.ge [sflag:s3], $0x400  }
0x1dd: {  	[sflag:s3] =	ssyncset.done $0x0  }
0x1de: {  	s25 =	sadd.s32 s26, s31;
	[sflag:s3] =	ssyncadd.s32 $0xFFFFFC00  }
0x1df: {  	[tilespmem:s4], [sflag:$0x3] =	stream.linear.gather [hbm4b:s25+s2], $0x400, $0x38;
	[tilespmem:$0x1C400] =	vst v63  }
0x1e0: {  	_ =	swait.ge [sflag:s3], $0x400  }
0x1e1: {  	[sflag:s3] =	ssyncset.done $0x0  }
0x1e2: {  	[sflag:s3] =	ssyncadd.s32 $0xFFFFFC00  }
0x1e3: {  	[tilespmem:s0], [sflag:$0x1] =	stream.indirect.gather [hbm4b:s21+s5], $0x80, s2, s5, $0xb8;
	[tilespmem:$0x1C400] =	vst v63  }
0x1e4: {  	_ = 	snop  }
0x1e5: {  	[tilespmem:s6], [sflag:$0x2] =	stream.indirect.gather [hbm4b:s21+s5], $0x80, s5, s5, $0xb8;
	[tilespmem:$0x1C400] =	vst v63  }
0x1e6: {  	_ =	swait.ge [sflag:s7], $0x4000  }
0x1e7: {  	[sflag:s7] =	ssyncset.done $0x0  }
0x1e8: {  	[sflag:s7] =	ssyncadd.s32 $0xFFFFC000  }
0x1e9: {  	[spmem:s19] =	stream.indirect.scatter.add.f32 [tilespmem:s0], [sflag:$0x3], $0x80, s4, s5, $0xb8;
	[tilespmem:$0x1C400] =	vst v63  }
0x1ea: {  	_ =	swait.ge [sflag:s3], $0x4000  }
0x1eb: {  	[sflag:s3] =	ssyncset.done $0x0  }
0x1ec: {  	[sflag:s3] =	ssyncadd.s32 $0xFFFFC000  }
0x1ed: {  	[tilespmem:s0], [sflag:$0x1] =	stream.indirect.gather [hbm4b:s21+s5], $0x80, s8, s5, $0xb8;
	[tilespmem:$0x1C400] =	vst v63  }
0x1ee: {  	_ =	swait.ge [sflag:s9], $0x4000  }
0x1ef: {  	[sflag:s9] =	ssyncset.done $0x0  }
0x1f0: {  	[sflag:s9] =	ssyncadd.s32 $0xFFFFC000  }
0x1f1: {  	[spmem:s19] =	stream.indirect.scatter.add.f32 [tilespmem:s6], [sflag:$0x3], $0x80, s10, s5, $0xb8;
	[tilespmem:$0x1C400] =	vst v63  }
0x1f2: {  	_ =	swait.ge [sflag:s3], $0x4000  }
0x1f3: {  	[sflag:s3] =	ssyncset.done $0x0  }
0x1f4: {  	[sflag:s3] =	ssyncadd.s32 $0xFFFFC000  }
0x1f5: {  	[tilespmem:s6], [sflag:$0x2] =	stream.indirect.gather [hbm4b:s21+s5], $0x80, s11, s5, $0xb8;
	[tilespmem:$0x1C400] =	vst v63  }
0x1f6: {  	_ =	swait.ge [sflag:s7], $0x4000  }
0x1f7: {  	[sflag:s7] =	ssyncset.done $0x0  }
0x1f8: {  	[sflag:s7] =	ssyncadd.s32 $0xFFFFC000  }
0x1f9: {  	[spmem:s19] =	stream.indirect.scatter.add.f32 [tilespmem:s0], [sflag:$0x3], $0x80, s12, s5, $0xb8;
	[tilespmem:$0x1C400] =	vst v63  }
0x1fa: {  	_ =	swait.ge [sflag:s3], $0x4000  }
0x1fb: {  	[sflag:s3] =	ssyncset.done $0x0  }
0x1fc: {  	[sflag:s3] =	ssyncadd.s32 $0xFFFFC000  }
0x1fd: {  	[tilespmem:s0], [sflag:$0x1] =	stream.indirect.gather [hbm4b:s21+s5], $0x80, s13, s5, $0xb8;
	[tilespmem:$0x1C400] =	vst v63  }
0x1fe: {  	_ =	swait.ge [sflag:s9], $0x4000  }
0x1ff: {  	[sflag:s9] =	ssyncset.done $0x0  }
0x200: {  	[sflag:s9] =	ssyncadd.s32 $0xFFFFC000  }
0x201: {  	[spmem:s19] =	stream.indirect.scatter.add.f32 [tilespmem:s6], [sflag:$0x3], $0x80, s14, s5, $0xb8;
	[tilespmem:$0x1C400] =	vst v63  }
0x202: {  	_ =	swait.ge [sflag:s3], $0x4000  }
0x203: {  	[sflag:s3] =	ssyncset.done $0x0  }
0x204: {  	[sflag:s3] =	ssyncadd.s32 $0xFFFFC000  }
0x205: {  	[tilespmem:s6], [sflag:$0x2] =	stream.indirect.gather [hbm4b:s21+s5], $0x80, s16, s5, $0xb8;
	[tilespmem:$0x1C400] =	vst v63  }
0x206: {  	_ =	swait.ge [sflag:s7], $0x4000  }
0x207: {  	[sflag:s7] =	ssyncset.done $0x0  }
0x208: {  	[sflag:s7] =	ssyncadd.s32 $0xFFFFC000  }
0x209: {  	[spmem:s19] =	stream.indirect.scatter.add.f32 [tilespmem:s0], [sflag:$0x3], $0x80, s17, s5, $0xb8;
	[tilespmem:$0x1C400] =	vst v63  }
0x20a: {  	_ =	swait.ge [sflag:s3], $0x4000  }
0x20b: {  	[sflag:s3] =	ssyncset.done $0x0  }
0x20c: {  	[sflag:s3] =	ssyncadd.s32 $0xFFFFC000  }
0x20d: {  	[tilespmem:s0], [sflag:$0x1] =	stream.indirect.gather [hbm4b:s21+s5], $0x80, s18, s5, $0xb8;
	[tilespmem:$0x1C400] =	vst v63  }
0x20e: {  	_ =	swait.ge [sflag:s9], $0x4000  }
0x20f: {  	[sflag:s9] =	ssyncset.done $0x0  }
0x210: {  	[sflag:s9] =	ssyncadd.s32 $0xFFFFC000  }
0x211: {  	[spmem:s19] =	stream.indirect.scatter.add.f32 [tilespmem:s6], [sflag:$0x3], $0x80, s23, s5, $0xb8;
	[tilespmem:$0x1C400] =	vst v63  }
0x212: {  	_ =	swait.ge [sflag:s3], $0x4000  }
0x213: {  	[sflag:s3] =	ssyncset.done $0x0  }
0x214: {  	[sflag:s3] =	ssyncadd.s32 $0xFFFFC000  }
0x215: {  	[tilespmem:s6], [sflag:$0x2] =	stream.indirect.gather [hbm4b:s21+s5], $0x80, s30, s5, $0xb8;
	[tilespmem:$0x1C400] =	vst v63  }
0x216: {  	_ =	swait.ge [sflag:s7], $0x4000  }
0x217: {  	[sflag:s7] =	ssyncset.done $0x0  }
0x218: {  	[sflag:s7] =	ssyncadd.s32 $0xFFFFC000  }
0x219: {  	[spmem:s19] =	stream.indirect.scatter.add.f32 [tilespmem:s0], [sflag:$0x3], $0x80, s22, s5, $0xb8;
	[tilespmem:$0x1C400] =	vst v63  }
0x21a: {  	_ =	swait.ge [sflag:s3], $0x4000  }
0x21b: {  	[sflag:s3] =	ssyncset.done $0x0  }
0x21c: {  	[sflag:s3] =	ssyncadd.s32 $0xFFFFC000  }
0x21d: {  	_ =	swait.ge [sflag:s9], $0x4000  }
0x21e: {  	[sflag:s9] =	ssyncset.done $0x0  }
0x21f: {  	[sflag:s9] =	ssyncadd.s32 $0xFFFFC000  }
0x220: {  	[spmem:s19] =	stream.indirect.scatter.add.f32 [tilespmem:s6], [sflag:$0x3], $0x80, s24, s5, $0xb8;
	[tilespmem:$0x1C400] =	vst v63  }
0x221: {  	_ =	swait.ge [sflag:s3], $0x4000  }
0x222: {  	[sflag:s3] =	ssyncset.done $0x0  }
0x223: {  	[sflag:s3] =	ssyncadd.s32 $0xFFFFC000  }
0x224: {  	[bflag:$0x0] =	sbarrier.arrive $0xFFFF  }
0x225: {  	s26 =	rddreg [dreg:$0x17]  }
0x226: {  	[tilespmem:s0], [sflag:$0x3] =	stream.linear.gather [spmem:s26], $0x4000, $0x38;
	[tilespmem:$0x1C400] =	vst v63  }
0x227: {  	_ =	swait.ge [sflag:s3], $0x4000  }
0x228: {  	[sflag:s3] =	ssyncset.done $0x0  }
0x229: {  	s20 =	simm.s32 $0x0;
	s28 =	rddreg [dreg:$0xb];
	[sflag:s3] =	ssyncadd.s32 $0xFFFFC000  }
0x22a: {  	[hbm4b:s28+s20] =	stream.linear.scatter [tilespmem:s0], [sflag:$0x3], $0x4000, $0x38;
	[tilespmem:$0x1C400] =	vst v63  }
0x22b: {  	_ =	swait.ge [sflag:s3], $0x4000  }
0x22c: {  	[sflag:s3] =	ssyncset.done $0x0  }
0x22d: {  	s26 =	rddreg [dreg:$0x18];
	[sflag:s3] =	ssyncadd.s32 $0xFFFFC000  }
0x22e: {  	[tilespmem:s0], [sflag:$0x3] =	stream.linear.gather [spmem:s26], $0x4000, $0x38;
	[tilespmem:$0x1C400] =	vst v63  }
0x22f: {  	_ =	swait.ge [sflag:s3], $0x4000  }
0x230: {  	[sflag:s3] =	ssyncset.done $0x0  }
0x231: {  	s28 =	rddreg [dreg:$0xc];
	[sflag:s3] =	ssyncadd.s32 $0xFFFFC000  }
0x232: {  	[hbm4b:s28+s20] =	stream.linear.scatter [tilespmem:s0], [sflag:$0x3], $0x4000, $0x38;
	[tilespmem:$0x1C400] =	vst v63  }
0x233: {  	_ =	swait.ge [sflag:s3], $0x4000  }
0x234: {  	[sflag:s3] =	ssyncset.done $0x0  }
0x235: {  	s29 =	rddreg [dreg:$0x19];
	[sflag:s3] =	ssyncadd.s32 $0xFFFFC000  }
0x236: {  	[tilespmem:s0], [sflag:$0x3] =	stream.linear.gather [spmem:s29], $0x4000, $0x38;
	[tilespmem:$0x1C400] =	vst v63  }
0x237: {  	_ =	swait.ge [sflag:s3], $0x4000  }
0x238: {  	[sflag:s3] =	ssyncset.done $0x0  }
0x239: {  	s20 =	simm.s32 $0x0;
	s26 =	rddreg [dreg:$0xd];
	[sflag:s3] =	ssyncadd.s32 $0xFFFFC000  }
0x23a: {  	[hbm4b:s26+s20] =	stream.linear.scatter [tilespmem:s0], [sflag:$0x3], $0x4000, $0x38;
	[tilespmem:$0x1C400] =	vst v63  }
0x23b: {  	_ =	swait.ge [sflag:s3], $0x4000  }
0x23c: {  	[sflag:s3] =	ssyncset.done $0x0  }
0x23d: {  	s26 =	rddreg [dreg:$0x1a];
	[sflag:s3] =	ssyncadd.s32 $0xFFFFC000  }
0x23e: {  	[tilespmem:s0], [sflag:$0x3] =	stream.linear.gather [spmem:s26], $0x4000, $0x38;
	[tilespmem:$0x1C400] =	vst v63  }
0x23f: {  	_ =	swait.ge [sflag:s3], $0x4000  }
0x240: {  	[sflag:s3] =	ssyncset.done $0x0  }
0x241: {  	s28 =	rddreg [dreg:$0xe];
	[sflag:s3] =	ssyncadd.s32 $0xFFFFC000  }
0x242: {  	[hbm4b:s28+s20] =	stream.linear.scatter [tilespmem:s0], [sflag:$0x3], $0x4000, $0x38;
	[tilespmem:$0x1C400] =	vst v63  }
0x243: {  	_ =	swait.ge [sflag:s3], $0x4000  }
0x244: {  	[sflag:s3] =	ssyncset.done $0x0  }
0x245: {  	s20 =	rddreg [dreg:$0x1b];
	[sflag:s3] =	ssyncadd.s32 $0xFFFFC000  }
0x246: {  	[tilespmem:s0], [sflag:$0x3] =	stream.linear.gather [spmem:s20], $0x3C00, $0x38;
	[tilespmem:$0x1C400] =	vst v63  }
0x247: {  	_ =	swait.ge [sflag:s3], $0x3C00  }
0x248: {  	[sflag:s3] =	ssyncset.done $0x0  }
0x249: {  	s28 =	simm.s32 $0x0;
	s25 =	rddreg [dreg:$0xf];
	[sflag:s3] =	ssyncadd.s32 $0xFFFFC400  }
0x24a: {  	[hbm4b:s25+s28] =	stream.linear.scatter [tilespmem:s0], [sflag:$0x3], $0x3C00, $0x38;
	[tilespmem:$0x1C400] =	vst v63  }
0x24b: {  	_ =	swait.ge [sflag:s3], $0x3C00  }
0x24c: {  	[sflag:s3] =	ssyncset.done $0x0  }
0x24d: {  	s28 =	simm.s32 $0x0;
	s25 =	rddreg [dreg:$0x15];
	[sflag:s3] =	ssyncadd.s32 $0xFFFFC400  }
0x24e: {  	[tilespmem:s0], [sflag:$0x3] =	stream.linear.gather [hbm4b:s25+s28], $0x4000, $0x38;
	[tilespmem:$0x1C400] =	vst v63  }
0x24f: {  	_ =	swait.ge [sflag:s3], $0x4000  }
0x250: {  	[sflag:s3] =	ssyncset.done $0x0  }
0x251: {  	s25 =	rddreg [dreg:$0x17];
	[sflag:s3] =	ssyncadd.s32 $0xFFFFC000  }
0x252: {  	[spmem:s25] =	stream.linear.scatter [tilespmem:s0], [sflag:$0x3], $0x4000, $0x38;
	[tilespmem:$0x1C400] =	vst v63  }
0x253: {  	_ =	swait.ge [sflag:s3], $0x4000  }
0x254: {  	[sflag:s3] =	ssyncset.done $0x0  }
0x255: {  	s25 =	rddreg [dreg:$0x18];
	[sflag:s3] =	ssyncadd.s32 $0xFFFFC000  }
0x256: {  	[spmem:s25] =	stream.linear.scatter [tilespmem:s0], [sflag:$0x3], $0x4000, $0x38;
	[tilespmem:$0x1C400] =	vst v63  }
0x257: {  	_ =	swait.ge [sflag:s3], $0x4000  }
0x258: {  	[sflag:s3] =	ssyncset.done $0x0  }
0x259: {  	[sflag:s3] =	ssyncadd.s32 $0xFFFFC000  }
0x25a: {  	[spmem:s29] =	stream.linear.scatter [tilespmem:s0], [sflag:$0x3], $0x4000, $0x38;
	[tilespmem:$0x1C400] =	vst v63  }
0x25b: {  	_ =	swait.ge [sflag:s3], $0x4000  }
0x25c: {  	[sflag:s3] =	ssyncset.done $0x0  }
0x25d: {  	[sflag:s3] =	ssyncadd.s32 $0xFFFFC000  }
0x25e: {  	[spmem:s26] =	stream.linear.scatter [tilespmem:s0], [sflag:$0x3], $0x4000, $0x38;
	[tilespmem:$0x1C400] =	vst v63  }
0x25f: {  	_ =	swait.ge [sflag:s3], $0x4000  }
0x260: {  	[sflag:s3] =	ssyncset.done $0x0  }
0x261: {  	[sflag:s3] =	ssyncadd.s32 $0xFFFFC000  }
0x262: {  	[spmem:s20] =	stream.linear.scatter [tilespmem:s0], [sflag:$0x3], $0x3C00, $0x38;
	[tilespmem:$0x1C400] =	vst v63  }
0x263: {  	_ =	swait.ge [sflag:s3], $0x3C00  }
0x264: {  	[sflag:s3] =	ssyncset.done $0x0  }
0x265: {  	[sflag:s3] =	ssyncadd.s32 $0xFFFFC400  }
0x266: {  	[bflag:$0x0] =	sbarrier.arrive $0xFFFF  }
0x267: {  	s28 =	simm.s32 $0x0;
	s25 =	rddreg [dreg:$0x16]  }
0x268: {  	[tilespmem:s0], [sflag:$0x3] =	stream.linear.gather [hbm4b:s25+s28], $0x4000, $0x38;
	[tilespmem:$0x1C400] =	vst v63  }
0x269: {  	_ =	swait.ge [sflag:s3], $0x4000  }
0x26a: {  	[sflag:s3] =	ssyncset.done $0x0  }
0x26b: {  	s28 =	sadd.s32 $0x0, s31;
	[sflag:s3] =	ssyncadd.s32 $0xFFFFC000  }
0x26c: {  	[tilespmem:s4], [sflag:$0x3] =	stream.linear.gather [hbm4b:s28+s2], $0x400, $0x38;
	[tilespmem:$0x1C400] =	vst v63  }
0x26d: {  	_ =	swait.ge [sflag:s3], $0x400  }
0x26e: {  	[sflag:s3] =	ssyncset.done $0x0  }
0x26f: {  	[sflag:s3] =	ssyncadd.s32 $0xFFFFFC00  }
0x270: {  	[spmem:s19] =	stream.indirect.scatter.add.f32 [tilespmem:s0], [sflag:$0x3], $0x80, s4, s5, $0xb8;
	[tilespmem:$0x1C400] =	vst v63  }
0x271: {  	_ =	swait.ge [sflag:s3], $0x4000  }
0x272: {  	[sflag:s3] =	ssyncset.done $0x0  }
0x273: {  	[sflag:s3] =	ssyncadd.s32 $0xFFFFC000  }
0x274: {  	[spmem:s19] =	stream.indirect.scatter.add.f32 [tilespmem:s0], [sflag:$0x3], $0x80, s10, s5, $0xb8;
	[tilespmem:$0x1C400] =	vst v63  }
0x275: {  	_ =	swait.ge [sflag:s3], $0x4000  }
0x276: {  	[sflag:s3] =	ssyncset.done $0x0  }
0x277: {  	[sflag:s3] =	ssyncadd.s32 $0xFFFFC000  }
0x278: {  	[spmem:s19] =	stream.indirect.scatter.add.f32 [tilespmem:s0], [sflag:$0x3], $0x80, s12, s5, $0xb8;
	[tilespmem:$0x1C400] =	vst v63  }
0x279: {  	_ =	swait.ge [sflag:s3], $0x4000  }
0x27a: {  	[sflag:s3] =	ssyncset.done $0x0  }
0x27b: {  	[sflag:s3] =	ssyncadd.s32 $0xFFFFC000  }
0x27c: {  	[spmem:s19] =	stream.indirect.scatter.add.f32 [tilespmem:s0], [sflag:$0x3], $0x80, s14, s5, $0xb8;
	[tilespmem:$0x1C400] =	vst v63  }
0x27d: {  	_ =	swait.ge [sflag:s3], $0x4000  }
0x27e: {  	[sflag:s3] =	ssyncset.done $0x0  }
0x27f: {  	[sflag:s3] =	ssyncadd.s32 $0xFFFFC000  }
0x280: {  	[spmem:s19] =	stream.indirect.scatter.add.f32 [tilespmem:s0], [sflag:$0x3], $0x80, s17, s5, $0xb8;
	[tilespmem:$0x1C400] =	vst v63  }
0x281: {  	_ =	swait.ge [sflag:s3], $0x4000  }
0x282: {  	[sflag:s3] =	ssyncset.done $0x0  }
0x283: {  	[sflag:s3] =	ssyncadd.s32 $0xFFFFC000  }
0x284: {  	[spmem:s19] =	stream.indirect.scatter.add.f32 [tilespmem:s0], [sflag:$0x3], $0x80, s23, s5, $0xb8;
	[tilespmem:$0x1C400] =	vst v63  }
0x285: {  	_ =	swait.ge [sflag:s3], $0x4000  }
0x286: {  	[sflag:s3] =	ssyncset.done $0x0  }
0x287: {  	[sflag:s3] =	ssyncadd.s32 $0xFFFFC000  }
0x288: {  	[spmem:s19] =	stream.indirect.scatter.add.f32 [tilespmem:s0], [sflag:$0x3], $0x80, s22, s5, $0xb8;
	[tilespmem:$0x1C400] =	vst v63  }
0x289: {  	_ =	swait.ge [sflag:s3], $0x4000  }
0x28a: {  	[sflag:s3] =	ssyncset.done $0x0  }
0x28b: {  	[sflag:s3] =	ssyncadd.s32 $0xFFFFC000  }
0x28c: {  	[spmem:s19] =	stream.indirect.scatter.add.f32 [tilespmem:s0], [sflag:$0x3], $0x80, s24, s5, $0xb8;
	[tilespmem:$0x1C400] =	vst v63  }
0x28d: {  	_ =	swait.ge [sflag:s3], $0x4000  }
0x28e: {  	s29 =	simm.s32 $0x100;
	s26 =	simm.s32 $0x80;
	[sflag:s3] =	ssyncset.done $0x0  }
.LBB2_6:
0x28f: {  	s20 =	sadd.s32 s26, s31  }
0x290: {  	[sflag:s3] =	ssyncadd.s32 $0xFFFFC000;
	s26 =	smov.u32 s29;
	s28 =	sadd.s32 $0x80, s29  }
0x291: {  	[tilespmem:s4], [sflag:$0x3] =	stream.linear.gather [hbm4b:s20+s2], $0x400, $0x38;
	[tilespmem:$0x1C400] =	vst v63  }
0x292: {  	p0 =	sne.s32 s29, $0x480;
	_ =	swait.ge [sflag:s3], $0x400  }
0x293: {  	[sflag:s3] =	ssyncset.done $0x0  }
0x294: {  	[sflag:s3] =	ssyncadd.s32 $0xFFFFFC00  }
0x295: {  	[spmem:s19] =	stream.indirect.scatter.add.f32 [tilespmem:s0], [sflag:$0x3], $0x80, s4, s5, $0xb8;
	[tilespmem:$0x1C400] =	vst v63  }
0x296: {  	_ =	swait.ge [sflag:s3], $0x4000  }
0x297: {  	[sflag:s3] =	ssyncset.done $0x0  }
0x298: {  	[sflag:s3] =	ssyncadd.s32 $0xFFFFC000  }
0x299: {  	[spmem:s19] =	stream.indirect.scatter.add.f32 [tilespmem:s0], [sflag:$0x3], $0x80, s10, s5, $0xb8;
	[tilespmem:$0x1C400] =	vst v63  }
0x29a: {  	_ =	swait.ge [sflag:s3], $0x4000  }
0x29b: {  	[sflag:s3] =	ssyncset.done $0x0  }
0x29c: {  	[sflag:s3] =	ssyncadd.s32 $0xFFFFC000  }
0x29d: {  	[spmem:s19] =	stream.indirect.scatter.add.f32 [tilespmem:s0], [sflag:$0x3], $0x80, s12, s5, $0xb8;
	[tilespmem:$0x1C400] =	vst v63  }
0x29e: {  	_ =	swait.ge [sflag:s3], $0x4000  }
0x29f: {  	[sflag:s3] =	ssyncset.done $0x0  }
0x2a0: {  	[sflag:s3] =	ssyncadd.s32 $0xFFFFC000  }
0x2a1: {  	[spmem:s19] =	stream.indirect.scatter.add.f32 [tilespmem:s0], [sflag:$0x3], $0x80, s14, s5, $0xb8;
	[tilespmem:$0x1C400] =	vst v63  }
0x2a2: {  	_ =	swait.ge [sflag:s3], $0x4000  }
0x2a3: {  	[sflag:s3] =	ssyncset.done $0x0  }
0x2a4: {  	[sflag:s3] =	ssyncadd.s32 $0xFFFFC000  }
0x2a5: {  	[spmem:s19] =	stream.indirect.scatter.add.f32 [tilespmem:s0], [sflag:$0x3], $0x80, s17, s5, $0xb8;
	[tilespmem:$0x1C400] =	vst v63  }
0x2a6: {  	_ =	swait.ge [sflag:s3], $0x4000  }
0x2a7: {  	[sflag:s3] =	ssyncset.done $0x0  }
0x2a8: {  	[sflag:s3] =	ssyncadd.s32 $0xFFFFC000  }
0x2a9: {  	[spmem:s19] =	stream.indirect.scatter.add.f32 [tilespmem:s0], [sflag:$0x3], $0x80, s23, s5, $0xb8;
	[tilespmem:$0x1C400] =	vst v63  }
0x2aa: {  	_ =	swait.ge [sflag:s3], $0x4000  }
0x2ab: {  	[sflag:s3] =	ssyncset.done $0x0  }
0x2ac: {  	[sflag:s3] =	ssyncadd.s32 $0xFFFFC000  }
0x2ad: {  	[spmem:s19] =	stream.indirect.scatter.add.f32 [tilespmem:s0], [sflag:$0x3], $0x80, s22, s5, $0xb8;
	[tilespmem:$0x1C400] =	vst v63  }
0x2ae: {  	_ =	swait.ge [sflag:s3], $0x4000  }
.Ltmp2:
0x2af: {  	[sflag:s3] =	ssyncset.done $0x0;
	(pc) =	sbr.rel @p0 .LBB2_6-.Ltmp2, $4  }
0x2b0: {  	[sflag:s3] =	ssyncadd.s32 $0xFFFFC000  }
0x2b1: {  	[spmem:s19] =	stream.indirect.scatter.add.f32 [tilespmem:s0], [sflag:$0x3], $0x80, s24, s5, $0xb8;
	[tilespmem:$0x1C400] =	vst v63  }
0x2b2: {  	_ =	swait.ge [sflag:s3], $0x4000  }
0x2b3: {  	s29 =	smov.u32 s28;
	[sflag:s3] =	ssyncset.done $0x0  }
0x2b4: {  	s20 =	sadd.s32 s26, s31;
	[sflag:s3] =	ssyncadd.s32 $0xFFFFC000  }
0x2b5: {  	[tilespmem:s4], [sflag:$0x3] =	stream.linear.gather [hbm4b:s20+s2], $0x400, $0x38;
	[tilespmem:$0x1C400] =	vst v63  }
0x2b6: {  	_ =	swait.ge [sflag:s3], $0x400  }
0x2b7: {  	[sflag:s3] =	ssyncset.done $0x0  }
0x2b8: {  	[sflag:s3] =	ssyncadd.s32 $0xFFFFFC00  }
0x2b9: {  	[spmem:s19] =	stream.indirect.scatter.add.f32 [tilespmem:s0], [sflag:$0x3], $0x80, s4, s5, $0xb8;
	[tilespmem:$0x1C400] =	vst v63  }
0x2ba: {  	_ =	swait.ge [sflag:s3], $0x4000  }
0x2bb: {  	[sflag:s3] =	ssyncset.done $0x0  }
0x2bc: {  	[sflag:s3] =	ssyncadd.s32 $0xFFFFC000  }
0x2bd: {  	[spmem:s19] =	stream.indirect.scatter.add.f32 [tilespmem:s0], [sflag:$0x3], $0x80, s10, s5, $0xb8;
	[tilespmem:$0x1C400] =	vst v63  }
0x2be: {  	_ =	swait.ge [sflag:s3], $0x4000  }
0x2bf: {  	[sflag:s3] =	ssyncset.done $0x0  }
0x2c0: {  	[sflag:s3] =	ssyncadd.s32 $0xFFFFC000  }
0x2c1: {  	[spmem:s19] =	stream.indirect.scatter.add.f32 [tilespmem:s0], [sflag:$0x3], $0x80, s12, s5, $0xb8;
	[tilespmem:$0x1C400] =	vst v63  }
0x2c2: {  	_ =	swait.ge [sflag:s3], $0x4000  }
0x2c3: {  	[sflag:s3] =	ssyncset.done $0x0  }
0x2c4: {  	[sflag:s3] =	ssyncadd.s32 $0xFFFFC000  }
0x2c5: {  	[spmem:s19] =	stream.indirect.scatter.add.f32 [tilespmem:s0], [sflag:$0x3], $0x80, s14, s5, $0xb8;
	[tilespmem:$0x1C400] =	vst v63  }
0x2c6: {  	_ =	swait.ge [sflag:s3], $0x4000  }
0x2c7: {  	[sflag:s3] =	ssyncset.done $0x0  }
0x2c8: {  	[sflag:s3] =	ssyncadd.s32 $0xFFFFC000  }
0x2c9: {  	[spmem:s19] =	stream.indirect.scatter.add.f32 [tilespmem:s0], [sflag:$0x3], $0x80, s17, s5, $0xb8;
	[tilespmem:$0x1C400] =	vst v63  }
0x2ca: {  	_ =	swait.ge [sflag:s3], $0x4000  }
0x2cb: {  	[sflag:s3] =	ssyncset.done $0x0  }
0x2cc: {  	[sflag:s3] =	ssyncadd.s32 $0xFFFFC000  }
0x2cd: {  	[spmem:s19] =	stream.indirect.scatter.add.f32 [tilespmem:s0], [sflag:$0x3], $0x80, s23, s5, $0xb8;
	[tilespmem:$0x1C400] =	vst v63  }
0x2ce: {  	_ =	swait.ge [sflag:s3], $0x4000  }
0x2cf: {  	[sflag:s3] =	ssyncset.done $0x0  }
0x2d0: {  	[sflag:s3] =	ssyncadd.s32 $0xFFFFC000  }
0x2d1: {  	[spmem:s19] =	stream.indirect.scatter.add.f32 [tilespmem:s0], [sflag:$0x3], $0x80, s22, s5, $0xb8;
	[tilespmem:$0x1C400] =	vst v63  }
0x2d2: {  	_ =	swait.ge [sflag:s3], $0x4000  }
0x2d3: {  	[sflag:s3] =	ssyncset.done $0x0  }
0x2d4: {  	[sflag:s3] =	ssyncadd.s32 $0xFFFFC000  }
0x2d5: {  	[spmem:s19] =	stream.indirect.scatter.add.f32 [tilespmem:s0], [sflag:$0x3], $0x80, s24, s5, $0xb8;
	[tilespmem:$0x1C400] =	vst v63  }
0x2d6: {  	_ =	swait.ge [sflag:s3], $0x4000  }
0x2d7: {  	[sflag:s3] =	ssyncset.done $0x0  }
0x2d8: {  	[sflag:s3] =	ssyncadd.s32 $0xFFFFC000  }
0x2d9: {  	[bflag:$0x0] =	sbarrier.arrive $0xFFFF  }
0x2da: {  	s26 =	rddreg [dreg:$0x17]  }
0x2db: {  	[tilespmem:s0], [sflag:$0x3] =	stream.linear.gather [spmem:s26], $0x4000, $0x38;
	[tilespmem:$0x1C400] =	vst v63  }
0x2dc: {  	_ =	swait.ge [sflag:s3], $0x4000  }
0x2dd: {  	[sflag:s3] =	ssyncset.done $0x0  }
0x2de: {  	s25 =	rddreg [dreg:$0x10];
	[sflag:s3] =	ssyncadd.s32 $0xFFFFC000  }
0x2df: {  	[hbm4b:s25+s2] =	stream.linear.scatter [tilespmem:s0], [sflag:$0x3], $0x4000, $0x38;
	[tilespmem:$0x1C400] =	vst v63  }
0x2e0: {  	_ =	swait.ge [sflag:s3], $0x4000  }
0x2e1: {  	[sflag:s3] =	ssyncset.done $0x0  }
0x2e2: {  	s26 =	rddreg [dreg:$0x18];
	[sflag:s3] =	ssyncadd.s32 $0xFFFFC000  }
0x2e3: {  	[tilespmem:s0], [sflag:$0x3] =	stream.linear.gather [spmem:s26], $0x4000, $0x38;
	[tilespmem:$0x1C400] =	vst v63  }
0x2e4: {  	_ =	swait.ge [sflag:s3], $0x4000  }
0x2e5: {  	[sflag:s3] =	ssyncset.done $0x0  }
0x2e6: {  	s25 =	rddreg [dreg:$0x11];
	[sflag:s3] =	ssyncadd.s32 $0xFFFFC000  }
0x2e7: {  	[hbm4b:s25+s2] =	stream.linear.scatter [tilespmem:s0], [sflag:$0x3], $0x4000, $0x38;
	[tilespmem:$0x1C400] =	vst v63  }
0x2e8: {  	_ =	swait.ge [sflag:s3], $0x4000  }
0x2e9: {  	[sflag:s3] =	ssyncset.done $0x0  }
0x2ea: {  	s29 =	rddreg [dreg:$0x19];
	[sflag:s3] =	ssyncadd.s32 $0xFFFFC000  }
0x2eb: {  	[tilespmem:s0], [sflag:$0x3] =	stream.linear.gather [spmem:s29], $0x4000, $0x38;
	[tilespmem:$0x1C400] =	vst v63  }
0x2ec: {  	_ =	swait.ge [sflag:s3], $0x4000  }
0x2ed: {  	[sflag:s3] =	ssyncset.done $0x0  }
0x2ee: {  	s26 =	rddreg [dreg:$0x12];
	[sflag:s3] =	ssyncadd.s32 $0xFFFFC000  }
0x2ef: {  	[hbm4b:s26+s2] =	stream.linear.scatter [tilespmem:s0], [sflag:$0x3], $0x4000, $0x38;
	[tilespmem:$0x1C400] =	vst v63  }
0x2f0: {  	_ =	swait.ge [sflag:s3], $0x4000  }
0x2f1: {  	[sflag:s3] =	ssyncset.done $0x0  }
0x2f2: {  	s26 =	rddreg [dreg:$0x1a];
	[sflag:s3] =	ssyncadd.s32 $0xFFFFC000  }
0x2f3: {  	[tilespmem:s0], [sflag:$0x3] =	stream.linear.gather [spmem:s26], $0x4000, $0x38;
	[tilespmem:$0x1C400] =	vst v63  }
0x2f4: {  	_ =	swait.ge [sflag:s3], $0x4000  }
0x2f5: {  	[sflag:s3] =	ssyncset.done $0x0  }
0x2f6: {  	s25 =	rddreg [dreg:$0x13];
	[sflag:s3] =	ssyncadd.s32 $0xFFFFC000  }
0x2f7: {  	[hbm4b:s25+s2] =	stream.linear.scatter [tilespmem:s0], [sflag:$0x3], $0x4000, $0x38;
	[tilespmem:$0x1C400] =	vst v63  }
0x2f8: {  	_ =	swait.ge [sflag:s3], $0x4000  }
0x2f9: {  	[sflag:s3] =	ssyncset.done $0x0  }
0x2fa: {  	s25 =	rddreg [dreg:$0x1b];
	[sflag:s3] =	ssyncadd.s32 $0xFFFFC000  }
0x2fb: {  	[tilespmem:s0], [sflag:$0x3] =	stream.linear.gather [spmem:s25], $0x3C00, $0x38;
	[tilespmem:$0x1C400] =	vst v63  }
0x2fc: {  	_ =	swait.ge [sflag:s3], $0x3C00  }
0x2fd: {  	[sflag:s3] =	ssyncset.done $0x0  }
0x2fe: {  	s20 =	rddreg [dreg:$0x14];
	[sflag:s3] =	ssyncadd.s32 $0xFFFFC400  }
0x2ff: {  	[hbm4b:s20+s2] =	stream.linear.scatter [tilespmem:s0], [sflag:$0x3], $0x3C00, $0x38;
	[tilespmem:$0x1C400] =	vst v63  }
0x300: {  	_ =	swait.ge [sflag:s3], $0x3C00  }
0x301: {  	s28 =	rddreg [dreg:$0x1d]  }
0x302: {  	s20 =	smov.u32 s26;
	s26 =	rddreg [dreg:$0x1c];
	s28 =	sadd.s32 $0x1, s28  }
0x303: {  	p0 =	sne.s32 s28, s26  }
.Ltmp3:
0x304: {  	_ = 	snop;
	(pc) =	sbr.rel @p0 .LBB2_1-.Ltmp3, $3  }
0x305: {  	_ =	sdelay $0x1  }
0x306: {  	[sflag:s3] =	ssyncset.done $0x0;
	[dreg:$0x1d] =	wrdreg s28  }
0x307: {  	[sflag:s3] =	ssyncadd.s32 $0xFFFFC400;
	s28 =	rddreg [dreg:$0x15]  }
0x308: {  	_ =	sfence.sel $0x180000  }
0x309: {  	[bflag:$0x0] =	sbarrier.arrive $0xFFFF  }
0x30a: {  	_ =	strace $0x90000047  }
0x30b: {  	s0 =	stileid.u32;
	[bflag:$0x2] =	sbarrier.arrive $0xFFFF  }
0x30c: {  	p0 =	sne.s32 s0, $0x0;
	s0 =	rddreg [dreg:$0x4]  }
0x30d: {  	s0 =	sadd.s32 @!p0 $0x100000, s0  }
0x30e: {  	[sflag:s0] =	ssyncadd.tile.s32 @!p0 $0x1;
	_ =	shalt  }
.Lfunc_end2:
_tile_overlayer_lowered:
.L_overlay_start_2:
0x30f: {  	(tag) =	ssettag $0x2  }
0x310: {  	s0 =	rddreg [dreg:$0x0];
	s2 =	stileid.u32  }
0x311: {  	s1 =	rddreg [dreg:$0x1];
	p0 =	sne.s32 s2, $0x0  }
0x312: {  	s3 =	rddreg [dreg:$0x2];
	[bflag:$0x3] =	sbarrier.arrive $0xFFFF;
	s2 =	simm.s32 @!p0 $0x1C03  }
0x313: {  	[timem:s3], [sflag:s2] =	dma.local @!p0 [hbm:s0], s1  }
0x314: {  	s0 =	simm.s32 @!p0 $0x3  }
0x315: {  	_ =	swait.ge @!p0 [sflag:s0], s1  }
0x316: {  	s1 =	ssub.s32 @!p0 $0x0, s1;
	[sflag:s0] =	ssyncset.done @!p0 $0x0  }
0x317: {  	[sflag:s0] =	ssyncadd.s32 @!p0 s1  }
0x318: {  	[bflag:$0x3] =	sbarrier.arrive $0xFFFF  }
0x319: {  	_ =	shalt  }

// kernel: kernel.9.cloned.1.call-start
scs
__scs_entry_jumppad:
0x0: {  	(pc) =	sbr.rel $0x88, $3  }
0x1: {  	(tag) =	ssettag $0x0;
	lr =	simm.s32 $0x1  }
0x2: {  	[smem:$0x3F9A] =	sst lr;
	_ =	strace $0xD0000000  }
0x3: {  	_ = 	snop  }
0x4: {  	_ = 	snop  }
0x5: {  	_ = 	snop  }
0x6: {  	_ = 	snop  }
0x7: {  	_ = 	snop  }
__scs_overlays_trampoline_lowered:
0x8: {  	[smem:$0x3FA9] =	sst s0  }
0x9: {  	[smem:$0x3FAA] =	sst s1  }
0xa: {  	[smem:$0x3FAB] =	sst s2  }
0xb: {  	[smem:$0x3FAC] =	sst s3  }
0xc: {  	[smem:$0x3FAD] =	sst s4  }
0xd: {  	[smem:$0x3FAE] =	sst s5  }
0xe: {  	[smem:$0x3FAF] =	sst s6  }
0xf: {  	[smem:$0x3FB0] =	sst s7  }
0x10: {  	[smem:$0x3FB1] =	sst s8  }
0x11: {  	[smem:$0x3FB2] =	sst s9;
	s0 =	simm.s32 @!p0 $0x0  }
0x12: {  	s1 =	sld [smem:$0x3F98];
	s0 =	simm.s32 @p0 $0x1  }
0x13: {  	[smem:$0x3FB3] =	sst s0;
	s0 =	simm.s32 @!p1 $0x0  }
0x14: {  	s2 =	sld [smem:$0x3F97];
	s0 =	simm.s32 @p1 $0x1  }
0x15: {  	[smem:$0x3FB4] =	sst s0;
	s0 =	simm.s32 @!p2 $0x0  }
0x16: {  	s3 =	sld [smem:$0x3FDB];
	s0 =	simm.s32 @p2 $0x1  }
0x17: {  	s4 =	simm.s32 $0x1BF5;
	[smem:$0x3FB6] =	sst s0  }
0x18: {  	s0 =	sld [smem:$0x3F99];
	_ =	swait.ge [sflag:s4], $0x0  }
0x19: {  	s7 =	sld [smem:$0x3F9A]  }
0x1a: {  	s8 =	sadd.s32 $0xFFFFE003, lr  }
0x1b: {  	s9 =	sadd.s32 $0xFFFFFEF7, lr;
	s5 =	simm.s32 $0xFFFFFFFF;
	p2 =	slt.u32 s8, $0xFFFFF086  }
0x1c: {  	p1 =	slt.u32 s9, $0xF7A;
	s5 =	simm.s32 @!p2 $0x0  }
0x1d: {  	s5 =	simm.s32 @p1 $0x1;
	p0 =	seq.s32 s7, s2  }
0x1e: {  	s7 =	smul.u32 @!p0 $0xF7A, s2;
	p2 =	seq.s32 @!p0 s5, $0x0  }
0x1f: {  	s9 =	smul.u32 $0xF7A, s1;
	s8 =	simm.s32 @!p0 $0x1BF5;
	p2 =	por !p2, p0  }
0x20: {  	[sflag:s8] =	ssyncset.s32 @!p0 $0xFFFFF086;
	s6 =	sadd.s32 @!p0 s3, s7;
	s7 =	simm.s32 @!p0 $0x108  }
0x21: {  	s3 =	sadd.s32 s3, s9;
	s6 =	sadd.s32 @!p0 $0x88, s6;
	s7 =	simm.s32 @p2 $0x1082  }
0x22: {  	[simem:s7], [sflag:s8] =	dma.local @!p0 [hbm:s6], $0xF7A  }
0x23: {  	s9 =	sor.u32 $0xD0000000, s2;
	s6 =	simm.s32 $0x108;
	_ =	swait.ge @!p0 [sflag:s8], $0x0  }
0x24: {  	s3 =	sadd.s32 $0x88, s3;
	s6 =	simm.s32 @!p1 $0x1082;
	[sflag:s4] =	ssyncset.s32 $0xFFFFF086  }
0x25: {  	[simem:s6], [sflag:s4] =	dma.local [hbm:s3], $0xF7A  }
0x26: {  	[smem:$0x3F9A] =	sst s1;
	(tag) =	ssettag s2;
	_ =	strace s9  }
0x27: {  	s1 =	sld [smem:$0x3FAA]  }
0x28: {  	s2 =	sld [smem:$0x3FAB]  }
0x29: {  	s4 =	sld [smem:$0x3FAD]  }
0x2a: {  	p0 =	seq.s32 s5, $0x0;
	s5 =	sld [smem:$0x3FAE]  }
0x2b: {  	s6 =	sld [smem:$0x3FAF]  }
0x2c: {  	s7 =	sld [smem:$0x3FB0]  }
0x2d: {  	s3 =	simm.s32 $0x108;
	s8 =	sld [smem:$0x3FB1]  }
0x2e: {  	s3 =	simm.s32 @!p0 $0x1082;
	s9 =	sld [smem:$0x3FB2]  }
0x2f: {  	lr =	sadd.s32 s0, s3;
	s0 =	sld [smem:$0x3FA9]  }
0x30: {  	s3 =	sld [smem:$0x3FAC]  }
0x31: {  	[smem:$0x3FB5] =	sst s10  }
0x32: {  	s10 =	sld [smem:$0x3FB3];
	_ =	sdelay $0x3  }
0x33: {  	p0 =	seq.s32 s10, $0x1;
	s10 =	sld [smem:$0x3FB5];
	_ =	sdelay $0x3  }
0x34: {  	[smem:$0x3FB5] =	sst s10  }
0x35: {  	s10 =	sld [smem:$0x3FB4];
	_ =	sdelay $0x3  }
0x36: {  	p1 =	seq.s32 s10, $0x1;
	s10 =	sld [smem:$0x3FB5];
	_ =	sdelay $0x3  }
0x37: {  	[smem:$0x3FB5] =	sst s10  }
0x38: {  	s10 =	sld [smem:$0x3FB6]  }
0x39: {  	_ = 	snop;
	(pc) =	sbr.ind lr, $3  }
0x3a: {  	_ = 	snop  }
0x3b: {  	_ = 	snop  }
0x3c: {  	p2 =	seq.s32 s10, $0x1;
	s10 =	sld [smem:$0x3FB5]  }
0x3d: {  	_ =	shalt  }
0x3e: {  	_ =	shalt  }
0x3f: {  	_ =	shalt  }
0x40: {  	_ =	shalt  }
0x41: {  	_ =	shalt  }
0x42: {  	_ =	shalt  }
0x43: {  	_ =	shalt  }
0x44: {  	_ =	shalt  }
0x45: {  	_ =	shalt  }
0x46: {  	_ =	shalt  }
0x47: {  	_ =	shalt  }
0x48: {  	_ =	shalt  }
0x49: {  	_ =	shalt  }
0x4a: {  	_ =	shalt  }
0x4b: {  	_ =	shalt  }
0x4c: {  	_ =	shalt  }
0x4d: {  	_ =	shalt  }
0x4e: {  	_ =	shalt  }
0x4f: {  	_ =	shalt  }
0x50: {  	_ =	shalt  }
0x51: {  	_ =	shalt  }
0x52: {  	_ =	shalt  }
0x53: {  	_ =	shalt  }
0x54: {  	_ =	shalt  }
0x55: {  	_ =	shalt  }
0x56: {  	_ =	shalt  }
0x57: {  	_ =	shalt  }
0x58: {  	_ =	shalt  }
0x59: {  	_ =	shalt  }
0x5a: {  	_ =	shalt  }
0x5b: {  	_ =	shalt  }
0x5c: {  	_ =	shalt  }
0x5d: {  	_ =	shalt  }
0x5e: {  	_ =	shalt  }
0x5f: {  	_ =	shalt  }
0x60: {  	_ =	shalt  }
0x61: {  	_ =	shalt  }
0x62: {  	_ =	shalt  }
0x63: {  	_ =	shalt  }
0x64: {  	_ =	shalt  }
0x65: {  	_ =	shalt  }
0x66: {  	_ =	shalt  }
0x67: {  	_ =	shalt  }
0x68: {  	_ =	shalt  }
0x69: {  	_ =	shalt  }
0x6a: {  	_ =	shalt  }
0x6b: {  	_ =	shalt  }
0x6c: {  	_ =	shalt  }
0x6d: {  	_ =	shalt  }
0x6e: {  	_ =	shalt  }
0x6f: {  	_ =	shalt  }
0x70: {  	_ =	shalt  }
0x71: {  	_ =	shalt  }
0x72: {  	_ =	shalt  }
0x73: {  	_ =	shalt  }
0x74: {  	_ =	shalt  }
0x75: {  	_ =	shalt  }
0x76: {  	_ =	shalt  }
0x77: {  	_ =	shalt  }
0x78: {  	_ =	shalt  }
0x79: {  	_ =	shalt  }
0x7a: {  	_ =	shalt  }
0x7b: {  	_ =	shalt  }
0x7c: {  	_ =	shalt  }
0x7d: {  	_ =	shalt  }
0x7e: {  	_ =	shalt  }
0x7f: {  	_ =	shalt  }
0x80: {  	_ =	shalt  }
0x81: {  	_ =	shalt  }
0x82: {  	_ =	shalt  }
0x83: {  	_ =	shalt  }
0x84: {  	_ =	shalt  }
0x85: {  	_ =	shalt  }
0x86: {  	_ =	shalt  }
0x87: {  	_ =	shalt  }
.Lfunc_end0:
.L_simem_size_0:
called_computation.1_lowered:
.L_overlay_start_0:
0x88: {  	s2 =	sld [smem:$0x3FD9]  }
0x89: {  	s3 =	sld [smem:$0x3FFE];
	_ =	sdelay $0x1  }
0x8a: {  	s1 =	srdreg.scid  }
0x8b: {  	s0 =	sand.u32 $0x1, s1  }
0x8c: {  	s17 =	sshll.u32 s0, $0xA;
	s2 =	sadd.s32 s3, s2  }
0x8d: {  	s2 =	sadd.s32 s2, s17  }
0x8e: {  	[smem:$0x3FC1] =	sst s2  }
0x8f: {  	_ = 	snop  }
0x90: {  	s2 =	sld [smem:$0x3FD0];
	(tm) =	ssettm $0x1  }
0x91: {  	s18 =	sld [smem:$0x3FFB];
	_ =	sdelay $0x3  }
0x92: {  	_ =	strace s18  }
0x93: {  	s3 =	sld [smem:$0x3FFC];
	_ =	sdelay $0x3  }
0x94: {  	_ =	strace s3  }
0x95: {  	s3 =	sld [smem:$0x3FFD];
	_ =	sdelay $0x3  }
0x96: {  	_ =	strace s3  }
0x97: {  	_ =	strace $0x8FFFFFFF  }
0x98: {  	s19 =	sld [smem:$0x3FDB];
	_ =	sdelay $0x1  }
0x99: {  	s4 =	simm.s32 $_scs_section_size  }
0x9a: {  	s5 =	simm.s32 $_size__tile_overlayer_lowered;
	s6 =	simm.s32 $_tile_overlayer_lowered  }
0x9b: {  	s22 =	simm.s32 $0x1BFF;
	s21 =	sshll.u32 s6, $0x1;
	s3 =	sadd.s32 s4, s19  }
0x9c: {  	s7 =	simm.s32 $0x0;
	s20 =	sshll.u32 s5, $0x1;
	s5 =	sadd.s32 s21, s3  }
0x9d: {  	[timem:s7], [sflag:s22] =	dma.local [hbm:s5], s20  }
0x9e: {  	_ =	swait.ge [sflag:s22], s20  }
0x9f: {  	s4 =	ssub.s32 $0x0, s20;
	[sflag:s22] =	ssyncset.done $0x0  }
0xa0: {  	[sflag:s22] =	ssyncadd.s32 s4;
	_ =	sdelay $0x1  }
0xa1: {  	s23 =	simm.s32 $0x1B8B  }
0xa2: {  	_ =	swait.ge [sflag:s23], $0x1  }
0xa3: {  	[sflag:s23] =	ssyncset.done $0x0  }
0xa4: {  	s25 =	simm.s32 $0x1B8E;
	s24 =	sld [smem:$0x3FFE];
	[sflag:s23] =	ssyncadd.s32 $0xFFFFFFFF  }
0xa5: {  	s26 =	simm.s32 $execute0_lowered;
	[smem:$0x3FD2] =	sst s25  }
0xa6: {  	s5 =	sshll.u32 s26, $0x1;
	_ =	strace $0x80000049;
	[dreg:$0x1] =	wrdreg $0xFFFFFFFF  }
0xa7: {  	s28 =	simm.s32 $_size_execute0_lowered;
	s3 =	sadd.s32 s3, s5;
	[dreg:$0x0] =	wrdreg $0x0  }
0xa8: {  	s5 =	sshll.u32 s28, $0x1;
	[dreg:$0x2] =	wrdreg s3  }
0xa9: {  	[dreg:$0x3] =	wrdreg s5  }
0xaa: {  	[dreg:$0x4] =	wrdreg $0xC0  }
0xab: {  	_ =	task [dreg:s7], $0x5FFFF  }
0xac: {  	[dreg:$0x1] =	wrdreg $0xFFFFFFFF  }
0xad: {  	[dreg:$0x0] =	wrdreg $0x60  }
0xae: {  	[dreg:$0x2] =	wrdreg s24  }
0xaf: {  	[dreg:$0x3] =	wrdreg s2  }
0xb0: {  	[dreg:$0x4] =	wrdreg $0x88000  }
0xb1: {  	[dreg:$0x5] =	wrdreg $0x9  }
0xb2: {  	_ =	task.clear_ibuf [dreg:s7], $0x6FFFF;
	_ =	strace $0x90000049  }
0xb3: {  	s29 =	simm.s32 $0x9;
	_ =	strace $0x8000004B  }
0xb4: {  	_ =	swait.ge [sflag:s29], $0x1  }
0xb5: {  	[sflag:s29] =	ssyncadd.s32 $0xFFFFFFFF  }
0xb6: {  	_ =	strace $0x9000004B  }
0xb7: {  	_ =	sfence  }
0xb8: {  	s30 =	sld [smem:$0x0];
	_ =	sdelay $0x2  }
0xb9: {  	s31 =	sshll.u32 s1, $0xD;
	s1 =	sshrl.u32 s1, $0x2  }
0xba: {  	s3 =	sand.u32 $0x4000, s31;
	s1 =	sadd.s32 s1, s30  }
0xbb: {  	s0 =	sor.u32 s3, s0;
	s1 =	sshll.u32 s1, $0x11  }
0xbc: {  	s0 =	sor.u32 s1, s0  }
0xbd: {  	s0 =	sadd.s32 $0x8F2B, s0  }
0xbe: {  	[sflag:s0] =	ssyncadd.remote.s32 $0x1  }
0xbf: {  	_ =	sfence.sel $0xFFFF  }
0xc0: {  	[dreg:$0x0] =	wrdreg $0xFFFFFFFF;
	(pc) =	sbr.abs _section_cstart, $3  }
0xc1: {  	[dreg:$0x1] =	wrdreg $0xFFFFFFFF  }
0xc2: {  	_ =	task.clear_ibuf [dreg:s7], $0x2FFFF;
	_ =	strace $0x9FFFFFFF  }
0xc3: {  	(tm) =	ssettm $0x7FFFFFFF  }
tec
execute0_lowered:
.L_overlay_start_1:
0x0: {  	(tag) =	ssettag $0x1  }
0x1: {  	s0 =	rddreg [dreg:$0x0];
	s1 =	srdreg.scid  }
0x2: {  	s13 =	stileid.u32;
	s5 =	rddreg [dreg:$0x1]  }
0x3: {  	s2 =	rddreg [dreg:$0x2];
	s4 =	smul.u32 $0x5000, s13  }
0x4: {  	s3 =	simm.s32 $0x0;
	s28 =	simm.s32 $0x4800;
	s9 =	smul.u32 $0x13C00, s13  }
0x5: {  	s29 =	simm.s32 $0x1;
	s1 =	sand.u32 $0x1, s1;
	s13 =	smul.u32 $0x4F000, s13  }
0x6: {  	s30 =	simm.s32 $0x100;
	s31 =	simm.s32 $0x2;
	s6 =	smul.u32 $0x2800, s1  }
0x7: {  	[smem:$0x7FF] =	sst s3;
	s7 =	smul.u32 $0x13C000, s1;
	s1 =	ssub.s32 $0x2, s1  }
0x8: {  	s10 =	sadd.s32 $0x8D800, s0;
	_ =	strace $0x8000004A;
	s11 =	sshrl.u32 s1, $0x1  }
0x9: {  	s21 =	sadd.s32 $0x4000, s9;
	s13 =	sshrl.u32 s13, $0x2;
	s24 =	sadd.s32 $0x8000, s9  }
0xa: {  	s20 =	sadd.s32 $0xC000, s9;
	s4 =	sadd.s32 s6, s4;
	s12 =	sadd.s32 s9, s7  }
0xb: {  	s1 =	ssub.s32 s1, s11;
	s22 =	sadd.s32 s7, s21;
	s17 =	sadd.s32 s13, s2  }
0xc: {  	s18 =	sadd.s32 s21, s2;
	s25 =	sadd.s32 s7, s24;
	s9 =	sadd.s32 $0x10000, s9  }
0xd: {  	s21 =	sadd.s32 s7, s20;
	s13 =	simm.s32 $0x600;
	s6 =	sshrl.u32 s4, $0x3  }
0xe: {  	s4 =	sadd.s32 $0x16000, s0;
	s11 =	sshrl.u32 s12, $0x3;
	s23 =	sshrl.u32 s22, $0x3  }
0xf: {  	s26 =	sshrl.u32 s25, $0x3;
	s7 =	sadd.s32 s7, s9;
	s12 =	sadd.s32 s20, s2  }
0x10: {  	s20 =	sadd.s32 s9, s2;
	s9 =	simm.s32 $0x580;
	[dreg:$0xb] =	wrdreg s12  }
0x11: {  	s8 =	sadd.s32 s6, s0;
	s14 =	sadd.s32 s10, s11;
	[dreg:$0xd] =	wrdreg s20  }
0x12: {  	s0 =	sadd.s32 $0x3D800, s0;
	s15 =	sadd.s32 s10, s23;
	[dreg:$0x4] =	wrdreg s14  }
0x13: {  	s16 =	sadd.s32 s10, s26;
	s7 =	sshrl.u32 s7, $0x3;
	[dreg:$0x6] =	wrdreg s15  }
0x14: {  	[dreg:$0x8] =	wrdreg s16;
	s14 =	sadd.s32 s24, s2;
	s16 =	sshrl.u32 s21, $0x3  }
0x15: {  	s22 =	sadd.s32 s0, s11;
	s23 =	sadd.s32 s0, s23;
	s24 =	sadd.s32 s0, s26  }
0x16: {  	s26 =	smax.u32 s1, $0x1;
	s21 =	sadd.s32 $0xC000, s8;
	[dreg:$0xe] =	wrdreg s22  }
0x17: {  	s8 =	smov.u32 s17;
	s1 =	simm.s32 $0x480;
	[dreg:$0xf] =	wrdreg s23  }
0x18: {  	s11 =	simm.s32 $0x280;
	s15 =	simm.s32 $0x300;
	[dreg:$0x10] =	wrdreg s24  }
0x19: {  	s17 =	simm.s32 $0x380;
	s19 =	sadd.s32 s10, s16;
	[dreg:$0x13] =	wrdreg s26  }
0x1a: {  	s10 =	sadd.s32 s10, s7;
	s25 =	sadd.s32 s0, s16;
	[dreg:$0x5] =	wrdreg s8  }
0x1b: {  	s0 =	sadd.s32 s0, s7;
	s22 =	sadd.s32 s6, s5;
	[dreg:$0x9] =	wrdreg s14  }
0x1c: {  	s23 =	simm.s32 $0x800;
	s24 =	simm.s32 $0x3;
	[dreg:$0xa] =	wrdreg s19  }
0x1d: {  	s26 =	simm.s32 $0x80;
	s5 =	simm.s32 $0x500;
	[dreg:$0xc] =	wrdreg s10  }
0x1e: {  	s7 =	simm.s32 $0x200;
	s16 =	simm.s32 $0x680;
	[dreg:$0x11] =	wrdreg s25  }
0x1f: {  	s6 =	simm.s32 $0x0;
	s10 =	smov.u32 s18;
	[dreg:$0x12] =	wrdreg s0  }
0x20: {  	s25 =	simm.s32 $0x400;
	s0 =	simm.s32 $0x180;
	[dreg:$0x14] =	wrdreg s6  }
0x21: {  	s18 =	simm.s32 $0x700;
	s19 =	simm.s32 $0x780;
	[dreg:$0x7] =	wrdreg s10  }
.LBB2_1:
0x22: {  	s6 =	rddreg [dreg:$0x4]  }
0x23: {  	[tilespmem:s23], [sflag:$0x3] =	stream.linear.gather [hbm4b:s6+s3], $0x4000, $0x38;
	[tilespmem:$0x1C400] =	vst v63  }
0x24: {  	_ =	swait.ge [sflag:s24], $0x4000  }
0x25: {  	[sflag:s24] =	ssyncset.done $0x0  }
0x26: {  	[sflag:s24] =	ssyncadd.s32 $0xFFFFC000  }
0x27: {  	[spmem:s8] =	stream.linear.scatter [tilespmem:s23], [sflag:$0x3], $0x4000, $0x38;
	[tilespmem:$0x1C400] =	vst v63  }
0x28: {  	_ =	swait.ge [sflag:s24], $0x4000  }
0x29: {  	[sflag:s24] =	ssyncset.done $0x0  }
0x2a: {  	s8 =	rddreg [dreg:$0x6];
	[sflag:s24] =	ssyncadd.s32 $0xFFFFC000  }
0x2b: {  	[tilespmem:s23], [sflag:$0x3] =	stream.linear.gather [hbm4b:s8+s3], $0x4000, $0x38;
	[tilespmem:$0x1C400] =	vst v63  }
0x2c: {  	_ =	swait.ge [sflag:s24], $0x4000  }
0x2d: {  	[sflag:s24] =	ssyncset.done $0x0  }
0x2e: {  	[sflag:s24] =	ssyncadd.s32 $0xFFFFC000  }
0x2f: {  	[spmem:s10] =	stream.linear.scatter [tilespmem:s23], [sflag:$0x3], $0x4000, $0x38;
	[tilespmem:$0x1C400] =	vst v63  }
0x30: {  	_ =	swait.ge [sflag:s24], $0x4000  }
0x31: {  	[sflag:s24] =	ssyncset.done $0x0  }
0x32: {  	s8 =	rddreg [dreg:$0x8];
	[sflag:s24] =	ssyncadd.s32 $0xFFFFC000  }
0x33: {  	[tilespmem:s23], [sflag:$0x3] =	stream.linear.gather [hbm4b:s8+s3], $0x4000, $0x38;
	[tilespmem:$0x1C400] =	vst v63  }
0x34: {  	_ =	swait.ge [sflag:s24], $0x4000  }
0x35: {  	[sflag:s24] =	ssyncset.done $0x0  }
0x36: {  	[sflag:s24] =	ssyncadd.s32 $0xFFFFC000  }
0x37: {  	[spmem:s14] =	stream.linear.scatter [tilespmem:s23], [sflag:$0x3], $0x4000, $0x38;
	[tilespmem:$0x1C400] =	vst v63  }
0x38: {  	_ =	swait.ge [sflag:s24], $0x4000  }
0x39: {  	[sflag:s24] =	ssyncset.done $0x0  }
0x3a: {  	s10 =	rddreg [dreg:$0xa];
	[sflag:s24] =	ssyncadd.s32 $0xFFFFC000  }
0x3b: {  	[tilespmem:s23], [sflag:$0x3] =	stream.linear.gather [hbm4b:s10+s3], $0x4000, $0x38;
	[tilespmem:$0x1C400] =	vst v63  }
0x3c: {  	_ =	swait.ge [sflag:s24], $0x4000  }
0x3d: {  	[sflag:s24] =	ssyncset.done $0x0  }
0x3e: {  	[sflag:s24] =	ssyncadd.s32 $0xFFFFC000  }
0x3f: {  	[spmem:s12] =	stream.linear.scatter [tilespmem:s23], [sflag:$0x3], $0x4000, $0x38;
	[tilespmem:$0x1C400] =	vst v63  }
0x40: {  	_ =	swait.ge [sflag:s24], $0x4000  }
0x41: {  	[sflag:s24] =	ssyncset.done $0x0  }
0x42: {  	s12 =	rddreg [dreg:$0xc];
	[sflag:s24] =	ssyncadd.s32 $0xFFFFC000  }
0x43: {  	[tilespmem:s23], [sflag:$0x3] =	stream.linear.gather [hbm4b:s12+s3], $0x3C00, $0x38;
	[tilespmem:$0x1C400] =	vst v63  }
0x44: {  	_ =	swait.ge [sflag:s24], $0x3C00  }
0x45: {  	[sflag:s24] =	ssyncset.done $0x0  }
0x46: {  	[sflag:s24] =	ssyncadd.s32 $0xFFFFC400  }
0x47: {  	[spmem:s20] =	stream.linear.scatter [tilespmem:s23], [sflag:$0x3], $0x3C00, $0x38;
	[tilespmem:$0x1C400] =	vst v63  }
0x48: {  	_ =	swait.ge [sflag:s24], $0x3C00  }
0x49: {  	[sflag:s24] =	ssyncset.done $0x0  }
0x4a: {  	[sflag:s24] =	ssyncadd.s32 $0xFFFFC400  }
0x4b: {  	s14 =	sadd.s32 $0x0, s22;
	[bflag:$0x0] =	sbarrier.arrive $0xFFFF  }
0x4c: {  	[tilespmem:s3], [sflag:$0x3] =	stream.linear.gather [hbm4b:s14+s3], $0x400, $0x38;
	[tilespmem:$0x1C400] =	vst v63  }
0x4d: {  	_ =	swait.ge [sflag:s24], $0x400  }
0x4e: {  	[sflag:s24] =	ssyncset.done $0x0  }
0x4f: {  	s20 =	sadd.s32 $0x0, s21;
	[sflag:s24] =	ssyncadd.s32 $0xFFFFFC00  }
0x50: {  	[tilespmem:s25], [sflag:$0x3] =	stream.linear.gather [hbm4b:s20+s3], $0x400, $0x38;
	[tilespmem:$0x1C400] =	vst v63  }
0x51: {  	_ =	swait.ge [sflag:s24], $0x400  }
0x52: {  	[sflag:s24] =	ssyncset.done $0x0  }
0x53: {  	[sflag:s24] =	ssyncadd.s32 $0xFFFFFC00  }
0x54: {  	[tilespmem:s23], [sflag:$0x1] =	stream.indirect.gather [hbm4b:s4+s26], $0x80, s3, s26, $0xb8;
	[tilespmem:$0x1C400] =	vst v63  }
0x55: {  	_ = 	snop  }
0x56: {  	[tilespmem:s28], [sflag:$0x2] =	stream.indirect.gather [hbm4b:s4+s26], $0x80, s26, s26, $0xb8;
	[tilespmem:$0x1C400] =	vst v63  }
0x57: {  	_ =	swait.ge [sflag:s29], $0x4000  }
0x58: {  	[sflag:s29] =	ssyncset.done $0x0  }
0x59: {  	[sflag:s29] =	ssyncadd.s32 $0xFFFFC000  }
0x5a: {  	[spmem:s2] =	stream.indirect.scatter.add.f32 [tilespmem:s23], [sflag:$0x3], $0x80, s25, s26, $0xb8;
	[tilespmem:$0x1C400] =	vst v63  }
0x5b: {  	_ =	swait.ge [sflag:s24], $0x4000  }
0x5c: {  	[sflag:s24] =	ssyncset.done $0x0  }
0x5d: {  	[sflag:s24] =	ssyncadd.s32 $0xFFFFC000  }
0x5e: {  	[tilespmem:s23], [sflag:$0x1] =	stream.indirect.gather [hbm4b:s4+s26], $0x80, s30, s26, $0xb8;
	[tilespmem:$0x1C400] =	vst v63  }
0x5f: {  	_ =	swait.ge [sflag:s31], $0x4000  }
0x60: {  	[sflag:s31] =	ssyncset.done $0x0  }
0x61: {  	[sflag:s31] =	ssyncadd.s32 $0xFFFFC000  }
0x62: {  	[spmem:s2] =	stream.indirect.scatter.add.f32 [tilespmem:s28], [sflag:$0x3], $0x80, s1, s26, $0xb8;
	[tilespmem:$0x1C400] =	vst v63  }
0x63: {  	_ =	swait.ge [sflag:s24], $0x4000  }
0x64: {  	[sflag:s24] =	ssyncset.done $0x0  }
0x65: {  	[sflag:s24] =	ssyncadd.s32 $0xFFFFC000  }
0x66: {  	[tilespmem:s28], [sflag:$0x2] =	stream.indirect.gather [hbm4b:s4+s26], $0x80, s0, s26, $0xb8;
	[tilespmem:$0x1C400] =	vst v63  }
0x67: {  	_ =	swait.ge [sflag:s29], $0x4000  }
0x68: {  	[sflag:s29] =	ssyncset.done $0x0  }
0x69: {  	[sflag:s29] =	ssyncadd.s32 $0xFFFFC000  }
0x6a: {  	[spmem:s2] =	stream.indirect.scatter.add.f32 [tilespmem:s23], [sflag:$0x3], $0x80, s5, s26, $0xb8;
	[tilespmem:$0x1C400] =	vst v63  }
0x6b: {  	_ =	swait.ge [sflag:s24], $0x4000  }
0x6c: {  	[sflag:s24] =	ssyncset.done $0x0  }
0x6d: {  	[sflag:s24] =	ssyncadd.s32 $0xFFFFC000  }
0x6e: {  	[tilespmem:s23], [sflag:$0x1] =	stream.indirect.gather [hbm4b:s4+s26], $0x80, s7, s26, $0xb8;
	[tilespmem:$0x1C400] =	vst v63  }
0x6f: {  	_ =	swait.ge [sflag:s31], $0x4000  }
0x70: {  	[sflag:s31] =	ssyncset.done $0x0  }
0x71: {  	[sflag:s31] =	ssyncadd.s32 $0xFFFFC000  }
0x72: {  	[spmem:s2] =	stream.indirect.scatter.add.f32 [tilespmem:s28], [sflag:$0x3], $0x80, s9, s26, $0xb8;
	[tilespmem:$0x1C400] =	vst v63  }
0x73: {  	_ =	swait.ge [sflag:s24], $0x4000  }
0x74: {  	[sflag:s24] =	ssyncset.done $0x0  }
0x75: {  	[sflag:s24] =	ssyncadd.s32 $0xFFFFC000  }
0x76: {  	[tilespmem:s28], [sflag:$0x2] =	stream.indirect.gather [hbm4b:s4+s26], $0x80, s11, s26, $0xb8;
	[tilespmem:$0x1C400] =	vst v63  }
0x77: {  	_ =	swait.ge [sflag:s29], $0x4000  }
0x78: {  	[sflag:s29] =	ssyncset.done $0x0  }
0x79: {  	[sflag:s29] =	ssyncadd.s32 $0xFFFFC000  }
0x7a: {  	[spmem:s2] =	stream.indirect.scatter.add.f32 [tilespmem:s23], [sflag:$0x3], $0x80, s13, s26, $0xb8;
	[tilespmem:$0x1C400] =	vst v63  }
0x7b: {  	_ =	swait.ge [sflag:s24], $0x4000  }
0x7c: {  	[sflag:s24] =	ssyncset.done $0x0  }
0x7d: {  	[sflag:s24] =	ssyncadd.s32 $0xFFFFC000  }
0x7e: {  	[tilespmem:s23], [sflag:$0x1] =	stream.indirect.gather [hbm4b:s4+s26], $0x80, s15, s26, $0xb8;
	[tilespmem:$0x1C400] =	vst v63  }
0x7f: {  	_ =	swait.ge [sflag:s31], $0x4000  }
0x80: {  	[sflag:s31] =	ssyncset.done $0x0  }
0x81: {  	[sflag:s31] =	ssyncadd.s32 $0xFFFFC000  }
0x82: {  	[spmem:s2] =	stream.indirect.scatter.add.f32 [tilespmem:s28], [sflag:$0x3], $0x80, s16, s26, $0xb8;
	[tilespmem:$0x1C400] =	vst v63  }
0x83: {  	_ =	swait.ge [sflag:s24], $0x4000  }
0x84: {  	[sflag:s24] =	ssyncset.done $0x0  }
0x85: {  	[sflag:s24] =	ssyncadd.s32 $0xFFFFC000  }
0x86: {  	[tilespmem:s28], [sflag:$0x2] =	stream.indirect.gather [hbm4b:s4+s26], $0x80, s17, s26, $0xb8;
	[tilespmem:$0x1C400] =	vst v63  }
0x87: {  	_ =	swait.ge [sflag:s29], $0x4000  }
0x88: {  	[sflag:s29] =	ssyncset.done $0x0  }
0x89: {  	[sflag:s29] =	ssyncadd.s32 $0xFFFFC000  }
0x8a: {  	[spmem:s2] =	stream.indirect.scatter.add.f32 [tilespmem:s23], [sflag:$0x3], $0x80, s18, s26, $0xb8;
	[tilespmem:$0x1C400] =	vst v63  }
0x8b: {  	_ =	swait.ge [sflag:s24], $0x4000  }
0x8c: {  	[sflag:s24] =	ssyncset.done $0x0  }
0x8d: {  	[sflag:s24] =	ssyncadd.s32 $0xFFFFC000  }
0x8e: {  	_ =	swait.ge [sflag:s31], $0x4000  }
0x8f: {  	[sflag:s31] =	ssyncset.done $0x0  }
0x90: {  	[sflag:s31] =	ssyncadd.s32 $0xFFFFC000  }
0x91: {  	[spmem:s2] =	stream.indirect.scatter.add.f32 [tilespmem:s28], [sflag:$0x3], $0x80, s19, s26, $0xb8;
	[tilespmem:$0x1C400] =	vst v63  }
0x92: {  	_ =	swait.ge [sflag:s24], $0x4000  }
0x93: {  	s6 =	simm.s32 $0x80;
	s8 =	simm.s32 $0x100;
	[sflag:s24] =	ssyncset.done $0x0  }
.LBB2_2:
0x94: {  	s12 =	sadd.s32 s6, s22  }
0x95: {  	[sflag:s24] =	ssyncadd.s32 $0xFFFFC000;
	s14 =	smov.u32 s8;
	s10 =	sadd.s32 $0x80, s8  }
0x96: {  	[tilespmem:s3], [sflag:$0x3] =	stream.linear.gather [hbm4b:s12+s3], $0x400, $0x38;
	[tilespmem:$0x1C400] =	vst v63  }
0x97: {  	p0 =	sne.s32 s8, $0x480;
	_ =	swait.ge [sflag:s24], $0x400  }
0x98: {  	[sflag:s24] =	ssyncset.done $0x0  }
0x99: {  	s8 =	sadd.s32 s6, s21;
	s6 =	smov.u32 s14;
	[sflag:s24] =	ssyncadd.s32 $0xFFFFFC00  }
0x9a: {  	[tilespmem:s25], [sflag:$0x3] =	stream.linear.gather [hbm4b:s8+s3], $0x400, $0x38;
	[tilespmem:$0x1C400] =	vst v63  }
0x9b: {  	_ =	swait.ge [sflag:s24], $0x400  }
0x9c: {  	[sflag:s24] =	ssyncset.done $0x0  }
0x9d: {  	[sflag:s24] =	ssyncadd.s32 $0xFFFFFC00  }
0x9e: {  	[tilespmem:s23], [sflag:$0x1] =	stream.indirect.gather [hbm4b:s4+s26], $0x80, s3, s26, $0xb8;
	[tilespmem:$0x1C400] =	vst v63  }
0x9f: {  	_ = 	snop  }
0xa0: {  	[tilespmem:s28], [sflag:$0x2] =	stream.indirect.gather [hbm4b:s4+s26], $0x80, s26, s26, $0xb8;
	[tilespmem:$0x1C400] =	vst v63  }
0xa1: {  	_ =	swait.ge [sflag:s29], $0x4000  }
0xa2: {  	[sflag:s29] =	ssyncset.done $0x0  }
0xa3: {  	[sflag:s29] =	ssyncadd.s32 $0xFFFFC000  }
0xa4: {  	[spmem:s2] =	stream.indirect.scatter.add.f32 [tilespmem:s23], [sflag:$0x3], $0x80, s25, s26, $0xb8;
	[tilespmem:$0x1C400] =	vst v63  }
0xa5: {  	_ =	swait.ge [sflag:s24], $0x4000  }
0xa6: {  	[sflag:s24] =	ssyncset.done $0x0  }
0xa7: {  	[sflag:s24] =	ssyncadd.s32 $0xFFFFC000  }
0xa8: {  	[tilespmem:s23], [sflag:$0x1] =	stream.indirect.gather [hbm4b:s4+s26], $0x80, s30, s26, $0xb8;
	[tilespmem:$0x1C400] =	vst v63  }
0xa9: {  	_ =	swait.ge [sflag:s31], $0x4000  }
0xaa: {  	[sflag:s31] =	ssyncset.done $0x0  }
0xab: {  	[sflag:s31] =	ssyncadd.s32 $0xFFFFC000  }
0xac: {  	[spmem:s2] =	stream.indirect.scatter.add.f32 [tilespmem:s28], [sflag:$0x3], $0x80, s1, s26, $0xb8;
	[tilespmem:$0x1C400] =	vst v63  }
0xad: {  	_ =	swait.ge [sflag:s24], $0x4000  }
0xae: {  	[sflag:s24] =	ssyncset.done $0x0  }
0xaf: {  	[sflag:s24] =	ssyncadd.s32 $0xFFFFC000  }
0xb0: {  	[tilespmem:s28], [sflag:$0x2] =	stream.indirect.gather [hbm4b:s4+s26], $0x80, s0, s26, $0xb8;
	[tilespmem:$0x1C400] =	vst v63  }
0xb1: {  	_ =	swait.ge [sflag:s29], $0x4000  }
0xb2: {  	[sflag:s29] =	ssyncset.done $0x0  }
0xb3: {  	[sflag:s29] =	ssyncadd.s32 $0xFFFFC000  }
0xb4: {  	[spmem:s2] =	stream.indirect.scatter.add.f32 [tilespmem:s23], [sflag:$0x3], $0x80, s5, s26, $0xb8;
	[tilespmem:$0x1C400] =	vst v63  }
0xb5: {  	_ =	swait.ge [sflag:s24], $0x4000  }
0xb6: {  	[sflag:s24] =	ssyncset.done $0x0  }
0xb7: {  	[sflag:s24] =	ssyncadd.s32 $0xFFFFC000  }
0xb8: {  	[tilespmem:s23], [sflag:$0x1] =	stream.indirect.gather [hbm4b:s4+s26], $0x80, s7, s26, $0xb8;
	[tilespmem:$0x1C400] =	vst v63  }
0xb9: {  	_ =	swait.ge [sflag:s31], $0x4000  }
0xba: {  	[sflag:s31] =	ssyncset.done $0x0  }
0xbb: {  	[sflag:s31] =	ssyncadd.s32 $0xFFFFC000  }
0xbc: {  	[spmem:s2] =	stream.indirect.scatter.add.f32 [tilespmem:s28], [sflag:$0x3], $0x80, s9, s26, $0xb8;
	[tilespmem:$0x1C400] =	vst v63  }
0xbd: {  	_ =	swait.ge [sflag:s24], $0x4000  }
0xbe: {  	[sflag:s24] =	ssyncset.done $0x0  }
0xbf: {  	[sflag:s24] =	ssyncadd.s32 $0xFFFFC000  }
0xc0: {  	[tilespmem:s28], [sflag:$0x2] =	stream.indirect.gather [hbm4b:s4+s26], $0x80, s11, s26, $0xb8;
	[tilespmem:$0x1C400] =	vst v63  }
0xc1: {  	_ =	swait.ge [sflag:s29], $0x4000  }
0xc2: {  	[sflag:s29] =	ssyncset.done $0x0  }
0xc3: {  	[sflag:s29] =	ssyncadd.s32 $0xFFFFC000  }
0xc4: {  	[spmem:s2] =	stream.indirect.scatter.add.f32 [tilespmem:s23], [sflag:$0x3], $0x80, s13, s26, $0xb8;
	[tilespmem:$0x1C400] =	vst v63  }
0xc5: {  	_ =	swait.ge [sflag:s24], $0x4000  }
0xc6: {  	[sflag:s24] =	ssyncset.done $0x0  }
0xc7: {  	[sflag:s24] =	ssyncadd.s32 $0xFFFFC000  }
0xc8: {  	[tilespmem:s23], [sflag:$0x1] =	stream.indirect.gather [hbm4b:s4+s26], $0x80, s15, s26, $0xb8;
	[tilespmem:$0x1C400] =	vst v63  }
0xc9: {  	_ =	swait.ge [sflag:s31], $0x4000  }
0xca: {  	[sflag:s31] =	ssyncset.done $0x0  }
0xcb: {  	[sflag:s31] =	ssyncadd.s32 $0xFFFFC000  }
0xcc: {  	[spmem:s2] =	stream.indirect.scatter.add.f32 [tilespmem:s28], [sflag:$0x3], $0x80, s16, s26, $0xb8;
	[tilespmem:$0x1C400] =	vst v63  }
0xcd: {  	_ =	swait.ge [sflag:s24], $0x4000  }
0xce: {  	[sflag:s24] =	ssyncset.done $0x0  }
0xcf: {  	[sflag:s24] =	ssyncadd.s32 $0xFFFFC000  }
0xd0: {  	[tilespmem:s28], [sflag:$0x2] =	stream.indirect.gather [hbm4b:s4+s26], $0x80, s17, s26, $0xb8;
	[tilespmem:$0x1C400] =	vst v63  }
0xd1: {  	_ =	swait.ge [sflag:s29], $0x4000  }
0xd2: {  	[sflag:s29] =	ssyncset.done $0x0  }
0xd3: {  	[sflag:s29] =	ssyncadd.s32 $0xFFFFC000  }
0xd4: {  	[spmem:s2] =	stream.indirect.scatter.add.f32 [tilespmem:s23], [sflag:$0x3], $0x80, s18, s26, $0xb8;
	[tilespmem:$0x1C400] =	vst v63  }
0xd5: {  	_ =	swait.ge [sflag:s24], $0x4000  }
0xd6: {  	[sflag:s24] =	ssyncset.done $0x0  }
0xd7: {  	[sflag:s24] =	ssyncadd.s32 $0xFFFFC000  }
0xd8: {  	_ =	swait.ge [sflag:s31], $0x4000  }
.Ltmp0:
0xd9: {  	[sflag:s31] =	ssyncset.done $0x0;
	(pc) =	sbr.rel @p0 .LBB2_2-.Ltmp0, $4  }
0xda: {  	[sflag:s31] =	ssyncadd.s32 $0xFFFFC000  }
0xdb: {  	[spmem:s2] =	stream.indirect.scatter.add.f32 [tilespmem:s28], [sflag:$0x3], $0x80, s19, s26, $0xb8;
	[tilespmem:$0x1C400] =	vst v63  }
0xdc: {  	_ =	swait.ge [sflag:s24], $0x4000  }
0xdd: {  	s8 =	smov.u32 s10;
	[sflag:s24] =	ssyncset.done $0x0  }
0xde: {  	s8 =	sadd.s32 s6, s22;
	[sflag:s24] =	ssyncadd.s32 $0xFFFFC000  }
0xdf: {  	[tilespmem:s3], [sflag:$0x3] =	stream.linear.gather [hbm4b:s8+s3], $0x400, $0x38;
	[tilespmem:$0x1C400] =	vst v63  }
0xe0: {  	_ =	swait.ge [sflag:s24], $0x400  }
0xe1: {  	[sflag:s24] =	ssyncset.done $0x0  }
0xe2: {  	s14 =	sadd.s32 s6, s21;
	[sflag:s24] =	ssyncadd.s32 $0xFFFFFC00  }
0xe3: {  	[tilespmem:s25], [sflag:$0x3] =	stream.linear.gather [hbm4b:s14+s3], $0x400, $0x38;
	[tilespmem:$0x1C400] =	vst v63  }
0xe4: {  	_ =	swait.ge [sflag:s24], $0x400  }
0xe5: {  	[sflag:s24] =	ssyncset.done $0x0  }
0xe6: {  	[sflag:s24] =	ssyncadd.s32 $0xFFFFFC00  }
0xe7: {  	[tilespmem:s23], [sflag:$0x1] =	stream.indirect.gather [hbm4b:s4+s26], $0x80, s3, s26, $0xb8;
	[tilespmem:$0x1C400] =	vst v63  }
0xe8: {  	_ = 	snop  }
0xe9: {  	[tilespmem:s28], [sflag:$0x2] =	stream.indirect.gather [hbm4b:s4+s26], $0x80, s26, s26, $0xb8;
	[tilespmem:$0x1C400] =	vst v63  }
0xea: {  	_ =	swait.ge [sflag:s29], $0x4000  }
0xeb: {  	[sflag:s29] =	ssyncset.done $0x0  }
0xec: {  	[sflag:s29] =	ssyncadd.s32 $0xFFFFC000  }
0xed: {  	[spmem:s2] =	stream.indirect.scatter.add.f32 [tilespmem:s23], [sflag:$0x3], $0x80, s25, s26, $0xb8;
	[tilespmem:$0x1C400] =	vst v63  }
0xee: {  	_ =	swait.ge [sflag:s24], $0x4000  }
0xef: {  	[sflag:s24] =	ssyncset.done $0x0  }
0xf0: {  	[sflag:s24] =	ssyncadd.s32 $0xFFFFC000  }
0xf1: {  	[tilespmem:s23], [sflag:$0x1] =	stream.indirect.gather [hbm4b:s4+s26], $0x80, s30, s26, $0xb8;
	[tilespmem:$0x1C400] =	vst v63  }
0xf2: {  	_ =	swait.ge [sflag:s31], $0x4000  }
0xf3: {  	[sflag:s31] =	ssyncset.done $0x0  }
0xf4: {  	[sflag:s31] =	ssyncadd.s32 $0xFFFFC000  }
0xf5: {  	[spmem:s2] =	stream.indirect.scatter.add.f32 [tilespmem:s28], [sflag:$0x3], $0x80, s1, s26, $0xb8;
	[tilespmem:$0x1C400] =	vst v63  }
0xf6: {  	_ =	swait.ge [sflag:s24], $0x4000  }
0xf7: {  	[sflag:s24] =	ssyncset.done $0x0  }
0xf8: {  	[sflag:s24] =	ssyncadd.s32 $0xFFFFC000  }
0xf9: {  	[tilespmem:s28], [sflag:$0x2] =	stream.indirect.gather [hbm4b:s4+s26], $0x80, s0, s26, $0xb8;
	[tilespmem:$0x1C400] =	vst v63  }
0xfa: {  	_ =	swait.ge [sflag:s29], $0x4000  }
0xfb: {  	[sflag:s29] =	ssyncset.done $0x0  }
0xfc: {  	[sflag:s29] =	ssyncadd.s32 $0xFFFFC000  }
0xfd: {  	[spmem:s2] =	stream.indirect.scatter.add.f32 [tilespmem:s23], [sflag:$0x3], $0x80, s5, s26, $0xb8;
	[tilespmem:$0x1C400] =	vst v63  }
0xfe: {  	_ =	swait.ge [sflag:s24], $0x4000  }
0xff: {  	[sflag:s24] =	ssyncset.done $0x0  }
0x100: {  	[sflag:s24] =	ssyncadd.s32 $0xFFFFC000  }
0x101: {  	[tilespmem:s23], [sflag:$0x1] =	stream.indirect.gather [hbm4b:s4+s26], $0x80, s7, s26, $0xb8;
	[tilespmem:$0x1C400] =	vst v63  }
0x102: {  	_ =	swait.ge [sflag:s31], $0x4000  }
0x103: {  	[sflag:s31] =	ssyncset.done $0x0  }
0x104: {  	[sflag:s31] =	ssyncadd.s32 $0xFFFFC000  }
0x105: {  	[spmem:s2] =	stream.indirect.scatter.add.f32 [tilespmem:s28], [sflag:$0x3], $0x80, s9, s26, $0xb8;
	[tilespmem:$0x1C400] =	vst v63  }
0x106: {  	_ =	swait.ge [sflag:s24], $0x4000  }
0x107: {  	[sflag:s24] =	ssyncset.done $0x0  }
0x108: {  	[sflag:s24] =	ssyncadd.s32 $0xFFFFC000  }
0x109: {  	[tilespmem:s28], [sflag:$0x2] =	stream.indirect.gather [hbm4b:s4+s26], $0x80, s11, s26, $0xb8;
	[tilespmem:$0x1C400] =	vst v63  }
0x10a: {  	_ =	swait.ge [sflag:s29], $0x4000  }
0x10b: {  	[sflag:s29] =	ssyncset.done $0x0  }
0x10c: {  	[sflag:s29] =	ssyncadd.s32 $0xFFFFC000  }
0x10d: {  	[spmem:s2] =	stream.indirect.scatter.add.f32 [tilespmem:s23], [sflag:$0x3], $0x80, s13, s26, $0xb8;
	[tilespmem:$0x1C400] =	vst v63  }
0x10e: {  	_ =	swait.ge [sflag:s24], $0x4000  }
0x10f: {  	[sflag:s24] =	ssyncset.done $0x0  }
0x110: {  	[sflag:s24] =	ssyncadd.s32 $0xFFFFC000  }
0x111: {  	[tilespmem:s23], [sflag:$0x1] =	stream.indirect.gather [hbm4b:s4+s26], $0x80, s15, s26, $0xb8;
	[tilespmem:$0x1C400] =	vst v63  }
0x112: {  	_ =	swait.ge [sflag:s31], $0x4000  }
0x113: {  	[sflag:s31] =	ssyncset.done $0x0  }
0x114: {  	[sflag:s31] =	ssyncadd.s32 $0xFFFFC000  }
0x115: {  	[spmem:s2] =	stream.indirect.scatter.add.f32 [tilespmem:s28], [sflag:$0x3], $0x80, s16, s26, $0xb8;
	[tilespmem:$0x1C400] =	vst v63  }
0x116: {  	_ =	swait.ge [sflag:s24], $0x4000  }
0x117: {  	[sflag:s24] =	ssyncset.done $0x0  }
0x118: {  	[sflag:s24] =	ssyncadd.s32 $0xFFFFC000  }
0x119: {  	[tilespmem:s28], [sflag:$0x2] =	stream.indirect.gather [hbm4b:s4+s26], $0x80, s17, s26, $0xb8;
	[tilespmem:$0x1C400] =	vst v63  }
0x11a: {  	_ =	swait.ge [sflag:s29], $0x4000  }
0x11b: {  	[sflag:s29] =	ssyncset.done $0x0  }
0x11c: {  	[sflag:s29] =	ssyncadd.s32 $0xFFFFC000  }
0x11d: {  	[spmem:s2] =	stream.indirect.scatter.add.f32 [tilespmem:s23], [sflag:$0x3], $0x80, s18, s26, $0xb8;
	[tilespmem:$0x1C400] =	vst v63  }
0x11e: {  	_ =	swait.ge [sflag:s24], $0x4000  }
0x11f: {  	[sflag:s24] =	ssyncset.done $0x0  }
0x120: {  	[sflag:s24] =	ssyncadd.s32 $0xFFFFC000  }
0x121: {  	_ =	swait.ge [sflag:s31], $0x4000  }
0x122: {  	[sflag:s31] =	ssyncset.done $0x0  }
0x123: {  	[sflag:s31] =	ssyncadd.s32 $0xFFFFC000  }
0x124: {  	[spmem:s2] =	stream.indirect.scatter.add.f32 [tilespmem:s28], [sflag:$0x3], $0x80, s19, s26, $0xb8;
	[tilespmem:$0x1C400] =	vst v63  }
0x125: {  	_ =	swait.ge [sflag:s24], $0x4000  }
0x126: {  	[sflag:s24] =	ssyncset.done $0x0  }
0x127: {  	[sflag:s24] =	ssyncadd.s32 $0xFFFFC000  }
0x128: {  	[bflag:$0x0] =	sbarrier.arrive $0xFFFF  }
0x129: {  	s8 =	rddreg [dreg:$0x5]  }
0x12a: {  	[tilespmem:s23], [sflag:$0x3] =	stream.linear.gather [spmem:s8], $0x4000, $0x38;
	[tilespmem:$0x1C400] =	vst v63  }
0x12b: {  	_ =	swait.ge [sflag:s24], $0x4000  }
0x12c: {  	[sflag:s24] =	ssyncset.done $0x0  }
0x12d: {  	s20 =	rddreg [dreg:$0xe];
	[sflag:s24] =	ssyncadd.s32 $0xFFFFC000  }
0x12e: {  	[hbm4b:s20+s3] =	stream.linear.scatter [tilespmem:s23], [sflag:$0x3], $0x4000, $0x38;
	[tilespmem:$0x1C400] =	vst v63  }
0x12f: {  	_ =	swait.ge [sflag:s24], $0x4000  }
0x130: {  	[sflag:s24] =	ssyncset.done $0x0  }
0x131: {  	s10 =	rddreg [dreg:$0x7];
	[sflag:s24] =	ssyncadd.s32 $0xFFFFC000  }
0x132: {  	[tilespmem:s23], [sflag:$0x3] =	stream.linear.gather [spmem:s10], $0x4000, $0x38;
	[tilespmem:$0x1C400] =	vst v63  }
0x133: {  	_ =	swait.ge [sflag:s24], $0x4000  }
0x134: {  	[sflag:s24] =	ssyncset.done $0x0  }
0x135: {  	s12 =	rddreg [dreg:$0xf];
	[sflag:s24] =	ssyncadd.s32 $0xFFFFC000  }
0x136: {  	[hbm4b:s12+s3] =	stream.linear.scatter [tilespmem:s23], [sflag:$0x3], $0x4000, $0x38;
	[tilespmem:$0x1C400] =	vst v63  }
0x137: {  	_ =	swait.ge [sflag:s24], $0x4000  }
0x138: {  	[sflag:s24] =	ssyncset.done $0x0  }
0x139: {  	s10 =	rddreg [dreg:$0x9];
	[sflag:s24] =	ssyncadd.s32 $0xFFFFC000  }
0x13a: {  	[tilespmem:s23], [sflag:$0x3] =	stream.linear.gather [spmem:s10], $0x4000, $0x38;
	[tilespmem:$0x1C400] =	vst v63  }
0x13b: {  	_ =	swait.ge [sflag:s24], $0x4000  }
0x13c: {  	[sflag:s24] =	ssyncset.done $0x0  }
0x13d: {  	s14 =	rddreg [dreg:$0x10];
	[sflag:s24] =	ssyncadd.s32 $0xFFFFC000  }
0x13e: {  	[hbm4b:s14+s3] =	stream.linear.scatter [tilespmem:s23], [sflag:$0x3], $0x4000, $0x38;
	[tilespmem:$0x1C400] =	vst v63  }
0x13f: {  	_ =	swait.ge [sflag:s24], $0x4000  }
0x140: {  	[sflag:s24] =	ssyncset.done $0x0  }
0x141: {  	s12 =	rddreg [dreg:$0xb];
	[sflag:s24] =	ssyncadd.s32 $0xFFFFC000  }
0x142: {  	[tilespmem:s23], [sflag:$0x3] =	stream.linear.gather [spmem:s12], $0x4000, $0x38;
	[tilespmem:$0x1C400] =	vst v63  }
0x143: {  	_ =	swait.ge [sflag:s24], $0x4000  }
0x144: {  	[sflag:s24] =	ssyncset.done $0x0  }
0x145: {  	s20 =	rddreg [dreg:$0x11];
	[sflag:s24] =	ssyncadd.s32 $0xFFFFC000  }
0x146: {  	[hbm4b:s20+s3] =	stream.linear.scatter [tilespmem:s23], [sflag:$0x3], $0x4000, $0x38;
	[tilespmem:$0x1C400] =	vst v63  }
0x147: {  	_ =	swait.ge [sflag:s24], $0x4000  }
0x148: {  	[sflag:s24] =	ssyncset.done $0x0  }
0x149: {  	s20 =	rddreg [dreg:$0xd];
	[sflag:s24] =	ssyncadd.s32 $0xFFFFC000  }
0x14a: {  	[tilespmem:s23], [sflag:$0x3] =	stream.linear.gather [spmem:s20], $0x3C00, $0x38;
	[tilespmem:$0x1C400] =	vst v63  }
0x14b: {  	_ =	swait.ge [sflag:s24], $0x3C00  }
0x14c: {  	[sflag:s24] =	ssyncset.done $0x0  }
0x14d: {  	s14 =	rddreg [dreg:$0x12];
	[sflag:s24] =	ssyncadd.s32 $0xFFFFC400  }
0x14e: {  	[hbm4b:s14+s3] =	stream.linear.scatter [tilespmem:s23], [sflag:$0x3], $0x3C00, $0x38;
	[tilespmem:$0x1C400] =	vst v63  }
0x14f: {  	_ =	swait.ge [sflag:s24], $0x3C00  }
0x150: {  	s14 =	rddreg [dreg:$0x14]  }
0x151: {  	s6 =	rddreg [dreg:$0x13];
	s14 =	sadd.s32 $0x1, s14  }
0x152: {  	p0 =	sne.s32 s14, s6  }
.Ltmp1:
0x153: {  	_ = 	snop;
	(pc) =	sbr.rel @p0 .LBB2_1-.Ltmp1, $3  }
0x154: {  	_ =	sdelay $0x1  }
0x155: {  	[sflag:s24] =	ssyncset.done $0x0;
	[dreg:$0x14] =	wrdreg s14  }
0x156: {  	[sflag:s24] =	ssyncadd.s32 $0xFFFFC400;
	s14 =	smov.u32 s10;
	s10 =	rddreg [dreg:$0x7]  }
0x157: {  	_ =	sfence.sel $0x180000  }
0x158: {  	[bflag:$0x0] =	sbarrier.arrive $0xFFFF  }
0x159: {  	_ =	strace $0x9000004A  }
0x15a: {  	s0 =	stileid.u32;
	[bflag:$0x2] =	sbarrier.arrive $0xFFFF  }
0x15b: {  	p0 =	sne.s32 s0, $0x0;
	s0 =	rddreg [dreg:$0x3]  }
0x15c: {  	s0 =	sadd.s32 @!p0 $0x100000, s0  }
0x15d: {  	[sflag:s0] =	ssyncadd.tile.s32 @!p0 $0x1;
	_ =	shalt  }
.Lfunc_end2:
_tile_overlayer_lowered:
.L_overlay_start_2:
0x15e: {  	(tag) =	ssettag $0x2  }
0x15f: {  	s0 =	rddreg [dreg:$0x0];
	s2 =	stileid.u32  }
0x160: {  	s1 =	rddreg [dreg:$0x1];
	p0 =	sne.s32 s2, $0x0  }
0x161: {  	s3 =	rddreg [dreg:$0x2];
	[bflag:$0x3] =	sbarrier.arrive $0xFFFF;
	s2 =	simm.s32 @!p0 $0x1C03  }
0x162: {  	[timem:s3], [sflag:s2] =	dma.local @!p0 [hbm:s0], s1  }
0x163: {  	s0 =	simm.s32 @!p0 $0x3  }
0x164: {  	_ =	swait.ge @!p0 [sflag:s0], s1  }
0x165: {  	s1 =	ssub.s32 @!p0 $0x0, s1;
	[sflag:s0] =	ssyncset.done @!p0 $0x0  }
0x166: {  	[sflag:s0] =	ssyncadd.s32 @!p0 s1  }
0x167: {  	[bflag:$0x3] =	sbarrier.arrive $0xFFFF  }
0x168: {  	_ =	shalt  }

</sc_bundles>
